<compile_context>
chip_gen: v7x
topology: tpu7x:2x2x1
jax: 0.10.2.dev20260603
libtpu: 0.0.44.dev20260713+nightly
codegen_flags: <defaults>
</compile_context>

<pallas_src>
import jax
import jax.numpy as jnp
from jax import lax
from jax.experimental import pallas as pl
from jax.experimental.pallas import tpu as pltpu
from jax.experimental.pallas import tpu_sc as plsc

_N = 400000
_N_FULL = 800000
_C = 128
_NSUB = 32
_W = 128
_NW = 100
_NROWS = _N // _W
_NW_LAST = _NROWS - (_NSUB - 1) * _NW
_ZR = 448
_D = 4
_G = 8


def _sc_body(data_hbm, idx_hbm, out_hbm, idx_v, data_v, zero_v, gdone_s,
             lsem, ssem, zsem):
    wid = lax.axis_index("c") * 16 + lax.axis_index("s")
    row0 = wid * _NW
    nw = jnp.where(wid == _NSUB - 1, _NW_LAST, _NW)

    zvec = jnp.zeros((16,), jnp.float32)

    @pl.loop(0, _ZR)
    def _(r):
        for c in range(_C // 16):
            zero_v[r, pl.ds(c * 16, 16)] = zvec

    pltpu.sync_copy(idx_hbm.at[row0], idx_v.at[0])
    s0 = idx_v[0, pl.ds(0, 16)][0]
    rn = jnp.minimum(row0 + _NW, _NROWS - 1)
    pltpu.sync_copy(idx_hbm.at[rn], idx_v.at[0])
    s1 = idx_v[0, pl.ds(0, 16)][0]
    zs = jnp.where(wid == 0, 0, s0)
    ze = jnp.where(wid == _NSUB - 1, _N_FULL, s1)

    nblk = (ze - zs) // _ZR
    nb = nblk + 1
    glen = (nb + _G - 1) // _G

    def _cnt(g):
        return jnp.clip(nb - g * glen, 0, glen)

    for g in range(_G):
        @pl.loop(0, _cnt(g))
        def _(t):
            blk = g * glen + t
            start = jnp.where(blk == nblk, ze - _ZR, zs + blk * _ZR)
            pltpu.async_copy(zero_v, out_hbm.at[pl.ds(start, _ZR)],
                             zsem.at[g])

    for b in range(2):
        pltpu.async_copy(idx_hbm.at[row0 + b], idx_v.at[b], lsem.at[b])
        pltpu.async_copy(
            data_hbm.at[pl.ds((row0 + b) * _W, _W)], data_v.at[b],
            lsem.at[b])

    gdone_s[0] = 0

    def _drain_groups_below(req_g):
        gdone = gdone_s[0]
        for g in range(_G):
            @pl.when((g >= gdone) & (g < req_g))
            def _():
                @pl.loop(0, _cnt(g))
                def _(t):
                    pltpu.make_async_copy(zero_v,
                                          out_hbm.at[pl.ds(zs, _ZR)],
                                          zsem.at[g]).wait()
        gdone_s[0] = jnp.maximum(gdone, req_g)

    @pl.loop(0, _NW, step=_D)
    def _(w):
        for b in range(_D):
            ww = w + b
            b2 = (b + 2) % _D

            @pl.when(ww < nw)
            def _():
                pltpu.make_async_copy(idx_hbm.at[row0], idx_v.at[b],
                                      lsem.at[b]).wait()
                pltpu.make_async_copy(data_hbm.at[pl.ds(0, _W)],
                                      data_v.at[b], lsem.at[b]).wait()
                m = idx_v[b, pl.ds(_W - 16, 16)][15]
                req_b = jnp.minimum((m - zs) // _ZR + 1, nb)
                req_g = (req_b + glen - 1) // glen
                _drain_groups_below(req_g)
                pltpu.async_copy(data_v.at[b], out_hbm.at[idx_v.at[b]],
                                 ssem.at[b])

            @pl.when((ww >= 2) & (ww < nw))
            def _():
                pltpu.make_async_copy(data_v.at[b2],
                                      out_hbm.at[idx_v.at[b2]],
                                      ssem.at[b2]).wait()

            @pl.when(ww + 2 < nw)
            def _():
                r = row0 + ww + 2
                pltpu.async_copy(idx_hbm.at[r], idx_v.at[b2], lsem.at[b2])
                pltpu.async_copy(
                    data_hbm.at[pl.ds(r * _W, _W)], data_v.at[b2],
                    lsem.at[b2])

    _drain_groups_below(_G)

    for b in range(_D):
        @pl.when((lax.rem(nw - 2, _D) == b) | (lax.rem(nw - 1, _D) == b))
        def _():
            pltpu.make_async_copy(data_v.at[b], out_hbm.at[idx_v.at[b]],
                                  ssem.at[b]).wait()


@jax.jit
def _octree_pad(data_in, idx2d):
    mesh = plsc.VectorSubcoreMesh(core_axis_name="c", subcore_axis_name="s")
    run = pl.kernel(
        _sc_body,
        out_type=jax.ShapeDtypeStruct((_N_FULL, _C), jnp.float32),
        mesh=mesh,
        scratch_types=[
            pltpu.VMEM((_D, _W), jnp.int32),
            pltpu.VMEM((_D, _W, _C), jnp.float32),
            pltpu.VMEM((_ZR, _C), jnp.float32),
            pltpu.SMEM((1,), jnp.int32),
            pltpu.SemaphoreType.DMA((_D,)),
            pltpu.SemaphoreType.DMA((_D,)),
            pltpu.SemaphoreType.DMA((_G,)),
        ],
        compiler_params=pltpu.CompilerParams(use_tc_tiling_on_sc=False),
    )
    return run(data_in, idx2d)


def kernel(data_in, octree):
    idx = octree.astype(jnp.int32)
    return _octree_pad(data_in, idx.reshape(_NROWS, _W))

# --- scband reference (transcript-rebuilt; emitter-appended) ---
"""Pipeline reference for scband-octree-pad-24146306138655 (READ-ONLY COPY).

The authoritative reference and input builder live on the scoring server;
editing this copy changes nothing except your own understanding.
"""

import jax, jax.numpy as jnp
import numpy as np

N_NONEMPTY = 400000
N_FULL = 800000
C = 128
PAD_VAL = 0.0

def setup_inputs(seed: int = 0) -> dict:
    key = jax.random.key(seed)
    k1, k2 = jax.random.split(key)
    data_in = jax.random.normal(k1, (N_NONEMPTY, C), dtype=jnp.float32)
    # octree stand-in: sorted unique indices of non-empty nodes within the full
    # node array at this depth (ocnn stores this as children/key tensors).
    rng = np.random.default_rng(0)
    idx = np.sort(rng.choice(N_FULL, size=N_NONEMPTY, replace=False)).astype(np.int64)
    octree = jnp.asarray(idx)
    return {"data_in": data_in, "octree": octree}

def reference(data_in, octree):
    # octree_pad: scatter non-empty node features into the full node array,
    # filling empty nodes with PAD_VAL.
    out = jnp.full((N_FULL, C), PAD_VAL, dtype=data_in.dtype)
    out = out.at[octree].set(data_in)
    return out

if __name__ == "__main__":
    import jax
    _d = setup_inputs()
    print(jax.jit(kernel)(*tuple(_d.values())))

</pallas_src>

<mosaic_0001>
#map = affine_map<(d0, d1) -> (0, 0)>
module attributes {stable_mosaic.version = 14 : i64} {
  func.func @_sc_body(%arg0: i32, %arg1: i32, %arg2: memref<400000x128xf32, #tpu.memory_space<hbm>>, %arg3: memref<3125x128xi32, #tpu.memory_space<hbm>>, %arg4: memref<800000x128xf32, #tpu.memory_space<hbm>>, %arg5: memref<4x128xi32, #tpu.memory_space<vmem>>, %arg6: memref<4x128x128xf32, #tpu.memory_space<vmem>>, %arg7: memref<448x128xf32, #tpu.memory_space<vmem>>, %arg8: memref<1xi32, #tpu.memory_space<smem>>, %arg9: memref<4x!tpu.dma_semaphore, #tpu.memory_space<semaphore_mem>>, %arg10: memref<4x!tpu.dma_semaphore, #tpu.memory_space<semaphore_mem>>, %arg11: memref<8x!tpu.dma_semaphore, #tpu.memory_space<semaphore_mem>>) attributes {dimension_semantics = [#tpu.dimension_semantics<core_parallel>, #tpu.dimension_semantics<subcore_parallel>], iteration_bounds = array<i64: 2, 16>, scalar_prefetch = 0 : i64, scratch_operands = 7 : i64, tpu.core_type = #tpu.core_type<sc_vector_subcore>, window_params = [{transform_indices = #map}, {transform_indices = #map}, {transform_indices = #map}]} {
    %mul3A = arith.constant 16 : i32
    %mul3A_0 = arith.muli %arg0, %mul3A : i32
    %add3A = arith.addi %mul3A_0, %arg1 : i32
    %mul3A_1 = arith.constant 100 : i32
    %mul3A_2 = arith.muli %add3A, %mul3A_1 : i32
    %eq3A = arith.constant 31 : i32
    %eq3A_3 = arith.cmpi eq, %add3A, %eq3A : i32
    %jit3A = arith.constant 25 : i32
    %jit3A_4 = arith.constant 100 : i32
    %select_n3A = arith.select %eq3A_3, %jit3A, %jit3A_4 : i32
    %broadcast_in_dim3A = arith.constant 0.000000e+00 : f32
    %broadcast_in_dim3A_5 = vector.broadcast %broadcast_in_dim3A : f32 to vector<16xf32>
    %scan3A = arith.constant 0 : i32
    %scan3A_6 = arith.constant 448 : i32
    %scan3A_7 = arith.addi %scan3A, %scan3A_6 : i32
    %scan3A_8 = arith.constant 1 : i32
    scf.for %scan3A_487 = %scan3A to %scan3A_7 step %scan3A_8  : i32 {
      %mul3A_488 = arith.constant 1 : i32
      %mul3A_489 = arith.muli %scan3A_487, %mul3A_488 : i32
      %add3A_490 = arith.constant 0 : i32
      %add3A_491 = arith.addi %add3A_490, %mul3A_489 : i32
      %swap3A_492 = arith.index_cast %add3A_491 : i32 to index
      %swap3A_493 = arith.constant 0 : index
      %swap3A_494 = tpu.vector_load %arg7[%swap3A_492, %swap3A_493] {strides = array<i32>} : memref<448x128xf32, #tpu.memory_space<vmem>>, vector<1x16xf32>,
      %swap3A_495 = vector.shape_cast %swap3A_494 : vector<1x16xf32> to vector<16xf32>
      %swap3A_496 = vector.shape_cast %broadcast_in_dim3A_5 : vector<16xf32> to vector<1x16xf32>
      tpu.vector_store %arg7[%swap3A_492, %swap3A_493], %swap3A_496 {strides = array<i32>} : memref<448x128xf32, #tpu.memory_space<vmem>>, vector<1x16xf32>,
      %swap3A_497 = arith.index_cast %add3A_491 : i32 to index
      %swap3A_498 = arith.constant 16 : index
      %swap3A_499 = tpu.vector_load %arg7[%swap3A_497, %swap3A_498] {strides = array<i32>} : memref<448x128xf32, #tpu.memory_space<vmem>>, vector<1x16xf32>,
      %swap3A_500 = vector.shape_cast %swap3A_499 : vector<1x16xf32> to vector<16xf32>
      %swap3A_501 = vector.shape_cast %broadcast_in_dim3A_5 : vector<16xf32> to vector<1x16xf32>
      tpu.vector_store %arg7[%swap3A_497, %swap3A_498], %swap3A_501 {strides = array<i32>} : memref<448x128xf32, #tpu.memory_space<vmem>>, vector<1x16xf32>,
      %swap3A_502 = arith.index_cast %add3A_491 : i32 to index
      %swap3A_503 = arith.constant 32 : index
      %swap3A_504 = tpu.vector_load %arg7[%swap3A_502, %swap3A_503] {strides = array<i32>} : memref<448x128xf32, #tpu.memory_space<vmem>>, vector<1x16xf32>,
      %swap3A_505 = vector.shape_cast %swap3A_504 : vector<1x16xf32> to vector<16xf32>
      %swap3A_506 = vector.shape_cast %broadcast_in_dim3A_5 : vector<16xf32> to vector<1x16xf32>
      tpu.vector_store %arg7[%swap3A_502, %swap3A_503], %swap3A_506 {strides = array<i32>} : memref<448x128xf32, #tpu.memory_space<vmem>>, vector<1x16xf32>,
      %swap3A_507 = arith.index_cast %add3A_491 : i32 to index
      %swap3A_508 = arith.constant 48 : index
      %swap3A_509 = tpu.vector_load %arg7[%swap3A_507, %swap3A_508] {strides = array<i32>} : memref<448x128xf32, #tpu.memory_space<vmem>>, vector<1x16xf32>,
      %swap3A_510 = vector.shape_cast %swap3A_509 : vector<1x16xf32> to vector<16xf32>
      %swap3A_511 = vector.shape_cast %broadcast_in_dim3A_5 : vector<16xf32> to vector<1x16xf32>
      tpu.vector_store %arg7[%swap3A_507, %swap3A_508], %swap3A_511 {strides = array<i32>} : memref<448x128xf32, #tpu.memory_space<vmem>>, vector<1x16xf32>,
      %swap3A_512 = arith.index_cast %add3A_491 : i32 to index
      %swap3A_513 = arith.constant 64 : index
      %swap3A_514 = tpu.vector_load %arg7[%swap3A_512, %swap3A_513] {strides = array<i32>} : memref<448x128xf32, #tpu.memory_space<vmem>>, vector<1x16xf32>,
      %swap3A_515 = vector.shape_cast %swap3A_514 : vector<1x16xf32> to vector<16xf32>
      %swap3A_516 = vector.shape_cast %broadcast_in_dim3A_5 : vector<16xf32> to vector<1x16xf32>
      tpu.vector_store %arg7[%swap3A_512, %swap3A_513], %swap3A_516 {strides = array<i32>} : memref<448x128xf32, #tpu.memory_space<vmem>>, vector<1x16xf32>,
      %swap3A_517 = arith.index_cast %add3A_491 : i32 to index
      %swap3A_518 = arith.constant 80 : index
      %swap3A_519 = tpu.vector_load %arg7[%swap3A_517, %swap3A_518] {strides = array<i32>} : memref<448x128xf32, #tpu.memory_space<vmem>>, vector<1x16xf32>,
      %swap3A_520 = vector.shape_cast %swap3A_519 : vector<1x16xf32> to vector<16xf32>
      %swap3A_521 = vector.shape_cast %broadcast_in_dim3A_5 : vector<16xf32> to vector<1x16xf32>
      tpu.vector_store %arg7[%swap3A_517, %swap3A_518], %swap3A_521 {strides = array<i32>} : memref<448x128xf32, #tpu.memory_space<vmem>>, vector<1x16xf32>,
      %swap3A_522 = arith.index_cast %add3A_491 : i32 to index
      %swap3A_523 = arith.constant 96 : index
      %swap3A_524 = tpu.vector_load %arg7[%swap3A_522, %swap3A_523] {strides = array<i32>} : memref<448x128xf32, #tpu.memory_space<vmem>>, vector<1x16xf32>,
      %swap3A_525 = vector.shape_cast %swap3A_524 : vector<1x16xf32> to vector<16xf32>
      %swap3A_526 = vector.shape_cast %broadcast_in_dim3A_5 : vector<16xf32> to vector<1x16xf32>
      tpu.vector_store %arg7[%swap3A_522, %swap3A_523], %swap3A_526 {strides = array<i32>} : memref<448x128xf32, #tpu.memory_space<vmem>>, vector<1x16xf32>,
      %swap3A_527 = arith.index_cast %add3A_491 : i32 to index
      %swap3A_528 = arith.constant 112 : index
      %swap3A_529 = tpu.vector_load %arg7[%swap3A_527, %swap3A_528] {strides = array<i32>} : memref<448x128xf32, #tpu.memory_space<vmem>>, vector<1x16xf32>,
      %swap3A_530 = vector.shape_cast %swap3A_529 : vector<1x16xf32> to vector<16xf32>
      %swap3A_531 = vector.shape_cast %broadcast_in_dim3A_5 : vector<16xf32> to vector<1x16xf32>
      tpu.vector_store %arg7[%swap3A_527, %swap3A_528], %swap3A_531 {strides = array<i32>} : memref<448x128xf32, #tpu.memory_space<vmem>>, vector<1x16xf32>,
    }
    %scan3A_9 = arith.constant 448 : i32
    %run_scoped3A = arith.constant 0 : i32
    "tpu.region"() ({
      %run_scoped3A_487 = tpu.sem_alloc : memref<!tpu.dma_semaphore, #tpu.memory_space<semaphore_mem>>
      %dma_start3A_488 = arith.constant 0 : i32
      %dma_start3A_489 = tpu.memref_slice %arg5[%run_scoped3A, %dma_start3A_488] : memref<4x128xi32, #tpu.memory_space<vmem>> -> memref<1x128xi32, #tpu.memory_space<vmem>>
      %dma_start3A_490 = tpu.memref_squeeze %dma_start3A_489 : memref<1x128xi32, #tpu.memory_space<vmem>> -> memref<128xi32, #tpu.memory_space<vmem>>
      %dma_start3A_491 = arith.constant 0 : i32
      %dma_start3A_492 = tpu.memref_slice %arg3[%mul3A_2, %dma_start3A_491] : memref<3125x128xi32, #tpu.memory_space<hbm>> -> memref<1x128xi32, #tpu.memory_space<hbm>>
      %dma_start3A_493 = tpu.memref_squeeze %dma_start3A_492 : memref<1x128xi32, #tpu.memory_space<hbm>> -> memref<128xi32, #tpu.memory_space<hbm>>
      %dma_start3A_494 = arith.constant 0 : i32
      %dma_start3A_495 = tpu.memref_slice %arg5[%run_scoped3A, %dma_start3A_494] : memref<4x128xi32, #tpu.memory_space<vmem>> -> memref<1x128xi32, #tpu.memory_space<vmem>>
      %dma_start3A_496 = tpu.memref_squeeze %dma_start3A_495 : memref<1x128xi32, #tpu.memory_space<vmem>> -> memref<128xi32, #tpu.memory_space<vmem>>
      %dma_start3A_497 = arith.constant 0 : i32
      %dma_start3A_498 = tpu.memref_slice %arg3[%mul3A_2, %dma_start3A_497] : memref<3125x128xi32, #tpu.memory_space<hbm>> -> memref<1x128xi32, #tpu.memory_space<hbm>>
      %dma_start3A_499 = tpu.memref_squeeze %dma_start3A_498 : memref<1x128xi32, #tpu.memory_space<hbm>> -> memref<128xi32, #tpu.memory_space<hbm>>
      tpu.enqueue_dma source(%dma_start3A_499 : memref<128xi32, #tpu.memory_space<hbm>>) target(%dma_start3A_496 : memref<128xi32, #tpu.memory_space<vmem>>) target_semaphore(%run_scoped3A_487 : memref<!tpu.dma_semaphore, #tpu.memory_space<semaphore_mem>>)
      %dma_wait3A = arith.constant 0 : i32
      %dma_wait3A_500 = tpu.memref_slice %arg5[%run_scoped3A, %dma_wait3A] : memref<4x128xi32, #tpu.memory_space<vmem>> -> memref<1x128xi32, #tpu.memory_space<vmem>>
      %dma_wait3A_501 = tpu.memref_squeeze %dma_wait3A_500 : memref<1x128xi32, #tpu.memory_space<vmem>> -> memref<128xi32, #tpu.memory_space<vmem>>
      %dma_wait3A_502 = arith.constant 0 : i32
      %dma_wait3A_503 = tpu.memref_slice %arg3[%mul3A_2, %dma_wait3A_502] : memref<3125x128xi32, #tpu.memory_space<hbm>> -> memref<1x128xi32, #tpu.memory_space<hbm>>
      %dma_wait3A_504 = tpu.memref_squeeze %dma_wait3A_503 : memref<1x128xi32, #tpu.memory_space<hbm>> -> memref<128xi32, #tpu.memory_space<hbm>>
      %dma_wait3A_505 = arith.constant 0 : i32
      %dma_wait3A_506 = tpu.memref_slice %arg5[%run_scoped3A, %dma_wait3A_505] : memref<4x128xi32, #tpu.memory_space<vmem>> -> memref<1x128xi32, #tpu.memory_space<vmem>>
      %dma_wait3A_507 = tpu.memref_squeeze %dma_wait3A_506 : memref<1x128xi32, #tpu.memory_space<vmem>> -> memref<128xi32, #tpu.memory_space<vmem>>
      %dma_wait3A_508 = arith.constant 0 : i32
      %dma_wait3A_509 = tpu.memref_slice %arg3[%mul3A_2, %dma_wait3A_508] : memref<3125x128xi32, #tpu.memory_space<hbm>> -> memref<1x128xi32, #tpu.memory_space<hbm>>
      %dma_wait3A_510 = tpu.memref_squeeze %dma_wait3A_509 : memref<1x128xi32, #tpu.memory_space<hbm>> -> memref<128xi32, #tpu.memory_space<hbm>>
      tpu.wait_dma2 semaphore(%run_scoped3A_487 : memref<!tpu.dma_semaphore, #tpu.memory_space<semaphore_mem>>) src(%dma_wait3A_510 : memref<128xi32, #tpu.memory_space<hbm>>) dst(%dma_wait3A_507 : memref<128xi32, #tpu.memory_space<vmem>>)
      tpu.yield
    }) : () -> ()
    %get3A = arith.constant 0 : i32
    %get3A_10 = arith.index_cast %get3A : i32 to index
    %get3A_11 = arith.constant 0 : index
    %get3A_12 = tpu.vector_load %arg5[%get3A_10, %get3A_11] {strides = array<i32>} : memref<4x128xi32, #tpu.memory_space<vmem>>, vector<1x16xi32>,
    %get3A_13 = vector.shape_cast %get3A_12 : vector<1x16xi32> to vector<16xi32>
    %slice3A = vector.extract_strided_slice %get3A_13 {offsets = [0], sizes = [1], strides = [1]} : vector<16xi32> to vector<1xi32>
    %squeeze3A = vector.extract %slice3A[0] : i32 from vector<1xi32>
    %add3A_14 = arith.constant 100 : i32
    %add3A_15 = arith.addi %mul3A_2, %add3A_14 : i32
    %min3A = arith.constant 3124 : i32
    %min3A_16 = arith.minsi %add3A_15, %min3A : i32
    %run_scoped3A_17 = arith.constant 0 : i32
    "tpu.region"() ({
      %run_scoped3A_487 = tpu.sem_alloc : memref<!tpu.dma_semaphore, #tpu.memory_space<semaphore_mem>>
      %dma_start3A_488 = arith.constant 0 : i32
      %dma_start3A_489 = tpu.memref_slice %arg5[%run_scoped3A_17, %dma_start3A_488] : memref<4x128xi32, #tpu.memory_space<vmem>> -> memref<1x128xi32, #tpu.memory_space<vmem>>
      %dma_start3A_490 = tpu.memref_squeeze %dma_start3A_489 : memref<1x128xi32, #tpu.memory_space<vmem>> -> memref<128xi32, #tpu.memory_space<vmem>>
      %dma_start3A_491 = arith.constant 0 : i32
      %dma_start3A_492 = tpu.memref_slice %arg3[%min3A_16, %dma_start3A_491] : memref<3125x128xi32, #tpu.memory_space<hbm>> -> memref<1x128xi32, #tpu.memory_space<hbm>>
      %dma_start3A_493 = tpu.memref_squeeze %dma_start3A_492 : memref<1x128xi32, #tpu.memory_space<hbm>> -> memref<128xi32, #tpu.memory_space<hbm>>
      %dma_start3A_494 = arith.constant 0 : i32
      %dma_start3A_495 = tpu.memref_slice %arg5[%run_scoped3A_17, %dma_start3A_494] : memref<4x128xi32, #tpu.memory_space<vmem>> -> memref<1x128xi32, #tpu.memory_space<vmem>>
      %dma_start3A_496 = tpu.memref_squeeze %dma_start3A_495 : memref<1x128xi32, #tpu.memory_space<vmem>> -> memref<128xi32, #tpu.memory_space<vmem>>
      %dma_start3A_497 = arith.constant 0 : i32
      %dma_start3A_498 = tpu.memref_slice %arg3[%min3A_16, %dma_start3A_497] : memref<3125x128xi32, #tpu.memory_space<hbm>> -> memref<1x128xi32, #tpu.memory_space<hbm>>
      %dma_start3A_499 = tpu.memref_squeeze %dma_start3A_498 : memref<1x128xi32, #tpu.memory_space<hbm>> -> memref<128xi32, #tpu.memory_space<hbm>>
      tpu.enqueue_dma source(%dma_start3A_499 : memref<128xi32, #tpu.memory_space<hbm>>) target(%dma_start3A_496 : memref<128xi32, #tpu.memory_space<vmem>>) target_semaphore(%run_scoped3A_487 : memref<!tpu.dma_semaphore, #tpu.memory_space<semaphore_mem>>)
      %dma_wait3A = arith.constant 0 : i32
      %dma_wait3A_500 = tpu.memref_slice %arg5[%run_scoped3A_17, %dma_wait3A] : memref<4x128xi32, #tpu.memory_space<vmem>> -> memref<1x128xi32, #tpu.memory_space<vmem>>
      %dma_wait3A_501 = tpu.memref_squeeze %dma_wait3A_500 : memref<1x128xi32, #tpu.memory_space<vmem>> -> memref<128xi32, #tpu.memory_space<vmem>>
      %dma_wait3A_502 = arith.constant 0 : i32
      %dma_wait3A_503 = tpu.memref_slice %arg3[%min3A_16, %dma_wait3A_502] : memref<3125x128xi32, #tpu.memory_space<hbm>> -> memref<1x128xi32, #tpu.memory_space<hbm>>
      %dma_wait3A_504 = tpu.memref_squeeze %dma_wait3A_503 : memref<1x128xi32, #tpu.memory_space<hbm>> -> memref<128xi32, #tpu.memory_space<hbm>>
      %dma_wait3A_505 = arith.constant 0 : i32
      %dma_wait3A_506 = tpu.memref_slice %arg5[%run_scoped3A_17, %dma_wait3A_505] : memref<4x128xi32, #tpu.memory_space<vmem>> -> memref<1x128xi32, #tpu.memory_space<vmem>>
      %dma_wait3A_507 = tpu.memref_squeeze %dma_wait3A_506 : memref<1x128xi32, #tpu.memory_space<vmem>> -> memref<128xi32, #tpu.memory_space<vmem>>
      %dma_wait3A_508 = arith.constant 0 : i32
      %dma_wait3A_509 = tpu.memref_slice %arg3[%min3A_16, %dma_wait3A_508] : memref<3125x128xi32, #tpu.memory_space<hbm>> -> memref<1x128xi32, #tpu.memory_space<hbm>>
      %dma_wait3A_510 = tpu.memref_squeeze %dma_wait3A_509 : memref<1x128xi32, #tpu.memory_space<hbm>> -> memref<128xi32, #tpu.memory_space<hbm>>
      tpu.wait_dma2 semaphore(%run_scoped3A_487 : memref<!tpu.dma_semaphore, #tpu.memory_space<semaphore_mem>>) src(%dma_wait3A_510 : memref<128xi32, #tpu.memory_space<hbm>>) dst(%dma_wait3A_507 : memref<128xi32, #tpu.memory_space<vmem>>)
      tpu.yield
    }) : () -> ()
    %get3A_18 = arith.constant 0 : i32
    %get3A_19 = arith.index_cast %get3A_18 : i32 to index
    %get3A_20 = arith.constant 0 : index
    %get3A_21 = tpu.vector_load %arg5[%get3A_19, %get3A_20] {strides = array<i32>} : memref<4x128xi32, #tpu.memory_space<vmem>>, vector<1x16xi32>,
    %get3A_22 = vector.shape_cast %get3A_21 : vector<1x16xi32> to vector<16xi32>
    %slice3A_23 = vector.extract_strided_slice %get3A_22 {offsets = [0], sizes = [1], strides = [1]} : vector<16xi32> to vector<1xi32>
    %squeeze3A_24 = vector.extract %slice3A_23[0] : i32 from vector<1xi32>
    %eq3A_25 = arith.constant 0 : i32
    %eq3A_26 = arith.cmpi eq, %add3A, %eq3A_25 : i32
    %jit3A_27 = arith.constant 0 : i32
    %select_n3A_28 = arith.select %eq3A_26, %jit3A_27, %squeeze3A : i32
    %eq3A_29 = arith.constant 31 : i32
    %eq3A_30 = arith.cmpi eq, %add3A, %eq3A_29 : i32
    %jit3A_31 = arith.constant 800000 : i32
    %select_n3A_32 = arith.select %eq3A_30, %jit3A_31, %squeeze3A_24 : i32
    %sub3A = arith.subi %select_n3A_32, %select_n3A_28 : i32
    %jit3A_33 = arith.constant 448 : i32
    %div3A = arith.divsi %sub3A, %jit3A_33 : i32
    %sign3A = arith.constant 0 : i32
    %sign3A_34 = arith.cmpi sgt, %sub3A, %sign3A : i32
    %sign3A_35 = arith.extui %sign3A_34 : i1 to i32
    %sign3A_36 = arith.constant 0 : i32
    %sign3A_37 = arith.cmpi slt, %sub3A, %sign3A_36 : i32
    %sign3A_38 = arith.extui %sign3A_37 : i1 to i32
    %sign3A_39 = arith.subi %sign3A_35, %sign3A_38 : i32
    %sign3A_40 = arith.constant 0 : i32
    %sign3A_41 = arith.cmpi sgt, %jit3A_33, %sign3A_40 : i32
    %sign3A_42 = arith.extui %sign3A_41 : i1 to i32
    %sign3A_43 = arith.constant 0 : i32
    %sign3A_44 = arith.cmpi slt, %jit3A_33, %sign3A_43 : i32
    %sign3A_45 = arith.extui %sign3A_44 : i1 to i32
    %sign3A_46 = arith.subi %sign3A_42, %sign3A_45 : i32
    %ne3A = arith.cmpi ne, %sign3A_39, %sign3A_46 : i32
    %rem3A = arith.remsi %sub3A, %jit3A_33 : i32
    %ne3A_47 = arith.constant 0 : i32
    %ne3A_48 = arith.cmpi ne, %rem3A, %ne3A_47 : i32
    %and3A = arith.andi %ne3A, %ne3A_48 : i1
    %sub3A_49 = arith.constant 1 : i32
    %sub3A_50 = arith.subi %div3A, %sub3A_49 : i32
    %select_n3A_51 = arith.select %and3A, %sub3A_50, %div3A : i32
    %add3A_52 = arith.constant 1 : i32
    %add3A_53 = arith.addi %select_n3A_51, %add3A_52 : i32
    %add3A_54 = arith.constant 8 : i32
    %add3A_55 = arith.addi %add3A_53, %add3A_54 : i32
    %sub3A_56 = arith.constant 1 : i32
    %sub3A_57 = arith.subi %add3A_55, %sub3A_56 : i32
    %jit3A_58 = arith.constant 8 : i32
    %div3A_59 = arith.divsi %sub3A_57, %jit3A_58 : i32
    %sign3A_60 = arith.constant 0 : i32
    %sign3A_61 = arith.cmpi sgt, %sub3A_57, %sign3A_60 : i32
    %sign3A_62 = arith.extui %sign3A_61 : i1 to i32
    %sign3A_63 = arith.constant 0 : i32
    %sign3A_64 = arith.cmpi slt, %sub3A_57, %sign3A_63 : i32
    %sign3A_65 = arith.extui %sign3A_64 : i1 to i32
    %sign3A_66 = arith.subi %sign3A_62, %sign3A_65 : i32
    %sign3A_67 = arith.constant 0 : i32
    %sign3A_68 = arith.cmpi sgt, %jit3A_58, %sign3A_67 : i32
    %sign3A_69 = arith.extui %sign3A_68 : i1 to i32
    %sign3A_70 = arith.constant 0 : i32
    %sign3A_71 = arith.cmpi slt, %jit3A_58, %sign3A_70 : i32
    %sign3A_72 = arith.extui %sign3A_71 : i1 to i32
    %sign3A_73 = arith.subi %sign3A_69, %sign3A_72 : i32
    %ne3A_74 = arith.cmpi ne, %sign3A_66, %sign3A_73 : i32
    %rem3A_75 = arith.remsi %sub3A_57, %jit3A_58 : i32
    %ne3A_76 = arith.constant 0 : i32
    %ne3A_77 = arith.cmpi ne, %rem3A_75, %ne3A_76 : i32
    %and3A_78 = arith.andi %ne3A_74, %ne3A_77 : i1
    %sub3A_79 = arith.constant 1 : i32
    %sub3A_80 = arith.subi %div3A_59, %sub3A_79 : i32
    %select_n3A_81 = arith.select %and3A_78, %sub3A_80, %div3A_59 : i32
    %mul3A_82 = arith.constant 0 : i32
    %mul3A_83 = arith.muli %mul3A_82, %select_n3A_81 : i32
    %sub3A_84 = arith.subi %add3A_53, %mul3A_83 : i32
    %jit3A_85 = arith.constant 0 : i32
    %max3A = arith.maxsi %jit3A_85, %sub3A_84 : i32
    %min3A_86 = arith.minsi %select_n3A_81, %max3A : i32
    %sub3A_87 = arith.constant 0 : i32
    %sub3A_88 = arith.subi %min3A_86, %sub3A_87 : i32
    %sub3A_89 = arith.constant 1 : i32
    %sub3A_90 = arith.constant 1 : i32
    %sub3A_91 = arith.subi %sub3A_89, %sub3A_90 : i32
    %add3A_92 = arith.addi %sub3A_88, %sub3A_91 : i32
    %div3A_93 = arith.constant 1 : i32
    %div3A_94 = arith.divsi %add3A_92, %div3A_93 : i32
    %while3A = arith.constant 1 : i32
    %while3A_95 = arith.constant 0 : i32
    %while3A_96 = arith.constant 0 : i32
    %while3A_97 = arith.subi %div3A_94, %while3A_96 : i32
    %while3A_98 = arith.addi %while3A_96, %while3A_97 : i32
    %while3A_99 = arith.constant 1 : i32
    %while3A_100 = arith.divsi %while3A_97, %while3A_99 : i32
    %while3A_101 = arith.muli %while3A_100, %while3A_99 : i32
    %while3A_102 = arith.addi %while3A_96, %while3A_101 : i32
    %while3A_103 = arith.constant 1 : i32
    scf.for %while3A_487 = %while3A_96 to %while3A_102 step %while3A_103  : i32 {
      %mul3A_488 = arith.muli %while3A_487, %while3A : i32
      %add3A_489 = arith.addi %while3A_95, %mul3A_488 : i32
      %mul3A_490 = arith.constant 0 : i32
      %mul3A_491 = arith.muli %mul3A_490, %select_n3A_81 : i32
      %add3A_492 = arith.addi %mul3A_491, %add3A_489 : i32
      %eq3A_493 = arith.cmpi eq, %add3A_492, %select_n3A_51 : i32
      %sub3A_494 = arith.constant 448 : i32
      %sub3A_495 = arith.subi %select_n3A_32, %sub3A_494 : i32
      %mul3A_496 = arith.constant 448 : i32
      %mul3A_497 = arith.muli %add3A_492, %mul3A_496 : i32
      %add3A_498 = arith.addi %select_n3A_28, %mul3A_497 : i32
      %select_n3A_499 = arith.select %eq3A_493, %sub3A_495, %add3A_498 : i32
      %dma_start3A_500 = arith.constant 0 : i32
      %dma_start3A_501 = arith.constant 0 : i32
      %dma_start3A_502 = tpu.memref_slice %arg4[%select_n3A_499, %dma_start3A_501] : memref<800000x128xf32, #tpu.memory_space<hbm>> -> memref<448x128xf32, #tpu.memory_space<hbm>>
      %dma_start3A_503 = tpu.memref_slice %arg11[%dma_start3A_500] : memref<8x!tpu.dma_semaphore, #tpu.memory_space<semaphore_mem>> -> memref<1x!tpu.dma_semaphore, #tpu.memory_space<semaphore_mem>>
      %dma_start3A_504 = tpu.memref_squeeze %dma_start3A_503 : memref<1x!tpu.dma_semaphore, #tpu.memory_space<semaphore_mem>> -> memref<!tpu.dma_semaphore, #tpu.memory_space<semaphore_mem>>
      %dma_start3A_505 = arith.constant 0 : i32
      %dma_start3A_506 = tpu.memref_slice %arg4[%select_n3A_499, %dma_start3A_505] : memref<800000x128xf32, #tpu.memory_space<hbm>> -> memref<448x128xf32, #tpu.memory_space<hbm>>
      tpu.enqueue_dma source(%arg7 : memref<448x128xf32, #tpu.memory_space<vmem>>) target(%dma_start3A_506 : memref<448x128xf32, #tpu.memory_space<hbm>>) target_semaphore(%dma_start3A_504 : memref<!tpu.dma_semaphore, #tpu.memory_space<semaphore_mem>>)
    }
    %while3A_104 = arith.constant 1 : i32
    scf.for %while3A_487 = %while3A_102 to %while3A_98 step %while3A_104  : i32 {
      %mul3A_488 = arith.muli %while3A_487, %while3A : i32
      %add3A_489 = arith.addi %while3A_95, %mul3A_488 : i32
      %mul3A_490 = arith.constant 0 : i32
      %mul3A_491 = arith.muli %mul3A_490, %select_n3A_81 : i32
      %add3A_492 = arith.addi %mul3A_491, %add3A_489 : i32
      %eq3A_493 = arith.cmpi eq, %add3A_492, %select_n3A_51 : i32
      %sub3A_494 = arith.constant 448 : i32
      %sub3A_495 = arith.subi %select_n3A_32, %sub3A_494 : i32
      %mul3A_496 = arith.constant 448 : i32
      %mul3A_497 = arith.muli %add3A_492, %mul3A_496 : i32
      %add3A_498 = arith.addi %select_n3A_28, %mul3A_497 : i32
      %select_n3A_499 = arith.select %eq3A_493, %sub3A_495, %add3A_498 : i32
      %dma_start3A_500 = arith.constant 0 : i32
      %dma_start3A_501 = arith.constant 0 : i32
      %dma_start3A_502 = tpu.memref_slice %arg4[%select_n3A_499, %dma_start3A_501] : memref<800000x128xf32, #tpu.memory_space<hbm>> -> memref<448x128xf32, #tpu.memory_space<hbm>>
      %dma_start3A_503 = tpu.memref_slice %arg11[%dma_start3A_500] : memref<8x!tpu.dma_semaphore, #tpu.memory_space<semaphore_mem>> -> memref<1x!tpu.dma_semaphore, #tpu.memory_space<semaphore_mem>>
      %dma_start3A_504 = tpu.memref_squeeze %dma_start3A_503 : memref<1x!tpu.dma_semaphore, #tpu.memory_space<semaphore_mem>> -> memref<!tpu.dma_semaphore, #tpu.memory_space<semaphore_mem>>
      %dma_start3A_505 = arith.constant 0 : i32
      %dma_start3A_506 = tpu.memref_slice %arg4[%select_n3A_499, %dma_start3A_505] : memref<800000x128xf32, #tpu.memory_space<hbm>> -> memref<448x128xf32, #tpu.memory_space<hbm>>
      tpu.enqueue_dma source(%arg7 : memref<448x128xf32, #tpu.memory_space<vmem>>) target(%dma_start3A_506 : memref<448x128xf32, #tpu.memory_space<hbm>>) target_semaphore(%dma_start3A_504 : memref<!tpu.dma_semaphore, #tpu.memory_space<semaphore_mem>>)
    }
    %mul3A_105 = arith.constant 1 : i32
    %mul3A_106 = arith.muli %mul3A_105, %select_n3A_81 : i32
    %sub3A_107 = arith.subi %add3A_53, %mul3A_106 : i32
    %jit3A_108 = arith.constant 0 : i32
    %max3A_109 = arith.maxsi %jit3A_108, %sub3A_107 : i32
    %min3A_110 = arith.minsi %select_n3A_81, %max3A_109 : i32
    %sub3A_111 = arith.constant 0 : i32
    %sub3A_112 = arith.subi %min3A_110, %sub3A_111 : i32
    %sub3A_113 = arith.constant 1 : i32
    %sub3A_114 = arith.constant 1 : i32
    %sub3A_115 = arith.subi %sub3A_113, %sub3A_114 : i32
    %add3A_116 = arith.addi %sub3A_112, %sub3A_115 : i32
    %div3A_117 = arith.constant 1 : i32
    %div3A_118 = arith.divsi %add3A_116, %div3A_117 : i32
    %while3A_119 = arith.constant 1 : i32
    %while3A_120 = arith.constant 0 : i32
    %while3A_121 = arith.constant 0 : i32
    %while3A_122 = arith.subi %div3A_118, %while3A_121 : i32
    %while3A_123 = arith.addi %while3A_121, %while3A_122 : i32
    %while3A_124 = arith.constant 1 : i32
    %while3A_125 = arith.divsi %while3A_122, %while3A_124 : i32
    %while3A_126 = arith.muli %while3A_125, %while3A_124 : i32
    %while3A_127 = arith.addi %while3A_121, %while3A_126 : i32
    %while3A_128 = arith.constant 1 : i32
    scf.for %while3A_487 = %while3A_121 to %while3A_127 step %while3A_128  : i32 {
      %mul3A_488 = arith.muli %while3A_487, %while3A_119 : i32
      %add3A_489 = arith.addi %while3A_120, %mul3A_488 : i32
      %mul3A_490 = arith.constant 1 : i32
      %mul3A_491 = arith.muli %mul3A_490, %select_n3A_81 : i32
      %add3A_492 = arith.addi %mul3A_491, %add3A_489 : i32
      %eq3A_493 = arith.cmpi eq, %add3A_492, %select_n3A_51 : i32
      %sub3A_494 = arith.constant 448 : i32
      %sub3A_495 = arith.subi %select_n3A_32, %sub3A_494 : i32
      %mul3A_496 = arith.constant 448 : i32
      %mul3A_497 = arith.muli %add3A_492, %mul3A_496 : i32
      %add3A_498 = arith.addi %select_n3A_28, %mul3A_497 : i32
      %select_n3A_499 = arith.select %eq3A_493, %sub3A_495, %add3A_498 : i32
      %dma_start3A_500 = arith.constant 1 : i32
      %dma_start3A_501 = arith.constant 0 : i32
      %dma_start3A_502 = tpu.memref_slice %arg4[%select_n3A_499, %dma_start3A_501] : memref<800000x128xf32, #tpu.memory_space<hbm>> -> memref<448x128xf32, #tpu.memory_space<hbm>>
      %dma_start3A_503 = tpu.memref_slice %arg11[%dma_start3A_500] : memref<8x!tpu.dma_semaphore, #tpu.memory_space<semaphore_mem>> -> memref<1x!tpu.dma_semaphore, #tpu.memory_space<semaphore_mem>>
      %dma_start3A_504 = tpu.memref_squeeze %dma_start3A_503 : memref<1x!tpu.dma_semaphore, #tpu.memory_space<semaphore_mem>> -> memref<!tpu.dma_semaphore, #tpu.memory_space<semaphore_mem>>
      %dma_start3A_505 = arith.constant 0 : i32
      %dma_start3A_506 = tpu.memref_slice %arg4[%select_n3A_499, %dma_start3A_505] : memref<800000x128xf32, #tpu.memory_space<hbm>> -> memref<448x128xf32, #tpu.memory_space<hbm>>
      tpu.enqueue_dma source(%arg7 : memref<448x128xf32, #tpu.memory_space<vmem>>) target(%dma_start3A_506 : memref<448x128xf32, #tpu.memory_space<hbm>>) target_semaphore(%dma_start3A_504 : memref<!tpu.dma_semaphore, #tpu.memory_space<semaphore_mem>>)
    }
    %while3A_129 = arith.constant 1 : i32
    scf.for %while3A_487 = %while3A_127 to %while3A_123 step %while3A_129  : i32 {
      %mul3A_488 = arith.muli %while3A_487, %while3A_119 : i32
      %add3A_489 = arith.addi %while3A_120, %mul3A_488 : i32
      %mul3A_490 = arith.constant 1 : i32
      %mul3A_491 = arith.muli %mul3A_490, %select_n3A_81 : i32
      %add3A_492 = arith.addi %mul3A_491, %add3A_489 : i32
      %eq3A_493 = arith.cmpi eq, %add3A_492, %select_n3A_51 : i32
      %sub3A_494 = arith.constant 448 : i32
      %sub3A_495 = arith.subi %select_n3A_32, %sub3A_494 : i32
      %mul3A_496 = arith.constant 448 : i32
      %mul3A_497 = arith.muli %add3A_492, %mul3A_496 : i32
      %add3A_498 = arith.addi %select_n3A_28, %mul3A_497 : i32
      %select_n3A_499 = arith.select %eq3A_493, %sub3A_495, %add3A_498 : i32
      %dma_start3A_500 = arith.constant 1 : i32
      %dma_start3A_501 = arith.constant 0 : i32
      %dma_start3A_502 = tpu.memref_slice %arg4[%select_n3A_499, %dma_start3A_501] : memref<800000x128xf32, #tpu.memory_space<hbm>> -> memref<448x128xf32, #tpu.memory_space<hbm>>
      %dma_start3A_503 = tpu.memref_slice %arg11[%dma_start3A_500] : memref<8x!tpu.dma_semaphore, #tpu.memory_space<semaphore_mem>> -> memref<1x!tpu.dma_semaphore, #tpu.memory_space<semaphore_mem>>
      %dma_start3A_504 = tpu.memref_squeeze %dma_start3A_503 : memref<1x!tpu.dma_semaphore, #tpu.memory_space<semaphore_mem>> -> memref<!tpu.dma_semaphore, #tpu.memory_space<semaphore_mem>>
      %dma_start3A_505 = arith.constant 0 : i32
      %dma_start3A_506 = tpu.memref_slice %arg4[%select_n3A_499, %dma_start3A_505] : memref<800000x128xf32, #tpu.memory_space<hbm>> -> memref<448x128xf32, #tpu.memory_space<hbm>>
      tpu.enqueue_dma source(%arg7 : memref<448x128xf32, #tpu.memory_space<vmem>>) target(%dma_start3A_506 : memref<448x128xf32, #tpu.memory_space<hbm>>) target_semaphore(%dma_start3A_504 : memref<!tpu.dma_semaphore, #tpu.memory_space<semaphore_mem>>)
    }
    %mul3A_130 = arith.constant 2 : i32
    %mul3A_131 = arith.muli %mul3A_130, %select_n3A_81 : i32
    %sub3A_132 = arith.subi %add3A_53, %mul3A_131 : i32
    %jit3A_133 = arith.constant 0 : i32
    %max3A_134 = arith.maxsi %jit3A_133, %sub3A_132 : i32
    %min3A_135 = arith.minsi %select_n3A_81, %max3A_134 : i32
    %sub3A_136 = arith.constant 0 : i32
    %sub3A_137 = arith.subi %min3A_135, %sub3A_136 : i32
    %sub3A_138 = arith.constant 1 : i32
    %sub3A_139 = arith.constant 1 : i32
    %sub3A_140 = arith.subi %sub3A_138, %sub3A_139 : i32
    %add3A_141 = arith.addi %sub3A_137, %sub3A_140 : i32
    %div3A_142 = arith.constant 1 : i32
    %div3A_143 = arith.divsi %add3A_141, %div3A_142 : i32
    %while3A_144 = arith.constant 1 : i32
    %while3A_145 = arith.constant 0 : i32
    %while3A_146 = arith.constant 0 : i32
    %while3A_147 = arith.subi %div3A_143, %while3A_146 : i32
    %while3A_148 = arith.addi %while3A_146, %while3A_147 : i32
    %while3A_149 = arith.constant 1 : i32
    %while3A_150 = arith.divsi %while3A_147, %while3A_149 : i32
    %while3A_151 = arith.muli %while3A_150, %while3A_149 : i32
    %while3A_152 = arith.addi %while3A_146, %while3A_151 : i32
    %while3A_153 = arith.constant 1 : i32
    scf.for %while3A_487 = %while3A_146 to %while3A_152 step %while3A_153  : i32 {
      %mul3A_488 = arith.muli %while3A_487, %while3A_144 : i32
      %add3A_489 = arith.addi %while3A_145, %mul3A_488 : i32
      %mul3A_490 = arith.constant 2 : i32
      %mul3A_491 = arith.muli %mul3A_490, %select_n3A_81 : i32
      %add3A_492 = arith.addi %mul3A_491, %add3A_489 : i32
      %eq3A_493 = arith.cmpi eq, %add3A_492, %select_n3A_51 : i32
      %sub3A_494 = arith.constant 448 : i32
      %sub3A_495 = arith.subi %select_n3A_32, %sub3A_494 : i32
      %mul3A_496 = arith.constant 448 : i32
      %mul3A_497 = arith.muli %add3A_492, %mul3A_496 : i32
      %add3A_498 = arith.addi %select_n3A_28, %mul3A_497 : i32
      %select_n3A_499 = arith.select %eq3A_493, %sub3A_495, %add3A_498 : i32
      %dma_start3A_500 = arith.constant 2 : i32
      %dma_start3A_501 = arith.constant 0 : i32
      %dma_start3A_502 = tpu.memref_slice %arg4[%select_n3A_499, %dma_start3A_501] : memref<800000x128xf32, #tpu.memory_space<hbm>> -> memref<448x128xf32, #tpu.memory_space<hbm>>
      %dma_start3A_503 = tpu.memref_slice %arg11[%dma_start3A_500] : memref<8x!tpu.dma_semaphore, #tpu.memory_space<semaphore_mem>> -> memref<1x!tpu.dma_semaphore, #tpu.memory_space<semaphore_mem>>
      %dma_start3A_504 = tpu.memref_squeeze %dma_start3A_503 : memref<1x!tpu.dma_semaphore, #tpu.memory_space<semaphore_mem>> -> memref<!tpu.dma_semaphore, #tpu.memory_space<semaphore_mem>>
      %dma_start3A_505 = arith.constant 0 : i32
      %dma_start3A_506 = tpu.memref_slice %arg4[%select_n3A_499, %dma_start3A_505] : memref<800000x128xf32, #tpu.memory_space<hbm>> -> memref<448x128xf32, #tpu.memory_space<hbm>>
      tpu.enqueue_dma source(%arg7 : memref<448x128xf32, #tpu.memory_space<vmem>>) target(%dma_start3A_506 : memref<448x128xf32, #tpu.memory_space<hbm>>) target_semaphore(%dma_start3A_504 : memref<!tpu.dma_semaphore, #tpu.memory_space<semaphore_mem>>)
    }
    %while3A_154 = arith.constant 1 : i32
    scf.for %while3A_487 = %while3A_152 to %while3A_148 step %while3A_154  : i32 {
      %mul3A_488 = arith.muli %while3A_487, %while3A_144 : i32
      %add3A_489 = arith.addi %while3A_145, %mul3A_488 : i32
      %mul3A_490 = arith.constant 2 : i32
      %mul3A_491 = arith.muli %mul3A_490, %select_n3A_81 : i32
      %add3A_492 = arith.addi %mul3A_491, %add3A_489 : i32
      %eq3A_493 = arith.cmpi eq, %add3A_492, %select_n3A_51 : i32
      %sub3A_494 = arith.constant 448 : i32
      %sub3A_495 = arith.subi %select_n3A_32, %sub3A_494 : i32
      %mul3A_496 = arith.constant 448 : i32
      %mul3A_497 = arith.muli %add3A_492, %mul3A_496 : i32
      %add3A_498 = arith.addi %select_n3A_28, %mul3A_497 : i32
      %select_n3A_499 = arith.select %eq3A_493, %sub3A_495, %add3A_498 : i32
      %dma_start3A_500 = arith.constant 2 : i32
      %dma_start3A_501 = arith.constant 0 : i32
      %dma_start3A_502 = tpu.memref_slice %arg4[%select_n3A_499, %dma_start3A_501] : memref<800000x128xf32, #tpu.memory_space<hbm>> -> memref<448x128xf32, #tpu.memory_space<hbm>>
      %dma_start3A_503 = tpu.memref_slice %arg11[%dma_start3A_500] : memref<8x!tpu.dma_semaphore, #tpu.memory_space<semaphore_mem>> -> memref<1x!tpu.dma_semaphore, #tpu.memory_space<semaphore_mem>>
      %dma_start3A_504 = tpu.memref_squeeze %dma_start3A_503 : memref<1x!tpu.dma_semaphore, #tpu.memory_space<semaphore_mem>> -> memref<!tpu.dma_semaphore, #tpu.memory_space<semaphore_mem>>
      %dma_start3A_505 = arith.constant 0 : i32
      %dma_start3A_506 = tpu.memref_slice %arg4[%select_n3A_499, %dma_start3A_505] : memref<800000x128xf32, #tpu.memory_space<hbm>> -> memref<448x128xf32, #tpu.memory_space<hbm>>
      tpu.enqueue_dma source(%arg7 : memref<448x128xf32, #tpu.memory_space<vmem>>) target(%dma_start3A_506 : memref<448x128xf32, #tpu.memory_space<hbm>>) target_semaphore(%dma_start3A_504 : memref<!tpu.dma_semaphore, #tpu.memory_space<semaphore_mem>>)
    }
    %mul3A_155 = arith.constant 3 : i32
    %mul3A_156 = arith.muli %mul3A_155, %select_n3A_81 : i32
    %sub3A_157 = arith.subi %add3A_53, %mul3A_156 : i32
    %jit3A_158 = arith.constant 0 : i32
    %max3A_159 = arith.maxsi %jit3A_158, %sub3A_157 : i32
    %min3A_160 = arith.minsi %select_n3A_81, %max3A_159 : i32
    %sub3A_161 = arith.constant 0 : i32
    %sub3A_162 = arith.subi %min3A_160, %sub3A_161 : i32
    %sub3A_163 = arith.constant 1 : i32
    %sub3A_164 = arith.constant 1 : i32
    %sub3A_165 = arith.subi %sub3A_163, %sub3A_164 : i32
    %add3A_166 = arith.addi %sub3A_162, %sub3A_165 : i32
    %div3A_167 = arith.constant 1 : i32
    %div3A_168 = arith.divsi %add3A_166, %div3A_167 : i32
    %while3A_169 = arith.constant 1 : i32
    %while3A_170 = arith.constant 0 : i32
    %while3A_171 = arith.constant 0 : i32
    %while3A_172 = arith.subi %div3A_168, %while3A_171 : i32
    %while3A_173 = arith.addi %while3A_171, %while3A_172 : i32
    %while3A_174 = arith.constant 1 : i32
    %while3A_175 = arith.divsi %while3A_172, %while3A_174 : i32
    %while3A_176 = arith.muli %while3A_175, %while3A_174 : i32
    %while3A_177 = arith.addi %while3A_171, %while3A_176 : i32
    %while3A_178 = arith.constant 1 : i32
    scf.for %while3A_487 = %while3A_171 to %while3A_177 step %while3A_178  : i32 {
      %mul3A_488 = arith.muli %while3A_487, %while3A_169 : i32
      %add3A_489 = arith.addi %while3A_170, %mul3A_488 : i32
      %mul3A_490 = arith.constant 3 : i32
      %mul3A_491 = arith.muli %mul3A_490, %select_n3A_81 : i32
      %add3A_492 = arith.addi %mul3A_491, %add3A_489 : i32
      %eq3A_493 = arith.cmpi eq, %add3A_492, %select_n3A_51 : i32
      %sub3A_494 = arith.constant 448 : i32
      %sub3A_495 = arith.subi %select_n3A_32, %sub3A_494 : i32
      %mul3A_496 = arith.constant 448 : i32
      %mul3A_497 = arith.muli %add3A_492, %mul3A_496 : i32
      %add3A_498 = arith.addi %select_n3A_28, %mul3A_497 : i32
      %select_n3A_499 = arith.select %eq3A_493, %sub3A_495, %add3A_498 : i32
      %dma_start3A_500 = arith.constant 3 : i32
      %dma_start3A_501 = arith.constant 0 : i32
      %dma_start3A_502 = tpu.memref_slice %arg4[%select_n3A_499, %dma_start3A_501] : memref<800000x128xf32, #tpu.memory_space<hbm>> -> memref<448x128xf32, #tpu.memory_space<hbm>>
      %dma_start3A_503 = tpu.memref_slice %arg11[%dma_start3A_500] : memref<8x!tpu.dma_semaphore, #tpu.memory_space<semaphore_mem>> -> memref<1x!tpu.dma_semaphore, #tpu.memory_space<semaphore_mem>>
      %dma_start3A_504 = tpu.memref_squeeze %dma_start3A_503 : memref<1x!tpu.dma_semaphore, #tpu.memory_space<semaphore_mem>> -> memref<!tpu.dma_semaphore, #tpu.memory_space<semaphore_mem>>
      %dma_start3A_505 = arith.constant 0 : i32
      %dma_start3A_506 = tpu.memref_slice %arg4[%select_n3A_499, %dma_start3A_505] : memref<800000x128xf32, #tpu.memory_space<hbm>> -> memref<448x128xf32, #tpu.memory_space<hbm>>
      tpu.enqueue_dma source(%arg7 : memref<448x128xf32, #tpu.memory_space<vmem>>) target(%dma_start3A_506 : memref<448x128xf32, #tpu.memory_space<hbm>>) target_semaphore(%dma_start3A_504 : memref<!tpu.dma_semaphore, #tpu.memory_space<semaphore_mem>>)
    }
    %while3A_179 = arith.constant 1 : i32
    scf.for %while3A_487 = %while3A_177 to %while3A_173 step %while3A_179  : i32 {
      %mul3A_488 = arith.muli %while3A_487, %while3A_169 : i32
      %add3A_489 = arith.addi %while3A_170, %mul3A_488 : i32
      %mul3A_490 = arith.constant 3 : i32
      %mul3A_491 = arith.muli %mul3A_490, %select_n3A_81 : i32
      %add3A_492 = arith.addi %mul3A_491, %add3A_489 : i32
      %eq3A_493 = arith.cmpi eq, %add3A_492, %select_n3A_51 : i32
      %sub3A_494 = arith.constant 448 : i32
      %sub3A_495 = arith.subi %select_n3A_32, %sub3A_494 : i32
      %mul3A_496 = arith.constant 448 : i32
      %mul3A_497 = arith.muli %add3A_492, %mul3A_496 : i32
      %add3A_498 = arith.addi %select_n3A_28, %mul3A_497 : i32
      %select_n3A_499 = arith.select %eq3A_493, %sub3A_495, %add3A_498 : i32
      %dma_start3A_500 = arith.constant 3 : i32
      %dma_start3A_501 = arith.constant 0 : i32
      %dma_start3A_502 = tpu.memref_slice %arg4[%select_n3A_499, %dma_start3A_501] : memref<800000x128xf32, #tpu.memory_space<hbm>> -> memref<448x128xf32, #tpu.memory_space<hbm>>
      %dma_start3A_503 = tpu.memref_slice %arg11[%dma_start3A_500] : memref<8x!tpu.dma_semaphore, #tpu.memory_space<semaphore_mem>> -> memref<1x!tpu.dma_semaphore, #tpu.memory_space<semaphore_mem>>
      %dma_start3A_504 = tpu.memref_squeeze %dma_start3A_503 : memref<1x!tpu.dma_semaphore, #tpu.memory_space<semaphore_mem>> -> memref<!tpu.dma_semaphore, #tpu.memory_space<semaphore_mem>>
      %dma_start3A_505 = arith.constant 0 : i32
      %dma_start3A_506 = tpu.memref_slice %arg4[%select_n3A_499, %dma_start3A_505] : memref<800000x128xf32, #tpu.memory_space<hbm>> -> memref<448x128xf32, #tpu.memory_space<hbm>>
      tpu.enqueue_dma source(%arg7 : memref<448x128xf32, #tpu.memory_space<vmem>>) target(%dma_start3A_506 : memref<448x128xf32, #tpu.memory_space<hbm>>) target_semaphore(%dma_start3A_504 : memref<!tpu.dma_semaphore, #tpu.memory_space<semaphore_mem>>)
    }
    %mul3A_180 = arith.constant 4 : i32
    %mul3A_181 = arith.muli %mul3A_180, %select_n3A_81 : i32
    %sub3A_182 = arith.subi %add3A_53, %mul3A_181 : i32
    %jit3A_183 = arith.constant 0 : i32
    %max3A_184 = arith.maxsi %jit3A_183, %sub3A_182 : i32
    %min3A_185 = arith.minsi %select_n3A_81, %max3A_184 : i32
    %sub3A_186 = arith.constant 0 : i32
    %sub3A_187 = arith.subi %min3A_185, %sub3A_186 : i32
    %sub3A_188 = arith.constant 1 : i32
    %sub3A_189 = arith.constant 1 : i32
    %sub3A_190 = arith.subi %sub3A_188, %sub3A_189 : i32
    %add3A_191 = arith.addi %sub3A_187, %sub3A_190 : i32
    %div3A_192 = arith.constant 1 : i32
    %div3A_193 = arith.divsi %add3A_191, %div3A_192 : i32
    %while3A_194 = arith.constant 1 : i32
    %while3A_195 = arith.constant 0 : i32
    %while3A_196 = arith.constant 0 : i32
    %while3A_197 = arith.subi %div3A_193, %while3A_196 : i32
    %while3A_198 = arith.addi %while3A_196, %while3A_197 : i32
    %while3A_199 = arith.constant 1 : i32
    %while3A_200 = arith.divsi %while3A_197, %while3A_199 : i32
    %while3A_201 = arith.muli %while3A_200, %while3A_199 : i32
    %while3A_202 = arith.addi %while3A_196, %while3A_201 : i32
    %while3A_203 = arith.constant 1 : i32
    scf.for %while3A_487 = %while3A_196 to %while3A_202 step %while3A_203  : i32 {
      %mul3A_488 = arith.muli %while3A_487, %while3A_194 : i32
      %add3A_489 = arith.addi %while3A_195, %mul3A_488 : i32
      %mul3A_490 = arith.constant 4 : i32
      %mul3A_491 = arith.muli %mul3A_490, %select_n3A_81 : i32
      %add3A_492 = arith.addi %mul3A_491, %add3A_489 : i32
      %eq3A_493 = arith.cmpi eq, %add3A_492, %select_n3A_51 : i32
      %sub3A_494 = arith.constant 448 : i32
      %sub3A_495 = arith.subi %select_n3A_32, %sub3A_494 : i32
      %mul3A_496 = arith.constant 448 : i32
      %mul3A_497 = arith.muli %add3A_492, %mul3A_496 : i32
      %add3A_498 = arith.addi %select_n3A_28, %mul3A_497 : i32
      %select_n3A_499 = arith.select %eq3A_493, %sub3A_495, %add3A_498 : i32
      %dma_start3A_500 = arith.constant 4 : i32
      %dma_start3A_501 = arith.constant 0 : i32
      %dma_start3A_502 = tpu.memref_slice %arg4[%select_n3A_499, %dma_start3A_501] : memref<800000x128xf32, #tpu.memory_space<hbm>> -> memref<448x128xf32, #tpu.memory_space<hbm>>
      %dma_start3A_503 = tpu.memref_slice %arg11[%dma_start3A_500] : memref<8x!tpu.dma_semaphore, #tpu.memory_space<semaphore_mem>> -> memref<1x!tpu.dma_semaphore, #tpu.memory_space<semaphore_mem>>
      %dma_start3A_504 = tpu.memref_squeeze %dma_start3A_503 : memref<1x!tpu.dma_semaphore, #tpu.memory_space<semaphore_mem>> -> memref<!tpu.dma_semaphore, #tpu.memory_space<semaphore_mem>>
      %dma_start3A_505 = arith.constant 0 : i32
      %dma_start3A_506 = tpu.memref_slice %arg4[%select_n3A_499, %dma_start3A_505] : memref<800000x128xf32, #tpu.memory_space<hbm>> -> memref<448x128xf32, #tpu.memory_space<hbm>>
      tpu.enqueue_dma source(%arg7 : memref<448x128xf32, #tpu.memory_space<vmem>>) target(%dma_start3A_506 : memref<448x128xf32, #tpu.memory_space<hbm>>) target_semaphore(%dma_start3A_504 : memref<!tpu.dma_semaphore, #tpu.memory_space<semaphore_mem>>)
    }
    %while3A_204 = arith.constant 1 : i32
    scf.for %while3A_487 = %while3A_202 to %while3A_198 step %while3A_204  : i32 {
      %mul3A_488 = arith.muli %while3A_487, %while3A_194 : i32
      %add3A_489 = arith.addi %while3A_195, %mul3A_488 : i32
      %mul3A_490 = arith.constant 4 : i32
      %mul3A_491 = arith.muli %mul3A_490, %select_n3A_81 : i32
      %add3A_492 = arith.addi %mul3A_491, %add3A_489 : i32
      %eq3A_493 = arith.cmpi eq, %add3A_492, %select_n3A_51 : i32
      %sub3A_494 = arith.constant 448 : i32
      %sub3A_495 = arith.subi %select_n3A_32, %sub3A_494 : i32
      %mul3A_496 = arith.constant 448 : i32
      %mul3A_497 = arith.muli %add3A_492, %mul3A_496 : i32
      %add3A_498 = arith.addi %select_n3A_28, %mul3A_497 : i32
      %select_n3A_499 = arith.select %eq3A_493, %sub3A_495, %add3A_498 : i32
      %dma_start3A_500 = arith.constant 4 : i32
      %dma_start3A_501 = arith.constant 0 : i32
      %dma_start3A_502 = tpu.memref_slice %arg4[%select_n3A_499, %dma_start3A_501] : memref<800000x128xf32, #tpu.memory_space<hbm>> -> memref<448x128xf32, #tpu.memory_space<hbm>>
      %dma_start3A_503 = tpu.memref_slice %arg11[%dma_start3A_500] : memref<8x!tpu.dma_semaphore, #tpu.memory_space<semaphore_mem>> -> memref<1x!tpu.dma_semaphore, #tpu.memory_space<semaphore_mem>>
      %dma_start3A_504 = tpu.memref_squeeze %dma_start3A_503 : memref<1x!tpu.dma_semaphore, #tpu.memory_space<semaphore_mem>> -> memref<!tpu.dma_semaphore, #tpu.memory_space<semaphore_mem>>
      %dma_start3A_505 = arith.constant 0 : i32
      %dma_start3A_506 = tpu.memref_slice %arg4[%select_n3A_499, %dma_start3A_505] : memref<800000x128xf32, #tpu.memory_space<hbm>> -> memref<448x128xf32, #tpu.memory_space<hbm>>
      tpu.enqueue_dma source(%arg7 : memref<448x128xf32, #tpu.memory_space<vmem>>) target(%dma_start3A_506 : memref<448x128xf32, #tpu.memory_space<hbm>>) target_semaphore(%dma_start3A_504 : memref<!tpu.dma_semaphore, #tpu.memory_space<semaphore_mem>>)
    }
    %mul3A_205 = arith.constant 5 : i32
    %mul3A_206 = arith.muli %mul3A_205, %select_n3A_81 : i32
    %sub3A_207 = arith.subi %add3A_53, %mul3A_206 : i32
    %jit3A_208 = arith.constant 0 : i32
    %max3A_209 = arith.maxsi %jit3A_208, %sub3A_207 : i32
    %min3A_210 = arith.minsi %select_n3A_81, %max3A_209 : i32
    %sub3A_211 = arith.constant 0 : i32
    %sub3A_212 = arith.subi %min3A_210, %sub3A_211 : i32
    %sub3A_213 = arith.constant 1 : i32
    %sub3A_214 = arith.constant 1 : i32
    %sub3A_215 = arith.subi %sub3A_213, %sub3A_214 : i32
    %add3A_216 = arith.addi %sub3A_212, %sub3A_215 : i32
    %div3A_217 = arith.constant 1 : i32
    %div3A_218 = arith.divsi %add3A_216, %div3A_217 : i32
    %while3A_219 = arith.constant 1 : i32
    %while3A_220 = arith.constant 0 : i32
    %while3A_221 = arith.constant 0 : i32
    %while3A_222 = arith.subi %div3A_218, %while3A_221 : i32
    %while3A_223 = arith.addi %while3A_221, %while3A_222 : i32
    %while3A_224 = arith.constant 1 : i32
    %while3A_225 = arith.divsi %while3A_222, %while3A_224 : i32
    %while3A_226 = arith.muli %while3A_225, %while3A_224 : i32
    %while3A_227 = arith.addi %while3A_221, %while3A_226 : i32
    %while3A_228 = arith.constant 1 : i32
    scf.for %while3A_487 = %while3A_221 to %while3A_227 step %while3A_228  : i32 {
      %mul3A_488 = arith.muli %while3A_487, %while3A_219 : i32
      %add3A_489 = arith.addi %while3A_220, %mul3A_488 : i32
      %mul3A_490 = arith.constant 5 : i32
      %mul3A_491 = arith.muli %mul3A_490, %select_n3A_81 : i32
      %add3A_492 = arith.addi %mul3A_491, %add3A_489 : i32
      %eq3A_493 = arith.cmpi eq, %add3A_492, %select_n3A_51 : i32
      %sub3A_494 = arith.constant 448 : i32
      %sub3A_495 = arith.subi %select_n3A_32, %sub3A_494 : i32
      %mul3A_496 = arith.constant 448 : i32
      %mul3A_497 = arith.muli %add3A_492, %mul3A_496 : i32
      %add3A_498 = arith.addi %select_n3A_28, %mul3A_497 : i32
      %select_n3A_499 = arith.select %eq3A_493, %sub3A_495, %add3A_498 : i32
      %dma_start3A_500 = arith.constant 5 : i32
      %dma_start3A_501 = arith.constant 0 : i32
      %dma_start3A_502 = tpu.memref_slice %arg4[%select_n3A_499, %dma_start3A_501] : memref<800000x128xf32, #tpu.memory_space<hbm>> -> memref<448x128xf32, #tpu.memory_space<hbm>>
      %dma_start3A_503 = tpu.memref_slice %arg11[%dma_start3A_500] : memref<8x!tpu.dma_semaphore, #tpu.memory_space<semaphore_mem>> -> memref<1x!tpu.dma_semaphore, #tpu.memory_space<semaphore_mem>>
      %dma_start3A_504 = tpu.memref_squeeze %dma_start3A_503 : memref<1x!tpu.dma_semaphore, #tpu.memory_space<semaphore_mem>> -> memref<!tpu.dma_semaphore, #tpu.memory_space<semaphore_mem>>
      %dma_start3A_505 = arith.constant 0 : i32
      %dma_start3A_506 = tpu.memref_slice %arg4[%select_n3A_499, %dma_start3A_505] : memref<800000x128xf32, #tpu.memory_space<hbm>> -> memref<448x128xf32, #tpu.memory_space<hbm>>
      tpu.enqueue_dma source(%arg7 : memref<448x128xf32, #tpu.memory_space<vmem>>) target(%dma_start3A_506 : memref<448x128xf32, #tpu.memory_space<hbm>>) target_semaphore(%dma_start3A_504 : memref<!tpu.dma_semaphore, #tpu.memory_space<semaphore_mem>>)
    }
    %while3A_229 = arith.constant 1 : i32
    scf.for %while3A_487 = %while3A_227 to %while3A_223 step %while3A_229  : i32 {
      %mul3A_488 = arith.muli %while3A_487, %while3A_219 : i32
      %add3A_489 = arith.addi %while3A_220, %mul3A_488 : i32
      %mul3A_490 = arith.constant 5 : i32
      %mul3A_491 = arith.muli %mul3A_490, %select_n3A_81 : i32
      %add3A_492 = arith.addi %mul3A_491, %add3A_489 : i32
      %eq3A_493 = arith.cmpi eq, %add3A_492, %select_n3A_51 : i32
      %sub3A_494 = arith.constant 448 : i32
      %sub3A_495 = arith.subi %select_n3A_32, %sub3A_494 : i32
      %mul3A_496 = arith.constant 448 : i32
      %mul3A_497 = arith.muli %add3A_492, %mul3A_496 : i32
      %add3A_498 = arith.addi %select_n3A_28, %mul3A_497 : i32
      %select_n3A_499 = arith.select %eq3A_493, %sub3A_495, %add3A_498 : i32
      %dma_start3A_500 = arith.constant 5 : i32
      %dma_start3A_501 = arith.constant 0 : i32
      %dma_start3A_502 = tpu.memref_slice %arg4[%select_n3A_499, %dma_start3A_501] : memref<800000x128xf32, #tpu.memory_space<hbm>> -> memref<448x128xf32, #tpu.memory_space<hbm>>
      %dma_start3A_503 = tpu.memref_slice %arg11[%dma_start3A_500] : memref<8x!tpu.dma_semaphore, #tpu.memory_space<semaphore_mem>> -> memref<1x!tpu.dma_semaphore, #tpu.memory_space<semaphore_mem>>
      %dma_start3A_504 = tpu.memref_squeeze %dma_start3A_503 : memref<1x!tpu.dma_semaphore, #tpu.memory_space<semaphore_mem>> -> memref<!tpu.dma_semaphore, #tpu.memory_space<semaphore_mem>>
      %dma_start3A_505 = arith.constant 0 : i32
      %dma_start3A_506 = tpu.memref_slice %arg4[%select_n3A_499, %dma_start3A_505] : memref<800000x128xf32, #tpu.memory_space<hbm>> -> memref<448x128xf32, #tpu.memory_space<hbm>>
      tpu.enqueue_dma source(%arg7 : memref<448x128xf32, #tpu.memory_space<vmem>>) target(%dma_start3A_506 : memref<448x128xf32, #tpu.memory_space<hbm>>) target_semaphore(%dma_start3A_504 : memref<!tpu.dma_semaphore, #tpu.memory_space<semaphore_mem>>)
    }
    %mul3A_230 = arith.constant 6 : i32
    %mul3A_231 = arith.muli %mul3A_230, %select_n3A_81 : i32
    %sub3A_232 = arith.subi %add3A_53, %mul3A_231 : i32
    %jit3A_233 = arith.constant 0 : i32
    %max3A_234 = arith.maxsi %jit3A_233, %sub3A_232 : i32
    %min3A_235 = arith.minsi %select_n3A_81, %max3A_234 : i32
    %sub3A_236 = arith.constant 0 : i32
    %sub3A_237 = arith.subi %min3A_235, %sub3A_236 : i32
    %sub3A_238 = arith.constant 1 : i32
    %sub3A_239 = arith.constant 1 : i32
    %sub3A_240 = arith.subi %sub3A_238, %sub3A_239 : i32
    %add3A_241 = arith.addi %sub3A_237, %sub3A_240 : i32
    %div3A_242 = arith.constant 1 : i32
    %div3A_243 = arith.divsi %add3A_241, %div3A_242 : i32
    %while3A_244 = arith.constant 1 : i32
    %while3A_245 = arith.constant 0 : i32
    %while3A_246 = arith.constant 0 : i32
    %while3A_247 = arith.subi %div3A_243, %while3A_246 : i32
    %while3A_248 = arith.addi %while3A_246, %while3A_247 : i32
    %while3A_249 = arith.constant 1 : i32
    %while3A_250 = arith.divsi %while3A_247, %while3A_249 : i32
    %while3A_251 = arith.muli %while3A_250, %while3A_249 : i32
    %while3A_252 = arith.addi %while3A_246, %while3A_251 : i32
    %while3A_253 = arith.constant 1 : i32
    scf.for %while3A_487 = %while3A_246 to %while3A_252 step %while3A_253  : i32 {
      %mul3A_488 = arith.muli %while3A_487, %while3A_244 : i32
      %add3A_489 = arith.addi %while3A_245, %mul3A_488 : i32
      %mul3A_490 = arith.constant 6 : i32
      %mul3A_491 = arith.muli %mul3A_490, %select_n3A_81 : i32
      %add3A_492 = arith.addi %mul3A_491, %add3A_489 : i32
      %eq3A_493 = arith.cmpi eq, %add3A_492, %select_n3A_51 : i32
      %sub3A_494 = arith.constant 448 : i32
      %sub3A_495 = arith.subi %select_n3A_32, %sub3A_494 : i32
      %mul3A_496 = arith.constant 448 : i32
      %mul3A_497 = arith.muli %add3A_492, %mul3A_496 : i32
      %add3A_498 = arith.addi %select_n3A_28, %mul3A_497 : i32
      %select_n3A_499 = arith.select %eq3A_493, %sub3A_495, %add3A_498 : i32
      %dma_start3A_500 = arith.constant 6 : i32
      %dma_start3A_501 = arith.constant 0 : i32
      %dma_start3A_502 = tpu.memref_slice %arg4[%select_n3A_499, %dma_start3A_501] : memref<800000x128xf32, #tpu.memory_space<hbm>> -> memref<448x128xf32, #tpu.memory_space<hbm>>
      %dma_start3A_503 = tpu.memref_slice %arg11[%dma_start3A_500] : memref<8x!tpu.dma_semaphore, #tpu.memory_space<semaphore_mem>> -> memref<1x!tpu.dma_semaphore, #tpu.memory_space<semaphore_mem>>
      %dma_start3A_504 = tpu.memref_squeeze %dma_start3A_503 : memref<1x!tpu.dma_semaphore, #tpu.memory_space<semaphore_mem>> -> memref<!tpu.dma_semaphore, #tpu.memory_space<semaphore_mem>>
      %dma_start3A_505 = arith.constant 0 : i32
      %dma_start3A_506 = tpu.memref_slice %arg4[%select_n3A_499, %dma_start3A_505] : memref<800000x128xf32, #tpu.memory_space<hbm>> -> memref<448x128xf32, #tpu.memory_space<hbm>>
      tpu.enqueue_dma source(%arg7 : memref<448x128xf32, #tpu.memory_space<vmem>>) target(%dma_start3A_506 : memref<448x128xf32, #tpu.memory_space<hbm>>) target_semaphore(%dma_start3A_504 : memref<!tpu.dma_semaphore, #tpu.memory_space<semaphore_mem>>)
    }
    %while3A_254 = arith.constant 1 : i32
    scf.for %while3A_487 = %while3A_252 to %while3A_248 step %while3A_254  : i32 {
      %mul3A_488 = arith.muli %while3A_487, %while3A_244 : i32
      %add3A_489 = arith.addi %while3A_245, %mul3A_488 : i32
      %mul3A_490 = arith.constant 6 : i32
      %mul3A_491 = arith.muli %mul3A_490, %select_n3A_81 : i32
      %add3A_492 = arith.addi %mul3A_491, %add3A_489 : i32
      %eq3A_493 = arith.cmpi eq, %add3A_492, %select_n3A_51 : i32
      %sub3A_494 = arith.constant 448 : i32
      %sub3A_495 = arith.subi %select_n3A_32, %sub3A_494 : i32
      %mul3A_496 = arith.constant 448 : i32
      %mul3A_497 = arith.muli %add3A_492, %mul3A_496 : i32
      %add3A_498 = arith.addi %select_n3A_28, %mul3A_497 : i32
      %select_n3A_499 = arith.select %eq3A_493, %sub3A_495, %add3A_498 : i32
      %dma_start3A_500 = arith.constant 6 : i32
      %dma_start3A_501 = arith.constant 0 : i32
      %dma_start3A_502 = tpu.memref_slice %arg4[%select_n3A_499, %dma_start3A_501] : memref<800000x128xf32, #tpu.memory_space<hbm>> -> memref<448x128xf32, #tpu.memory_space<hbm>>
      %dma_start3A_503 = tpu.memref_slice %arg11[%dma_start3A_500] : memref<8x!tpu.dma_semaphore, #tpu.memory_space<semaphore_mem>> -> memref<1x!tpu.dma_semaphore, #tpu.memory_space<semaphore_mem>>
      %dma_start3A_504 = tpu.memref_squeeze %dma_start3A_503 : memref<1x!tpu.dma_semaphore, #tpu.memory_space<semaphore_mem>> -> memref<!tpu.dma_semaphore, #tpu.memory_space<semaphore_mem>>
      %dma_start3A_505 = arith.constant 0 : i32
      %dma_start3A_506 = tpu.memref_slice %arg4[%select_n3A_499, %dma_start3A_505] : memref<800000x128xf32, #tpu.memory_space<hbm>> -> memref<448x128xf32, #tpu.memory_space<hbm>>
      tpu.enqueue_dma source(%arg7 : memref<448x128xf32, #tpu.memory_space<vmem>>) target(%dma_start3A_506 : memref<448x128xf32, #tpu.memory_space<hbm>>) target_semaphore(%dma_start3A_504 : memref<!tpu.dma_semaphore, #tpu.memory_space<semaphore_mem>>)
    }
    %mul3A_255 = arith.constant 7 : i32
    %mul3A_256 = arith.muli %mul3A_255, %select_n3A_81 : i32
    %sub3A_257 = arith.subi %add3A_53, %mul3A_256 : i32
    %jit3A_258 = arith.constant 0 : i32
    %max3A_259 = arith.maxsi %jit3A_258, %sub3A_257 : i32
    %min3A_260 = arith.minsi %select_n3A_81, %max3A_259 : i32
    %sub3A_261 = arith.constant 0 : i32
    %sub3A_262 = arith.subi %min3A_260, %sub3A_261 : i32
    %sub3A_263 = arith.constant 1 : i32
    %sub3A_264 = arith.constant 1 : i32
    %sub3A_265 = arith.subi %sub3A_263, %sub3A_264 : i32
    %add3A_266 = arith.addi %sub3A_262, %sub3A_265 : i32
    %div3A_267 = arith.constant 1 : i32
    %div3A_268 = arith.divsi %add3A_266, %div3A_267 : i32
    %while3A_269 = arith.constant 1 : i32
    %while3A_270 = arith.constant 0 : i32
    %while3A_271 = arith.constant 0 : i32
    %while3A_272 = arith.subi %div3A_268, %while3A_271 : i32
    %while3A_273 = arith.addi %while3A_271, %while3A_272 : i32
    %while3A_274 = arith.constant 1 : i32
    %while3A_275 = arith.divsi %while3A_272, %while3A_274 : i32
    %while3A_276 = arith.muli %while3A_275, %while3A_274 : i32
    %while3A_277 = arith.addi %while3A_271, %while3A_276 : i32
    %while3A_278 = arith.constant 1 : i32
    scf.for %while3A_487 = %while3A_271 to %while3A_277 step %while3A_278  : i32 {
      %mul3A_488 = arith.muli %while3A_487, %while3A_269 : i32
      %add3A_489 = arith.addi %while3A_270, %mul3A_488 : i32
      %mul3A_490 = arith.constant 7 : i32
      %mul3A_491 = arith.muli %mul3A_490, %select_n3A_81 : i32
      %add3A_492 = arith.addi %mul3A_491, %add3A_489 : i32
      %eq3A_493 = arith.cmpi eq, %add3A_492, %select_n3A_51 : i32
      %sub3A_494 = arith.constant 448 : i32
      %sub3A_495 = arith.subi %select_n3A_32, %sub3A_494 : i32
      %mul3A_496 = arith.constant 448 : i32
      %mul3A_497 = arith.muli %add3A_492, %mul3A_496 : i32
      %add3A_498 = arith.addi %select_n3A_28, %mul3A_497 : i32
      %select_n3A_499 = arith.select %eq3A_493, %sub3A_495, %add3A_498 : i32
      %dma_start3A_500 = arith.constant 7 : i32
      %dma_start3A_501 = arith.constant 0 : i32
      %dma_start3A_502 = tpu.memref_slice %arg4[%select_n3A_499, %dma_start3A_501] : memref<800000x128xf32, #tpu.memory_space<hbm>> -> memref<448x128xf32, #tpu.memory_space<hbm>>
      %dma_start3A_503 = tpu.memref_slice %arg11[%dma_start3A_500] : memref<8x!tpu.dma_semaphore, #tpu.memory_space<semaphore_mem>> -> memref<1x!tpu.dma_semaphore, #tpu.memory_space<semaphore_mem>>
      %dma_start3A_504 = tpu.memref_squeeze %dma_start3A_503 : memref<1x!tpu.dma_semaphore, #tpu.memory_space<semaphore_mem>> -> memref<!tpu.dma_semaphore, #tpu.memory_space<semaphore_mem>>
      %dma_start3A_505 = arith.constant 0 : i32
      %dma_start3A_506 = tpu.memref_slice %arg4[%select_n3A_499, %dma_start3A_505] : memref<800000x128xf32, #tpu.memory_space<hbm>> -> memref<448x128xf32, #tpu.memory_space<hbm>>
      tpu.enqueue_dma source(%arg7 : memref<448x128xf32, #tpu.memory_space<vmem>>) target(%dma_start3A_506 : memref<448x128xf32, #tpu.memory_space<hbm>>) target_semaphore(%dma_start3A_504 : memref<!tpu.dma_semaphore, #tpu.memory_space<semaphore_mem>>)
    }
    %while3A_279 = arith.constant 1 : i32
    scf.for %while3A_487 = %while3A_277 to %while3A_273 step %while3A_279  : i32 {
      %mul3A_488 = arith.muli %while3A_487, %while3A_269 : i32
      %add3A_489 = arith.addi %while3A_270, %mul3A_488 : i32
      %mul3A_490 = arith.constant 7 : i32
      %mul3A_491 = arith.muli %mul3A_490, %select_n3A_81 : i32
      %add3A_492 = arith.addi %mul3A_491, %add3A_489 : i32
      %eq3A_493 = arith.cmpi eq, %add3A_492, %select_n3A_51 : i32
      %sub3A_494 = arith.constant 448 : i32
      %sub3A_495 = arith.subi %select_n3A_32, %sub3A_494 : i32
      %mul3A_496 = arith.constant 448 : i32
      %mul3A_497 = arith.muli %add3A_492, %mul3A_496 : i32
      %add3A_498 = arith.addi %select_n3A_28, %mul3A_497 : i32
      %select_n3A_499 = arith.select %eq3A_493, %sub3A_495, %add3A_498 : i32
      %dma_start3A_500 = arith.constant 7 : i32
      %dma_start3A_501 = arith.constant 0 : i32
      %dma_start3A_502 = tpu.memref_slice %arg4[%select_n3A_499, %dma_start3A_501] : memref<800000x128xf32, #tpu.memory_space<hbm>> -> memref<448x128xf32, #tpu.memory_space<hbm>>
      %dma_start3A_503 = tpu.memref_slice %arg11[%dma_start3A_500] : memref<8x!tpu.dma_semaphore, #tpu.memory_space<semaphore_mem>> -> memref<1x!tpu.dma_semaphore, #tpu.memory_space<semaphore_mem>>
      %dma_start3A_504 = tpu.memref_squeeze %dma_start3A_503 : memref<1x!tpu.dma_semaphore, #tpu.memory_space<semaphore_mem>> -> memref<!tpu.dma_semaphore, #tpu.memory_space<semaphore_mem>>
      %dma_start3A_505 = arith.constant 0 : i32
      %dma_start3A_506 = tpu.memref_slice %arg4[%select_n3A_499, %dma_start3A_505] : memref<800000x128xf32, #tpu.memory_space<hbm>> -> memref<448x128xf32, #tpu.memory_space<hbm>>
      tpu.enqueue_dma source(%arg7 : memref<448x128xf32, #tpu.memory_space<vmem>>) target(%dma_start3A_506 : memref<448x128xf32, #tpu.memory_space<hbm>>) target_semaphore(%dma_start3A_504 : memref<!tpu.dma_semaphore, #tpu.memory_space<semaphore_mem>>)
    }
    %add3A_280 = arith.constant 0 : i32
    %add3A_281 = arith.addi %mul3A_2, %add3A_280 : i32
    %dma_start3A = arith.constant 0 : i32
    %dma_start3A_282 = arith.constant 0 : i32
    %dma_start3A_283 = arith.constant 0 : i32
    %dma_start3A_284 = tpu.memref_slice %arg5[%dma_start3A, %dma_start3A_283] : memref<4x128xi32, #tpu.memory_space<vmem>> -> memref<1x128xi32, #tpu.memory_space<vmem>>
    %dma_start3A_285 = tpu.memref_squeeze %dma_start3A_284 : memref<1x128xi32, #tpu.memory_space<vmem>> -> memref<128xi32, #tpu.memory_space<vmem>>
    %dma_start3A_286 = arith.constant 0 : i32
    %dma_start3A_287 = tpu.memref_slice %arg3[%add3A_281, %dma_start3A_286] : memref<3125x128xi32, #tpu.memory_space<hbm>> -> memref<1x128xi32, #tpu.memory_space<hbm>>
    %dma_start3A_288 = tpu.memref_squeeze %dma_start3A_287 : memref<1x128xi32, #tpu.memory_space<hbm>> -> memref<128xi32, #tpu.memory_space<hbm>>
    %dma_start3A_289 = tpu.memref_slice %arg9[%dma_start3A_282] : memref<4x!tpu.dma_semaphore, #tpu.memory_space<semaphore_mem>> -> memref<1x!tpu.dma_semaphore, #tpu.memory_space<semaphore_mem>>
    %dma_start3A_290 = tpu.memref_squeeze %dma_start3A_289 : memref<1x!tpu.dma_semaphore, #tpu.memory_space<semaphore_mem>> -> memref<!tpu.dma_semaphore, #tpu.memory_space<semaphore_mem>>
    %dma_start3A_291 = arith.constant 0 : i32
    %dma_start3A_292 = tpu.memref_slice %arg5[%dma_start3A, %dma_start3A_291] : memref<4x128xi32, #tpu.memory_space<vmem>> -> memref<1x128xi32, #tpu.memory_space<vmem>>
    %dma_start3A_293 = tpu.memref_squeeze %dma_start3A_292 : memref<1x128xi32, #tpu.memory_space<vmem>> -> memref<128xi32, #tpu.memory_space<vmem>>
    %dma_start3A_294 = arith.constant 0 : i32
    %dma_start3A_295 = tpu.memref_slice %arg3[%add3A_281, %dma_start3A_294] : memref<3125x128xi32, #tpu.memory_space<hbm>> -> memref<1x128xi32, #tpu.memory_space<hbm>>
    %dma_start3A_296 = tpu.memref_squeeze %dma_start3A_295 : memref<1x128xi32, #tpu.memory_space<hbm>> -> memref<128xi32, #tpu.memory_space<hbm>>
    tpu.enqueue_dma source(%dma_start3A_296 : memref<128xi32, #tpu.memory_space<hbm>>) target(%dma_start3A_293 : memref<128xi32, #tpu.memory_space<vmem>>) target_semaphore(%dma_start3A_290 : memref<!tpu.dma_semaphore, #tpu.memory_space<semaphore_mem>>)
    %add3A_297 = arith.constant 0 : i32
    %add3A_298 = arith.addi %mul3A_2, %add3A_297 : i32
    %mul3A_299 = arith.constant 128 : i32
    %mul3A_300 = arith.muli %add3A_298, %mul3A_299 : i32
    %dma_start3A_301 = arith.constant 0 : i32
    %dma_start3A_302 = arith.constant 0 : i32
    %dma_start3A_303 = arith.constant 0 : i32
    %dma_start3A_304 = arith.constant 0 : i32
    %dma_start3A_305 = tpu.memref_slice %arg6[%dma_start3A_301, %dma_start3A_303, %dma_start3A_304] : memref<4x128x128xf32, #tpu.memory_space<vmem>> -> memref<1x128x128xf32, #tpu.memory_space<vmem>>
    %dma_start3A_306 = tpu.memref_squeeze %dma_start3A_305 : memref<1x128x128xf32, #tpu.memory_space<vmem>> -> memref<128x128xf32, #tpu.memory_space<vmem>>
    %dma_start3A_307 = arith.constant 0 : i32
    %dma_start3A_308 = tpu.memref_slice %arg2[%mul3A_300, %dma_start3A_307] : memref<400000x128xf32, #tpu.memory_space<hbm>> -> memref<128x128xf32, #tpu.memory_space<hbm>>
    %dma_start3A_309 = tpu.memref_slice %arg9[%dma_start3A_302] : memref<4x!tpu.dma_semaphore, #tpu.memory_space<semaphore_mem>> -> memref<1x!tpu.dma_semaphore, #tpu.memory_space<semaphore_mem>>
    %dma_start3A_310 = tpu.memref_squeeze %dma_start3A_309 : memref<1x!tpu.dma_semaphore, #tpu.memory_space<semaphore_mem>> -> memref<!tpu.dma_semaphore, #tpu.memory_space<semaphore_mem>>
    %dma_start3A_311 = arith.constant 0 : i32
    %dma_start3A_312 = arith.constant 0 : i32
    %dma_start3A_313 = tpu.memref_slice %arg6[%dma_start3A_301, %dma_start3A_311, %dma_start3A_312] : memref<4x128x128xf32, #tpu.memory_space<vmem>> -> memref<1x128x128xf32, #tpu.memory_space<vmem>>
    %dma_start3A_314 = tpu.memref_squeeze %dma_start3A_313 : memref<1x128x128xf32, #tpu.memory_space<vmem>> -> memref<128x128xf32, #tpu.memory_space<vmem>>
    %dma_start3A_315 = arith.constant 0 : i32
    %dma_start3A_316 = tpu.memref_slice %arg2[%mul3A_300, %dma_start3A_315] : memref<400000x128xf32, #tpu.memory_space<hbm>> -> memref<128x128xf32, #tpu.memory_space<hbm>>
    tpu.enqueue_dma source(%dma_start3A_316 : memref<128x128xf32, #tpu.memory_space<hbm>>) target(%dma_start3A_314 : memref<128x128xf32, #tpu.memory_space<vmem>>) target_semaphore(%dma_start3A_310 : memref<!tpu.dma_semaphore, #tpu.memory_space<semaphore_mem>>)
    %add3A_317 = arith.constant 1 : i32
    %add3A_318 = arith.addi %mul3A_2, %add3A_317 : i32
    %dma_start3A_319 = arith.constant 1 : i32
    %dma_start3A_320 = arith.constant 1 : i32
    %dma_start3A_321 = arith.constant 0 : i32
    %dma_start3A_322 = tpu.memref_slice %arg5[%dma_start3A_319, %dma_start3A_321] : memref<4x128xi32, #tpu.memory_space<vmem>> -> memref<1x128xi32, #tpu.memory_space<vmem>>
    %dma_start3A_323 = tpu.memref_squeeze %dma_start3A_322 : memref<1x128xi32, #tpu.memory_space<vmem>> -> memref<128xi32, #tpu.memory_space<vmem>>
    %dma_start3A_324 = arith.constant 0 : i32
    %dma_start3A_325 = tpu.memref_slice %arg3[%add3A_318, %dma_start3A_324] : memref<3125x128xi32, #tpu.memory_space<hbm>> -> memref<1x128xi32, #tpu.memory_space<hbm>>
    %dma_start3A_326 = tpu.memref_squeeze %dma_start3A_325 : memref<1x128xi32, #tpu.memory_space<hbm>> -> memref<128xi32, #tpu.memory_space<hbm>>
    %dma_start3A_327 = tpu.memref_slice %arg9[%dma_start3A_320] : memref<4x!tpu.dma_semaphore, #tpu.memory_space<semaphore_mem>> -> memref<1x!tpu.dma_semaphore, #tpu.memory_space<semaphore_mem>>
    %dma_start3A_328 = tpu.memref_squeeze %dma_start3A_327 : memref<1x!tpu.dma_semaphore, #tpu.memory_space<semaphore_mem>> -> memref<!tpu.dma_semaphore, #tpu.memory_space<semaphore_mem>>
    %dma_start3A_329 = arith.constant 0 : i32
    %dma_start3A_330 = tpu.memref_slice %arg5[%dma_start3A_319, %dma_start3A_329] : memref<4x128xi32, #tpu.memory_space<vmem>> -> memref<1x128xi32, #tpu.memory_space<vmem>>
    %dma_start3A_331 = tpu.memref_squeeze %dma_start3A_330 : memref<1x128xi32, #tpu.memory_space<vmem>> -> memref<128xi32, #tpu.memory_space<vmem>>
    %dma_start3A_332 = arith.constant 0 : i32
    %dma_start3A_333 = tpu.memref_slice %arg3[%add3A_318, %dma_start3A_332] : memref<3125x128xi32, #tpu.memory_space<hbm>> -> memref<1x128xi32, #tpu.memory_space<hbm>>
    %dma_start3A_334 = tpu.memref_squeeze %dma_start3A_333 : memref<1x128xi32, #tpu.memory_space<hbm>> -> memref<128xi32, #tpu.memory_space<hbm>>
    tpu.enqueue_dma source(%dma_start3A_334 : memref<128xi32, #tpu.memory_space<hbm>>) target(%dma_start3A_331 : memref<128xi32, #tpu.memory_space<vmem>>) target_semaphore(%dma_start3A_328 : memref<!tpu.dma_semaphore, #tpu.memory_space<semaphore_mem>>)
    %add3A_335 = arith.constant 1 : i32
    %add3A_336 = arith.addi %mul3A_2, %add3A_335 : i32
    %mul3A_337 = arith.constant 128 : i32
    %mul3A_338 = arith.muli %add3A_336, %mul3A_337 : i32
    %dma_start3A_339 = arith.constant 1 : i32
    %dma_start3A_340 = arith.constant 1 : i32
    %dma_start3A_341 = arith.constant 0 : i32
    %dma_start3A_342 = arith.constant 0 : i32
    %dma_start3A_343 = tpu.memref_slice %arg6[%dma_start3A_339, %dma_start3A_341, %dma_start3A_342] : memref<4x128x128xf32, #tpu.memory_space<vmem>> -> memref<1x128x128xf32, #tpu.memory_space<vmem>>
    %dma_start3A_344 = tpu.memref_squeeze %dma_start3A_343 : memref<1x128x128xf32, #tpu.memory_space<vmem>> -> memref<128x128xf32, #tpu.memory_space<vmem>>
    %dma_start3A_345 = arith.constant 0 : i32
    %dma_start3A_346 = tpu.memref_slice %arg2[%mul3A_338, %dma_start3A_345] : memref<400000x128xf32, #tpu.memory_space<hbm>> -> memref<128x128xf32, #tpu.memory_space<hbm>>
    %dma_start3A_347 = tpu.memref_slice %arg9[%dma_start3A_340] : memref<4x!tpu.dma_semaphore, #tpu.memory_space<semaphore_mem>> -> memref<1x!tpu.dma_semaphore, #tpu.memory_space<semaphore_mem>>
    %dma_start3A_348 = tpu.memref_squeeze %dma_start3A_347 : memref<1x!tpu.dma_semaphore, #tpu.memory_space<semaphore_mem>> -> memref<!tpu.dma_semaphore, #tpu.memory_space<semaphore_mem>>
    %dma_start3A_349 = arith.constant 0 : i32
    %dma_start3A_350 = arith.constant 0 : i32
    %dma_start3A_351 = tpu.memref_slice %arg6[%dma_start3A_339, %dma_start3A_349, %dma_start3A_350] : memref<4x128x128xf32, #tpu.memory_space<vmem>> -> memref<1x128x128xf32, #tpu.memory_space<vmem>>
    %dma_start3A_352 = tpu.memref_squeeze %dma_start3A_351 : memref<1x128x128xf32, #tpu.memory_space<vmem>> -> memref<128x128xf32, #tpu.memory_space<vmem>>
    %dma_start3A_353 = arith.constant 0 : i32
    %dma_start3A_354 = tpu.memref_slice %arg2[%mul3A_338, %dma_start3A_353] : memref<400000x128xf32, #tpu.memory_space<hbm>> -> memref<128x128xf32, #tpu.memory_space<hbm>>
    tpu.enqueue_dma source(%dma_start3A_354 : memref<128x128xf32, #tpu.memory_space<hbm>>) target(%dma_start3A_352 : memref<128x128xf32, #tpu.memory_space<vmem>>) target_semaphore(%dma_start3A_348 : memref<!tpu.dma_semaphore, #tpu.memory_space<semaphore_mem>>)
    %swap3A = arith.constant 0 : i32
    %swap3A_355 = arith.constant 0 : i32
    %swap3A_356 = arith.index_cast %swap3A_355 : i32 to index
    %swap3A_357 = memref.load %arg8[%swap3A_356] : memref<1xi32, #tpu.memory_space<smem>>
    memref.store %swap3A, %arg8[%swap3A_356] : memref<1xi32, #tpu.memory_space<smem>>
    %scan3A_358 = arith.constant 0 : i32
    %scan3A_359 = arith.constant 25 : i32
    %scan3A_360 = arith.addi %scan3A_358, %scan3A_359 : i32
    %scan3A_361 = arith.constant 1 : i32
    scf.for %scan3A_487 = %scan3A_358 to %scan3A_360 step %scan3A_361  : i32 {
      %mul3A_488 = arith.constant 4 : i32
      %mul3A_489 = arith.muli %scan3A_487, %mul3A_488 : i32
      %add3A_490 = arith.constant 0 : i32
      %add3A_491 = arith.addi %add3A_490, %mul3A_489 : i32
      %add3A_492 = arith.constant 0 : i32
      %add3A_493 = arith.addi %add3A_491, %add3A_492 : i32
      %lt3A = arith.cmpi slt, %add3A_493, %select_n3A : i32
      %convert_element_type3A_494 = arith.extui %lt3A : i1 to i32
      %cond3A_495 = arith.constant 0 : i32
      %cond3A_496 = arith.cmpi ne, %convert_element_type3A_494, %cond3A_495 : i32
      scf.if %cond3A_496 {
        %dma_wait3A = arith.constant 0 : i32
        %dma_wait3A_566 = arith.constant 0 : i32
        %dma_wait3A_567 = arith.constant 0 : i32
        %dma_wait3A_568 = tpu.memref_slice %arg5[%dma_wait3A, %dma_wait3A_567] : memref<4x128xi32, #tpu.memory_space<vmem>> -> memref<1x128xi32, #tpu.memory_space<vmem>>
        %dma_wait3A_569 = tpu.memref_squeeze %dma_wait3A_568 : memref<1x128xi32, #tpu.memory_space<vmem>> -> memref<128xi32, #tpu.memory_space<vmem>>
        %dma_wait3A_570 = arith.constant 0 : i32
        %dma_wait3A_571 = tpu.memref_slice %arg3[%mul3A_2, %dma_wait3A_570] : memref<3125x128xi32, #tpu.memory_space<hbm>> -> memref<1x128xi32, #tpu.memory_space<hbm>>
        %dma_wait3A_572 = tpu.memref_squeeze %dma_wait3A_571 : memref<1x128xi32, #tpu.memory_space<hbm>> -> memref<128xi32, #tpu.memory_space<hbm>>
        %dma_wait3A_573 = tpu.memref_slice %arg9[%dma_wait3A_566] : memref<4x!tpu.dma_semaphore, #tpu.memory_space<semaphore_mem>> -> memref<1x!tpu.dma_semaphore, #tpu.memory_space<semaphore_mem>>
        %dma_wait3A_574 = tpu.memref_squeeze %dma_wait3A_573 : memref<1x!tpu.dma_semaphore, #tpu.memory_space<semaphore_mem>> -> memref<!tpu.dma_semaphore, #tpu.memory_space<semaphore_mem>>
        %dma_wait3A_575 = arith.constant 0 : i32
        %dma_wait3A_576 = tpu.memref_slice %arg5[%dma_wait3A, %dma_wait3A_575] : memref<4x128xi32, #tpu.memory_space<vmem>> -> memref<1x128xi32, #tpu.memory_space<vmem>>
        %dma_wait3A_577 = tpu.memref_squeeze %dma_wait3A_576 : memref<1x128xi32, #tpu.memory_space<vmem>> -> memref<128xi32, #tpu.memory_space<vmem>>
        %dma_wait3A_578 = arith.constant 0 : i32
        %dma_wait3A_579 = tpu.memref_slice %arg3[%mul3A_2, %dma_wait3A_578] : memref<3125x128xi32, #tpu.memory_space<hbm>> -> memref<1x128xi32, #tpu.memory_space<hbm>>
        %dma_wait3A_580 = tpu.memref_squeeze %dma_wait3A_579 : memref<1x128xi32, #tpu.memory_space<hbm>> -> memref<128xi32, #tpu.memory_space<hbm>>
        tpu.wait_dma2 semaphore(%dma_wait3A_574 : memref<!tpu.dma_semaphore, #tpu.memory_space<semaphore_mem>>) src(%dma_wait3A_580 : memref<128xi32, #tpu.memory_space<hbm>>) dst(%dma_wait3A_577 : memref<128xi32, #tpu.memory_space<vmem>>)
        %dma_wait3A_581 = arith.constant 0 : i32
        %dma_wait3A_582 = arith.constant 0 : i32
        %dma_wait3A_583 = arith.constant 0 : i32
        %dma_wait3A_584 = arith.constant 0 : i32
        %dma_wait3A_585 = tpu.memref_slice %arg6[%dma_wait3A_581, %dma_wait3A_583, %dma_wait3A_584] : memref<4x128x128xf32, #tpu.memory_space<vmem>> -> memref<1x128x128xf32, #tpu.memory_space<vmem>>
        %dma_wait3A_586 = tpu.memref_squeeze %dma_wait3A_585 : memref<1x128x128xf32, #tpu.memory_space<vmem>> -> memref<128x128xf32, #tpu.memory_space<vmem>>
        %dma_wait3A_587 = arith.constant 0 : i32
        %dma_wait3A_588 = arith.constant 0 : i32
        %dma_wait3A_589 = tpu.memref_slice %arg2[%dma_wait3A_587, %dma_wait3A_588] : memref<400000x128xf32, #tpu.memory_space<hbm>> -> memref<128x128xf32, #tpu.memory_space<hbm>>
        %dma_wait3A_590 = tpu.memref_slice %arg9[%dma_wait3A_582] : memref<4x!tpu.dma_semaphore, #tpu.memory_space<semaphore_mem>> -> memref<1x!tpu.dma_semaphore, #tpu.memory_space<semaphore_mem>>
        %dma_wait3A_591 = tpu.memref_squeeze %dma_wait3A_590 : memref<1x!tpu.dma_semaphore, #tpu.memory_space<semaphore_mem>> -> memref<!tpu.dma_semaphore, #tpu.memory_space<semaphore_mem>>
        %dma_wait3A_592 = arith.constant 0 : i32
        %dma_wait3A_593 = arith.constant 0 : i32
        %dma_wait3A_594 = tpu.memref_slice %arg6[%dma_wait3A_581, %dma_wait3A_592, %dma_wait3A_593] : memref<4x128x128xf32, #tpu.memory_space<vmem>> -> memref<1x128x128xf32, #tpu.memory_space<vmem>>
        %dma_wait3A_595 = tpu.memref_squeeze %dma_wait3A_594 : memref<1x128x128xf32, #tpu.memory_space<vmem>> -> memref<128x128xf32, #tpu.memory_space<vmem>>
        %dma_wait3A_596 = arith.constant 0 : i32
        %dma_wait3A_597 = arith.constant 0 : i32
        %dma_wait3A_598 = tpu.memref_slice %arg2[%dma_wait3A_596, %dma_wait3A_597] : memref<400000x128xf32, #tpu.memory_space<hbm>> -> memref<128x128xf32, #tpu.memory_space<hbm>>
        tpu.wait_dma2 semaphore(%dma_wait3A_591 : memref<!tpu.dma_semaphore, #tpu.memory_space<semaphore_mem>>) src(%dma_wait3A_598 : memref<128x128xf32, #tpu.memory_space<hbm>>) dst(%dma_wait3A_595 : memref<128x128xf32, #tpu.memory_space<vmem>>)
        %get3A_599 = arith.constant 0 : i32
        %get3A_600 = arith.index_cast %get3A_599 : i32 to index
        %get3A_601 = arith.constant 112 : index
        %get3A_602 = tpu.vector_load %arg5[%get3A_600, %get3A_601] {strides = array<i32>} : memref<4x128xi32, #tpu.memory_space<vmem>>, vector<1x16xi32>,
        %get3A_603 = vector.shape_cast %get3A_602 : vector<1x16xi32> to vector<16xi32>
        %slice3A_604 = vector.extract_strided_slice %get3A_603 {offsets = [15], sizes = [1], strides = [1]} : vector<16xi32> to vector<1xi32>
        %squeeze3A_605 = vector.extract %slice3A_604[0] : i32 from vector<1xi32>
        %sub3A_606 = arith.subi %squeeze3A_605, %select_n3A_28 : i32
        %jit3A_607 = arith.constant 448 : i32
        %div3A_608 = arith.divsi %sub3A_606, %jit3A_607 : i32
        %sign3A_609 = arith.constant 0 : i32
        %sign3A_610 = arith.cmpi sgt, %sub3A_606, %sign3A_609 : i32
        %sign3A_611 = arith.extui %sign3A_610 : i1 to i32
        %sign3A_612 = arith.constant 0 : i32
        %sign3A_613 = arith.cmpi slt, %sub3A_606, %sign3A_612 : i32
        %sign3A_614 = arith.extui %sign3A_613 : i1 to i32
        %sign3A_615 = arith.subi %sign3A_611, %sign3A_614 : i32
        %sign3A_616 = arith.constant 0 : i32
        %sign3A_617 = arith.cmpi sgt, %jit3A_607, %sign3A_616 : i32
        %sign3A_618 = arith.extui %sign3A_617 : i1 to i32
        %sign3A_619 = arith.constant 0 : i32
        %sign3A_620 = arith.cmpi slt, %jit3A_607, %sign3A_619 : i32
        %sign3A_621 = arith.extui %sign3A_620 : i1 to i32
        %sign3A_622 = arith.subi %sign3A_618, %sign3A_621 : i32
        %ne3A_623 = arith.cmpi ne, %sign3A_615, %sign3A_622 : i32
        %rem3A_624 = arith.remsi %sub3A_606, %jit3A_607 : i32
        %ne3A_625 = arith.constant 0 : i32
        %ne3A_626 = arith.cmpi ne, %rem3A_624, %ne3A_625 : i32
        %and3A_627 = arith.andi %ne3A_623, %ne3A_626 : i1
        %sub3A_628 = arith.constant 1 : i32
        %sub3A_629 = arith.subi %div3A_608, %sub3A_628 : i32
        %select_n3A_630 = arith.select %and3A_627, %sub3A_629, %div3A_608 : i32
        %add3A_631 = arith.constant 1 : i32
        %add3A_632 = arith.addi %select_n3A_630, %add3A_631 : i32
        %min3A_633 = arith.minsi %add3A_632, %add3A_53 : i32
        %add3A_634 = arith.addi %min3A_633, %select_n3A_81 : i32
        %sub3A_635 = arith.constant 1 : i32
        %sub3A_636 = arith.subi %add3A_634, %sub3A_635 : i32
        %div3A_637 = arith.divsi %sub3A_636, %select_n3A_81 : i32
        %sign3A_638 = arith.constant 0 : i32
        %sign3A_639 = arith.cmpi sgt, %sub3A_636, %sign3A_638 : i32
        %sign3A_640 = arith.extui %sign3A_639 : i1 to i32
        %sign3A_641 = arith.constant 0 : i32
        %sign3A_642 = arith.cmpi slt, %sub3A_636, %sign3A_641 : i32
        %sign3A_643 = arith.extui %sign3A_642 : i1 to i32
        %sign3A_644 = arith.subi %sign3A_640, %sign3A_643 : i32
        %sign3A_645 = arith.constant 0 : i32
        %sign3A_646 = arith.cmpi sgt, %select_n3A_81, %sign3A_645 : i32
        %sign3A_647 = arith.extui %sign3A_646 : i1 to i32
        %sign3A_648 = arith.constant 0 : i32
        %sign3A_649 = arith.cmpi slt, %select_n3A_81, %sign3A_648 : i32
        %sign3A_650 = arith.extui %sign3A_649 : i1 to i32
        %sign3A_651 = arith.subi %sign3A_647, %sign3A_650 : i32
        %ne3A_652 = arith.cmpi ne, %sign3A_644, %sign3A_651 : i32
        %rem3A_653 = arith.remsi %sub3A_636, %select_n3A_81 : i32
        %ne3A_654 = arith.constant 0 : i32
        %ne3A_655 = arith.cmpi ne, %rem3A_653, %ne3A_654 : i32
        %and3A_656 = arith.andi %ne3A_652, %ne3A_655 : i1
        %sub3A_657 = arith.constant 1 : i32
        %sub3A_658 = arith.subi %div3A_637, %sub3A_657 : i32
        %select_n3A_659 = arith.select %and3A_656, %sub3A_658, %div3A_637 : i32
        %get3A_660 = arith.constant 0 : i32
        %get3A_661 = arith.index_cast %get3A_660 : i32 to index
        %get3A_662 = memref.load %arg8[%get3A_661] : memref<1xi32, #tpu.memory_space<smem>>
        %le3A_663 = arith.constant 0 : i32
        %le3A_664 = arith.cmpi sle, %get3A_662, %le3A_663 : i32
        %gt3A = arith.constant 0 : i32
        %gt3A_665 = arith.cmpi sgt, %select_n3A_659, %gt3A : i32
        %and3A_666 = arith.andi %le3A_664, %gt3A_665 : i1
        %convert_element_type3A_667 = arith.extui %and3A_666 : i1 to i32
        %cond3A_668 = arith.constant 0 : i32
        %cond3A_669 = arith.cmpi ne, %convert_element_type3A_667, %cond3A_668 : i32
        scf.if %cond3A_669 {
          %mul3A_745 = arith.constant 0 : i32
          %mul3A_746 = arith.muli %mul3A_745, %select_n3A_81 : i32
          %sub3A_747 = arith.subi %add3A_53, %mul3A_746 : i32
          %jit3A_748 = arith.constant 0 : i32
          %max3A_749 = arith.maxsi %jit3A_748, %sub3A_747 : i32
          %min3A_750 = arith.minsi %select_n3A_81, %max3A_749 : i32
          %sub3A_751 = arith.constant 0 : i32
          %sub3A_752 = arith.subi %min3A_750, %sub3A_751 : i32
          %sub3A_753 = arith.constant 1 : i32
          %sub3A_754 = arith.constant 1 : i32
          %sub3A_755 = arith.subi %sub3A_753, %sub3A_754 : i32
          %add3A_756 = arith.addi %sub3A_752, %sub3A_755 : i32
          %div3A_757 = arith.constant 1 : i32
          %div3A_758 = arith.divsi %add3A_756, %div3A_757 : i32
          %while3A_759 = arith.constant 1 : i32
          %while3A_760 = arith.constant 0 : i32
          %while3A_761 = arith.constant 0 : i32
          %while3A_762 = arith.subi %div3A_758, %while3A_761 : i32
          %while3A_763 = arith.addi %while3A_761, %while3A_762 : i32
          %while3A_764 = arith.constant 1 : i32
          %while3A_765 = arith.divsi %while3A_762, %while3A_764 : i32
          %while3A_766 = arith.muli %while3A_765, %while3A_764 : i32
          %while3A_767 = arith.addi %while3A_761, %while3A_766 : i32
          %while3A_768 = arith.constant 1 : i32
          scf.for %while3A_770 = %while3A_761 to %while3A_767 step %while3A_768  : i32 {
            %mul3A_771 = arith.muli %while3A_770, %while3A_759 : i32
            %add3A_772 = arith.addi %while3A_760, %mul3A_771 : i32
            %dma_wait3A_773 = arith.constant 0 : i32
            %dma_wait3A_774 = arith.constant 0 : i32
            %dma_wait3A_775 = tpu.memref_slice %arg4[%select_n3A_28, %dma_wait3A_774] : memref<800000x128xf32, #tpu.memory_space<hbm>> -> memref<448x128xf32, #tpu.memory_space<hbm>>
            %dma_wait3A_776 = tpu.memref_slice %arg11[%dma_wait3A_773] : memref<8x!tpu.dma_semaphore, #tpu.memory_space<semaphore_mem>> -> memref<1x!tpu.dma_semaphore, #tpu.memory_space<semaphore_mem>>
            %dma_wait3A_777 = tpu.memref_squeeze %dma_wait3A_776 : memref<1x!tpu.dma_semaphore, #tpu.memory_space<semaphore_mem>> -> memref<!tpu.dma_semaphore, #tpu.memory_space<semaphore_mem>>
            %dma_wait3A_778 = arith.constant 0 : i32
            %dma_wait3A_779 = tpu.memref_slice %arg4[%select_n3A_28, %dma_wait3A_778] : memref<800000x128xf32, #tpu.memory_space<hbm>> -> memref<448x128xf32, #tpu.memory_space<hbm>>
            tpu.wait_dma2 semaphore(%dma_wait3A_777 : memref<!tpu.dma_semaphore, #tpu.memory_space<semaphore_mem>>) src(%arg7 : memref<448x128xf32, #tpu.memory_space<vmem>>) dst(%dma_wait3A_779 : memref<448x128xf32, #tpu.memory_space<hbm>>)
          }
          %while3A_769 = arith.constant 1 : i32
          scf.for %while3A_770 = %while3A_767 to %while3A_763 step %while3A_769  : i32 {
            %mul3A_771 = arith.muli %while3A_770, %while3A_759 : i32
            %add3A_772 = arith.addi %while3A_760, %mul3A_771 : i32
            %dma_wait3A_773 = arith.constant 0 : i32
            %dma_wait3A_774 = arith.constant 0 : i32
            %dma_wait3A_775 = tpu.memref_slice %arg4[%select_n3A_28, %dma_wait3A_774] : memref<800000x128xf32, #tpu.memory_space<hbm>> -> memref<448x128xf32, #tpu.memory_space<hbm>>
            %dma_wait3A_776 = tpu.memref_slice %arg11[%dma_wait3A_773] : memref<8x!tpu.dma_semaphore, #tpu.memory_space<semaphore_mem>> -> memref<1x!tpu.dma_semaphore, #tpu.memory_space<semaphore_mem>>
            %dma_wait3A_777 = tpu.memref_squeeze %dma_wait3A_776 : memref<1x!tpu.dma_semaphore, #tpu.memory_space<semaphore_mem>> -> memref<!tpu.dma_semaphore, #tpu.memory_space<semaphore_mem>>
            %dma_wait3A_778 = arith.constant 0 : i32
            %dma_wait3A_779 = tpu.memref_slice %arg4[%select_n3A_28, %dma_wait3A_778] : memref<800000x128xf32, #tpu.memory_space<hbm>> -> memref<448x128xf32, #tpu.memory_space<hbm>>
            tpu.wait_dma2 semaphore(%dma_wait3A_777 : memref<!tpu.dma_semaphore, #tpu.memory_space<semaphore_mem>>) src(%arg7 : memref<448x128xf32, #tpu.memory_space<vmem>>) dst(%dma_wait3A_779 : memref<448x128xf32, #tpu.memory_space<hbm>>)
          }
        } else {
        }
        %le3A_670 = arith.constant 1 : i32
        %le3A_671 = arith.cmpi sle, %get3A_662, %le3A_670 : i32
        %gt3A_672 = arith.constant 1 : i32
        %gt3A_673 = arith.cmpi sgt, %select_n3A_659, %gt3A_672 : i32
        %and3A_674 = arith.andi %le3A_671, %gt3A_673 : i1
        %convert_element_type3A_675 = arith.extui %and3A_674 : i1 to i32
        %cond3A_676 = arith.constant 0 : i32
        %cond3A_677 = arith.cmpi ne, %convert_element_type3A_675, %cond3A_676 : i32
        scf.if %cond3A_677 {
          %mul3A_745 = arith.constant 1 : i32
          %mul3A_746 = arith.muli %mul3A_745, %select_n3A_81 : i32
          %sub3A_747 = arith.subi %add3A_53, %mul3A_746 : i32
          %jit3A_748 = arith.constant 0 : i32
          %max3A_749 = arith.maxsi %jit3A_748, %sub3A_747 : i32
          %min3A_750 = arith.minsi %select_n3A_81, %max3A_749 : i32
          %sub3A_751 = arith.constant 0 : i32
          %sub3A_752 = arith.subi %min3A_750, %sub3A_751 : i32
          %sub3A_753 = arith.constant 1 : i32
          %sub3A_754 = arith.constant 1 : i32
          %sub3A_755 = arith.subi %sub3A_753, %sub3A_754 : i32
          %add3A_756 = arith.addi %sub3A_752, %sub3A_755 : i32
          %div3A_757 = arith.constant 1 : i32
          %div3A_758 = arith.divsi %add3A_756, %div3A_757 : i32
          %while3A_759 = arith.constant 1 : i32
          %while3A_760 = arith.constant 0 : i32
          %while3A_761 = arith.constant 0 : i32
          %while3A_762 = arith.subi %div3A_758, %while3A_761 : i32
          %while3A_763 = arith.addi %while3A_761, %while3A_762 : i32
          %while3A_764 = arith.constant 1 : i32
          %while3A_765 = arith.divsi %while3A_762, %while3A_764 : i32
          %while3A_766 = arith.muli %while3A_765, %while3A_764 : i32
          %while3A_767 = arith.addi %while3A_761, %while3A_766 : i32
          %while3A_768 = arith.constant 1 : i32
          scf.for %while3A_770 = %while3A_761 to %while3A_767 step %while3A_768  : i32 {
            %mul3A_771 = arith.muli %while3A_770, %while3A_759 : i32
            %add3A_772 = arith.addi %while3A_760, %mul3A_771 : i32
            %dma_wait3A_773 = arith.constant 1 : i32
            %dma_wait3A_774 = arith.constant 0 : i32
            %dma_wait3A_775 = tpu.memref_slice %arg4[%select_n3A_28, %dma_wait3A_774] : memref<800000x128xf32, #tpu.memory_space<hbm>> -> memref<448x128xf32, #tpu.memory_space<hbm>>
            %dma_wait3A_776 = tpu.memref_slice %arg11[%dma_wait3A_773] : memref<8x!tpu.dma_semaphore, #tpu.memory_space<semaphore_mem>> -> memref<1x!tpu.dma_semaphore, #tpu.memory_space<semaphore_mem>>
            %dma_wait3A_777 = tpu.memref_squeeze %dma_wait3A_776 : memref<1x!tpu.dma_semaphore, #tpu.memory_space<semaphore_mem>> -> memref<!tpu.dma_semaphore, #tpu.memory_space<semaphore_mem>>
            %dma_wait3A_778 = arith.constant 0 : i32
            %dma_wait3A_779 = tpu.memref_slice %arg4[%select_n3A_28, %dma_wait3A_778] : memref<800000x128xf32, #tpu.memory_space<hbm>> -> memref<448x128xf32, #tpu.memory_space<hbm>>
            tpu.wait_dma2 semaphore(%dma_wait3A_777 : memref<!tpu.dma_semaphore, #tpu.memory_space<semaphore_mem>>) src(%arg7 : memref<448x128xf32, #tpu.memory_space<vmem>>) dst(%dma_wait3A_779 : memref<448x128xf32, #tpu.memory_space<hbm>>)
          }
          %while3A_769 = arith.constant 1 : i32
          scf.for %while3A_770 = %while3A_767 to %while3A_763 step %while3A_769  : i32 {
            %mul3A_771 = arith.muli %while3A_770, %while3A_759 : i32
            %add3A_772 = arith.addi %while3A_760, %mul3A_771 : i32
            %dma_wait3A_773 = arith.constant 1 : i32
            %dma_wait3A_774 = arith.constant 0 : i32
            %dma_wait3A_775 = tpu.memref_slice %arg4[%select_n3A_28, %dma_wait3A_774] : memref<800000x128xf32, #tpu.memory_space<hbm>> -> memref<448x128xf32, #tpu.memory_space<hbm>>
            %dma_wait3A_776 = tpu.memref_slice %arg11[%dma_wait3A_773] : memref<8x!tpu.dma_semaphore, #tpu.memory_space<semaphore_mem>> -> memref<1x!tpu.dma_semaphore, #tpu.memory_space<semaphore_mem>>
            %dma_wait3A_777 = tpu.memref_squeeze %dma_wait3A_776 : memref<1x!tpu.dma_semaphore, #tpu.memory_space<semaphore_mem>> -> memref<!tpu.dma_semaphore, #tpu.memory_space<semaphore_mem>>
            %dma_wait3A_778 = arith.constant 0 : i32
            %dma_wait3A_779 = tpu.memref_slice %arg4[%select_n3A_28, %dma_wait3A_778] : memref<800000x128xf32, #tpu.memory_space<hbm>> -> memref<448x128xf32, #tpu.memory_space<hbm>>
            tpu.wait_dma2 semaphore(%dma_wait3A_777 : memref<!tpu.dma_semaphore, #tpu.memory_space<semaphore_mem>>) src(%arg7 : memref<448x128xf32, #tpu.memory_space<vmem>>) dst(%dma_wait3A_779 : memref<448x128xf32, #tpu.memory_space<hbm>>)
          }
        } else {
        }
        %le3A_678 = arith.constant 2 : i32
        %le3A_679 = arith.cmpi sle, %get3A_662, %le3A_678 : i32
        %gt3A_680 = arith.constant 2 : i32
        %gt3A_681 = arith.cmpi sgt, %select_n3A_659, %gt3A_680 : i32
        %and3A_682 = arith.andi %le3A_679, %gt3A_681 : i1
        %convert_element_type3A_683 = arith.extui %and3A_682 : i1 to i32
        %cond3A_684 = arith.constant 0 : i32
        %cond3A_685 = arith.cmpi ne, %convert_element_type3A_683, %cond3A_684 : i32
        scf.if %cond3A_685 {
          %mul3A_745 = arith.constant 2 : i32
          %mul3A_746 = arith.muli %mul3A_745, %select_n3A_81 : i32
          %sub3A_747 = arith.subi %add3A_53, %mul3A_746 : i32
          %jit3A_748 = arith.constant 0 : i32
          %max3A_749 = arith.maxsi %jit3A_748, %sub3A_747 : i32
          %min3A_750 = arith.minsi %select_n3A_81, %max3A_749 : i32
          %sub3A_751 = arith.constant 0 : i32
          %sub3A_752 = arith.subi %min3A_750, %sub3A_751 : i32
          %sub3A_753 = arith.constant 1 : i32
          %sub3A_754 = arith.constant 1 : i32
          %sub3A_755 = arith.subi %sub3A_753, %sub3A_754 : i32
          %add3A_756 = arith.addi %sub3A_752, %sub3A_755 : i32
          %div3A_757 = arith.constant 1 : i32
          %div3A_758 = arith.divsi %add3A_756, %div3A_757 : i32
          %while3A_759 = arith.constant 1 : i32
          %while3A_760 = arith.constant 0 : i32
          %while3A_761 = arith.constant 0 : i32
          %while3A_762 = arith.subi %div3A_758, %while3A_761 : i32
          %while3A_763 = arith.addi %while3A_761, %while3A_762 : i32
          %while3A_764 = arith.constant 1 : i32
          %while3A_765 = arith.divsi %while3A_762, %while3A_764 : i32
          %while3A_766 = arith.muli %while3A_765, %while3A_764 : i32
          %while3A_767 = arith.addi %while3A_761, %while3A_766 : i32
          %while3A_768 = arith.constant 1 : i32
          scf.for %while3A_770 = %while3A_761 to %while3A_767 step %while3A_768  : i32 {
            %mul3A_771 = arith.muli %while3A_770, %while3A_759 : i32
            %add3A_772 = arith.addi %while3A_760, %mul3A_771 : i32
            %dma_wait3A_773 = arith.constant 2 : i32
            %dma_wait3A_774 = arith.constant 0 : i32
            %dma_wait3A_775 = tpu.memref_slice %arg4[%select_n3A_28, %dma_wait3A_774] : memref<800000x128xf32, #tpu.memory_space<hbm>> -> memref<448x128xf32, #tpu.memory_space<hbm>>
            %dma_wait3A_776 = tpu.memref_slice %arg11[%dma_wait3A_773] : memref<8x!tpu.dma_semaphore, #tpu.memory_space<semaphore_mem>> -> memref<1x!tpu.dma_semaphore, #tpu.memory_space<semaphore_mem>>
            %dma_wait3A_777 = tpu.memref_squeeze %dma_wait3A_776 : memref<1x!tpu.dma_semaphore, #tpu.memory_space<semaphore_mem>> -> memref<!tpu.dma_semaphore, #tpu.memory_space<semaphore_mem>>
            %dma_wait3A_778 = arith.constant 0 : i32
            %dma_wait3A_779 = tpu.memref_slice %arg4[%select_n3A_28, %dma_wait3A_778] : memref<800000x128xf32, #tpu.memory_space<hbm>> -> memref<448x128xf32, #tpu.memory_space<hbm>>
            tpu.wait_dma2 semaphore(%dma_wait3A_777 : memref<!tpu.dma_semaphore, #tpu.memory_space<semaphore_mem>>) src(%arg7 : memref<448x128xf32, #tpu.memory_space<vmem>>) dst(%dma_wait3A_779 : memref<448x128xf32, #tpu.memory_space<hbm>>)
          }
          %while3A_769 = arith.constant 1 : i32
          scf.for %while3A_770 = %while3A_767 to %while3A_763 step %while3A_769  : i32 {
            %mul3A_771 = arith.muli %while3A_770, %while3A_759 : i32
            %add3A_772 = arith.addi %while3A_760, %mul3A_771 : i32
            %dma_wait3A_773 = arith.constant 2 : i32
            %dma_wait3A_774 = arith.constant 0 : i32
            %dma_wait3A_775 = tpu.memref_slice %arg4[%select_n3A_28, %dma_wait3A_774] : memref<800000x128xf32, #tpu.memory_space<hbm>> -> memref<448x128xf32, #tpu.memory_space<hbm>>
            %dma_wait3A_776 = tpu.memref_slice %arg11[%dma_wait3A_773] : memref<8x!tpu.dma_semaphore, #tpu.memory_space<semaphore_mem>> -> memref<1x!tpu.dma_semaphore, #tpu.memory_space<semaphore_mem>>
            %dma_wait3A_777 = tpu.memref_squeeze %dma_wait3A_776 : memref<1x!tpu.dma_semaphore, #tpu.memory_space<semaphore_mem>> -> memref<!tpu.dma_semaphore, #tpu.memory_space<semaphore_mem>>
            %dma_wait3A_778 = arith.constant 0 : i32
            %dma_wait3A_779 = tpu.memref_slice %arg4[%select_n3A_28, %dma_wait3A_778] : memref<800000x128xf32, #tpu.memory_space<hbm>> -> memref<448x128xf32, #tpu.memory_space<hbm>>
            tpu.wait_dma2 semaphore(%dma_wait3A_777 : memref<!tpu.dma_semaphore, #tpu.memory_space<semaphore_mem>>) src(%arg7 : memref<448x128xf32, #tpu.memory_space<vmem>>) dst(%dma_wait3A_779 : memref<448x128xf32, #tpu.memory_space<hbm>>)
          }
        } else {
        }
        %le3A_686 = arith.constant 3 : i32
        %le3A_687 = arith.cmpi sle, %get3A_662, %le3A_686 : i32
        %gt3A_688 = arith.constant 3 : i32
        %gt3A_689 = arith.cmpi sgt, %select_n3A_659, %gt3A_688 : i32
        %and3A_690 = arith.andi %le3A_687, %gt3A_689 : i1
        %convert_element_type3A_691 = arith.extui %and3A_690 : i1 to i32
        %cond3A_692 = arith.constant 0 : i32
        %cond3A_693 = arith.cmpi ne, %convert_element_type3A_691, %cond3A_692 : i32
        scf.if %cond3A_693 {
          %mul3A_745 = arith.constant 3 : i32
          %mul3A_746 = arith.muli %mul3A_745, %select_n3A_81 : i32
          %sub3A_747 = arith.subi %add3A_53, %mul3A_746 : i32
          %jit3A_748 = arith.constant 0 : i32
          %max3A_749 = arith.maxsi %jit3A_748, %sub3A_747 : i32
          %min3A_750 = arith.minsi %select_n3A_81, %max3A_749 : i32
          %sub3A_751 = arith.constant 0 : i32
          %sub3A_752 = arith.subi %min3A_750, %sub3A_751 : i32
          %sub3A_753 = arith.constant 1 : i32
          %sub3A_754 = arith.constant 1 : i32
          %sub3A_755 = arith.subi %sub3A_753, %sub3A_754 : i32
          %add3A_756 = arith.addi %sub3A_752, %sub3A_755 : i32
          %div3A_757 = arith.constant 1 : i32
          %div3A_758 = arith.divsi %add3A_756, %div3A_757 : i32
          %while3A_759 = arith.constant 1 : i32
          %while3A_760 = arith.constant 0 : i32
          %while3A_761 = arith.constant 0 : i32
          %while3A_762 = arith.subi %div3A_758, %while3A_761 : i32
          %while3A_763 = arith.addi %while3A_761, %while3A_762 : i32
          %while3A_764 = arith.constant 1 : i32
          %while3A_765 = arith.divsi %while3A_762, %while3A_764 : i32
          %while3A_766 = arith.muli %while3A_765, %while3A_764 : i32
          %while3A_767 = arith.addi %while3A_761, %while3A_766 : i32
          %while3A_768 = arith.constant 1 : i32
          scf.for %while3A_770 = %while3A_761 to %while3A_767 step %while3A_768  : i32 {
            %mul3A_771 = arith.muli %while3A_770, %while3A_759 : i32
            %add3A_772 = arith.addi %while3A_760, %mul3A_771 : i32
            %dma_wait3A_773 = arith.constant 3 : i32
            %dma_wait3A_774 = arith.constant 0 : i32
            %dma_wait3A_775 = tpu.memref_slice %arg4[%select_n3A_28, %dma_wait3A_774] : memref<800000x128xf32, #tpu.memory_space<hbm>> -> memref<448x128xf32, #tpu.memory_space<hbm>>
            %dma_wait3A_776 = tpu.memref_slice %arg11[%dma_wait3A_773] : memref<8x!tpu.dma_semaphore, #tpu.memory_space<semaphore_mem>> -> memref<1x!tpu.dma_semaphore, #tpu.memory_space<semaphore_mem>>
            %dma_wait3A_777 = tpu.memref_squeeze %dma_wait3A_776 : memref<1x!tpu.dma_semaphore, #tpu.memory_space<semaphore_mem>> -> memref<!tpu.dma_semaphore, #tpu.memory_space<semaphore_mem>>
            %dma_wait3A_778 = arith.constant 0 : i32
            %dma_wait3A_779 = tpu.memref_slice %arg4[%select_n3A_28, %dma_wait3A_778] : memref<800000x128xf32, #tpu.memory_space<hbm>> -> memref<448x128xf32, #tpu.memory_space<hbm>>
            tpu.wait_dma2 semaphore(%dma_wait3A_777 : memref<!tpu.dma_semaphore, #tpu.memory_space<semaphore_mem>>) src(%arg7 : memref<448x128xf32, #tpu.memory_space<vmem>>) dst(%dma_wait3A_779 : memref<448x128xf32, #tpu.memory_space<hbm>>)
          }
          %while3A_769 = arith.constant 1 : i32
          scf.for %while3A_770 = %while3A_767 to %while3A_763 step %while3A_769  : i32 {
            %mul3A_771 = arith.muli %while3A_770, %while3A_759 : i32
            %add3A_772 = arith.addi %while3A_760, %mul3A_771 : i32
            %dma_wait3A_773 = arith.constant 3 : i32
            %dma_wait3A_774 = arith.constant 0 : i32
            %dma_wait3A_775 = tpu.memref_slice %arg4[%select_n3A_28, %dma_wait3A_774] : memref<800000x128xf32, #tpu.memory_space<hbm>> -> memref<448x128xf32, #tpu.memory_space<hbm>>
            %dma_wait3A_776 = tpu.memref_slice %arg11[%dma_wait3A_773] : memref<8x!tpu.dma_semaphore, #tpu.memory_space<semaphore_mem>> -> memref<1x!tpu.dma_semaphore, #tpu.memory_space<semaphore_mem>>
            %dma_wait3A_777 = tpu.memref_squeeze %dma_wait3A_776 : memref<1x!tpu.dma_semaphore, #tpu.memory_space<semaphore_mem>> -> memref<!tpu.dma_semaphore, #tpu.memory_space<semaphore_mem>>
            %dma_wait3A_778 = arith.constant 0 : i32
            %dma_wait3A_779 = tpu.memref_slice %arg4[%select_n3A_28, %dma_wait3A_778] : memref<800000x128xf32, #tpu.memory_space<hbm>> -> memref<448x128xf32, #tpu.memory_space<hbm>>
            tpu.wait_dma2 semaphore(%dma_wait3A_777 : memref<!tpu.dma_semaphore, #tpu.memory_space<semaphore_mem>>) src(%arg7 : memref<448x128xf32, #tpu.memory_space<vmem>>) dst(%dma_wait3A_779 : memref<448x128xf32, #tpu.memory_space<hbm>>)
          }
        } else {
        }
        %le3A_694 = arith.constant 4 : i32
        %le3A_695 = arith.cmpi sle, %get3A_662, %le3A_694 : i32
        %gt3A_696 = arith.constant 4 : i32
        %gt3A_697 = arith.cmpi sgt, %select_n3A_659, %gt3A_696 : i32
        %and3A_698 = arith.andi %le3A_695, %gt3A_697 : i1
        %convert_element_type3A_699 = arith.extui %and3A_698 : i1 to i32
        %cond3A_700 = arith.constant 0 : i32
        %cond3A_701 = arith.cmpi ne, %convert_element_type3A_699, %cond3A_700 : i32
        scf.if %cond3A_701 {
          %mul3A_745 = arith.constant 4 : i32
          %mul3A_746 = arith.muli %mul3A_745, %select_n3A_81 : i32
          %sub3A_747 = arith.subi %add3A_53, %mul3A_746 : i32
          %jit3A_748 = arith.constant 0 : i32
          %max3A_749 = arith.maxsi %jit3A_748, %sub3A_747 : i32
          %min3A_750 = arith.minsi %select_n3A_81, %max3A_749 : i32
          %sub3A_751 = arith.constant 0 : i32
          %sub3A_752 = arith.subi %min3A_750, %sub3A_751 : i32
          %sub3A_753 = arith.constant 1 : i32
          %sub3A_754 = arith.constant 1 : i32
          %sub3A_755 = arith.subi %sub3A_753, %sub3A_754 : i32
          %add3A_756 = arith.addi %sub3A_752, %sub3A_755 : i32
          %div3A_757 = arith.constant 1 : i32
          %div3A_758 = arith.divsi %add3A_756, %div3A_757 : i32
          %while3A_759 = arith.constant 1 : i32
          %while3A_760 = arith.constant 0 : i32
          %while3A_761 = arith.constant 0 : i32
          %while3A_762 = arith.subi %div3A_758, %while3A_761 : i32
          %while3A_763 = arith.addi %while3A_761, %while3A_762 : i32
          %while3A_764 = arith.constant 1 : i32
          %while3A_765 = arith.divsi %while3A_762, %while3A_764 : i32
          %while3A_766 = arith.muli %while3A_765, %while3A_764 : i32
          %while3A_767 = arith.addi %while3A_761, %while3A_766 : i32
          %while3A_768 = arith.constant 1 : i32
          scf.for %while3A_770 = %while3A_761 to %while3A_767 step %while3A_768  : i32 {
            %mul3A_771 = arith.muli %while3A_770, %while3A_759 : i32
            %add3A_772 = arith.addi %while3A_760, %mul3A_771 : i32
            %dma_wait3A_773 = arith.constant 4 : i32
            %dma_wait3A_774 = arith.constant 0 : i32
            %dma_wait3A_775 = tpu.memref_slice %arg4[%select_n3A_28, %dma_wait3A_774] : memref<800000x128xf32, #tpu.memory_space<hbm>> -> memref<448x128xf32, #tpu.memory_space<hbm>>
            %dma_wait3A_776 = tpu.memref_slice %arg11[%dma_wait3A_773] : memref<8x!tpu.dma_semaphore, #tpu.memory_space<semaphore_mem>> -> memref<1x!tpu.dma_semaphore, #tpu.memory_space<semaphore_mem>>
            %dma_wait3A_777 = tpu.memref_squeeze %dma_wait3A_776 : memref<1x!tpu.dma_semaphore, #tpu.memory_space<semaphore_mem>> -> memref<!tpu.dma_semaphore, #tpu.memory_space<semaphore_mem>>
            %dma_wait3A_778 = arith.constant 0 : i32
            %dma_wait3A_779 = tpu.memref_slice %arg4[%select_n3A_28, %dma_wait3A_778] : memref<800000x128xf32, #tpu.memory_space<hbm>> -> memref<448x128xf32, #tpu.memory_space<hbm>>
            tpu.wait_dma2 semaphore(%dma_wait3A_777 : memref<!tpu.dma_semaphore, #tpu.memory_space<semaphore_mem>>) src(%arg7 : memref<448x128xf32, #tpu.memory_space<vmem>>) dst(%dma_wait3A_779 : memref<448x128xf32, #tpu.memory_space<hbm>>)
          }
          %while3A_769 = arith.constant 1 : i32
          scf.for %while3A_770 = %while3A_767 to %while3A_763 step %while3A_769  : i32 {
            %mul3A_771 = arith.muli %while3A_770, %while3A_759 : i32
            %add3A_772 = arith.addi %while3A_760, %mul3A_771 : i32
            %dma_wait3A_773 = arith.constant 4 : i32
            %dma_wait3A_774 = arith.constant 0 : i32
            %dma_wait3A_775 = tpu.memref_slice %arg4[%select_n3A_28, %dma_wait3A_774] : memref<800000x128xf32, #tpu.memory_space<hbm>> -> memref<448x128xf32, #tpu.memory_space<hbm>>
            %dma_wait3A_776 = tpu.memref_slice %arg11[%dma_wait3A_773] : memref<8x!tpu.dma_semaphore, #tpu.memory_space<semaphore_mem>> -> memref<1x!tpu.dma_semaphore, #tpu.memory_space<semaphore_mem>>
            %dma_wait3A_777 = tpu.memref_squeeze %dma_wait3A_776 : memref<1x!tpu.dma_semaphore, #tpu.memory_space<semaphore_mem>> -> memref<!tpu.dma_semaphore, #tpu.memory_space<semaphore_mem>>
            %dma_wait3A_778 = arith.constant 0 : i32
            %dma_wait3A_779 = tpu.memref_slice %arg4[%select_n3A_28, %dma_wait3A_778] : memref<800000x128xf32, #tpu.memory_space<hbm>> -> memref<448x128xf32, #tpu.memory_space<hbm>>
            tpu.wait_dma2 semaphore(%dma_wait3A_777 : memref<!tpu.dma_semaphore, #tpu.memory_space<semaphore_mem>>) src(%arg7 : memref<448x128xf32, #tpu.memory_space<vmem>>) dst(%dma_wait3A_779 : memref<448x128xf32, #tpu.memory_space<hbm>>)
          }
        } else {
        }
        %le3A_702 = arith.constant 5 : i32
        %le3A_703 = arith.cmpi sle, %get3A_662, %le3A_702 : i32
        %gt3A_704 = arith.constant 5 : i32
        %gt3A_705 = arith.cmpi sgt, %select_n3A_659, %gt3A_704 : i32
        %and3A_706 = arith.andi %le3A_703, %gt3A_705 : i1
        %convert_element_type3A_707 = arith.extui %and3A_706 : i1 to i32
        %cond3A_708 = arith.constant 0 : i32
        %cond3A_709 = arith.cmpi ne, %convert_element_type3A_707, %cond3A_708 : i32
        scf.if %cond3A_709 {
          %mul3A_745 = arith.constant 5 : i32
          %mul3A_746 = arith.muli %mul3A_745, %select_n3A_81 : i32
          %sub3A_747 = arith.subi %add3A_53, %mul3A_746 : i32
          %jit3A_748 = arith.constant 0 : i32
          %max3A_749 = arith.maxsi %jit3A_748, %sub3A_747 : i32
          %min3A_750 = arith.minsi %select_n3A_81, %max3A_749 : i32
          %sub3A_751 = arith.constant 0 : i32
          %sub3A_752 = arith.subi %min3A_750, %sub3A_751 : i32
          %sub3A_753 = arith.constant 1 : i32
          %sub3A_754 = arith.constant 1 : i32
          %sub3A_755 = arith.subi %sub3A_753, %sub3A_754 : i32
          %add3A_756 = arith.addi %sub3A_752, %sub3A_755 : i32
          %div3A_757 = arith.constant 1 : i32
          %div3A_758 = arith.divsi %add3A_756, %div3A_757 : i32
          %while3A_759 = arith.constant 1 : i32
          %while3A_760 = arith.constant 0 : i32
          %while3A_761 = arith.constant 0 : i32
          %while3A_762 = arith.subi %div3A_758, %while3A_761 : i32
          %while3A_763 = arith.addi %while3A_761, %while3A_762 : i32
          %while3A_764 = arith.constant 1 : i32
          %while3A_765 = arith.divsi %while3A_762, %while3A_764 : i32
          %while3A_766 = arith.muli %while3A_765, %while3A_764 : i32
          %while3A_767 = arith.addi %while3A_761, %while3A_766 : i32
          %while3A_768 = arith.constant 1 : i32
          scf.for %while3A_770 = %while3A_761 to %while3A_767 step %while3A_768  : i32 {
            %mul3A_771 = arith.muli %while3A_770, %while3A_759 : i32
            %add3A_772 = arith.addi %while3A_760, %mul3A_771 : i32
            %dma_wait3A_773 = arith.constant 5 : i32
            %dma_wait3A_774 = arith.constant 0 : i32
            %dma_wait3A_775 = tpu.memref_slice %arg4[%select_n3A_28, %dma_wait3A_774] : memref<800000x128xf32, #tpu.memory_space<hbm>> -> memref<448x128xf32, #tpu.memory_space<hbm>>
            %dma_wait3A_776 = tpu.memref_slice %arg11[%dma_wait3A_773] : memref<8x!tpu.dma_semaphore, #tpu.memory_space<semaphore_mem>> -> memref<1x!tpu.dma_semaphore, #tpu.memory_space<semaphore_mem>>
            %dma_wait3A_777 = tpu.memref_squeeze %dma_wait3A_776 : memref<1x!tpu.dma_semaphore, #tpu.memory_space<semaphore_mem>> -> memref<!tpu.dma_semaphore, #tpu.memory_space<semaphore_mem>>
            %dma_wait3A_778 = arith.constant 0 : i32
            %dma_wait3A_779 = tpu.memref_slice %arg4[%select_n3A_28, %dma_wait3A_778] : memref<800000x128xf32, #tpu.memory_space<hbm>> -> memref<448x128xf32, #tpu.memory_space<hbm>>
            tpu.wait_dma2 semaphore(%dma_wait3A_777 : memref<!tpu.dma_semaphore, #tpu.memory_space<semaphore_mem>>) src(%arg7 : memref<448x128xf32, #tpu.memory_space<vmem>>) dst(%dma_wait3A_779 : memref<448x128xf32, #tpu.memory_space<hbm>>)
          }
          %while3A_769 = arith.constant 1 : i32
          scf.for %while3A_770 = %while3A_767 to %while3A_763 step %while3A_769  : i32 {
            %mul3A_771 = arith.muli %while3A_770, %while3A_759 : i32
            %add3A_772 = arith.addi %while3A_760, %mul3A_771 : i32
            %dma_wait3A_773 = arith.constant 5 : i32
            %dma_wait3A_774 = arith.constant 0 : i32
            %dma_wait3A_775 = tpu.memref_slice %arg4[%select_n3A_28, %dma_wait3A_774] : memref<800000x128xf32, #tpu.memory_space<hbm>> -> memref<448x128xf32, #tpu.memory_space<hbm>>
            %dma_wait3A_776 = tpu.memref_slice %arg11[%dma_wait3A_773] : memref<8x!tpu.dma_semaphore, #tpu.memory_space<semaphore_mem>> -> memref<1x!tpu.dma_semaphore, #tpu.memory_space<semaphore_mem>>
            %dma_wait3A_777 = tpu.memref_squeeze %dma_wait3A_776 : memref<1x!tpu.dma_semaphore, #tpu.memory_space<semaphore_mem>> -> memref<!tpu.dma_semaphore, #tpu.memory_space<semaphore_mem>>
            %dma_wait3A_778 = arith.constant 0 : i32
            %dma_wait3A_779 = tpu.memref_slice %arg4[%select_n3A_28, %dma_wait3A_778] : memref<800000x128xf32, #tpu.memory_space<hbm>> -> memref<448x128xf32, #tpu.memory_space<hbm>>
            tpu.wait_dma2 semaphore(%dma_wait3A_777 : memref<!tpu.dma_semaphore, #tpu.memory_space<semaphore_mem>>) src(%arg7 : memref<448x128xf32, #tpu.memory_space<vmem>>) dst(%dma_wait3A_779 : memref<448x128xf32, #tpu.memory_space<hbm>>)
          }
        } else {
        }
        %le3A_710 = arith.constant 6 : i32
        %le3A_711 = arith.cmpi sle, %get3A_662, %le3A_710 : i32
        %gt3A_712 = arith.constant 6 : i32
        %gt3A_713 = arith.cmpi sgt, %select_n3A_659, %gt3A_712 : i32
        %and3A_714 = arith.andi %le3A_711, %gt3A_713 : i1
        %convert_element_type3A_715 = arith.extui %and3A_714 : i1 to i32
        %cond3A_716 = arith.constant 0 : i32
        %cond3A_717 = arith.cmpi ne, %convert_element_type3A_715, %cond3A_716 : i32
        scf.if %cond3A_717 {
          %mul3A_745 = arith.constant 6 : i32
          %mul3A_746 = arith.muli %mul3A_745, %select_n3A_81 : i32
          %sub3A_747 = arith.subi %add3A_53, %mul3A_746 : i32
          %jit3A_748 = arith.constant 0 : i32
          %max3A_749 = arith.maxsi %jit3A_748, %sub3A_747 : i32
          %min3A_750 = arith.minsi %select_n3A_81, %max3A_749 : i32
          %sub3A_751 = arith.constant 0 : i32
          %sub3A_752 = arith.subi %min3A_750, %sub3A_751 : i32
          %sub3A_753 = arith.constant 1 : i32
          %sub3A_754 = arith.constant 1 : i32
          %sub3A_755 = arith.subi %sub3A_753, %sub3A_754 : i32
          %add3A_756 = arith.addi %sub3A_752, %sub3A_755 : i32
          %div3A_757 = arith.constant 1 : i32
          %div3A_758 = arith.divsi %add3A_756, %div3A_757 : i32
          %while3A_759 = arith.constant 1 : i32
          %while3A_760 = arith.constant 0 : i32
          %while3A_761 = arith.constant 0 : i32
          %while3A_762 = arith.subi %div3A_758, %while3A_761 : i32
          %while3A_763 = arith.addi %while3A_761, %while3A_762 : i32
          %while3A_764 = arith.constant 1 : i32
          %while3A_765 = arith.divsi %while3A_762, %while3A_764 : i32
          %while3A_766 = arith.muli %while3A_765, %while3A_764 : i32
          %while3A_767 = arith.addi %while3A_761, %while3A_766 : i32
          %while3A_768 = arith.constant 1 : i32
          scf.for %while3A_770 = %while3A_761 to %while3A_767 step %while3A_768  : i32 {
            %mul3A_771 = arith.muli %while3A_770, %while3A_759 : i32
            %add3A_772 = arith.addi %while3A_760, %mul3A_771 : i32
            %dma_wait3A_773 = arith.constant 6 : i32
            %dma_wait3A_774 = arith.constant 0 : i32
            %dma_wait3A_775 = tpu.memref_slice %arg4[%select_n3A_28, %dma_wait3A_774] : memref<800000x128xf32, #tpu.memory_space<hbm>> -> memref<448x128xf32, #tpu.memory_space<hbm>>
            %dma_wait3A_776 = tpu.memref_slice %arg11[%dma_wait3A_773] : memref<8x!tpu.dma_semaphore, #tpu.memory_space<semaphore_mem>> -> memref<1x!tpu.dma_semaphore, #tpu.memory_space<semaphore_mem>>
            %dma_wait3A_777 = tpu.memref_squeeze %dma_wait3A_776 : memref<1x!tpu.dma_semaphore, #tpu.memory_space<semaphore_mem>> -> memref<!tpu.dma_semaphore, #tpu.memory_space<semaphore_mem>>
            %dma_wait3A_778 = arith.constant 0 : i32
            %dma_wait3A_779 = tpu.memref_slice %arg4[%select_n3A_28, %dma_wait3A_778] : memref<800000x128xf32, #tpu.memory_space<hbm>> -> memref<448x128xf32, #tpu.memory_space<hbm>>
            tpu.wait_dma2 semaphore(%dma_wait3A_777 : memref<!tpu.dma_semaphore, #tpu.memory_space<semaphore_mem>>) src(%arg7 : memref<448x128xf32, #tpu.memory_space<vmem>>) dst(%dma_wait3A_779 : memref<448x128xf32, #tpu.memory_space<hbm>>)
          }
          %while3A_769 = arith.constant 1 : i32
          scf.for %while3A_770 = %while3A_767 to %while3A_763 step %while3A_769  : i32 {
            %mul3A_771 = arith.muli %while3A_770, %while3A_759 : i32
            %add3A_772 = arith.addi %while3A_760, %mul3A_771 : i32
            %dma_wait3A_773 = arith.constant 6 : i32
            %dma_wait3A_774 = arith.constant 0 : i32
            %dma_wait3A_775 = tpu.memref_slice %arg4[%select_n3A_28, %dma_wait3A_774] : memref<800000x128xf32, #tpu.memory_space<hbm>> -> memref<448x128xf32, #tpu.memory_space<hbm>>
            %dma_wait3A_776 = tpu.memref_slice %arg11[%dma_wait3A_773] : memref<8x!tpu.dma_semaphore, #tpu.memory_space<semaphore_mem>> -> memref<1x!tpu.dma_semaphore, #tpu.memory_space<semaphore_mem>>
            %dma_wait3A_777 = tpu.memref_squeeze %dma_wait3A_776 : memref<1x!tpu.dma_semaphore, #tpu.memory_space<semaphore_mem>> -> memref<!tpu.dma_semaphore, #tpu.memory_space<semaphore_mem>>
            %dma_wait3A_778 = arith.constant 0 : i32
            %dma_wait3A_779 = tpu.memref_slice %arg4[%select_n3A_28, %dma_wait3A_778] : memref<800000x128xf32, #tpu.memory_space<hbm>> -> memref<448x128xf32, #tpu.memory_space<hbm>>
            tpu.wait_dma2 semaphore(%dma_wait3A_777 : memref<!tpu.dma_semaphore, #tpu.memory_space<semaphore_mem>>) src(%arg7 : memref<448x128xf32, #tpu.memory_space<vmem>>) dst(%dma_wait3A_779 : memref<448x128xf32, #tpu.memory_space<hbm>>)
          }
        } else {
        }
        %le3A_718 = arith.constant 7 : i32
        %le3A_719 = arith.cmpi sle, %get3A_662, %le3A_718 : i32
        %gt3A_720 = arith.constant 7 : i32
        %gt3A_721 = arith.cmpi sgt, %select_n3A_659, %gt3A_720 : i32
        %and3A_722 = arith.andi %le3A_719, %gt3A_721 : i1
        %convert_element_type3A_723 = arith.extui %and3A_722 : i1 to i32
        %cond3A_724 = arith.constant 0 : i32
        %cond3A_725 = arith.cmpi ne, %convert_element_type3A_723, %cond3A_724 : i32
        scf.if %cond3A_725 {
          %mul3A_745 = arith.constant 7 : i32
          %mul3A_746 = arith.muli %mul3A_745, %select_n3A_81 : i32
          %sub3A_747 = arith.subi %add3A_53, %mul3A_746 : i32
          %jit3A_748 = arith.constant 0 : i32
          %max3A_749 = arith.maxsi %jit3A_748, %sub3A_747 : i32
          %min3A_750 = arith.minsi %select_n3A_81, %max3A_749 : i32
          %sub3A_751 = arith.constant 0 : i32
          %sub3A_752 = arith.subi %min3A_750, %sub3A_751 : i32
          %sub3A_753 = arith.constant 1 : i32
          %sub3A_754 = arith.constant 1 : i32
          %sub3A_755 = arith.subi %sub3A_753, %sub3A_754 : i32
          %add3A_756 = arith.addi %sub3A_752, %sub3A_755 : i32
          %div3A_757 = arith.constant 1 : i32
          %div3A_758 = arith.divsi %add3A_756, %div3A_757 : i32
          %while3A_759 = arith.constant 1 : i32
          %while3A_760 = arith.constant 0 : i32
          %while3A_761 = arith.constant 0 : i32
          %while3A_762 = arith.subi %div3A_758, %while3A_761 : i32
          %while3A_763 = arith.addi %while3A_761, %while3A_762 : i32
          %while3A_764 = arith.constant 1 : i32
          %while3A_765 = arith.divsi %while3A_762, %while3A_764 : i32
          %while3A_766 = arith.muli %while3A_765, %while3A_764 : i32
          %while3A_767 = arith.addi %while3A_761, %while3A_766 : i32
          %while3A_768 = arith.constant 1 : i32
          scf.for %while3A_770 = %while3A_761 to %while3A_767 step %while3A_768  : i32 {
            %mul3A_771 = arith.muli %while3A_770, %while3A_759 : i32
            %add3A_772 = arith.addi %while3A_760, %mul3A_771 : i32
            %dma_wait3A_773 = arith.constant 7 : i32
            %dma_wait3A_774 = arith.constant 0 : i32
            %dma_wait3A_775 = tpu.memref_slice %arg4[%select_n3A_28, %dma_wait3A_774] : memref<800000x128xf32, #tpu.memory_space<hbm>> -> memref<448x128xf32, #tpu.memory_space<hbm>>
            %dma_wait3A_776 = tpu.memref_slice %arg11[%dma_wait3A_773] : memref<8x!tpu.dma_semaphore, #tpu.memory_space<semaphore_mem>> -> memref<1x!tpu.dma_semaphore, #tpu.memory_space<semaphore_mem>>
            %dma_wait3A_777 = tpu.memref_squeeze %dma_wait3A_776 : memref<1x!tpu.dma_semaphore, #tpu.memory_space<semaphore_mem>> -> memref<!tpu.dma_semaphore, #tpu.memory_space<semaphore_mem>>
            %dma_wait3A_778 = arith.constant 0 : i32
            %dma_wait3A_779 = tpu.memref_slice %arg4[%select_n3A_28, %dma_wait3A_778] : memref<800000x128xf32, #tpu.memory_space<hbm>> -> memref<448x128xf32, #tpu.memory_space<hbm>>
            tpu.wait_dma2 semaphore(%dma_wait3A_777 : memref<!tpu.dma_semaphore, #tpu.memory_space<semaphore_mem>>) src(%arg7 : memref<448x128xf32, #tpu.memory_space<vmem>>) dst(%dma_wait3A_779 : memref<448x128xf32, #tpu.memory_space<hbm>>)
          }
          %while3A_769 = arith.constant 1 : i32
          scf.for %while3A_770 = %while3A_767 to %while3A_763 step %while3A_769  : i32 {
            %mul3A_771 = arith.muli %while3A_770, %while3A_759 : i32
            %add3A_772 = arith.addi %while3A_760, %mul3A_771 : i32
            %dma_wait3A_773 = arith.constant 7 : i32
            %dma_wait3A_774 = arith.constant 0 : i32
            %dma_wait3A_775 = tpu.memref_slice %arg4[%select_n3A_28, %dma_wait3A_774] : memref<800000x128xf32, #tpu.memory_space<hbm>> -> memref<448x128xf32, #tpu.memory_space<hbm>>
            %dma_wait3A_776 = tpu.memref_slice %arg11[%dma_wait3A_773] : memref<8x!tpu.dma_semaphore, #tpu.memory_space<semaphore_mem>> -> memref<1x!tpu.dma_semaphore, #tpu.memory_space<semaphore_mem>>
            %dma_wait3A_777 = tpu.memref_squeeze %dma_wait3A_776 : memref<1x!tpu.dma_semaphore, #tpu.memory_space<semaphore_mem>> -> memref<!tpu.dma_semaphore, #tpu.memory_space<semaphore_mem>>
            %dma_wait3A_778 = arith.constant 0 : i32
            %dma_wait3A_779 = tpu.memref_slice %arg4[%select_n3A_28, %dma_wait3A_778] : memref<800000x128xf32, #tpu.memory_space<hbm>> -> memref<448x128xf32, #tpu.memory_space<hbm>>
            tpu.wait_dma2 semaphore(%dma_wait3A_777 : memref<!tpu.dma_semaphore, #tpu.memory_space<semaphore_mem>>) src(%arg7 : memref<448x128xf32, #tpu.memory_space<vmem>>) dst(%dma_wait3A_779 : memref<448x128xf32, #tpu.memory_space<hbm>>)
          }
        } else {
        }
        %max3A_726 = arith.maxsi %get3A_662, %select_n3A_659 : i32
        %swap3A_727 = arith.constant 0 : i32
        %swap3A_728 = arith.index_cast %swap3A_727 : i32 to index
        %swap3A_729 = memref.load %arg8[%swap3A_728] : memref<1xi32, #tpu.memory_space<smem>>
        memref.store %max3A_726, %arg8[%swap3A_728] : memref<1xi32, #tpu.memory_space<smem>>
        %dma_start3A_730 = arith.constant 0 : i32
        %dma_start3A_731 = arith.constant 0 : i32
        %dma_start3A_732 = arith.constant 0 : i32
        %dma_start3A_733 = arith.constant 0 : i32
        %dma_start3A_734 = arith.constant 0 : i32
        %dma_start3A_735 = tpu.memref_slice %arg6[%dma_start3A_730, %dma_start3A_733, %dma_start3A_734] : memref<4x128x128xf32, #tpu.memory_space<vmem>> -> memref<1x128x128xf32, #tpu.memory_space<vmem>>
        %dma_start3A_736 = tpu.memref_squeeze %dma_start3A_735 : memref<1x128x128xf32, #tpu.memory_space<vmem>> -> memref<128x128xf32, #tpu.memory_space<vmem>>
        %dma_start3A_737 = arith.constant 0 : i32
        %dma_start3A_738 = tpu.memref_slice %arg5[%dma_start3A_731, %dma_start3A_737] : memref<4x128xi32, #tpu.memory_space<vmem>> -> memref<1x128xi32, #tpu.memory_space<vmem>>
        %dma_start3A_739 = tpu.memref_squeeze %dma_start3A_738 : memref<1x128xi32, #tpu.memory_space<vmem>> -> memref<128xi32, #tpu.memory_space<vmem>>
        %dma_start3A_740 = arith.constant 0 : i32
        %dma_start3A_741 = arith.constant 0 : i32
        %dma_start3A_742 = tpu.memref_slice %arg4[%dma_start3A_740, %dma_start3A_741] : memref<800000x128xf32, #tpu.memory_space<hbm>> -> memref<800000x128xf32, #tpu.memory_space<hbm>>
        %dma_start3A_743 = tpu.memref_slice %arg10[%dma_start3A_732] : memref<4x!tpu.dma_semaphore, #tpu.memory_space<semaphore_mem>> -> memref<1x!tpu.dma_semaphore, #tpu.memory_space<semaphore_mem>>
        %dma_start3A_744 = tpu.memref_squeeze %dma_start3A_743 : memref<1x!tpu.dma_semaphore, #tpu.memory_space<semaphore_mem>> -> memref<!tpu.dma_semaphore, #tpu.memory_space<semaphore_mem>>
        tpu.enqueue_indirect_dma source(%dma_start3A_736 : memref<128x128xf32, #tpu.memory_space<vmem>>) target(%dma_start3A_742 : memref<800000x128xf32, #tpu.memory_space<hbm>>) offsets(%dma_start3A_739 : memref<128xi32, #tpu.memory_space<vmem>>) semaphore(%dma_start3A_744 : memref<!tpu.dma_semaphore, #tpu.memory_space<semaphore_mem>>)
      } else {
      }
      %ge3A = arith.constant 2 : i32
      %ge3A_497 = arith.cmpi sge, %add3A_493, %ge3A : i32
      %lt3A_498 = arith.cmpi slt, %add3A_493, %select_n3A : i32
      %and3A_499 = arith.andi %ge3A_497, %lt3A_498 : i1
      %convert_element_type3A_500 = arith.extui %and3A_499 : i1 to i32
      %cond3A_501 = arith.constant 0 : i32
      %cond3A_502 = arith.cmpi ne, %convert_element_type3A_500, %cond3A_501 : i32
      scf.if %cond3A_502 {
        %dma_wait3A = arith.constant 2 : i32
        %dma_wait3A_566 = arith.constant 2 : i32
        %dma_wait3A_567 = arith.constant 2 : i32
        %dma_wait3A_568 = arith.constant 0 : i32
        %dma_wait3A_569 = arith.constant 0 : i32
        %dma_wait3A_570 = tpu.memref_slice %arg6[%dma_wait3A, %dma_wait3A_568, %dma_wait3A_569] : memref<4x128x128xf32, #tpu.memory_space<vmem>> -> memref<1x128x128xf32, #tpu.memory_space<vmem>>
        %dma_wait3A_571 = tpu.memref_squeeze %dma_wait3A_570 : memref<1x128x128xf32, #tpu.memory_space<vmem>> -> memref<128x128xf32, #tpu.memory_space<vmem>>
        %dma_wait3A_572 = arith.constant 0 : i32
        %dma_wait3A_573 = tpu.memref_slice %arg5[%dma_wait3A_566, %dma_wait3A_572] : memref<4x128xi32, #tpu.memory_space<vmem>> -> memref<1x128xi32, #tpu.memory_space<vmem>>
        %dma_wait3A_574 = tpu.memref_squeeze %dma_wait3A_573 : memref<1x128xi32, #tpu.memory_space<vmem>> -> memref<128xi32, #tpu.memory_space<vmem>>
        %dma_wait3A_575 = arith.constant 0 : i32
        %dma_wait3A_576 = arith.constant 0 : i32
        %dma_wait3A_577 = tpu.memref_slice %arg4[%dma_wait3A_575, %dma_wait3A_576] : memref<800000x128xf32, #tpu.memory_space<hbm>> -> memref<800000x128xf32, #tpu.memory_space<hbm>>
        %dma_wait3A_578 = tpu.memref_slice %arg10[%dma_wait3A_567] : memref<4x!tpu.dma_semaphore, #tpu.memory_space<semaphore_mem>> -> memref<1x!tpu.dma_semaphore, #tpu.memory_space<semaphore_mem>>
        %dma_wait3A_579 = tpu.memref_squeeze %dma_wait3A_578 : memref<1x!tpu.dma_semaphore, #tpu.memory_space<semaphore_mem>> -> memref<!tpu.dma_semaphore, #tpu.memory_space<semaphore_mem>>
        tpu.wait_indirect_dma semaphore(%dma_wait3A_579 : memref<!tpu.dma_semaphore, #tpu.memory_space<semaphore_mem>>) src(%dma_wait3A_571 : memref<128x128xf32, #tpu.memory_space<vmem>>) dst(%dma_wait3A_577 : memref<800000x128xf32, #tpu.memory_space<hbm>>)
      } else {
      }
      %add3A_503 = arith.constant 2 : i32
      %add3A_504 = arith.addi %add3A_493, %add3A_503 : i32
      %lt3A_505 = arith.cmpi slt, %add3A_504, %select_n3A : i32
      %convert_element_type3A_506 = arith.extui %lt3A_505 : i1 to i32
      %cond3A_507 = arith.constant 0 : i32
      %cond3A_508 = arith.cmpi ne, %convert_element_type3A_506, %cond3A_507 : i32
      scf.if %cond3A_508 {
        %add3A_566 = arith.addi %mul3A_2, %add3A_493 : i32
        %add3A_567 = arith.constant 2 : i32
        %add3A_568 = arith.addi %add3A_566, %add3A_567 : i32
        %dma_start3A_569 = arith.constant 2 : i32
        %dma_start3A_570 = arith.constant 2 : i32
        %dma_start3A_571 = arith.constant 0 : i32
        %dma_start3A_572 = tpu.memref_slice %arg5[%dma_start3A_569, %dma_start3A_571] : memref<4x128xi32, #tpu.memory_space<vmem>> -> memref<1x128xi32, #tpu.memory_space<vmem>>
        %dma_start3A_573 = tpu.memref_squeeze %dma_start3A_572 : memref<1x128xi32, #tpu.memory_space<vmem>> -> memref<128xi32, #tpu.memory_space<vmem>>
        %dma_start3A_574 = arith.constant 0 : i32
        %dma_start3A_575 = tpu.memref_slice %arg3[%add3A_568, %dma_start3A_574] : memref<3125x128xi32, #tpu.memory_space<hbm>> -> memref<1x128xi32, #tpu.memory_space<hbm>>
        %dma_start3A_576 = tpu.memref_squeeze %dma_start3A_575 : memref<1x128xi32, #tpu.memory_space<hbm>> -> memref<128xi32, #tpu.memory_space<hbm>>
        %dma_start3A_577 = tpu.memref_slice %arg9[%dma_start3A_570] : memref<4x!tpu.dma_semaphore, #tpu.memory_space<semaphore_mem>> -> memref<1x!tpu.dma_semaphore, #tpu.memory_space<semaphore_mem>>
        %dma_start3A_578 = tpu.memref_squeeze %dma_start3A_577 : memref<1x!tpu.dma_semaphore, #tpu.memory_space<semaphore_mem>> -> memref<!tpu.dma_semaphore, #tpu.memory_space<semaphore_mem>>
        %dma_start3A_579 = arith.constant 0 : i32
        %dma_start3A_580 = tpu.memref_slice %arg5[%dma_start3A_569, %dma_start3A_579] : memref<4x128xi32, #tpu.memory_space<vmem>> -> memref<1x128xi32, #tpu.memory_space<vmem>>
        %dma_start3A_581 = tpu.memref_squeeze %dma_start3A_580 : memref<1x128xi32, #tpu.memory_space<vmem>> -> memref<128xi32, #tpu.memory_space<vmem>>
        %dma_start3A_582 = arith.constant 0 : i32
        %dma_start3A_583 = tpu.memref_slice %arg3[%add3A_568, %dma_start3A_582] : memref<3125x128xi32, #tpu.memory_space<hbm>> -> memref<1x128xi32, #tpu.memory_space<hbm>>
        %dma_start3A_584 = tpu.memref_squeeze %dma_start3A_583 : memref<1x128xi32, #tpu.memory_space<hbm>> -> memref<128xi32, #tpu.memory_space<hbm>>
        tpu.enqueue_dma source(%dma_start3A_584 : memref<128xi32, #tpu.memory_space<hbm>>) target(%dma_start3A_581 : memref<128xi32, #tpu.memory_space<vmem>>) target_semaphore(%dma_start3A_578 : memref<!tpu.dma_semaphore, #tpu.memory_space<semaphore_mem>>)
        %mul3A_585 = arith.constant 128 : i32
        %mul3A_586 = arith.muli %add3A_568, %mul3A_585 : i32
        %dma_start3A_587 = arith.constant 2 : i32
        %dma_start3A_588 = arith.constant 2 : i32
        %dma_start3A_589 = arith.constant 0 : i32
        %dma_start3A_590 = arith.constant 0 : i32
        %dma_start3A_591 = tpu.memref_slice %arg6[%dma_start3A_587, %dma_start3A_589, %dma_start3A_590] : memref<4x128x128xf32, #tpu.memory_space<vmem>> -> memref<1x128x128xf32, #tpu.memory_space<vmem>>
        %dma_start3A_592 = tpu.memref_squeeze %dma_start3A_591 : memref<1x128x128xf32, #tpu.memory_space<vmem>> -> memref<128x128xf32, #tpu.memory_space<vmem>>
        %dma_start3A_593 = arith.constant 0 : i32
        %dma_start3A_594 = tpu.memref_slice %arg2[%mul3A_586, %dma_start3A_593] : memref<400000x128xf32, #tpu.memory_space<hbm>> -> memref<128x128xf32, #tpu.memory_space<hbm>>
        %dma_start3A_595 = tpu.memref_slice %arg9[%dma_start3A_588] : memref<4x!tpu.dma_semaphore, #tpu.memory_space<semaphore_mem>> -> memref<1x!tpu.dma_semaphore, #tpu.memory_space<semaphore_mem>>
        %dma_start3A_596 = tpu.memref_squeeze %dma_start3A_595 : memref<1x!tpu.dma_semaphore, #tpu.memory_space<semaphore_mem>> -> memref<!tpu.dma_semaphore, #tpu.memory_space<semaphore_mem>>
        %dma_start3A_597 = arith.constant 0 : i32
        %dma_start3A_598 = arith.constant 0 : i32
        %dma_start3A_599 = tpu.memref_slice %arg6[%dma_start3A_587, %dma_start3A_597, %dma_start3A_598] : memref<4x128x128xf32, #tpu.memory_space<vmem>> -> memref<1x128x128xf32, #tpu.memory_space<vmem>>
        %dma_start3A_600 = tpu.memref_squeeze %dma_start3A_599 : memref<1x128x128xf32, #tpu.memory_space<vmem>> -> memref<128x128xf32, #tpu.memory_space<vmem>>
        %dma_start3A_601 = arith.constant 0 : i32
        %dma_start3A_602 = tpu.memref_slice %arg2[%mul3A_586, %dma_start3A_601] : memref<400000x128xf32, #tpu.memory_space<hbm>> -> memref<128x128xf32, #tpu.memory_space<hbm>>
        tpu.enqueue_dma source(%dma_start3A_602 : memref<128x128xf32, #tpu.memory_space<hbm>>) target(%dma_start3A_600 : memref<128x128xf32, #tpu.memory_space<vmem>>) target_semaphore(%dma_start3A_596 : memref<!tpu.dma_semaphore, #tpu.memory_space<semaphore_mem>>)
      } else {
      }
      %add3A_509 = arith.constant 1 : i32
      %add3A_510 = arith.addi %add3A_491, %add3A_509 : i32
      %lt3A_511 = arith.cmpi slt, %add3A_510, %select_n3A : i32
      %convert_element_type3A_512 = arith.extui %lt3A_511 : i1 to i32
      %cond3A_513 = arith.constant 0 : i32
      %cond3A_514 = arith.cmpi ne, %convert_element_type3A_512, %cond3A_513 : i32
      scf.if %cond3A_514 {
        %dma_wait3A = arith.constant 1 : i32
        %dma_wait3A_566 = arith.constant 1 : i32
        %dma_wait3A_567 = arith.constant 0 : i32
        %dma_wait3A_568 = tpu.memref_slice %arg5[%dma_wait3A, %dma_wait3A_567] : memref<4x128xi32, #tpu.memory_space<vmem>> -> memref<1x128xi32, #tpu.memory_space<vmem>>
        %dma_wait3A_569 = tpu.memref_squeeze %dma_wait3A_568 : memref<1x128xi32, #tpu.memory_space<vmem>> -> memref<128xi32, #tpu.memory_space<vmem>>
        %dma_wait3A_570 = arith.constant 0 : i32
        %dma_wait3A_571 = tpu.memref_slice %arg3[%mul3A_2, %dma_wait3A_570] : memref<3125x128xi32, #tpu.memory_space<hbm>> -> memref<1x128xi32, #tpu.memory_space<hbm>>
        %dma_wait3A_572 = tpu.memref_squeeze %dma_wait3A_571 : memref<1x128xi32, #tpu.memory_space<hbm>> -> memref<128xi32, #tpu.memory_space<hbm>>
        %dma_wait3A_573 = tpu.memref_slice %arg9[%dma_wait3A_566] : memref<4x!tpu.dma_semaphore, #tpu.memory_space<semaphore_mem>> -> memref<1x!tpu.dma_semaphore, #tpu.memory_space<semaphore_mem>>
        %dma_wait3A_574 = tpu.memref_squeeze %dma_wait3A_573 : memref<1x!tpu.dma_semaphore, #tpu.memory_space<semaphore_mem>> -> memref<!tpu.dma_semaphore, #tpu.memory_space<semaphore_mem>>
        %dma_wait3A_575 = arith.constant 0 : i32
        %dma_wait3A_576 = tpu.memref_slice %arg5[%dma_wait3A, %dma_wait3A_575] : memref<4x128xi32, #tpu.memory_space<vmem>> -> memref<1x128xi32, #tpu.memory_space<vmem>>
        %dma_wait3A_577 = tpu.memref_squeeze %dma_wait3A_576 : memref<1x128xi32, #tpu.memory_space<vmem>> -> memref<128xi32, #tpu.memory_space<vmem>>
        %dma_wait3A_578 = arith.constant 0 : i32
        %dma_wait3A_579 = tpu.memref_slice %arg3[%mul3A_2, %dma_wait3A_578] : memref<3125x128xi32, #tpu.memory_space<hbm>> -> memref<1x128xi32, #tpu.memory_space<hbm>>
        %dma_wait3A_580 = tpu.memref_squeeze %dma_wait3A_579 : memref<1x128xi32, #tpu.memory_space<hbm>> -> memref<128xi32, #tpu.memory_space<hbm>>
        tpu.wait_dma2 semaphore(%dma_wait3A_574 : memref<!tpu.dma_semaphore, #tpu.memory_space<semaphore_mem>>) src(%dma_wait3A_580 : memref<128xi32, #tpu.memory_space<hbm>>) dst(%dma_wait3A_577 : memref<128xi32, #tpu.memory_space<vmem>>)
        %dma_wait3A_581 = arith.constant 1 : i32
        %dma_wait3A_582 = arith.constant 1 : i32
        %dma_wait3A_583 = arith.constant 0 : i32
        %dma_wait3A_584 = arith.constant 0 : i32
        %dma_wait3A_585 = tpu.memref_slice %arg6[%dma_wait3A_581, %dma_wait3A_583, %dma_wait3A_584] : memref<4x128x128xf32, #tpu.memory_space<vmem>> -> memref<1x128x128xf32, #tpu.memory_space<vmem>>
        %dma_wait3A_586 = tpu.memref_squeeze %dma_wait3A_585 : memref<1x128x128xf32, #tpu.memory_space<vmem>> -> memref<128x128xf32, #tpu.memory_space<vmem>>
        %dma_wait3A_587 = arith.constant 0 : i32
        %dma_wait3A_588 = arith.constant 0 : i32
        %dma_wait3A_589 = tpu.memref_slice %arg2[%dma_wait3A_587, %dma_wait3A_588] : memref<400000x128xf32, #tpu.memory_space<hbm>> -> memref<128x128xf32, #tpu.memory_space<hbm>>
        %dma_wait3A_590 = tpu.memref_slice %arg9[%dma_wait3A_582] : memref<4x!tpu.dma_semaphore, #tpu.memory_space<semaphore_mem>> -> memref<1x!tpu.dma_semaphore, #tpu.memory_space<semaphore_mem>>
        %dma_wait3A_591 = tpu.memref_squeeze %dma_wait3A_590 : memref<1x!tpu.dma_semaphore, #tpu.memory_space<semaphore_mem>> -> memref<!tpu.dma_semaphore, #tpu.memory_space<semaphore_mem>>
        %dma_wait3A_592 = arith.constant 0 : i32
        %dma_wait3A_593 = arith.constant 0 : i32
        %dma_wait3A_594 = tpu.memref_slice %arg6[%dma_wait3A_581, %dma_wait3A_592, %dma_wait3A_593] : memref<4x128x128xf32, #tpu.memory_space<vmem>> -> memref<1x128x128xf32, #tpu.memory_space<vmem>>
        %dma_wait3A_595 = tpu.memref_squeeze %dma_wait3A_594 : memref<1x128x128xf32, #tpu.memory_space<vmem>> -> memref<128x128xf32, #tpu.memory_space<vmem>>
        %dma_wait3A_596 = arith.constant 0 : i32
        %dma_wait3A_597 = arith.constant 0 : i32
        %dma_wait3A_598 = tpu.memref_slice %arg2[%dma_wait3A_596, %dma_wait3A_597] : memref<400000x128xf32, #tpu.memory_space<hbm>> -> memref<128x128xf32, #tpu.memory_space<hbm>>
        tpu.wait_dma2 semaphore(%dma_wait3A_591 : memref<!tpu.dma_semaphore, #tpu.memory_space<semaphore_mem>>) src(%dma_wait3A_598 : memref<128x128xf32, #tpu.memory_space<hbm>>) dst(%dma_wait3A_595 : memref<128x128xf32, #tpu.memory_space<vmem>>)
        %get3A_599 = arith.constant 1 : i32
        %get3A_600 = arith.index_cast %get3A_599 : i32 to index
        %get3A_601 = arith.constant 112 : index
        %get3A_602 = tpu.vector_load %arg5[%get3A_600, %get3A_601] {strides = array<i32>} : memref<4x128xi32, #tpu.memory_space<vmem>>, vector<1x16xi32>,
        %get3A_603 = vector.shape_cast %get3A_602 : vector<1x16xi32> to vector<16xi32>
        %slice3A_604 = vector.extract_strided_slice %get3A_603 {offsets = [15], sizes = [1], strides = [1]} : vector<16xi32> to vector<1xi32>
        %squeeze3A_605 = vector.extract %slice3A_604[0] : i32 from vector<1xi32>
        %sub3A_606 = arith.subi %squeeze3A_605, %select_n3A_28 : i32
        %jit3A_607 = arith.constant 448 : i32
        %div3A_608 = arith.divsi %sub3A_606, %jit3A_607 : i32
        %sign3A_609 = arith.constant 0 : i32
        %sign3A_610 = arith.cmpi sgt, %sub3A_606, %sign3A_609 : i32
        %sign3A_611 = arith.extui %sign3A_610 : i1 to i32
        %sign3A_612 = arith.constant 0 : i32
        %sign3A_613 = arith.cmpi slt, %sub3A_606, %sign3A_612 : i32
        %sign3A_614 = arith.extui %sign3A_613 : i1 to i32
        %sign3A_615 = arith.subi %sign3A_611, %sign3A_614 : i32
        %sign3A_616 = arith.constant 0 : i32
        %sign3A_617 = arith.cmpi sgt, %jit3A_607, %sign3A_616 : i32
        %sign3A_618 = arith.extui %sign3A_617 : i1 to i32
        %sign3A_619 = arith.constant 0 : i32
        %sign3A_620 = arith.cmpi slt, %jit3A_607, %sign3A_619 : i32
        %sign3A_621 = arith.extui %sign3A_620 : i1 to i32
        %sign3A_622 = arith.subi %sign3A_618, %sign3A_621 : i32
        %ne3A_623 = arith.cmpi ne, %sign3A_615, %sign3A_622 : i32
        %rem3A_624 = arith.remsi %sub3A_606, %jit3A_607 : i32
        %ne3A_625 = arith.constant 0 : i32
        %ne3A_626 = arith.cmpi ne, %rem3A_624, %ne3A_625 : i32
        %and3A_627 = arith.andi %ne3A_623, %ne3A_626 : i1
        %sub3A_628 = arith.constant 1 : i32
        %sub3A_629 = arith.subi %div3A_608, %sub3A_628 : i32
        %select_n3A_630 = arith.select %and3A_627, %sub3A_629, %div3A_608 : i32
        %add3A_631 = arith.constant 1 : i32
        %add3A_632 = arith.addi %select_n3A_630, %add3A_631 : i32
        %min3A_633 = arith.minsi %add3A_632, %add3A_53 : i32
        %add3A_634 = arith.addi %min3A_633, %select_n3A_81 : i32
        %sub3A_635 = arith.constant 1 : i32
        %sub3A_636 = arith.subi %add3A_634, %sub3A_635 : i32
        %div3A_637 = arith.divsi %sub3A_636, %select_n3A_81 : i32
        %sign3A_638 = arith.constant 0 : i32
        %sign3A_639 = arith.cmpi sgt, %sub3A_636, %sign3A_638 : i32
        %sign3A_640 = arith.extui %sign3A_639 : i1 to i32
        %sign3A_641 = arith.constant 0 : i32
        %sign3A_642 = arith.cmpi slt, %sub3A_636, %sign3A_641 : i32
        %sign3A_643 = arith.extui %sign3A_642 : i1 to i32
        %sign3A_644 = arith.subi %sign3A_640, %sign3A_643 : i32
        %sign3A_645 = arith.constant 0 : i32
        %sign3A_646 = arith.cmpi sgt, %select_n3A_81, %sign3A_645 : i32
        %sign3A_647 = arith.extui %sign3A_646 : i1 to i32
        %sign3A_648 = arith.constant 0 : i32
        %sign3A_649 = arith.cmpi slt, %select_n3A_81, %sign3A_648 : i32
        %sign3A_650 = arith.extui %sign3A_649 : i1 to i32
        %sign3A_651 = arith.subi %sign3A_647, %sign3A_650 : i32
        %ne3A_652 = arith.cmpi ne, %sign3A_644, %sign3A_651 : i32
        %rem3A_653 = arith.remsi %sub3A_636, %select_n3A_81 : i32
        %ne3A_654 = arith.constant 0 : i32
        %ne3A_655 = arith.cmpi ne, %rem3A_653, %ne3A_654 : i32
        %and3A_656 = arith.andi %ne3A_652, %ne3A_655 : i1
        %sub3A_657 = arith.constant 1 : i32
        %sub3A_658 = arith.subi %div3A_637, %sub3A_657 : i32
        %select_n3A_659 = arith.select %and3A_656, %sub3A_658, %div3A_637 : i32
        %get3A_660 = arith.constant 0 : i32
        %get3A_661 = arith.index_cast %get3A_660 : i32 to index
        %get3A_662 = memref.load %arg8[%get3A_661] : memref<1xi32, #tpu.memory_space<smem>>
        %le3A_663 = arith.constant 0 : i32
        %le3A_664 = arith.cmpi sle, %get3A_662, %le3A_663 : i32
        %gt3A = arith.constant 0 : i32
        %gt3A_665 = arith.cmpi sgt, %select_n3A_659, %gt3A : i32
        %and3A_666 = arith.andi %le3A_664, %gt3A_665 : i1
        %convert_element_type3A_667 = arith.extui %and3A_666 : i1 to i32
        %cond3A_668 = arith.constant 0 : i32
        %cond3A_669 = arith.cmpi ne, %convert_element_type3A_667, %cond3A_668 : i32
        scf.if %cond3A_669 {
          %mul3A_745 = arith.constant 0 : i32
          %mul3A_746 = arith.muli %mul3A_745, %select_n3A_81 : i32
          %sub3A_747 = arith.subi %add3A_53, %mul3A_746 : i32
          %jit3A_748 = arith.constant 0 : i32
          %max3A_749 = arith.maxsi %jit3A_748, %sub3A_747 : i32
          %min3A_750 = arith.minsi %select_n3A_81, %max3A_749 : i32
          %sub3A_751 = arith.constant 0 : i32
          %sub3A_752 = arith.subi %min3A_750, %sub3A_751 : i32
          %sub3A_753 = arith.constant 1 : i32
          %sub3A_754 = arith.constant 1 : i32
          %sub3A_755 = arith.subi %sub3A_753, %sub3A_754 : i32
          %add3A_756 = arith.addi %sub3A_752, %sub3A_755 : i32
          %div3A_757 = arith.constant 1 : i32
          %div3A_758 = arith.divsi %add3A_756, %div3A_757 : i32
          %while3A_759 = arith.constant 1 : i32
          %while3A_760 = arith.constant 0 : i32
          %while3A_761 = arith.constant 0 : i32
          %while3A_762 = arith.subi %div3A_758, %while3A_761 : i32
          %while3A_763 = arith.addi %while3A_761, %while3A_762 : i32
          %while3A_764 = arith.constant 1 : i32
          %while3A_765 = arith.divsi %while3A_762, %while3A_764 : i32
          %while3A_766 = arith.muli %while3A_765, %while3A_764 : i32
          %while3A_767 = arith.addi %while3A_761, %while3A_766 : i32
          %while3A_768 = arith.constant 1 : i32
          scf.for %while3A_770 = %while3A_761 to %while3A_767 step %while3A_768  : i32 {
            %mul3A_771 = arith.muli %while3A_770, %while3A_759 : i32
            %add3A_772 = arith.addi %while3A_760, %mul3A_771 : i32
            %dma_wait3A_773 = arith.constant 0 : i32
            %dma_wait3A_774 = arith.constant 0 : i32
            %dma_wait3A_775 = tpu.memref_slice %arg4[%select_n3A_28, %dma_wait3A_774] : memref<800000x128xf32, #tpu.memory_space<hbm>> -> memref<448x128xf32, #tpu.memory_space<hbm>>
            %dma_wait3A_776 = tpu.memref_slice %arg11[%dma_wait3A_773] : memref<8x!tpu.dma_semaphore, #tpu.memory_space<semaphore_mem>> -> memref<1x!tpu.dma_semaphore, #tpu.memory_space<semaphore_mem>>
            %dma_wait3A_777 = tpu.memref_squeeze %dma_wait3A_776 : memref<1x!tpu.dma_semaphore, #tpu.memory_space<semaphore_mem>> -> memref<!tpu.dma_semaphore, #tpu.memory_space<semaphore_mem>>
            %dma_wait3A_778 = arith.constant 0 : i32
            %dma_wait3A_779 = tpu.memref_slice %arg4[%select_n3A_28, %dma_wait3A_778] : memref<800000x128xf32, #tpu.memory_space<hbm>> -> memref<448x128xf32, #tpu.memory_space<hbm>>
            tpu.wait_dma2 semaphore(%dma_wait3A_777 : memref<!tpu.dma_semaphore, #tpu.memory_space<semaphore_mem>>) src(%arg7 : memref<448x128xf32, #tpu.memory_space<vmem>>) dst(%dma_wait3A_779 : memref<448x128xf32, #tpu.memory_space<hbm>>)
          }
          %while3A_769 = arith.constant 1 : i32
          scf.for %while3A_770 = %while3A_767 to %while3A_763 step %while3A_769  : i32 {
            %mul3A_771 = arith.muli %while3A_770, %while3A_759 : i32
            %add3A_772 = arith.addi %while3A_760, %mul3A_771 : i32
            %dma_wait3A_773 = arith.constant 0 : i32
            %dma_wait3A_774 = arith.constant 0 : i32
            %dma_wait3A_775 = tpu.memref_slice %arg4[%select_n3A_28, %dma_wait3A_774] : memref<800000x128xf32, #tpu.memory_space<hbm>> -> memref<448x128xf32, #tpu.memory_space<hbm>>
            %dma_wait3A_776 = tpu.memref_slice %arg11[%dma_wait3A_773] : memref<8x!tpu.dma_semaphore, #tpu.memory_space<semaphore_mem>> -> memref<1x!tpu.dma_semaphore, #tpu.memory_space<semaphore_mem>>
            %dma_wait3A_777 = tpu.memref_squeeze %dma_wait3A_776 : memref<1x!tpu.dma_semaphore, #tpu.memory_space<semaphore_mem>> -> memref<!tpu.dma_semaphore, #tpu.memory_space<semaphore_mem>>
            %dma_wait3A_778 = arith.constant 0 : i32
            %dma_wait3A_779 = tpu.memref_slice %arg4[%select_n3A_28, %dma_wait3A_778] : memref<800000x128xf32, #tpu.memory_space<hbm>> -> memref<448x128xf32, #tpu.memory_space<hbm>>
            tpu.wait_dma2 semaphore(%dma_wait3A_777 : memref<!tpu.dma_semaphore, #tpu.memory_space<semaphore_mem>>) src(%arg7 : memref<448x128xf32, #tpu.memory_space<vmem>>) dst(%dma_wait3A_779 : memref<448x128xf32, #tpu.memory_space<hbm>>)
          }
        } else {
        }
        %le3A_670 = arith.constant 1 : i32
        %le3A_671 = arith.cmpi sle, %get3A_662, %le3A_670 : i32
        %gt3A_672 = arith.constant 1 : i32
        %gt3A_673 = arith.cmpi sgt, %select_n3A_659, %gt3A_672 : i32
        %and3A_674 = arith.andi %le3A_671, %gt3A_673 : i1
        %convert_element_type3A_675 = arith.extui %and3A_674 : i1 to i32
        %cond3A_676 = arith.constant 0 : i32
        %cond3A_677 = arith.cmpi ne, %convert_element_type3A_675, %cond3A_676 : i32
        scf.if %cond3A_677 {
          %mul3A_745 = arith.constant 1 : i32
          %mul3A_746 = arith.muli %mul3A_745, %select_n3A_81 : i32
          %sub3A_747 = arith.subi %add3A_53, %mul3A_746 : i32
          %jit3A_748 = arith.constant 0 : i32
          %max3A_749 = arith.maxsi %jit3A_748, %sub3A_747 : i32
          %min3A_750 = arith.minsi %select_n3A_81, %max3A_749 : i32
          %sub3A_751 = arith.constant 0 : i32
          %sub3A_752 = arith.subi %min3A_750, %sub3A_751 : i32
          %sub3A_753 = arith.constant 1 : i32
          %sub3A_754 = arith.constant 1 : i32
          %sub3A_755 = arith.subi %sub3A_753, %sub3A_754 : i32
          %add3A_756 = arith.addi %sub3A_752, %sub3A_755 : i32
          %div3A_757 = arith.constant 1 : i32
          %div3A_758 = arith.divsi %add3A_756, %div3A_757 : i32
          %while3A_759 = arith.constant 1 : i32
          %while3A_760 = arith.constant 0 : i32
          %while3A_761 = arith.constant 0 : i32
          %while3A_762 = arith.subi %div3A_758, %while3A_761 : i32
          %while3A_763 = arith.addi %while3A_761, %while3A_762 : i32
          %while3A_764 = arith.constant 1 : i32
          %while3A_765 = arith.divsi %while3A_762, %while3A_764 : i32
          %while3A_766 = arith.muli %while3A_765, %while3A_764 : i32
          %while3A_767 = arith.addi %while3A_761, %while3A_766 : i32
          %while3A_768 = arith.constant 1 : i32
          scf.for %while3A_770 = %while3A_761 to %while3A_767 step %while3A_768  : i32 {
            %mul3A_771 = arith.muli %while3A_770, %while3A_759 : i32
            %add3A_772 = arith.addi %while3A_760, %mul3A_771 : i32
            %dma_wait3A_773 = arith.constant 1 : i32
            %dma_wait3A_774 = arith.constant 0 : i32
            %dma_wait3A_775 = tpu.memref_slice %arg4[%select_n3A_28, %dma_wait3A_774] : memref<800000x128xf32, #tpu.memory_space<hbm>> -> memref<448x128xf32, #tpu.memory_space<hbm>>
            %dma_wait3A_776 = tpu.memref_slice %arg11[%dma_wait3A_773] : memref<8x!tpu.dma_semaphore, #tpu.memory_space<semaphore_mem>> -> memref<1x!tpu.dma_semaphore, #tpu.memory_space<semaphore_mem>>
            %dma_wait3A_777 = tpu.memref_squeeze %dma_wait3A_776 : memref<1x!tpu.dma_semaphore, #tpu.memory_space<semaphore_mem>> -> memref<!tpu.dma_semaphore, #tpu.memory_space<semaphore_mem>>
            %dma_wait3A_778 = arith.constant 0 : i32
            %dma_wait3A_779 = tpu.memref_slice %arg4[%select_n3A_28, %dma_wait3A_778] : memref<800000x128xf32, #tpu.memory_space<hbm>> -> memref<448x128xf32, #tpu.memory_space<hbm>>
            tpu.wait_dma2 semaphore(%dma_wait3A_777 : memref<!tpu.dma_semaphore, #tpu.memory_space<semaphore_mem>>) src(%arg7 : memref<448x128xf32, #tpu.memory_space<vmem>>) dst(%dma_wait3A_779 : memref<448x128xf32, #tpu.memory_space<hbm>>)
          }
          %while3A_769 = arith.constant 1 : i32
          scf.for %while3A_770 = %while3A_767 to %while3A_763 step %while3A_769  : i32 {
            %mul3A_771 = arith.muli %while3A_770, %while3A_759 : i32
            %add3A_772 = arith.addi %while3A_760, %mul3A_771 : i32
            %dma_wait3A_773 = arith.constant 1 : i32
            %dma_wait3A_774 = arith.constant 0 : i32
            %dma_wait3A_775 = tpu.memref_slice %arg4[%select_n3A_28, %dma_wait3A_774] : memref<800000x128xf32, #tpu.memory_space<hbm>> -> memref<448x128xf32, #tpu.memory_space<hbm>>
            %dma_wait3A_776 = tpu.memref_slice %arg11[%dma_wait3A_773] : memref<8x!tpu.dma_semaphore, #tpu.memory_space<semaphore_mem>> -> memref<1x!tpu.dma_semaphore, #tpu.memory_space<semaphore_mem>>
            %dma_wait3A_777 = tpu.memref_squeeze %dma_wait3A_776 : memref<1x!tpu.dma_semaphore, #tpu.memory_space<semaphore_mem>> -> memref<!tpu.dma_semaphore, #tpu.memory_space<semaphore_mem>>
            %dma_wait3A_778 = arith.constant 0 : i32
            %dma_wait3A_779 = tpu.memref_slice %arg4[%select_n3A_28, %dma_wait3A_778] : memref<800000x128xf32, #tpu.memory_space<hbm>> -> memref<448x128xf32, #tpu.memory_space<hbm>>
            tpu.wait_dma2 semaphore(%dma_wait3A_777 : memref<!tpu.dma_semaphore, #tpu.memory_space<semaphore_mem>>) src(%arg7 : memref<448x128xf32, #tpu.memory_space<vmem>>) dst(%dma_wait3A_779 : memref<448x128xf32, #tpu.memory_space<hbm>>)
          }
        } else {
        }
        %le3A_678 = arith.constant 2 : i32
        %le3A_679 = arith.cmpi sle, %get3A_662, %le3A_678 : i32
        %gt3A_680 = arith.constant 2 : i32
        %gt3A_681 = arith.cmpi sgt, %select_n3A_659, %gt3A_680 : i32
        %and3A_682 = arith.andi %le3A_679, %gt3A_681 : i1
        %convert_element_type3A_683 = arith.extui %and3A_682 : i1 to i32
        %cond3A_684 = arith.constant 0 : i32
        %cond3A_685 = arith.cmpi ne, %convert_element_type3A_683, %cond3A_684 : i32
        scf.if %cond3A_685 {
          %mul3A_745 = arith.constant 2 : i32
          %mul3A_746 = arith.muli %mul3A_745, %select_n3A_81 : i32
          %sub3A_747 = arith.subi %add3A_53, %mul3A_746 : i32
          %jit3A_748 = arith.constant 0 : i32
          %max3A_749 = arith.maxsi %jit3A_748, %sub3A_747 : i32
          %min3A_750 = arith.minsi %select_n3A_81, %max3A_749 : i32
          %sub3A_751 = arith.constant 0 : i32
          %sub3A_752 = arith.subi %min3A_750, %sub3A_751 : i32
          %sub3A_753 = arith.constant 1 : i32
          %sub3A_754 = arith.constant 1 : i32
          %sub3A_755 = arith.subi %sub3A_753, %sub3A_754 : i32
          %add3A_756 = arith.addi %sub3A_752, %sub3A_755 : i32
          %div3A_757 = arith.constant 1 : i32
          %div3A_758 = arith.divsi %add3A_756, %div3A_757 : i32
          %while3A_759 = arith.constant 1 : i32
          %while3A_760 = arith.constant 0 : i32
          %while3A_761 = arith.constant 0 : i32
          %while3A_762 = arith.subi %div3A_758, %while3A_761 : i32
          %while3A_763 = arith.addi %while3A_761, %while3A_762 : i32
          %while3A_764 = arith.constant 1 : i32
          %while3A_765 = arith.divsi %while3A_762, %while3A_764 : i32
          %while3A_766 = arith.muli %while3A_765, %while3A_764 : i32
          %while3A_767 = arith.addi %while3A_761, %while3A_766 : i32
          %while3A_768 = arith.constant 1 : i32
          scf.for %while3A_770 = %while3A_761 to %while3A_767 step %while3A_768  : i32 {
            %mul3A_771 = arith.muli %while3A_770, %while3A_759 : i32
            %add3A_772 = arith.addi %while3A_760, %mul3A_771 : i32
            %dma_wait3A_773 = arith.constant 2 : i32
            %dma_wait3A_774 = arith.constant 0 : i32
            %dma_wait3A_775 = tpu.memref_slice %arg4[%select_n3A_28, %dma_wait3A_774] : memref<800000x128xf32, #tpu.memory_space<hbm>> -> memref<448x128xf32, #tpu.memory_space<hbm>>
            %dma_wait3A_776 = tpu.memref_slice %arg11[%dma_wait3A_773] : memref<8x!tpu.dma_semaphore, #tpu.memory_space<semaphore_mem>> -> memref<1x!tpu.dma_semaphore, #tpu.memory_space<semaphore_mem>>
            %dma_wait3A_777 = tpu.memref_squeeze %dma_wait3A_776 : memref<1x!tpu.dma_semaphore, #tpu.memory_space<semaphore_mem>> -> memref<!tpu.dma_semaphore, #tpu.memory_space<semaphore_mem>>
            %dma_wait3A_778 = arith.constant 0 : i32
            %dma_wait3A_779 = tpu.memref_slice %arg4[%select_n3A_28, %dma_wait3A_778] : memref<800000x128xf32, #tpu.memory_space<hbm>> -> memref<448x128xf32, #tpu.memory_space<hbm>>
            tpu.wait_dma2 semaphore(%dma_wait3A_777 : memref<!tpu.dma_semaphore, #tpu.memory_space<semaphore_mem>>) src(%arg7 : memref<448x128xf32, #tpu.memory_space<vmem>>) dst(%dma_wait3A_779 : memref<448x128xf32, #tpu.memory_space<hbm>>)
          }
          %while3A_769 = arith.constant 1 : i32
          scf.for %while3A_770 = %while3A_767 to %while3A_763 step %while3A_769  : i32 {
            %mul3A_771 = arith.muli %while3A_770, %while3A_759 : i32
            %add3A_772 = arith.addi %while3A_760, %mul3A_771 : i32
            %dma_wait3A_773 = arith.constant 2 : i32
            %dma_wait3A_774 = arith.constant 0 : i32
            %dma_wait3A_775 = tpu.memref_slice %arg4[%select_n3A_28, %dma_wait3A_774] : memref<800000x128xf32, #tpu.memory_space<hbm>> -> memref<448x128xf32, #tpu.memory_space<hbm>>
            %dma_wait3A_776 = tpu.memref_slice %arg11[%dma_wait3A_773] : memref<8x!tpu.dma_semaphore, #tpu.memory_space<semaphore_mem>> -> memref<1x!tpu.dma_semaphore, #tpu.memory_space<semaphore_mem>>
            %dma_wait3A_777 = tpu.memref_squeeze %dma_wait3A_776 : memref<1x!tpu.dma_semaphore, #tpu.memory_space<semaphore_mem>> -> memref<!tpu.dma_semaphore, #tpu.memory_space<semaphore_mem>>
            %dma_wait3A_778 = arith.constant 0 : i32
            %dma_wait3A_779 = tpu.memref_slice %arg4[%select_n3A_28, %dma_wait3A_778] : memref<800000x128xf32, #tpu.memory_space<hbm>> -> memref<448x128xf32, #tpu.memory_space<hbm>>
            tpu.wait_dma2 semaphore(%dma_wait3A_777 : memref<!tpu.dma_semaphore, #tpu.memory_space<semaphore_mem>>) src(%arg7 : memref<448x128xf32, #tpu.memory_space<vmem>>) dst(%dma_wait3A_779 : memref<448x128xf32, #tpu.memory_space<hbm>>)
          }
        } else {
        }
        %le3A_686 = arith.constant 3 : i32
        %le3A_687 = arith.cmpi sle, %get3A_662, %le3A_686 : i32
        %gt3A_688 = arith.constant 3 : i32
        %gt3A_689 = arith.cmpi sgt, %select_n3A_659, %gt3A_688 : i32
        %and3A_690 = arith.andi %le3A_687, %gt3A_689 : i1
        %convert_element_type3A_691 = arith.extui %and3A_690 : i1 to i32
        %cond3A_692 = arith.constant 0 : i32
        %cond3A_693 = arith.cmpi ne, %convert_element_type3A_691, %cond3A_692 : i32
        scf.if %cond3A_693 {
          %mul3A_745 = arith.constant 3 : i32
          %mul3A_746 = arith.muli %mul3A_745, %select_n3A_81 : i32
          %sub3A_747 = arith.subi %add3A_53, %mul3A_746 : i32
          %jit3A_748 = arith.constant 0 : i32
          %max3A_749 = arith.maxsi %jit3A_748, %sub3A_747 : i32
          %min3A_750 = arith.minsi %select_n3A_81, %max3A_749 : i32
          %sub3A_751 = arith.constant 0 : i32
          %sub3A_752 = arith.subi %min3A_750, %sub3A_751 : i32
          %sub3A_753 = arith.constant 1 : i32
          %sub3A_754 = arith.constant 1 : i32
          %sub3A_755 = arith.subi %sub3A_753, %sub3A_754 : i32
          %add3A_756 = arith.addi %sub3A_752, %sub3A_755 : i32
          %div3A_757 = arith.constant 1 : i32
          %div3A_758 = arith.divsi %add3A_756, %div3A_757 : i32
          %while3A_759 = arith.constant 1 : i32
          %while3A_760 = arith.constant 0 : i32
          %while3A_761 = arith.constant 0 : i32
          %while3A_762 = arith.subi %div3A_758, %while3A_761 : i32
          %while3A_763 = arith.addi %while3A_761, %while3A_762 : i32
          %while3A_764 = arith.constant 1 : i32
          %while3A_765 = arith.divsi %while3A_762, %while3A_764 : i32
          %while3A_766 = arith.muli %while3A_765, %while3A_764 : i32
          %while3A_767 = arith.addi %while3A_761, %while3A_766 : i32
          %while3A_768 = arith.constant 1 : i32
          scf.for %while3A_770 = %while3A_761 to %while3A_767 step %while3A_768  : i32 {
            %mul3A_771 = arith.muli %while3A_770, %while3A_759 : i32
            %add3A_772 = arith.addi %while3A_760, %mul3A_771 : i32
            %dma_wait3A_773 = arith.constant 3 : i32
            %dma_wait3A_774 = arith.constant 0 : i32
            %dma_wait3A_775 = tpu.memref_slice %arg4[%select_n3A_28, %dma_wait3A_774] : memref<800000x128xf32, #tpu.memory_space<hbm>> -> memref<448x128xf32, #tpu.memory_space<hbm>>
            %dma_wait3A_776 = tpu.memref_slice %arg11[%dma_wait3A_773] : memref<8x!tpu.dma_semaphore, #tpu.memory_space<semaphore_mem>> -> memref<1x!tpu.dma_semaphore, #tpu.memory_space<semaphore_mem>>
            %dma_wait3A_777 = tpu.memref_squeeze %dma_wait3A_776 : memref<1x!tpu.dma_semaphore, #tpu.memory_space<semaphore_mem>> -> memref<!tpu.dma_semaphore, #tpu.memory_space<semaphore_mem>>
            %dma_wait3A_778 = arith.constant 0 : i32
            %dma_wait3A_779 = tpu.memref_slice %arg4[%select_n3A_28, %dma_wait3A_778] : memref<800000x128xf32, #tpu.memory_space<hbm>> -> memref<448x128xf32, #tpu.memory_space<hbm>>
            tpu.wait_dma2 semaphore(%dma_wait3A_777 : memref<!tpu.dma_semaphore, #tpu.memory_space<semaphore_mem>>) src(%arg7 : memref<448x128xf32, #tpu.memory_space<vmem>>) dst(%dma_wait3A_779 : memref<448x128xf32, #tpu.memory_space<hbm>>)
          }
          %while3A_769 = arith.constant 1 : i32
          scf.for %while3A_770 = %while3A_767 to %while3A_763 step %while3A_769  : i32 {
            %mul3A_771 = arith.muli %while3A_770, %while3A_759 : i32
            %add3A_772 = arith.addi %while3A_760, %mul3A_771 : i32
            %dma_wait3A_773 = arith.constant 3 : i32
            %dma_wait3A_774 = arith.constant 0 : i32
            %dma_wait3A_775 = tpu.memref_slice %arg4[%select_n3A_28, %dma_wait3A_774] : memref<800000x128xf32, #tpu.memory_space<hbm>> -> memref<448x128xf32, #tpu.memory_space<hbm>>
            %dma_wait3A_776 = tpu.memref_slice %arg11[%dma_wait3A_773] : memref<8x!tpu.dma_semaphore, #tpu.memory_space<semaphore_mem>> -> memref<1x!tpu.dma_semaphore, #tpu.memory_space<semaphore_mem>>
            %dma_wait3A_777 = tpu.memref_squeeze %dma_wait3A_776 : memref<1x!tpu.dma_semaphore, #tpu.memory_space<semaphore_mem>> -> memref<!tpu.dma_semaphore, #tpu.memory_space<semaphore_mem>>
            %dma_wait3A_778 = arith.constant 0 : i32
            %dma_wait3A_779 = tpu.memref_slice %arg4[%select_n3A_28, %dma_wait3A_778] : memref<800000x128xf32, #tpu.memory_space<hbm>> -> memref<448x128xf32, #tpu.memory_space<hbm>>
            tpu.wait_dma2 semaphore(%dma_wait3A_777 : memref<!tpu.dma_semaphore, #tpu.memory_space<semaphore_mem>>) src(%arg7 : memref<448x128xf32, #tpu.memory_space<vmem>>) dst(%dma_wait3A_779 : memref<448x128xf32, #tpu.memory_space<hbm>>)
          }
        } else {
        }
        %le3A_694 = arith.constant 4 : i32
        %le3A_695 = arith.cmpi sle, %get3A_662, %le3A_694 : i32
        %gt3A_696 = arith.constant 4 : i32
        %gt3A_697 = arith.cmpi sgt, %select_n3A_659, %gt3A_696 : i32
        %and3A_698 = arith.andi %le3A_695, %gt3A_697 : i1
        %convert_element_type3A_699 = arith.extui %and3A_698 : i1 to i32
        %cond3A_700 = arith.constant 0 : i32
        %cond3A_701 = arith.cmpi ne, %convert_element_type3A_699, %cond3A_700 : i32
        scf.if %cond3A_701 {
          %mul3A_745 = arith.constant 4 : i32
          %mul3A_746 = arith.muli %mul3A_745, %select_n3A_81 : i32
          %sub3A_747 = arith.subi %add3A_53, %mul3A_746 : i32
          %jit3A_748 = arith.constant 0 : i32
          %max3A_749 = arith.maxsi %jit3A_748, %sub3A_747 : i32
          %min3A_750 = arith.minsi %select_n3A_81, %max3A_749 : i32
          %sub3A_751 = arith.constant 0 : i32
          %sub3A_752 = arith.subi %min3A_750, %sub3A_751 : i32
          %sub3A_753 = arith.constant 1 : i32
          %sub3A_754 = arith.constant 1 : i32
          %sub3A_755 = arith.subi %sub3A_753, %sub3A_754 : i32
          %add3A_756 = arith.addi %sub3A_752, %sub3A_755 : i32
          %div3A_757 = arith.constant 1 : i32
          %div3A_758 = arith.divsi %add3A_756, %div3A_757 : i32
          %while3A_759 = arith.constant 1 : i32
          %while3A_760 = arith.constant 0 : i32
          %while3A_761 = arith.constant 0 : i32
          %while3A_762 = arith.subi %div3A_758, %while3A_761 : i32
          %while3A_763 = arith.addi %while3A_761, %while3A_762 : i32
          %while3A_764 = arith.constant 1 : i32
          %while3A_765 = arith.divsi %while3A_762, %while3A_764 : i32
          %while3A_766 = arith.muli %while3A_765, %while3A_764 : i32
          %while3A_767 = arith.addi %while3A_761, %while3A_766 : i32
          %while3A_768 = arith.constant 1 : i32
          scf.for %while3A_770 = %while3A_761 to %while3A_767 step %while3A_768  : i32 {
            %mul3A_771 = arith.muli %while3A_770, %while3A_759 : i32
            %add3A_772 = arith.addi %while3A_760, %mul3A_771 : i32
            %dma_wait3A_773 = arith.constant 4 : i32
            %dma_wait3A_774 = arith.constant 0 : i32
            %dma_wait3A_775 = tpu.memref_slice %arg4[%select_n3A_28, %dma_wait3A_774] : memref<800000x128xf32, #tpu.memory_space<hbm>> -> memref<448x128xf32, #tpu.memory_space<hbm>>
            %dma_wait3A_776 = tpu.memref_slice %arg11[%dma_wait3A_773] : memref<8x!tpu.dma_semaphore, #tpu.memory_space<semaphore_mem>> -> memref<1x!tpu.dma_semaphore, #tpu.memory_space<semaphore_mem>>
            %dma_wait3A_777 = tpu.memref_squeeze %dma_wait3A_776 : memref<1x!tpu.dma_semaphore, #tpu.memory_space<semaphore_mem>> -> memref<!tpu.dma_semaphore, #tpu.memory_space<semaphore_mem>>
            %dma_wait3A_778 = arith.constant 0 : i32
            %dma_wait3A_779 = tpu.memref_slice %arg4[%select_n3A_28, %dma_wait3A_778] : memref<800000x128xf32, #tpu.memory_space<hbm>> -> memref<448x128xf32, #tpu.memory_space<hbm>>
            tpu.wait_dma2 semaphore(%dma_wait3A_777 : memref<!tpu.dma_semaphore, #tpu.memory_space<semaphore_mem>>) src(%arg7 : memref<448x128xf32, #tpu.memory_space<vmem>>) dst(%dma_wait3A_779 : memref<448x128xf32, #tpu.memory_space<hbm>>)
          }
          %while3A_769 = arith.constant 1 : i32
          scf.for %while3A_770 = %while3A_767 to %while3A_763 step %while3A_769  : i32 {
            %mul3A_771 = arith.muli %while3A_770, %while3A_759 : i32
            %add3A_772 = arith.addi %while3A_760, %mul3A_771 : i32
            %dma_wait3A_773 = arith.constant 4 : i32
            %dma_wait3A_774 = arith.constant 0 : i32
            %dma_wait3A_775 = tpu.memref_slice %arg4[%select_n3A_28, %dma_wait3A_774] : memref<800000x128xf32, #tpu.memory_space<hbm>> -> memref<448x128xf32, #tpu.memory_space<hbm>>
            %dma_wait3A_776 = tpu.memref_slice %arg11[%dma_wait3A_773] : memref<8x!tpu.dma_semaphore, #tpu.memory_space<semaphore_mem>> -> memref<1x!tpu.dma_semaphore, #tpu.memory_space<semaphore_mem>>
            %dma_wait3A_777 = tpu.memref_squeeze %dma_wait3A_776 : memref<1x!tpu.dma_semaphore, #tpu.memory_space<semaphore_mem>> -> memref<!tpu.dma_semaphore, #tpu.memory_space<semaphore_mem>>
            %dma_wait3A_778 = arith.constant 0 : i32
            %dma_wait3A_779 = tpu.memref_slice %arg4[%select_n3A_28, %dma_wait3A_778] : memref<800000x128xf32, #tpu.memory_space<hbm>> -> memref<448x128xf32, #tpu.memory_space<hbm>>
            tpu.wait_dma2 semaphore(%dma_wait3A_777 : memref<!tpu.dma_semaphore, #tpu.memory_space<semaphore_mem>>) src(%arg7 : memref<448x128xf32, #tpu.memory_space<vmem>>) dst(%dma_wait3A_779 : memref<448x128xf32, #tpu.memory_space<hbm>>)
          }
        } else {
        }
        %le3A_702 = arith.constant 5 : i32
        %le3A_703 = arith.cmpi sle, %get3A_662, %le3A_702 : i32
        %gt3A_704 = arith.constant 5 : i32
        %gt3A_705 = arith.cmpi sgt, %select_n3A_659, %gt3A_704 : i32
        %and3A_706 = arith.andi %le3A_703, %gt3A_705 : i1
        %convert_element_type3A_707 = arith.extui %and3A_706 : i1 to i32
        %cond3A_708 = arith.constant 0 : i32
        %cond3A_709 = arith.cmpi ne, %convert_element_type3A_707, %cond3A_708 : i32
        scf.if %cond3A_709 {
          %mul3A_745 = arith.constant 5 : i32
          %mul3A_746 = arith.muli %mul3A_745, %select_n3A_81 : i32
          %sub3A_747 = arith.subi %add3A_53, %mul3A_746 : i32
          %jit3A_748 = arith.constant 0 : i32
          %max3A_749 = arith.maxsi %jit3A_748, %sub3A_747 : i32
          %min3A_750 = arith.minsi %select_n3A_81, %max3A_749 : i32
          %sub3A_751 = arith.constant 0 : i32
          %sub3A_752 = arith.subi %min3A_750, %sub3A_751 : i32
          %sub3A_753 = arith.constant 1 : i32
          %sub3A_754 = arith.constant 1 : i32
          %sub3A_755 = arith.subi %sub3A_753, %sub3A_754 : i32
          %add3A_756 = arith.addi %sub3A_752, %sub3A_755 : i32
          %div3A_757 = arith.constant 1 : i32
          %div3A_758 = arith.divsi %add3A_756, %div3A_757 : i32
          %while3A_759 = arith.constant 1 : i32
          %while3A_760 = arith.constant 0 : i32
          %while3A_761 = arith.constant 0 : i32
          %while3A_762 = arith.subi %div3A_758, %while3A_761 : i32
          %while3A_763 = arith.addi %while3A_761, %while3A_762 : i32
          %while3A_764 = arith.constant 1 : i32
          %while3A_765 = arith.divsi %while3A_762, %while3A_764 : i32
          %while3A_766 = arith.muli %while3A_765, %while3A_764 : i32
          %while3A_767 = arith.addi %while3A_761, %while3A_766 : i32
          %while3A_768 = arith.constant 1 : i32
          scf.for %while3A_770 = %while3A_761 to %while3A_767 step %while3A_768  : i32 {
            %mul3A_771 = arith.muli %while3A_770, %while3A_759 : i32
            %add3A_772 = arith.addi %while3A_760, %mul3A_771 : i32
            %dma_wait3A_773 = arith.constant 5 : i32
            %dma_wait3A_774 = arith.constant 0 : i32
            %dma_wait3A_775 = tpu.memref_slice %arg4[%select_n3A_28, %dma_wait3A_774] : memref<800000x128xf32, #tpu.memory_space<hbm>> -> memref<448x128xf32, #tpu.memory_space<hbm>>
            %dma_wait3A_776 = tpu.memref_slice %arg11[%dma_wait3A_773] : memref<8x!tpu.dma_semaphore, #tpu.memory_space<semaphore_mem>> -> memref<1x!tpu.dma_semaphore, #tpu.memory_space<semaphore_mem>>
            %dma_wait3A_777 = tpu.memref_squeeze %dma_wait3A_776 : memref<1x!tpu.dma_semaphore, #tpu.memory_space<semaphore_mem>> -> memref<!tpu.dma_semaphore, #tpu.memory_space<semaphore_mem>>
            %dma_wait3A_778 = arith.constant 0 : i32
            %dma_wait3A_779 = tpu.memref_slice %arg4[%select_n3A_28, %dma_wait3A_778] : memref<800000x128xf32, #tpu.memory_space<hbm>> -> memref<448x128xf32, #tpu.memory_space<hbm>>
            tpu.wait_dma2 semaphore(%dma_wait3A_777 : memref<!tpu.dma_semaphore, #tpu.memory_space<semaphore_mem>>) src(%arg7 : memref<448x128xf32, #tpu.memory_space<vmem>>) dst(%dma_wait3A_779 : memref<448x128xf32, #tpu.memory_space<hbm>>)
          }
          %while3A_769 = arith.constant 1 : i32
          scf.for %while3A_770 = %while3A_767 to %while3A_763 step %while3A_769  : i32 {
            %mul3A_771 = arith.muli %while3A_770, %while3A_759 : i32
            %add3A_772 = arith.addi %while3A_760, %mul3A_771 : i32
            %dma_wait3A_773 = arith.constant 5 : i32
            %dma_wait3A_774 = arith.constant 0 : i32
            %dma_wait3A_775 = tpu.memref_slice %arg4[%select_n3A_28, %dma_wait3A_774] : memref<800000x128xf32, #tpu.memory_space<hbm>> -> memref<448x128xf32, #tpu.memory_space<hbm>>
            %dma_wait3A_776 = tpu.memref_slice %arg11[%dma_wait3A_773] : memref<8x!tpu.dma_semaphore, #tpu.memory_space<semaphore_mem>> -> memref<1x!tpu.dma_semaphore, #tpu.memory_space<semaphore_mem>>
            %dma_wait3A_777 = tpu.memref_squeeze %dma_wait3A_776 : memref<1x!tpu.dma_semaphore, #tpu.memory_space<semaphore_mem>> -> memref<!tpu.dma_semaphore, #tpu.memory_space<semaphore_mem>>
            %dma_wait3A_778 = arith.constant 0 : i32
            %dma_wait3A_779 = tpu.memref_slice %arg4[%select_n3A_28, %dma_wait3A_778] : memref<800000x128xf32, #tpu.memory_space<hbm>> -> memref<448x128xf32, #tpu.memory_space<hbm>>
            tpu.wait_dma2 semaphore(%dma_wait3A_777 : memref<!tpu.dma_semaphore, #tpu.memory_space<semaphore_mem>>) src(%arg7 : memref<448x128xf32, #tpu.memory_space<vmem>>) dst(%dma_wait3A_779 : memref<448x128xf32, #tpu.memory_space<hbm>>)
          }
        } else {
        }
        %le3A_710 = arith.constant 6 : i32
        %le3A_711 = arith.cmpi sle, %get3A_662, %le3A_710 : i32
        %gt3A_712 = arith.constant 6 : i32
        %gt3A_713 = arith.cmpi sgt, %select_n3A_659, %gt3A_712 : i32
        %and3A_714 = arith.andi %le3A_711, %gt3A_713 : i1
        %convert_element_type3A_715 = arith.extui %and3A_714 : i1 to i32
        %cond3A_716 = arith.constant 0 : i32
        %cond3A_717 = arith.cmpi ne, %convert_element_type3A_715, %cond3A_716 : i32
        scf.if %cond3A_717 {
          %mul3A_745 = arith.constant 6 : i32
          %mul3A_746 = arith.muli %mul3A_745, %select_n3A_81 : i32
          %sub3A_747 = arith.subi %add3A_53, %mul3A_746 : i32
          %jit3A_748 = arith.constant 0 : i32
          %max3A_749 = arith.maxsi %jit3A_748, %sub3A_747 : i32
          %min3A_750 = arith.minsi %select_n3A_81, %max3A_749 : i32
          %sub3A_751 = arith.constant 0 : i32
          %sub3A_752 = arith.subi %min3A_750, %sub3A_751 : i32
          %sub3A_753 = arith.constant 1 : i32
          %sub3A_754 = arith.constant 1 : i32
          %sub3A_755 = arith.subi %sub3A_753, %sub3A_754 : i32
          %add3A_756 = arith.addi %sub3A_752, %sub3A_755 : i32
          %div3A_757 = arith.constant 1 : i32
          %div3A_758 = arith.divsi %add3A_756, %div3A_757 : i32
          %while3A_759 = arith.constant 1 : i32
          %while3A_760 = arith.constant 0 : i32
          %while3A_761 = arith.constant 0 : i32
          %while3A_762 = arith.subi %div3A_758, %while3A_761 : i32
          %while3A_763 = arith.addi %while3A_761, %while3A_762 : i32
          %while3A_764 = arith.constant 1 : i32
          %while3A_765 = arith.divsi %while3A_762, %while3A_764 : i32
          %while3A_766 = arith.muli %while3A_765, %while3A_764 : i32
          %while3A_767 = arith.addi %while3A_761, %while3A_766 : i32
          %while3A_768 = arith.constant 1 : i32
          scf.for %while3A_770 = %while3A_761 to %while3A_767 step %while3A_768  : i32 {
            %mul3A_771 = arith.muli %while3A_770, %while3A_759 : i32
            %add3A_772 = arith.addi %while3A_760, %mul3A_771 : i32
            %dma_wait3A_773 = arith.constant 6 : i32
            %dma_wait3A_774 = arith.constant 0 : i32
            %dma_wait3A_775 = tpu.memref_slice %arg4[%select_n3A_28, %dma_wait3A_774] : memref<800000x128xf32, #tpu.memory_space<hbm>> -> memref<448x128xf32, #tpu.memory_space<hbm>>
            %dma_wait3A_776 = tpu.memref_slice %arg11[%dma_wait3A_773] : memref<8x!tpu.dma_semaphore, #tpu.memory_space<semaphore_mem>> -> memref<1x!tpu.dma_semaphore, #tpu.memory_space<semaphore_mem>>
            %dma_wait3A_777 = tpu.memref_squeeze %dma_wait3A_776 : memref<1x!tpu.dma_semaphore, #tpu.memory_space<semaphore_mem>> -> memref<!tpu.dma_semaphore, #tpu.memory_space<semaphore_mem>>
            %dma_wait3A_778 = arith.constant 0 : i32
            %dma_wait3A_779 = tpu.memref_slice %arg4[%select_n3A_28, %dma_wait3A_778] : memref<800000x128xf32, #tpu.memory_space<hbm>> -> memref<448x128xf32, #tpu.memory_space<hbm>>
            tpu.wait_dma2 semaphore(%dma_wait3A_777 : memref<!tpu.dma_semaphore, #tpu.memory_space<semaphore_mem>>) src(%arg7 : memref<448x128xf32, #tpu.memory_space<vmem>>) dst(%dma_wait3A_779 : memref<448x128xf32, #tpu.memory_space<hbm>>)
          }
          %while3A_769 = arith.constant 1 : i32
          scf.for %while3A_770 = %while3A_767 to %while3A_763 step %while3A_769  : i32 {
            %mul3A_771 = arith.muli %while3A_770, %while3A_759 : i32
            %add3A_772 = arith.addi %while3A_760, %mul3A_771 : i32
            %dma_wait3A_773 = arith.constant 6 : i32
            %dma_wait3A_774 = arith.constant 0 : i32
            %dma_wait3A_775 = tpu.memref_slice %arg4[%select_n3A_28, %dma_wait3A_774] : memref<800000x128xf32, #tpu.memory_space<hbm>> -> memref<448x128xf32, #tpu.memory_space<hbm>>
            %dma_wait3A_776 = tpu.memref_slice %arg11[%dma_wait3A_773] : memref<8x!tpu.dma_semaphore, #tpu.memory_space<semaphore_mem>> -> memref<1x!tpu.dma_semaphore, #tpu.memory_space<semaphore_mem>>
            %dma_wait3A_777 = tpu.memref_squeeze %dma_wait3A_776 : memref<1x!tpu.dma_semaphore, #tpu.memory_space<semaphore_mem>> -> memref<!tpu.dma_semaphore, #tpu.memory_space<semaphore_mem>>
            %dma_wait3A_778 = arith.constant 0 : i32
            %dma_wait3A_779 = tpu.memref_slice %arg4[%select_n3A_28, %dma_wait3A_778] : memref<800000x128xf32, #tpu.memory_space<hbm>> -> memref<448x128xf32, #tpu.memory_space<hbm>>
            tpu.wait_dma2 semaphore(%dma_wait3A_777 : memref<!tpu.dma_semaphore, #tpu.memory_space<semaphore_mem>>) src(%arg7 : memref<448x128xf32, #tpu.memory_space<vmem>>) dst(%dma_wait3A_779 : memref<448x128xf32, #tpu.memory_space<hbm>>)
          }
        } else {
        }
        %le3A_718 = arith.constant 7 : i32
        %le3A_719 = arith.cmpi sle, %get3A_662, %le3A_718 : i32
        %gt3A_720 = arith.constant 7 : i32
        %gt3A_721 = arith.cmpi sgt, %select_n3A_659, %gt3A_720 : i32
        %and3A_722 = arith.andi %le3A_719, %gt3A_721 : i1
        %convert_element_type3A_723 = arith.extui %and3A_722 : i1 to i32
        %cond3A_724 = arith.constant 0 : i32
        %cond3A_725 = arith.cmpi ne, %convert_element_type3A_723, %cond3A_724 : i32
        scf.if %cond3A_725 {
          %mul3A_745 = arith.constant 7 : i32
          %mul3A_746 = arith.muli %mul3A_745, %select_n3A_81 : i32
          %sub3A_747 = arith.subi %add3A_53, %mul3A_746 : i32
          %jit3A_748 = arith.constant 0 : i32
          %max3A_749 = arith.maxsi %jit3A_748, %sub3A_747 : i32
          %min3A_750 = arith.minsi %select_n3A_81, %max3A_749 : i32
          %sub3A_751 = arith.constant 0 : i32
          %sub3A_752 = arith.subi %min3A_750, %sub3A_751 : i32
          %sub3A_753 = arith.constant 1 : i32
          %sub3A_754 = arith.constant 1 : i32
          %sub3A_755 = arith.subi %sub3A_753, %sub3A_754 : i32
          %add3A_756 = arith.addi %sub3A_752, %sub3A_755 : i32
          %div3A_757 = arith.constant 1 : i32
          %div3A_758 = arith.divsi %add3A_756, %div3A_757 : i32
          %while3A_759 = arith.constant 1 : i32
          %while3A_760 = arith.constant 0 : i32
          %while3A_761 = arith.constant 0 : i32
          %while3A_762 = arith.subi %div3A_758, %while3A_761 : i32
          %while3A_763 = arith.addi %while3A_761, %while3A_762 : i32
          %while3A_764 = arith.constant 1 : i32
          %while3A_765 = arith.divsi %while3A_762, %while3A_764 : i32
          %while3A_766 = arith.muli %while3A_765, %while3A_764 : i32
          %while3A_767 = arith.addi %while3A_761, %while3A_766 : i32
          %while3A_768 = arith.constant 1 : i32
          scf.for %while3A_770 = %while3A_761 to %while3A_767 step %while3A_768  : i32 {
            %mul3A_771 = arith.muli %while3A_770, %while3A_759 : i32
            %add3A_772 = arith.addi %while3A_760, %mul3A_771 : i32
            %dma_wait3A_773 = arith.constant 7 : i32
            %dma_wait3A_774 = arith.constant 0 : i32
            %dma_wait3A_775 = tpu.memref_slice %arg4[%select_n3A_28, %dma_wait3A_774] : memref<800000x128xf32, #tpu.memory_space<hbm>> -> memref<448x128xf32, #tpu.memory_space<hbm>>
            %dma_wait3A_776 = tpu.memref_slice %arg11[%dma_wait3A_773] : memref<8x!tpu.dma_semaphore, #tpu.memory_space<semaphore_mem>> -> memref<1x!tpu.dma_semaphore, #tpu.memory_space<semaphore_mem>>
            %dma_wait3A_777 = tpu.memref_squeeze %dma_wait3A_776 : memref<1x!tpu.dma_semaphore, #tpu.memory_space<semaphore_mem>> -> memref<!tpu.dma_semaphore, #tpu.memory_space<semaphore_mem>>
            %dma_wait3A_778 = arith.constant 0 : i32
            %dma_wait3A_779 = tpu.memref_slice %arg4[%select_n3A_28, %dma_wait3A_778] : memref<800000x128xf32, #tpu.memory_space<hbm>> -> memref<448x128xf32, #tpu.memory_space<hbm>>
            tpu.wait_dma2 semaphore(%dma_wait3A_777 : memref<!tpu.dma_semaphore, #tpu.memory_space<semaphore_mem>>) src(%arg7 : memref<448x128xf32, #tpu.memory_space<vmem>>) dst(%dma_wait3A_779 : memref<448x128xf32, #tpu.memory_space<hbm>>)
          }
          %while3A_769 = arith.constant 1 : i32
          scf.for %while3A_770 = %while3A_767 to %while3A_763 step %while3A_769  : i32 {
            %mul3A_771 = arith.muli %while3A_770, %while3A_759 : i32
            %add3A_772 = arith.addi %while3A_760, %mul3A_771 : i32
            %dma_wait3A_773 = arith.constant 7 : i32
            %dma_wait3A_774 = arith.constant 0 : i32
            %dma_wait3A_775 = tpu.memref_slice %arg4[%select_n3A_28, %dma_wait3A_774] : memref<800000x128xf32, #tpu.memory_space<hbm>> -> memref<448x128xf32, #tpu.memory_space<hbm>>
            %dma_wait3A_776 = tpu.memref_slice %arg11[%dma_wait3A_773] : memref<8x!tpu.dma_semaphore, #tpu.memory_space<semaphore_mem>> -> memref<1x!tpu.dma_semaphore, #tpu.memory_space<semaphore_mem>>
            %dma_wait3A_777 = tpu.memref_squeeze %dma_wait3A_776 : memref<1x!tpu.dma_semaphore, #tpu.memory_space<semaphore_mem>> -> memref<!tpu.dma_semaphore, #tpu.memory_space<semaphore_mem>>
            %dma_wait3A_778 = arith.constant 0 : i32
            %dma_wait3A_779 = tpu.memref_slice %arg4[%select_n3A_28, %dma_wait3A_778] : memref<800000x128xf32, #tpu.memory_space<hbm>> -> memref<448x128xf32, #tpu.memory_space<hbm>>
            tpu.wait_dma2 semaphore(%dma_wait3A_777 : memref<!tpu.dma_semaphore, #tpu.memory_space<semaphore_mem>>) src(%arg7 : memref<448x128xf32, #tpu.memory_space<vmem>>) dst(%dma_wait3A_779 : memref<448x128xf32, #tpu.memory_space<hbm>>)
          }
        } else {
        }
        %max3A_726 = arith.maxsi %get3A_662, %select_n3A_659 : i32
        %swap3A_727 = arith.constant 0 : i32
        %swap3A_728 = arith.index_cast %swap3A_727 : i32 to index
        %swap3A_729 = memref.load %arg8[%swap3A_728] : memref<1xi32, #tpu.memory_space<smem>>
        memref.store %max3A_726, %arg8[%swap3A_728] : memref<1xi32, #tpu.memory_space<smem>>
        %dma_start3A_730 = arith.constant 1 : i32
        %dma_start3A_731 = arith.constant 1 : i32
        %dma_start3A_732 = arith.constant 1 : i32
        %dma_start3A_733 = arith.constant 0 : i32
        %dma_start3A_734 = arith.constant 0 : i32
        %dma_start3A_735 = tpu.memref_slice %arg6[%dma_start3A_730, %dma_start3A_733, %dma_start3A_734] : memref<4x128x128xf32, #tpu.memory_space<vmem>> -> memref<1x128x128xf32, #tpu.memory_space<vmem>>
        %dma_start3A_736 = tpu.memref_squeeze %dma_start3A_735 : memref<1x128x128xf32, #tpu.memory_space<vmem>> -> memref<128x128xf32, #tpu.memory_space<vmem>>
        %dma_start3A_737 = arith.constant 0 : i32
        %dma_start3A_738 = tpu.memref_slice %arg5[%dma_start3A_731, %dma_start3A_737] : memref<4x128xi32, #tpu.memory_space<vmem>> -> memref<1x128xi32, #tpu.memory_space<vmem>>
        %dma_start3A_739 = tpu.memref_squeeze %dma_start3A_738 : memref<1x128xi32, #tpu.memory_space<vmem>> -> memref<128xi32, #tpu.memory_space<vmem>>
        %dma_start3A_740 = arith.constant 0 : i32
        %dma_start3A_741 = arith.constant 0 : i32
        %dma_start3A_742 = tpu.memref_slice %arg4[%dma_start3A_740, %dma_start3A_741] : memref<800000x128xf32, #tpu.memory_space<hbm>> -> memref<800000x128xf32, #tpu.memory_space<hbm>>
        %dma_start3A_743 = tpu.memref_slice %arg10[%dma_start3A_732] : memref<4x!tpu.dma_semaphore, #tpu.memory_space<semaphore_mem>> -> memref<1x!tpu.dma_semaphore, #tpu.memory_space<semaphore_mem>>
        %dma_start3A_744 = tpu.memref_squeeze %dma_start3A_743 : memref<1x!tpu.dma_semaphore, #tpu.memory_space<semaphore_mem>> -> memref<!tpu.dma_semaphore, #tpu.memory_space<semaphore_mem>>
        tpu.enqueue_indirect_dma source(%dma_start3A_736 : memref<128x128xf32, #tpu.memory_space<vmem>>) target(%dma_start3A_742 : memref<800000x128xf32, #tpu.memory_space<hbm>>) offsets(%dma_start3A_739 : memref<128xi32, #tpu.memory_space<vmem>>) semaphore(%dma_start3A_744 : memref<!tpu.dma_semaphore, #tpu.memory_space<semaphore_mem>>)
      } else {
      }
      %ge3A_515 = arith.constant 2 : i32
      %ge3A_516 = arith.cmpi sge, %add3A_510, %ge3A_515 : i32
      %lt3A_517 = arith.cmpi slt, %add3A_510, %select_n3A : i32
      %and3A_518 = arith.andi %ge3A_516, %lt3A_517 : i1
      %convert_element_type3A_519 = arith.extui %and3A_518 : i1 to i32
      %cond3A_520 = arith.constant 0 : i32
      %cond3A_521 = arith.cmpi ne, %convert_element_type3A_519, %cond3A_520 : i32
      scf.if %cond3A_521 {
        %dma_wait3A = arith.constant 3 : i32
        %dma_wait3A_566 = arith.constant 3 : i32
        %dma_wait3A_567 = arith.constant 3 : i32
        %dma_wait3A_568 = arith.constant 0 : i32
        %dma_wait3A_569 = arith.constant 0 : i32
        %dma_wait3A_570 = tpu.memref_slice %arg6[%dma_wait3A, %dma_wait3A_568, %dma_wait3A_569] : memref<4x128x128xf32, #tpu.memory_space<vmem>> -> memref<1x128x128xf32, #tpu.memory_space<vmem>>
        %dma_wait3A_571 = tpu.memref_squeeze %dma_wait3A_570 : memref<1x128x128xf32, #tpu.memory_space<vmem>> -> memref<128x128xf32, #tpu.memory_space<vmem>>
        %dma_wait3A_572 = arith.constant 0 : i32
        %dma_wait3A_573 = tpu.memref_slice %arg5[%dma_wait3A_566, %dma_wait3A_572] : memref<4x128xi32, #tpu.memory_space<vmem>> -> memref<1x128xi32, #tpu.memory_space<vmem>>
        %dma_wait3A_574 = tpu.memref_squeeze %dma_wait3A_573 : memref<1x128xi32, #tpu.memory_space<vmem>> -> memref<128xi32, #tpu.memory_space<vmem>>
        %dma_wait3A_575 = arith.constant 0 : i32
        %dma_wait3A_576 = arith.constant 0 : i32
        %dma_wait3A_577 = tpu.memref_slice %arg4[%dma_wait3A_575, %dma_wait3A_576] : memref<800000x128xf32, #tpu.memory_space<hbm>> -> memref<800000x128xf32, #tpu.memory_space<hbm>>
        %dma_wait3A_578 = tpu.memref_slice %arg10[%dma_wait3A_567] : memref<4x!tpu.dma_semaphore, #tpu.memory_space<semaphore_mem>> -> memref<1x!tpu.dma_semaphore, #tpu.memory_space<semaphore_mem>>
        %dma_wait3A_579 = tpu.memref_squeeze %dma_wait3A_578 : memref<1x!tpu.dma_semaphore, #tpu.memory_space<semaphore_mem>> -> memref<!tpu.dma_semaphore, #tpu.memory_space<semaphore_mem>>
        tpu.wait_indirect_dma semaphore(%dma_wait3A_579 : memref<!tpu.dma_semaphore, #tpu.memory_space<semaphore_mem>>) src(%dma_wait3A_571 : memref<128x128xf32, #tpu.memory_space<vmem>>) dst(%dma_wait3A_577 : memref<800000x128xf32, #tpu.memory_space<hbm>>)
      } else {
      }
      %add3A_522 = arith.constant 2 : i32
      %add3A_523 = arith.addi %add3A_510, %add3A_522 : i32
      %lt3A_524 = arith.cmpi slt, %add3A_523, %select_n3A : i32
      %convert_element_type3A_525 = arith.extui %lt3A_524 : i1 to i32
      %cond3A_526 = arith.constant 0 : i32
      %cond3A_527 = arith.cmpi ne, %convert_element_type3A_525, %cond3A_526 : i32
      scf.if %cond3A_527 {
        %add3A_566 = arith.addi %mul3A_2, %add3A_510 : i32
        %add3A_567 = arith.constant 2 : i32
        %add3A_568 = arith.addi %add3A_566, %add3A_567 : i32
        %dma_start3A_569 = arith.constant 3 : i32
        %dma_start3A_570 = arith.constant 3 : i32
        %dma_start3A_571 = arith.constant 0 : i32
        %dma_start3A_572 = tpu.memref_slice %arg5[%dma_start3A_569, %dma_start3A_571] : memref<4x128xi32, #tpu.memory_space<vmem>> -> memref<1x128xi32, #tpu.memory_space<vmem>>
        %dma_start3A_573 = tpu.memref_squeeze %dma_start3A_572 : memref<1x128xi32, #tpu.memory_space<vmem>> -> memref<128xi32, #tpu.memory_space<vmem>>
        %dma_start3A_574 = arith.constant 0 : i32
        %dma_start3A_575 = tpu.memref_slice %arg3[%add3A_568, %dma_start3A_574] : memref<3125x128xi32, #tpu.memory_space<hbm>> -> memref<1x128xi32, #tpu.memory_space<hbm>>
        %dma_start3A_576 = tpu.memref_squeeze %dma_start3A_575 : memref<1x128xi32, #tpu.memory_space<hbm>> -> memref<128xi32, #tpu.memory_space<hbm>>
        %dma_start3A_577 = tpu.memref_slice %arg9[%dma_start3A_570] : memref<4x!tpu.dma_semaphore, #tpu.memory_space<semaphore_mem>> -> memref<1x!tpu.dma_semaphore, #tpu.memory_space<semaphore_mem>>
        %dma_start3A_578 = tpu.memref_squeeze %dma_start3A_577 : memref<1x!tpu.dma_semaphore, #tpu.memory_space<semaphore_mem>> -> memref<!tpu.dma_semaphore, #tpu.memory_space<semaphore_mem>>
        %dma_start3A_579 = arith.constant 0 : i32
        %dma_start3A_580 = tpu.memref_slice %arg5[%dma_start3A_569, %dma_start3A_579] : memref<4x128xi32, #tpu.memory_space<vmem>> -> memref<1x128xi32, #tpu.memory_space<vmem>>
        %dma_start3A_581 = tpu.memref_squeeze %dma_start3A_580 : memref<1x128xi32, #tpu.memory_space<vmem>> -> memref<128xi32, #tpu.memory_space<vmem>>
        %dma_start3A_582 = arith.constant 0 : i32
        %dma_start3A_583 = tpu.memref_slice %arg3[%add3A_568, %dma_start3A_582] : memref<3125x128xi32, #tpu.memory_space<hbm>> -> memref<1x128xi32, #tpu.memory_space<hbm>>
        %dma_start3A_584 = tpu.memref_squeeze %dma_start3A_583 : memref<1x128xi32, #tpu.memory_space<hbm>> -> memref<128xi32, #tpu.memory_space<hbm>>
        tpu.enqueue_dma source(%dma_start3A_584 : memref<128xi32, #tpu.memory_space<hbm>>) target(%dma_start3A_581 : memref<128xi32, #tpu.memory_space<vmem>>) target_semaphore(%dma_start3A_578 : memref<!tpu.dma_semaphore, #tpu.memory_space<semaphore_mem>>)
        %mul3A_585 = arith.constant 128 : i32
        %mul3A_586 = arith.muli %add3A_568, %mul3A_585 : i32
        %dma_start3A_587 = arith.constant 3 : i32
        %dma_start3A_588 = arith.constant 3 : i32
        %dma_start3A_589 = arith.constant 0 : i32
        %dma_start3A_590 = arith.constant 0 : i32
        %dma_start3A_591 = tpu.memref_slice %arg6[%dma_start3A_587, %dma_start3A_589, %dma_start3A_590] : memref<4x128x128xf32, #tpu.memory_space<vmem>> -> memref<1x128x128xf32, #tpu.memory_space<vmem>>
        %dma_start3A_592 = tpu.memref_squeeze %dma_start3A_591 : memref<1x128x128xf32, #tpu.memory_space<vmem>> -> memref<128x128xf32, #tpu.memory_space<vmem>>
        %dma_start3A_593 = arith.constant 0 : i32
        %dma_start3A_594 = tpu.memref_slice %arg2[%mul3A_586, %dma_start3A_593] : memref<400000x128xf32, #tpu.memory_space<hbm>> -> memref<128x128xf32, #tpu.memory_space<hbm>>
        %dma_start3A_595 = tpu.memref_slice %arg9[%dma_start3A_588] : memref<4x!tpu.dma_semaphore, #tpu.memory_space<semaphore_mem>> -> memref<1x!tpu.dma_semaphore, #tpu.memory_space<semaphore_mem>>
        %dma_start3A_596 = tpu.memref_squeeze %dma_start3A_595 : memref<1x!tpu.dma_semaphore, #tpu.memory_space<semaphore_mem>> -> memref<!tpu.dma_semaphore, #tpu.memory_space<semaphore_mem>>
        %dma_start3A_597 = arith.constant 0 : i32
        %dma_start3A_598 = arith.constant 0 : i32
        %dma_start3A_599 = tpu.memref_slice %arg6[%dma_start3A_587, %dma_start3A_597, %dma_start3A_598] : memref<4x128x128xf32, #tpu.memory_space<vmem>> -> memref<1x128x128xf32, #tpu.memory_space<vmem>>
        %dma_start3A_600 = tpu.memref_squeeze %dma_start3A_599 : memref<1x128x128xf32, #tpu.memory_space<vmem>> -> memref<128x128xf32, #tpu.memory_space<vmem>>
        %dma_start3A_601 = arith.constant 0 : i32
        %dma_start3A_602 = tpu.memref_slice %arg2[%mul3A_586, %dma_start3A_601] : memref<400000x128xf32, #tpu.memory_space<hbm>> -> memref<128x128xf32, #tpu.memory_space<hbm>>
        tpu.enqueue_dma source(%dma_start3A_602 : memref<128x128xf32, #tpu.memory_space<hbm>>) target(%dma_start3A_600 : memref<128x128xf32, #tpu.memory_space<vmem>>) target_semaphore(%dma_start3A_596 : memref<!tpu.dma_semaphore, #tpu.memory_space<semaphore_mem>>)
      } else {
      }
      %add3A_528 = arith.constant 2 : i32
      %add3A_529 = arith.addi %add3A_491, %add3A_528 : i32
      %lt3A_530 = arith.cmpi slt, %add3A_529, %select_n3A : i32
      %convert_element_type3A_531 = arith.extui %lt3A_530 : i1 to i32
      %cond3A_532 = arith.constant 0 : i32
      %cond3A_533 = arith.cmpi ne, %convert_element_type3A_531, %cond3A_532 : i32
      scf.if %cond3A_533 {
        %dma_wait3A = arith.constant 2 : i32
        %dma_wait3A_566 = arith.constant 2 : i32
        %dma_wait3A_567 = arith.constant 0 : i32
        %dma_wait3A_568 = tpu.memref_slice %arg5[%dma_wait3A, %dma_wait3A_567] : memref<4x128xi32, #tpu.memory_space<vmem>> -> memref<1x128xi32, #tpu.memory_space<vmem>>
        %dma_wait3A_569 = tpu.memref_squeeze %dma_wait3A_568 : memref<1x128xi32, #tpu.memory_space<vmem>> -> memref<128xi32, #tpu.memory_space<vmem>>
        %dma_wait3A_570 = arith.constant 0 : i32
        %dma_wait3A_571 = tpu.memref_slice %arg3[%mul3A_2, %dma_wait3A_570] : memref<3125x128xi32, #tpu.memory_space<hbm>> -> memref<1x128xi32, #tpu.memory_space<hbm>>
        %dma_wait3A_572 = tpu.memref_squeeze %dma_wait3A_571 : memref<1x128xi32, #tpu.memory_space<hbm>> -> memref<128xi32, #tpu.memory_space<hbm>>
        %dma_wait3A_573 = tpu.memref_slice %arg9[%dma_wait3A_566] : memref<4x!tpu.dma_semaphore, #tpu.memory_space<semaphore_mem>> -> memref<1x!tpu.dma_semaphore, #tpu.memory_space<semaphore_mem>>
        %dma_wait3A_574 = tpu.memref_squeeze %dma_wait3A_573 : memref<1x!tpu.dma_semaphore, #tpu.memory_space<semaphore_mem>> -> memref<!tpu.dma_semaphore, #tpu.memory_space<semaphore_mem>>
        %dma_wait3A_575 = arith.constant 0 : i32
        %dma_wait3A_576 = tpu.memref_slice %arg5[%dma_wait3A, %dma_wait3A_575] : memref<4x128xi32, #tpu.memory_space<vmem>> -> memref<1x128xi32, #tpu.memory_space<vmem>>
        %dma_wait3A_577 = tpu.memref_squeeze %dma_wait3A_576 : memref<1x128xi32, #tpu.memory_space<vmem>> -> memref<128xi32, #tpu.memory_space<vmem>>
        %dma_wait3A_578 = arith.constant 0 : i32
        %dma_wait3A_579 = tpu.memref_slice %arg3[%mul3A_2, %dma_wait3A_578] : memref<3125x128xi32, #tpu.memory_space<hbm>> -> memref<1x128xi32, #tpu.memory_space<hbm>>
        %dma_wait3A_580 = tpu.memref_squeeze %dma_wait3A_579 : memref<1x128xi32, #tpu.memory_space<hbm>> -> memref<128xi32, #tpu.memory_space<hbm>>
        tpu.wait_dma2 semaphore(%dma_wait3A_574 : memref<!tpu.dma_semaphore, #tpu.memory_space<semaphore_mem>>) src(%dma_wait3A_580 : memref<128xi32, #tpu.memory_space<hbm>>) dst(%dma_wait3A_577 : memref<128xi32, #tpu.memory_space<vmem>>)
        %dma_wait3A_581 = arith.constant 2 : i32
        %dma_wait3A_582 = arith.constant 2 : i32
        %dma_wait3A_583 = arith.constant 0 : i32
        %dma_wait3A_584 = arith.constant 0 : i32
        %dma_wait3A_585 = tpu.memref_slice %arg6[%dma_wait3A_581, %dma_wait3A_583, %dma_wait3A_584] : memref<4x128x128xf32, #tpu.memory_space<vmem>> -> memref<1x128x128xf32, #tpu.memory_space<vmem>>
        %dma_wait3A_586 = tpu.memref_squeeze %dma_wait3A_585 : memref<1x128x128xf32, #tpu.memory_space<vmem>> -> memref<128x128xf32, #tpu.memory_space<vmem>>
        %dma_wait3A_587 = arith.constant 0 : i32
        %dma_wait3A_588 = arith.constant 0 : i32
        %dma_wait3A_589 = tpu.memref_slice %arg2[%dma_wait3A_587, %dma_wait3A_588] : memref<400000x128xf32, #tpu.memory_space<hbm>> -> memref<128x128xf32, #tpu.memory_space<hbm>>
        %dma_wait3A_590 = tpu.memref_slice %arg9[%dma_wait3A_582] : memref<4x!tpu.dma_semaphore, #tpu.memory_space<semaphore_mem>> -> memref<1x!tpu.dma_semaphore, #tpu.memory_space<semaphore_mem>>
        %dma_wait3A_591 = tpu.memref_squeeze %dma_wait3A_590 : memref<1x!tpu.dma_semaphore, #tpu.memory_space<semaphore_mem>> -> memref<!tpu.dma_semaphore, #tpu.memory_space<semaphore_mem>>
        %dma_wait3A_592 = arith.constant 0 : i32
        %dma_wait3A_593 = arith.constant 0 : i32
        %dma_wait3A_594 = tpu.memref_slice %arg6[%dma_wait3A_581, %dma_wait3A_592, %dma_wait3A_593] : memref<4x128x128xf32, #tpu.memory_space<vmem>> -> memref<1x128x128xf32, #tpu.memory_space<vmem>>
        %dma_wait3A_595 = tpu.memref_squeeze %dma_wait3A_594 : memref<1x128x128xf32, #tpu.memory_space<vmem>> -> memref<128x128xf32, #tpu.memory_space<vmem>>
        %dma_wait3A_596 = arith.constant 0 : i32
        %dma_wait3A_597 = arith.constant 0 : i32
        %dma_wait3A_598 = tpu.memref_slice %arg2[%dma_wait3A_596, %dma_wait3A_597] : memref<400000x128xf32, #tpu.memory_space<hbm>> -> memref<128x128xf32, #tpu.memory_space<hbm>>
        tpu.wait_dma2 semaphore(%dma_wait3A_591 : memref<!tpu.dma_semaphore, #tpu.memory_space<semaphore_mem>>) src(%dma_wait3A_598 : memref<128x128xf32, #tpu.memory_space<hbm>>) dst(%dma_wait3A_595 : memref<128x128xf32, #tpu.memory_space<vmem>>)
        %get3A_599 = arith.constant 2 : i32
        %get3A_600 = arith.index_cast %get3A_599 : i32 to index
        %get3A_601 = arith.constant 112 : index
        %get3A_602 = tpu.vector_load %arg5[%get3A_600, %get3A_601] {strides = array<i32>} : memref<4x128xi32, #tpu.memory_space<vmem>>, vector<1x16xi32>,
        %get3A_603 = vector.shape_cast %get3A_602 : vector<1x16xi32> to vector<16xi32>
        %slice3A_604 = vector.extract_strided_slice %get3A_603 {offsets = [15], sizes = [1], strides = [1]} : vector<16xi32> to vector<1xi32>
        %squeeze3A_605 = vector.extract %slice3A_604[0] : i32 from vector<1xi32>
        %sub3A_606 = arith.subi %squeeze3A_605, %select_n3A_28 : i32
        %jit3A_607 = arith.constant 448 : i32
        %div3A_608 = arith.divsi %sub3A_606, %jit3A_607 : i32
        %sign3A_609 = arith.constant 0 : i32
        %sign3A_610 = arith.cmpi sgt, %sub3A_606, %sign3A_609 : i32
        %sign3A_611 = arith.extui %sign3A_610 : i1 to i32
        %sign3A_612 = arith.constant 0 : i32
        %sign3A_613 = arith.cmpi slt, %sub3A_606, %sign3A_612 : i32
        %sign3A_614 = arith.extui %sign3A_613 : i1 to i32
        %sign3A_615 = arith.subi %sign3A_611, %sign3A_614 : i32
        %sign3A_616 = arith.constant 0 : i32
        %sign3A_617 = arith.cmpi sgt, %jit3A_607, %sign3A_616 : i32
        %sign3A_618 = arith.extui %sign3A_617 : i1 to i32
        %sign3A_619 = arith.constant 0 : i32
        %sign3A_620 = arith.cmpi slt, %jit3A_607, %sign3A_619 : i32
        %sign3A_621 = arith.extui %sign3A_620 : i1 to i32
        %sign3A_622 = arith.subi %sign3A_618, %sign3A_621 : i32
        %ne3A_623 = arith.cmpi ne, %sign3A_615, %sign3A_622 : i32
        %rem3A_624 = arith.remsi %sub3A_606, %jit3A_607 : i32
        %ne3A_625 = arith.constant 0 : i32
        %ne3A_626 = arith.cmpi ne, %rem3A_624, %ne3A_625 : i32
        %and3A_627 = arith.andi %ne3A_623, %ne3A_626 : i1
        %sub3A_628 = arith.constant 1 : i32
        %sub3A_629 = arith.subi %div3A_608, %sub3A_628 : i32
        %select_n3A_630 = arith.select %and3A_627, %sub3A_629, %div3A_608 : i32
        %add3A_631 = arith.constant 1 : i32
        %add3A_632 = arith.addi %select_n3A_630, %add3A_631 : i32
        %min3A_633 = arith.minsi %add3A_632, %add3A_53 : i32
        %add3A_634 = arith.addi %min3A_633, %select_n3A_81 : i32
        %sub3A_635 = arith.constant 1 : i32
        %sub3A_636 = arith.subi %add3A_634, %sub3A_635 : i32
        %div3A_637 = arith.divsi %sub3A_636, %select_n3A_81 : i32
        %sign3A_638 = arith.constant 0 : i32
        %sign3A_639 = arith.cmpi sgt, %sub3A_636, %sign3A_638 : i32
        %sign3A_640 = arith.extui %sign3A_639 : i1 to i32
        %sign3A_641 = arith.constant 0 : i32
        %sign3A_642 = arith.cmpi slt, %sub3A_636, %sign3A_641 : i32
        %sign3A_643 = arith.extui %sign3A_642 : i1 to i32
        %sign3A_644 = arith.subi %sign3A_640, %sign3A_643 : i32
        %sign3A_645 = arith.constant 0 : i32
        %sign3A_646 = arith.cmpi sgt, %select_n3A_81, %sign3A_645 : i32
        %sign3A_647 = arith.extui %sign3A_646 : i1 to i32
        %sign3A_648 = arith.constant 0 : i32
        %sign3A_649 = arith.cmpi slt, %select_n3A_81, %sign3A_648 : i32
        %sign3A_650 = arith.extui %sign3A_649 : i1 to i32
        %sign3A_651 = arith.subi %sign3A_647, %sign3A_650 : i32
        %ne3A_652 = arith.cmpi ne, %sign3A_644, %sign3A_651 : i32
        %rem3A_653 = arith.remsi %sub3A_636, %select_n3A_81 : i32
        %ne3A_654 = arith.constant 0 : i32
        %ne3A_655 = arith.cmpi ne, %rem3A_653, %ne3A_654 : i32
        %and3A_656 = arith.andi %ne3A_652, %ne3A_655 : i1
        %sub3A_657 = arith.constant 1 : i32
        %sub3A_658 = arith.subi %div3A_637, %sub3A_657 : i32
        %select_n3A_659 = arith.select %and3A_656, %sub3A_658, %div3A_637 : i32
        %get3A_660 = arith.constant 0 : i32
        %get3A_661 = arith.index_cast %get3A_660 : i32 to index
        %get3A_662 = memref.load %arg8[%get3A_661] : memref<1xi32, #tpu.memory_space<smem>>
        %le3A_663 = arith.constant 0 : i32
        %le3A_664 = arith.cmpi sle, %get3A_662, %le3A_663 : i32
        %gt3A = arith.constant 0 : i32
        %gt3A_665 = arith.cmpi sgt, %select_n3A_659, %gt3A : i32
        %and3A_666 = arith.andi %le3A_664, %gt3A_665 : i1
        %convert_element_type3A_667 = arith.extui %and3A_666 : i1 to i32
        %cond3A_668 = arith.constant 0 : i32
        %cond3A_669 = arith.cmpi ne, %convert_element_type3A_667, %cond3A_668 : i32
        scf.if %cond3A_669 {
          %mul3A_745 = arith.constant 0 : i32
          %mul3A_746 = arith.muli %mul3A_745, %select_n3A_81 : i32
          %sub3A_747 = arith.subi %add3A_53, %mul3A_746 : i32
          %jit3A_748 = arith.constant 0 : i32
          %max3A_749 = arith.maxsi %jit3A_748, %sub3A_747 : i32
          %min3A_750 = arith.minsi %select_n3A_81, %max3A_749 : i32
          %sub3A_751 = arith.constant 0 : i32
          %sub3A_752 = arith.subi %min3A_750, %sub3A_751 : i32
          %sub3A_753 = arith.constant 1 : i32
          %sub3A_754 = arith.constant 1 : i32
          %sub3A_755 = arith.subi %sub3A_753, %sub3A_754 : i32
          %add3A_756 = arith.addi %sub3A_752, %sub3A_755 : i32
          %div3A_757 = arith.constant 1 : i32
          %div3A_758 = arith.divsi %add3A_756, %div3A_757 : i32
          %while3A_759 = arith.constant 1 : i32
          %while3A_760 = arith.constant 0 : i32
          %while3A_761 = arith.constant 0 : i32
          %while3A_762 = arith.subi %div3A_758, %while3A_761 : i32
          %while3A_763 = arith.addi %while3A_761, %while3A_762 : i32
          %while3A_764 = arith.constant 1 : i32
          %while3A_765 = arith.divsi %while3A_762, %while3A_764 : i32
          %while3A_766 = arith.muli %while3A_765, %while3A_764 : i32
          %while3A_767 = arith.addi %while3A_761, %while3A_766 : i32
          %while3A_768 = arith.constant 1 : i32
          scf.for %while3A_770 = %while3A_761 to %while3A_767 step %while3A_768  : i32 {
            %mul3A_771 = arith.muli %while3A_770, %while3A_759 : i32
            %add3A_772 = arith.addi %while3A_760, %mul3A_771 : i32
            %dma_wait3A_773 = arith.constant 0 : i32
            %dma_wait3A_774 = arith.constant 0 : i32
            %dma_wait3A_775 = tpu.memref_slice %arg4[%select_n3A_28, %dma_wait3A_774] : memref<800000x128xf32, #tpu.memory_space<hbm>> -> memref<448x128xf32, #tpu.memory_space<hbm>>
            %dma_wait3A_776 = tpu.memref_slice %arg11[%dma_wait3A_773] : memref<8x!tpu.dma_semaphore, #tpu.memory_space<semaphore_mem>> -> memref<1x!tpu.dma_semaphore, #tpu.memory_space<semaphore_mem>>
            %dma_wait3A_777 = tpu.memref_squeeze %dma_wait3A_776 : memref<1x!tpu.dma_semaphore, #tpu.memory_space<semaphore_mem>> -> memref<!tpu.dma_semaphore, #tpu.memory_space<semaphore_mem>>
            %dma_wait3A_778 = arith.constant 0 : i32
            %dma_wait3A_779 = tpu.memref_slice %arg4[%select_n3A_28, %dma_wait3A_778] : memref<800000x128xf32, #tpu.memory_space<hbm>> -> memref<448x128xf32, #tpu.memory_space<hbm>>
            tpu.wait_dma2 semaphore(%dma_wait3A_777 : memref<!tpu.dma_semaphore, #tpu.memory_space<semaphore_mem>>) src(%arg7 : memref<448x128xf32, #tpu.memory_space<vmem>>) dst(%dma_wait3A_779 : memref<448x128xf32, #tpu.memory_space<hbm>>)
          }
          %while3A_769 = arith.constant 1 : i32
          scf.for %while3A_770 = %while3A_767 to %while3A_763 step %while3A_769  : i32 {
            %mul3A_771 = arith.muli %while3A_770, %while3A_759 : i32
            %add3A_772 = arith.addi %while3A_760, %mul3A_771 : i32
            %dma_wait3A_773 = arith.constant 0 : i32
            %dma_wait3A_774 = arith.constant 0 : i32
            %dma_wait3A_775 = tpu.memref_slice %arg4[%select_n3A_28, %dma_wait3A_774] : memref<800000x128xf32, #tpu.memory_space<hbm>> -> memref<448x128xf32, #tpu.memory_space<hbm>>
            %dma_wait3A_776 = tpu.memref_slice %arg11[%dma_wait3A_773] : memref<8x!tpu.dma_semaphore, #tpu.memory_space<semaphore_mem>> -> memref<1x!tpu.dma_semaphore, #tpu.memory_space<semaphore_mem>>
            %dma_wait3A_777 = tpu.memref_squeeze %dma_wait3A_776 : memref<1x!tpu.dma_semaphore, #tpu.memory_space<semaphore_mem>> -> memref<!tpu.dma_semaphore, #tpu.memory_space<semaphore_mem>>
            %dma_wait3A_778 = arith.constant 0 : i32
            %dma_wait3A_779 = tpu.memref_slice %arg4[%select_n3A_28, %dma_wait3A_778] : memref<800000x128xf32, #tpu.memory_space<hbm>> -> memref<448x128xf32, #tpu.memory_space<hbm>>
            tpu.wait_dma2 semaphore(%dma_wait3A_777 : memref<!tpu.dma_semaphore, #tpu.memory_space<semaphore_mem>>) src(%arg7 : memref<448x128xf32, #tpu.memory_space<vmem>>) dst(%dma_wait3A_779 : memref<448x128xf32, #tpu.memory_space<hbm>>)
          }
        } else {
        }
        %le3A_670 = arith.constant 1 : i32
        %le3A_671 = arith.cmpi sle, %get3A_662, %le3A_670 : i32
        %gt3A_672 = arith.constant 1 : i32
        %gt3A_673 = arith.cmpi sgt, %select_n3A_659, %gt3A_672 : i32
        %and3A_674 = arith.andi %le3A_671, %gt3A_673 : i1
        %convert_element_type3A_675 = arith.extui %and3A_674 : i1 to i32
        %cond3A_676 = arith.constant 0 : i32
        %cond3A_677 = arith.cmpi ne, %convert_element_type3A_675, %cond3A_676 : i32
        scf.if %cond3A_677 {
          %mul3A_745 = arith.constant 1 : i32
          %mul3A_746 = arith.muli %mul3A_745, %select_n3A_81 : i32
          %sub3A_747 = arith.subi %add3A_53, %mul3A_746 : i32
          %jit3A_748 = arith.constant 0 : i32
          %max3A_749 = arith.maxsi %jit3A_748, %sub3A_747 : i32
          %min3A_750 = arith.minsi %select_n3A_81, %max3A_749 : i32
          %sub3A_751 = arith.constant 0 : i32
          %sub3A_752 = arith.subi %min3A_750, %sub3A_751 : i32
          %sub3A_753 = arith.constant 1 : i32
          %sub3A_754 = arith.constant 1 : i32
          %sub3A_755 = arith.subi %sub3A_753, %sub3A_754 : i32
          %add3A_756 = arith.addi %sub3A_752, %sub3A_755 : i32
          %div3A_757 = arith.constant 1 : i32
          %div3A_758 = arith.divsi %add3A_756, %div3A_757 : i32
          %while3A_759 = arith.constant 1 : i32
          %while3A_760 = arith.constant 0 : i32
          %while3A_761 = arith.constant 0 : i32
          %while3A_762 = arith.subi %div3A_758, %while3A_761 : i32
          %while3A_763 = arith.addi %while3A_761, %while3A_762 : i32
          %while3A_764 = arith.constant 1 : i32
          %while3A_765 = arith.divsi %while3A_762, %while3A_764 : i32
          %while3A_766 = arith.muli %while3A_765, %while3A_764 : i32
          %while3A_767 = arith.addi %while3A_761, %while3A_766 : i32
          %while3A_768 = arith.constant 1 : i32
          scf.for %while3A_770 = %while3A_761 to %while3A_767 step %while3A_768  : i32 {
            %mul3A_771 = arith.muli %while3A_770, %while3A_759 : i32
            %add3A_772 = arith.addi %while3A_760, %mul3A_771 : i32
            %dma_wait3A_773 = arith.constant 1 : i32
            %dma_wait3A_774 = arith.constant 0 : i32
            %dma_wait3A_775 = tpu.memref_slice %arg4[%select_n3A_28, %dma_wait3A_774] : memref<800000x128xf32, #tpu.memory_space<hbm>> -> memref<448x128xf32, #tpu.memory_space<hbm>>
            %dma_wait3A_776 = tpu.memref_slice %arg11[%dma_wait3A_773] : memref<8x!tpu.dma_semaphore, #tpu.memory_space<semaphore_mem>> -> memref<1x!tpu.dma_semaphore, #tpu.memory_space<semaphore_mem>>
            %dma_wait3A_777 = tpu.memref_squeeze %dma_wait3A_776 : memref<1x!tpu.dma_semaphore, #tpu.memory_space<semaphore_mem>> -> memref<!tpu.dma_semaphore, #tpu.memory_space<semaphore_mem>>
            %dma_wait3A_778 = arith.constant 0 : i32
            %dma_wait3A_779 = tpu.memref_slice %arg4[%select_n3A_28, %dma_wait3A_778] : memref<800000x128xf32, #tpu.memory_space<hbm>> -> memref<448x128xf32, #tpu.memory_space<hbm>>
            tpu.wait_dma2 semaphore(%dma_wait3A_777 : memref<!tpu.dma_semaphore, #tpu.memory_space<semaphore_mem>>) src(%arg7 : memref<448x128xf32, #tpu.memory_space<vmem>>) dst(%dma_wait3A_779 : memref<448x128xf32, #tpu.memory_space<hbm>>)
          }
          %while3A_769 = arith.constant 1 : i32
          scf.for %while3A_770 = %while3A_767 to %while3A_763 step %while3A_769  : i32 {
            %mul3A_771 = arith.muli %while3A_770, %while3A_759 : i32
            %add3A_772 = arith.addi %while3A_760, %mul3A_771 : i32
            %dma_wait3A_773 = arith.constant 1 : i32
            %dma_wait3A_774 = arith.constant 0 : i32
            %dma_wait3A_775 = tpu.memref_slice %arg4[%select_n3A_28, %dma_wait3A_774] : memref<800000x128xf32, #tpu.memory_space<hbm>> -> memref<448x128xf32, #tpu.memory_space<hbm>>
            %dma_wait3A_776 = tpu.memref_slice %arg11[%dma_wait3A_773] : memref<8x!tpu.dma_semaphore, #tpu.memory_space<semaphore_mem>> -> memref<1x!tpu.dma_semaphore, #tpu.memory_space<semaphore_mem>>
            %dma_wait3A_777 = tpu.memref_squeeze %dma_wait3A_776 : memref<1x!tpu.dma_semaphore, #tpu.memory_space<semaphore_mem>> -> memref<!tpu.dma_semaphore, #tpu.memory_space<semaphore_mem>>
            %dma_wait3A_778 = arith.constant 0 : i32
            %dma_wait3A_779 = tpu.memref_slice %arg4[%select_n3A_28, %dma_wait3A_778] : memref<800000x128xf32, #tpu.memory_space<hbm>> -> memref<448x128xf32, #tpu.memory_space<hbm>>
            tpu.wait_dma2 semaphore(%dma_wait3A_777 : memref<!tpu.dma_semaphore, #tpu.memory_space<semaphore_mem>>) src(%arg7 : memref<448x128xf32, #tpu.memory_space<vmem>>) dst(%dma_wait3A_779 : memref<448x128xf32, #tpu.memory_space<hbm>>)
          }
        } else {
        }
        %le3A_678 = arith.constant 2 : i32
        %le3A_679 = arith.cmpi sle, %get3A_662, %le3A_678 : i32
        %gt3A_680 = arith.constant 2 : i32
        %gt3A_681 = arith.cmpi sgt, %select_n3A_659, %gt3A_680 : i32
        %and3A_682 = arith.andi %le3A_679, %gt3A_681 : i1
        %convert_element_type3A_683 = arith.extui %and3A_682 : i1 to i32
        %cond3A_684 = arith.constant 0 : i32
        %cond3A_685 = arith.cmpi ne, %convert_element_type3A_683, %cond3A_684 : i32
        scf.if %cond3A_685 {
          %mul3A_745 = arith.constant 2 : i32
          %mul3A_746 = arith.muli %mul3A_745, %select_n3A_81 : i32
          %sub3A_747 = arith.subi %add3A_53, %mul3A_746 : i32
          %jit3A_748 = arith.constant 0 : i32
          %max3A_749 = arith.maxsi %jit3A_748, %sub3A_747 : i32
          %min3A_750 = arith.minsi %select_n3A_81, %max3A_749 : i32
          %sub3A_751 = arith.constant 0 : i32
          %sub3A_752 = arith.subi %min3A_750, %sub3A_751 : i32
          %sub3A_753 = arith.constant 1 : i32
          %sub3A_754 = arith.constant 1 : i32
          %sub3A_755 = arith.subi %sub3A_753, %sub3A_754 : i32
          %add3A_756 = arith.addi %sub3A_752, %sub3A_755 : i32
          %div3A_757 = arith.constant 1 : i32
          %div3A_758 = arith.divsi %add3A_756, %div3A_757 : i32
          %while3A_759 = arith.constant 1 : i32
          %while3A_760 = arith.constant 0 : i32
          %while3A_761 = arith.constant 0 : i32
          %while3A_762 = arith.subi %div3A_758, %while3A_761 : i32
          %while3A_763 = arith.addi %while3A_761, %while3A_762 : i32
          %while3A_764 = arith.constant 1 : i32
          %while3A_765 = arith.divsi %while3A_762, %while3A_764 : i32
          %while3A_766 = arith.muli %while3A_765, %while3A_764 : i32
          %while3A_767 = arith.addi %while3A_761, %while3A_766 : i32
          %while3A_768 = arith.constant 1 : i32
          scf.for %while3A_770 = %while3A_761 to %while3A_767 step %while3A_768  : i32 {
            %mul3A_771 = arith.muli %while3A_770, %while3A_759 : i32
            %add3A_772 = arith.addi %while3A_760, %mul3A_771 : i32
            %dma_wait3A_773 = arith.constant 2 : i32
            %dma_wait3A_774 = arith.constant 0 : i32
            %dma_wait3A_775 = tpu.memref_slice %arg4[%select_n3A_28, %dma_wait3A_774] : memref<800000x128xf32, #tpu.memory_space<hbm>> -> memref<448x128xf32, #tpu.memory_space<hbm>>
            %dma_wait3A_776 = tpu.memref_slice %arg11[%dma_wait3A_773] : memref<8x!tpu.dma_semaphore, #tpu.memory_space<semaphore_mem>> -> memref<1x!tpu.dma_semaphore, #tpu.memory_space<semaphore_mem>>
            %dma_wait3A_777 = tpu.memref_squeeze %dma_wait3A_776 : memref<1x!tpu.dma_semaphore, #tpu.memory_space<semaphore_mem>> -> memref<!tpu.dma_semaphore, #tpu.memory_space<semaphore_mem>>
            %dma_wait3A_778 = arith.constant 0 : i32
            %dma_wait3A_779 = tpu.memref_slice %arg4[%select_n3A_28, %dma_wait3A_778] : memref<800000x128xf32, #tpu.memory_space<hbm>> -> memref<448x128xf32, #tpu.memory_space<hbm>>
            tpu.wait_dma2 semaphore(%dma_wait3A_777 : memref<!tpu.dma_semaphore, #tpu.memory_space<semaphore_mem>>) src(%arg7 : memref<448x128xf32, #tpu.memory_space<vmem>>) dst(%dma_wait3A_779 : memref<448x128xf32, #tpu.memory_space<hbm>>)
          }
          %while3A_769 = arith.constant 1 : i32
          scf.for %while3A_770 = %while3A_767 to %while3A_763 step %while3A_769  : i32 {
            %mul3A_771 = arith.muli %while3A_770, %while3A_759 : i32
            %add3A_772 = arith.addi %while3A_760, %mul3A_771 : i32
            %dma_wait3A_773 = arith.constant 2 : i32
            %dma_wait3A_774 = arith.constant 0 : i32
            %dma_wait3A_775 = tpu.memref_slice %arg4[%select_n3A_28, %dma_wait3A_774] : memref<800000x128xf32, #tpu.memory_space<hbm>> -> memref<448x128xf32, #tpu.memory_space<hbm>>
            %dma_wait3A_776 = tpu.memref_slice %arg11[%dma_wait3A_773] : memref<8x!tpu.dma_semaphore, #tpu.memory_space<semaphore_mem>> -> memref<1x!tpu.dma_semaphore, #tpu.memory_space<semaphore_mem>>
            %dma_wait3A_777 = tpu.memref_squeeze %dma_wait3A_776 : memref<1x!tpu.dma_semaphore, #tpu.memory_space<semaphore_mem>> -> memref<!tpu.dma_semaphore, #tpu.memory_space<semaphore_mem>>
            %dma_wait3A_778 = arith.constant 0 : i32
            %dma_wait3A_779 = tpu.memref_slice %arg4[%select_n3A_28, %dma_wait3A_778] : memref<800000x128xf32, #tpu.memory_space<hbm>> -> memref<448x128xf32, #tpu.memory_space<hbm>>
            tpu.wait_dma2 semaphore(%dma_wait3A_777 : memref<!tpu.dma_semaphore, #tpu.memory_space<semaphore_mem>>) src(%arg7 : memref<448x128xf32, #tpu.memory_space<vmem>>) dst(%dma_wait3A_779 : memref<448x128xf32, #tpu.memory_space<hbm>>)
          }
        } else {
        }
        %le3A_686 = arith.constant 3 : i32
        %le3A_687 = arith.cmpi sle, %get3A_662, %le3A_686 : i32
        %gt3A_688 = arith.constant 3 : i32
        %gt3A_689 = arith.cmpi sgt, %select_n3A_659, %gt3A_688 : i32
        %and3A_690 = arith.andi %le3A_687, %gt3A_689 : i1
        %convert_element_type3A_691 = arith.extui %and3A_690 : i1 to i32
        %cond3A_692 = arith.constant 0 : i32
        %cond3A_693 = arith.cmpi ne, %convert_element_type3A_691, %cond3A_692 : i32
        scf.if %cond3A_693 {
          %mul3A_745 = arith.constant 3 : i32
          %mul3A_746 = arith.muli %mul3A_745, %select_n3A_81 : i32
          %sub3A_747 = arith.subi %add3A_53, %mul3A_746 : i32
          %jit3A_748 = arith.constant 0 : i32
          %max3A_749 = arith.maxsi %jit3A_748, %sub3A_747 : i32
          %min3A_750 = arith.minsi %select_n3A_81, %max3A_749 : i32
          %sub3A_751 = arith.constant 0 : i32
          %sub3A_752 = arith.subi %min3A_750, %sub3A_751 : i32
          %sub3A_753 = arith.constant 1 : i32
          %sub3A_754 = arith.constant 1 : i32
          %sub3A_755 = arith.subi %sub3A_753, %sub3A_754 : i32
          %add3A_756 = arith.addi %sub3A_752, %sub3A_755 : i32
          %div3A_757 = arith.constant 1 : i32
          %div3A_758 = arith.divsi %add3A_756, %div3A_757 : i32
          %while3A_759 = arith.constant 1 : i32
          %while3A_760 = arith.constant 0 : i32
          %while3A_761 = arith.constant 0 : i32
          %while3A_762 = arith.subi %div3A_758, %while3A_761 : i32
          %while3A_763 = arith.addi %while3A_761, %while3A_762 : i32
          %while3A_764 = arith.constant 1 : i32
          %while3A_765 = arith.divsi %while3A_762, %while3A_764 : i32
          %while3A_766 = arith.muli %while3A_765, %while3A_764 : i32
          %while3A_767 = arith.addi %while3A_761, %while3A_766 : i32
          %while3A_768 = arith.constant 1 : i32
          scf.for %while3A_770 = %while3A_761 to %while3A_767 step %while3A_768  : i32 {
            %mul3A_771 = arith.muli %while3A_770, %while3A_759 : i32
            %add3A_772 = arith.addi %while3A_760, %mul3A_771 : i32
            %dma_wait3A_773 = arith.constant 3 : i32
            %dma_wait3A_774 = arith.constant 0 : i32
            %dma_wait3A_775 = tpu.memref_slice %arg4[%select_n3A_28, %dma_wait3A_774] : memref<800000x128xf32, #tpu.memory_space<hbm>> -> memref<448x128xf32, #tpu.memory_space<hbm>>
            %dma_wait3A_776 = tpu.memref_slice %arg11[%dma_wait3A_773] : memref<8x!tpu.dma_semaphore, #tpu.memory_space<semaphore_mem>> -> memref<1x!tpu.dma_semaphore, #tpu.memory_space<semaphore_mem>>
            %dma_wait3A_777 = tpu.memref_squeeze %dma_wait3A_776 : memref<1x!tpu.dma_semaphore, #tpu.memory_space<semaphore_mem>> -> memref<!tpu.dma_semaphore, #tpu.memory_space<semaphore_mem>>
            %dma_wait3A_778 = arith.constant 0 : i32
            %dma_wait3A_779 = tpu.memref_slice %arg4[%select_n3A_28, %dma_wait3A_778] : memref<800000x128xf32, #tpu.memory_space<hbm>> -> memref<448x128xf32, #tpu.memory_space<hbm>>
            tpu.wait_dma2 semaphore(%dma_wait3A_777 : memref<!tpu.dma_semaphore, #tpu.memory_space<semaphore_mem>>) src(%arg7 : memref<448x128xf32, #tpu.memory_space<vmem>>) dst(%dma_wait3A_779 : memref<448x128xf32, #tpu.memory_space<hbm>>)
          }
          %while3A_769 = arith.constant 1 : i32
          scf.for %while3A_770 = %while3A_767 to %while3A_763 step %while3A_769  : i32 {
            %mul3A_771 = arith.muli %while3A_770, %while3A_759 : i32
            %add3A_772 = arith.addi %while3A_760, %mul3A_771 : i32
            %dma_wait3A_773 = arith.constant 3 : i32
            %dma_wait3A_774 = arith.constant 0 : i32
            %dma_wait3A_775 = tpu.memref_slice %arg4[%select_n3A_28, %dma_wait3A_774] : memref<800000x128xf32, #tpu.memory_space<hbm>> -> memref<448x128xf32, #tpu.memory_space<hbm>>
            %dma_wait3A_776 = tpu.memref_slice %arg11[%dma_wait3A_773] : memref<8x!tpu.dma_semaphore, #tpu.memory_space<semaphore_mem>> -> memref<1x!tpu.dma_semaphore, #tpu.memory_space<semaphore_mem>>
            %dma_wait3A_777 = tpu.memref_squeeze %dma_wait3A_776 : memref<1x!tpu.dma_semaphore, #tpu.memory_space<semaphore_mem>> -> memref<!tpu.dma_semaphore, #tpu.memory_space<semaphore_mem>>
            %dma_wait3A_778 = arith.constant 0 : i32
            %dma_wait3A_779 = tpu.memref_slice %arg4[%select_n3A_28, %dma_wait3A_778] : memref<800000x128xf32, #tpu.memory_space<hbm>> -> memref<448x128xf32, #tpu.memory_space<hbm>>
            tpu.wait_dma2 semaphore(%dma_wait3A_777 : memref<!tpu.dma_semaphore, #tpu.memory_space<semaphore_mem>>) src(%arg7 : memref<448x128xf32, #tpu.memory_space<vmem>>) dst(%dma_wait3A_779 : memref<448x128xf32, #tpu.memory_space<hbm>>)
          }
        } else {
        }
        %le3A_694 = arith.constant 4 : i32
        %le3A_695 = arith.cmpi sle, %get3A_662, %le3A_694 : i32
        %gt3A_696 = arith.constant 4 : i32
        %gt3A_697 = arith.cmpi sgt, %select_n3A_659, %gt3A_696 : i32
        %and3A_698 = arith.andi %le3A_695, %gt3A_697 : i1
        %convert_element_type3A_699 = arith.extui %and3A_698 : i1 to i32
        %cond3A_700 = arith.constant 0 : i32
        %cond3A_701 = arith.cmpi ne, %convert_element_type3A_699, %cond3A_700 : i32
        scf.if %cond3A_701 {
          %mul3A_745 = arith.constant 4 : i32
          %mul3A_746 = arith.muli %mul3A_745, %select_n3A_81 : i32
          %sub3A_747 = arith.subi %add3A_53, %mul3A_746 : i32
          %jit3A_748 = arith.constant 0 : i32
          %max3A_749 = arith.maxsi %jit3A_748, %sub3A_747 : i32
          %min3A_750 = arith.minsi %select_n3A_81, %max3A_749 : i32
          %sub3A_751 = arith.constant 0 : i32
          %sub3A_752 = arith.subi %min3A_750, %sub3A_751 : i32
          %sub3A_753 = arith.constant 1 : i32
          %sub3A_754 = arith.constant 1 : i32
          %sub3A_755 = arith.subi %sub3A_753, %sub3A_754 : i32
          %add3A_756 = arith.addi %sub3A_752, %sub3A_755 : i32
          %div3A_757 = arith.constant 1 : i32
          %div3A_758 = arith.divsi %add3A_756, %div3A_757 : i32
          %while3A_759 = arith.constant 1 : i32
          %while3A_760 = arith.constant 0 : i32
          %while3A_761 = arith.constant 0 : i32
          %while3A_762 = arith.subi %div3A_758, %while3A_761 : i32
          %while3A_763 = arith.addi %while3A_761, %while3A_762 : i32
          %while3A_764 = arith.constant 1 : i32
          %while3A_765 = arith.divsi %while3A_762, %while3A_764 : i32
          %while3A_766 = arith.muli %while3A_765, %while3A_764 : i32
          %while3A_767 = arith.addi %while3A_761, %while3A_766 : i32
          %while3A_768 = arith.constant 1 : i32
          scf.for %while3A_770 = %while3A_761 to %while3A_767 step %while3A_768  : i32 {
            %mul3A_771 = arith.muli %while3A_770, %while3A_759 : i32
            %add3A_772 = arith.addi %while3A_760, %mul3A_771 : i32
            %dma_wait3A_773 = arith.constant 4 : i32
            %dma_wait3A_774 = arith.constant 0 : i32
            %dma_wait3A_775 = tpu.memref_slice %arg4[%select_n3A_28, %dma_wait3A_774] : memref<800000x128xf32, #tpu.memory_space<hbm>> -> memref<448x128xf32, #tpu.memory_space<hbm>>
            %dma_wait3A_776 = tpu.memref_slice %arg11[%dma_wait3A_773] : memref<8x!tpu.dma_semaphore, #tpu.memory_space<semaphore_mem>> -> memref<1x!tpu.dma_semaphore, #tpu.memory_space<semaphore_mem>>
            %dma_wait3A_777 = tpu.memref_squeeze %dma_wait3A_776 : memref<1x!tpu.dma_semaphore, #tpu.memory_space<semaphore_mem>> -> memref<!tpu.dma_semaphore, #tpu.memory_space<semaphore_mem>>
            %dma_wait3A_778 = arith.constant 0 : i32
            %dma_wait3A_779 = tpu.memref_slice %arg4[%select_n3A_28, %dma_wait3A_778] : memref<800000x128xf32, #tpu.memory_space<hbm>> -> memref<448x128xf32, #tpu.memory_space<hbm>>
            tpu.wait_dma2 semaphore(%dma_wait3A_777 : memref<!tpu.dma_semaphore, #tpu.memory_space<semaphore_mem>>) src(%arg7 : memref<448x128xf32, #tpu.memory_space<vmem>>) dst(%dma_wait3A_779 : memref<448x128xf32, #tpu.memory_space<hbm>>)
          }
          %while3A_769 = arith.constant 1 : i32
          scf.for %while3A_770 = %while3A_767 to %while3A_763 step %while3A_769  : i32 {
            %mul3A_771 = arith.muli %while3A_770, %while3A_759 : i32
            %add3A_772 = arith.addi %while3A_760, %mul3A_771 : i32
            %dma_wait3A_773 = arith.constant 4 : i32
            %dma_wait3A_774 = arith.constant 0 : i32
            %dma_wait3A_775 = tpu.memref_slice %arg4[%select_n3A_28, %dma_wait3A_774] : memref<800000x128xf32, #tpu.memory_space<hbm>> -> memref<448x128xf32, #tpu.memory_space<hbm>>
            %dma_wait3A_776 = tpu.memref_slice %arg11[%dma_wait3A_773] : memref<8x!tpu.dma_semaphore, #tpu.memory_space<semaphore_mem>> -> memref<1x!tpu.dma_semaphore, #tpu.memory_space<semaphore_mem>>
            %dma_wait3A_777 = tpu.memref_squeeze %dma_wait3A_776 : memref<1x!tpu.dma_semaphore, #tpu.memory_space<semaphore_mem>> -> memref<!tpu.dma_semaphore, #tpu.memory_space<semaphore_mem>>
            %dma_wait3A_778 = arith.constant 0 : i32
            %dma_wait3A_779 = tpu.memref_slice %arg4[%select_n3A_28, %dma_wait3A_778] : memref<800000x128xf32, #tpu.memory_space<hbm>> -> memref<448x128xf32, #tpu.memory_space<hbm>>
            tpu.wait_dma2 semaphore(%dma_wait3A_777 : memref<!tpu.dma_semaphore, #tpu.memory_space<semaphore_mem>>) src(%arg7 : memref<448x128xf32, #tpu.memory_space<vmem>>) dst(%dma_wait3A_779 : memref<448x128xf32, #tpu.memory_space<hbm>>)
          }
        } else {
        }
        %le3A_702 = arith.constant 5 : i32
        %le3A_703 = arith.cmpi sle, %get3A_662, %le3A_702 : i32
        %gt3A_704 = arith.constant 5 : i32
        %gt3A_705 = arith.cmpi sgt, %select_n3A_659, %gt3A_704 : i32
        %and3A_706 = arith.andi %le3A_703, %gt3A_705 : i1
        %convert_element_type3A_707 = arith.extui %and3A_706 : i1 to i32
        %cond3A_708 = arith.constant 0 : i32
        %cond3A_709 = arith.cmpi ne, %convert_element_type3A_707, %cond3A_708 : i32
        scf.if %cond3A_709 {
          %mul3A_745 = arith.constant 5 : i32
          %mul3A_746 = arith.muli %mul3A_745, %select_n3A_81 : i32
          %sub3A_747 = arith.subi %add3A_53, %mul3A_746 : i32
          %jit3A_748 = arith.constant 0 : i32
          %max3A_749 = arith.maxsi %jit3A_748, %sub3A_747 : i32
          %min3A_750 = arith.minsi %select_n3A_81, %max3A_749 : i32
          %sub3A_751 = arith.constant 0 : i32
          %sub3A_752 = arith.subi %min3A_750, %sub3A_751 : i32
          %sub3A_753 = arith.constant 1 : i32
          %sub3A_754 = arith.constant 1 : i32
          %sub3A_755 = arith.subi %sub3A_753, %sub3A_754 : i32
          %add3A_756 = arith.addi %sub3A_752, %sub3A_755 : i32
          %div3A_757 = arith.constant 1 : i32
          %div3A_758 = arith.divsi %add3A_756, %div3A_757 : i32
          %while3A_759 = arith.constant 1 : i32
          %while3A_760 = arith.constant 0 : i32
          %while3A_761 = arith.constant 0 : i32
          %while3A_762 = arith.subi %div3A_758, %while3A_761 : i32
          %while3A_763 = arith.addi %while3A_761, %while3A_762 : i32
          %while3A_764 = arith.constant 1 : i32
          %while3A_765 = arith.divsi %while3A_762, %while3A_764 : i32
          %while3A_766 = arith.muli %while3A_765, %while3A_764 : i32
          %while3A_767 = arith.addi %while3A_761, %while3A_766 : i32
          %while3A_768 = arith.constant 1 : i32
          scf.for %while3A_770 = %while3A_761 to %while3A_767 step %while3A_768  : i32 {
            %mul3A_771 = arith.muli %while3A_770, %while3A_759 : i32
            %add3A_772 = arith.addi %while3A_760, %mul3A_771 : i32
            %dma_wait3A_773 = arith.constant 5 : i32
            %dma_wait3A_774 = arith.constant 0 : i32
            %dma_wait3A_775 = tpu.memref_slice %arg4[%select_n3A_28, %dma_wait3A_774] : memref<800000x128xf32, #tpu.memory_space<hbm>> -> memref<448x128xf32, #tpu.memory_space<hbm>>
            %dma_wait3A_776 = tpu.memref_slice %arg11[%dma_wait3A_773] : memref<8x!tpu.dma_semaphore, #tpu.memory_space<semaphore_mem>> -> memref<1x!tpu.dma_semaphore, #tpu.memory_space<semaphore_mem>>
            %dma_wait3A_777 = tpu.memref_squeeze %dma_wait3A_776 : memref<1x!tpu.dma_semaphore, #tpu.memory_space<semaphore_mem>> -> memref<!tpu.dma_semaphore, #tpu.memory_space<semaphore_mem>>
            %dma_wait3A_778 = arith.constant 0 : i32
            %dma_wait3A_779 = tpu.memref_slice %arg4[%select_n3A_28, %dma_wait3A_778] : memref<800000x128xf32, #tpu.memory_space<hbm>> -> memref<448x128xf32, #tpu.memory_space<hbm>>
            tpu.wait_dma2 semaphore(%dma_wait3A_777 : memref<!tpu.dma_semaphore, #tpu.memory_space<semaphore_mem>>) src(%arg7 : memref<448x128xf32, #tpu.memory_space<vmem>>) dst(%dma_wait3A_779 : memref<448x128xf32, #tpu.memory_space<hbm>>)
          }
          %while3A_769 = arith.constant 1 : i32
          scf.for %while3A_770 = %while3A_767 to %while3A_763 step %while3A_769  : i32 {
            %mul3A_771 = arith.muli %while3A_770, %while3A_759 : i32
            %add3A_772 = arith.addi %while3A_760, %mul3A_771 : i32
            %dma_wait3A_773 = arith.constant 5 : i32
            %dma_wait3A_774 = arith.constant 0 : i32
            %dma_wait3A_775 = tpu.memref_slice %arg4[%select_n3A_28, %dma_wait3A_774] : memref<800000x128xf32, #tpu.memory_space<hbm>> -> memref<448x128xf32, #tpu.memory_space<hbm>>
            %dma_wait3A_776 = tpu.memref_slice %arg11[%dma_wait3A_773] : memref<8x!tpu.dma_semaphore, #tpu.memory_space<semaphore_mem>> -> memref<1x!tpu.dma_semaphore, #tpu.memory_space<semaphore_mem>>
            %dma_wait3A_777 = tpu.memref_squeeze %dma_wait3A_776 : memref<1x!tpu.dma_semaphore, #tpu.memory_space<semaphore_mem>> -> memref<!tpu.dma_semaphore, #tpu.memory_space<semaphore_mem>>
            %dma_wait3A_778 = arith.constant 0 : i32
            %dma_wait3A_779 = tpu.memref_slice %arg4[%select_n3A_28, %dma_wait3A_778] : memref<800000x128xf32, #tpu.memory_space<hbm>> -> memref<448x128xf32, #tpu.memory_space<hbm>>
            tpu.wait_dma2 semaphore(%dma_wait3A_777 : memref<!tpu.dma_semaphore, #tpu.memory_space<semaphore_mem>>) src(%arg7 : memref<448x128xf32, #tpu.memory_space<vmem>>) dst(%dma_wait3A_779 : memref<448x128xf32, #tpu.memory_space<hbm>>)
          }
        } else {
        }
        %le3A_710 = arith.constant 6 : i32
        %le3A_711 = arith.cmpi sle, %get3A_662, %le3A_710 : i32
        %gt3A_712 = arith.constant 6 : i32
        %gt3A_713 = arith.cmpi sgt, %select_n3A_659, %gt3A_712 : i32
        %and3A_714 = arith.andi %le3A_711, %gt3A_713 : i1
        %convert_element_type3A_715 = arith.extui %and3A_714 : i1 to i32
        %cond3A_716 = arith.constant 0 : i32
        %cond3A_717 = arith.cmpi ne, %convert_element_type3A_715, %cond3A_716 : i32
        scf.if %cond3A_717 {
          %mul3A_745 = arith.constant 6 : i32
          %mul3A_746 = arith.muli %mul3A_745, %select_n3A_81 : i32
          %sub3A_747 = arith.subi %add3A_53, %mul3A_746 : i32
          %jit3A_748 = arith.constant 0 : i32
          %max3A_749 = arith.maxsi %jit3A_748, %sub3A_747 : i32
          %min3A_750 = arith.minsi %select_n3A_81, %max3A_749 : i32
          %sub3A_751 = arith.constant 0 : i32
          %sub3A_752 = arith.subi %min3A_750, %sub3A_751 : i32
          %sub3A_753 = arith.constant 1 : i32
          %sub3A_754 = arith.constant 1 : i32
          %sub3A_755 = arith.subi %sub3A_753, %sub3A_754 : i32
          %add3A_756 = arith.addi %sub3A_752, %sub3A_755 : i32
          %div3A_757 = arith.constant 1 : i32
          %div3A_758 = arith.divsi %add3A_756, %div3A_757 : i32
          %while3A_759 = arith.constant 1 : i32
          %while3A_760 = arith.constant 0 : i32
          %while3A_761 = arith.constant 0 : i32
          %while3A_762 = arith.subi %div3A_758, %while3A_761 : i32
          %while3A_763 = arith.addi %while3A_761, %while3A_762 : i32
          %while3A_764 = arith.constant 1 : i32
          %while3A_765 = arith.divsi %while3A_762, %while3A_764 : i32
          %while3A_766 = arith.muli %while3A_765, %while3A_764 : i32
          %while3A_767 = arith.addi %while3A_761, %while3A_766 : i32
          %while3A_768 = arith.constant 1 : i32
          scf.for %while3A_770 = %while3A_761 to %while3A_767 step %while3A_768  : i32 {
            %mul3A_771 = arith.muli %while3A_770, %while3A_759 : i32
            %add3A_772 = arith.addi %while3A_760, %mul3A_771 : i32
            %dma_wait3A_773 = arith.constant 6 : i32
            %dma_wait3A_774 = arith.constant 0 : i32
            %dma_wait3A_775 = tpu.memref_slice %arg4[%select_n3A_28, %dma_wait3A_774] : memref<800000x128xf32, #tpu.memory_space<hbm>> -> memref<448x128xf32, #tpu.memory_space<hbm>>
            %dma_wait3A_776 = tpu.memref_slice %arg11[%dma_wait3A_773] : memref<8x!tpu.dma_semaphore, #tpu.memory_space<semaphore_mem>> -> memref<1x!tpu.dma_semaphore, #tpu.memory_space<semaphore_mem>>
            %dma_wait3A_777 = tpu.memref_squeeze %dma_wait3A_776 : memref<1x!tpu.dma_semaphore, #tpu.memory_space<semaphore_mem>> -> memref<!tpu.dma_semaphore, #tpu.memory_space<semaphore_mem>>
            %dma_wait3A_778 = arith.constant 0 : i32
            %dma_wait3A_779 = tpu.memref_slice %arg4[%select_n3A_28, %dma_wait3A_778] : memref<800000x128xf32, #tpu.memory_space<hbm>> -> memref<448x128xf32, #tpu.memory_space<hbm>>
            tpu.wait_dma2 semaphore(%dma_wait3A_777 : memref<!tpu.dma_semaphore, #tpu.memory_space<semaphore_mem>>) src(%arg7 : memref<448x128xf32, #tpu.memory_space<vmem>>) dst(%dma_wait3A_779 : memref<448x128xf32, #tpu.memory_space<hbm>>)
          }
          %while3A_769 = arith.constant 1 : i32
          scf.for %while3A_770 = %while3A_767 to %while3A_763 step %while3A_769  : i32 {
            %mul3A_771 = arith.muli %while3A_770, %while3A_759 : i32
            %add3A_772 = arith.addi %while3A_760, %mul3A_771 : i32
            %dma_wait3A_773 = arith.constant 6 : i32
            %dma_wait3A_774 = arith.constant 0 : i32
            %dma_wait3A_775 = tpu.memref_slice %arg4[%select_n3A_28, %dma_wait3A_774] : memref<800000x128xf32, #tpu.memory_space<hbm>> -> memref<448x128xf32, #tpu.memory_space<hbm>>
            %dma_wait3A_776 = tpu.memref_slice %arg11[%dma_wait3A_773] : memref<8x!tpu.dma_semaphore, #tpu.memory_space<semaphore_mem>> -> memref<1x!tpu.dma_semaphore, #tpu.memory_space<semaphore_mem>>
            %dma_wait3A_777 = tpu.memref_squeeze %dma_wait3A_776 : memref<1x!tpu.dma_semaphore, #tpu.memory_space<semaphore_mem>> -> memref<!tpu.dma_semaphore, #tpu.memory_space<semaphore_mem>>
            %dma_wait3A_778 = arith.constant 0 : i32
            %dma_wait3A_779 = tpu.memref_slice %arg4[%select_n3A_28, %dma_wait3A_778] : memref<800000x128xf32, #tpu.memory_space<hbm>> -> memref<448x128xf32, #tpu.memory_space<hbm>>
            tpu.wait_dma2 semaphore(%dma_wait3A_777 : memref<!tpu.dma_semaphore, #tpu.memory_space<semaphore_mem>>) src(%arg7 : memref<448x128xf32, #tpu.memory_space<vmem>>) dst(%dma_wait3A_779 : memref<448x128xf32, #tpu.memory_space<hbm>>)
          }
        } else {
        }
        %le3A_718 = arith.constant 7 : i32
        %le3A_719 = arith.cmpi sle, %get3A_662, %le3A_718 : i32
        %gt3A_720 = arith.constant 7 : i32
        %gt3A_721 = arith.cmpi sgt, %select_n3A_659, %gt3A_720 : i32
        %and3A_722 = arith.andi %le3A_719, %gt3A_721 : i1
        %convert_element_type3A_723 = arith.extui %and3A_722 : i1 to i32
        %cond3A_724 = arith.constant 0 : i32
        %cond3A_725 = arith.cmpi ne, %convert_element_type3A_723, %cond3A_724 : i32
        scf.if %cond3A_725 {
          %mul3A_745 = arith.constant 7 : i32
          %mul3A_746 = arith.muli %mul3A_745, %select_n3A_81 : i32
          %sub3A_747 = arith.subi %add3A_53, %mul3A_746 : i32
          %jit3A_748 = arith.constant 0 : i32
          %max3A_749 = arith.maxsi %jit3A_748, %sub3A_747 : i32
          %min3A_750 = arith.minsi %select_n3A_81, %max3A_749 : i32
          %sub3A_751 = arith.constant 0 : i32
          %sub3A_752 = arith.subi %min3A_750, %sub3A_751 : i32
          %sub3A_753 = arith.constant 1 : i32
          %sub3A_754 = arith.constant 1 : i32
          %sub3A_755 = arith.subi %sub3A_753, %sub3A_754 : i32
          %add3A_756 = arith.addi %sub3A_752, %sub3A_755 : i32
          %div3A_757 = arith.constant 1 : i32
          %div3A_758 = arith.divsi %add3A_756, %div3A_757 : i32
          %while3A_759 = arith.constant 1 : i32
          %while3A_760 = arith.constant 0 : i32
          %while3A_761 = arith.constant 0 : i32
          %while3A_762 = arith.subi %div3A_758, %while3A_761 : i32
          %while3A_763 = arith.addi %while3A_761, %while3A_762 : i32
          %while3A_764 = arith.constant 1 : i32
          %while3A_765 = arith.divsi %while3A_762, %while3A_764 : i32
          %while3A_766 = arith.muli %while3A_765, %while3A_764 : i32
          %while3A_767 = arith.addi %while3A_761, %while3A_766 : i32
          %while3A_768 = arith.constant 1 : i32
          scf.for %while3A_770 = %while3A_761 to %while3A_767 step %while3A_768  : i32 {
            %mul3A_771 = arith.muli %while3A_770, %while3A_759 : i32
            %add3A_772 = arith.addi %while3A_760, %mul3A_771 : i32
            %dma_wait3A_773 = arith.constant 7 : i32
            %dma_wait3A_774 = arith.constant 0 : i32
            %dma_wait3A_775 = tpu.memref_slice %arg4[%select_n3A_28, %dma_wait3A_774] : memref<800000x128xf32, #tpu.memory_space<hbm>> -> memref<448x128xf32, #tpu.memory_space<hbm>>
            %dma_wait3A_776 = tpu.memref_slice %arg11[%dma_wait3A_773] : memref<8x!tpu.dma_semaphore, #tpu.memory_space<semaphore_mem>> -> memref<1x!tpu.dma_semaphore, #tpu.memory_space<semaphore_mem>>
            %dma_wait3A_777 = tpu.memref_squeeze %dma_wait3A_776 : memref<1x!tpu.dma_semaphore, #tpu.memory_space<semaphore_mem>> -> memref<!tpu.dma_semaphore, #tpu.memory_space<semaphore_mem>>
            %dma_wait3A_778 = arith.constant 0 : i32
            %dma_wait3A_779 = tpu.memref_slice %arg4[%select_n3A_28, %dma_wait3A_778] : memref<800000x128xf32, #tpu.memory_space<hbm>> -> memref<448x128xf32, #tpu.memory_space<hbm>>
            tpu.wait_dma2 semaphore(%dma_wait3A_777 : memref<!tpu.dma_semaphore, #tpu.memory_space<semaphore_mem>>) src(%arg7 : memref<448x128xf32, #tpu.memory_space<vmem>>) dst(%dma_wait3A_779 : memref<448x128xf32, #tpu.memory_space<hbm>>)
          }
          %while3A_769 = arith.constant 1 : i32
          scf.for %while3A_770 = %while3A_767 to %while3A_763 step %while3A_769  : i32 {
            %mul3A_771 = arith.muli %while3A_770, %while3A_759 : i32
            %add3A_772 = arith.addi %while3A_760, %mul3A_771 : i32
            %dma_wait3A_773 = arith.constant 7 : i32
            %dma_wait3A_774 = arith.constant 0 : i32
            %dma_wait3A_775 = tpu.memref_slice %arg4[%select_n3A_28, %dma_wait3A_774] : memref<800000x128xf32, #tpu.memory_space<hbm>> -> memref<448x128xf32, #tpu.memory_space<hbm>>
            %dma_wait3A_776 = tpu.memref_slice %arg11[%dma_wait3A_773] : memref<8x!tpu.dma_semaphore, #tpu.memory_space<semaphore_mem>> -> memref<1x!tpu.dma_semaphore, #tpu.memory_space<semaphore_mem>>
            %dma_wait3A_777 = tpu.memref_squeeze %dma_wait3A_776 : memref<1x!tpu.dma_semaphore, #tpu.memory_space<semaphore_mem>> -> memref<!tpu.dma_semaphore, #tpu.memory_space<semaphore_mem>>
            %dma_wait3A_778 = arith.constant 0 : i32
            %dma_wait3A_779 = tpu.memref_slice %arg4[%select_n3A_28, %dma_wait3A_778] : memref<800000x128xf32, #tpu.memory_space<hbm>> -> memref<448x128xf32, #tpu.memory_space<hbm>>
            tpu.wait_dma2 semaphore(%dma_wait3A_777 : memref<!tpu.dma_semaphore, #tpu.memory_space<semaphore_mem>>) src(%arg7 : memref<448x128xf32, #tpu.memory_space<vmem>>) dst(%dma_wait3A_779 : memref<448x128xf32, #tpu.memory_space<hbm>>)
          }
        } else {
        }
        %max3A_726 = arith.maxsi %get3A_662, %select_n3A_659 : i32
        %swap3A_727 = arith.constant 0 : i32
        %swap3A_728 = arith.index_cast %swap3A_727 : i32 to index
        %swap3A_729 = memref.load %arg8[%swap3A_728] : memref<1xi32, #tpu.memory_space<smem>>
        memref.store %max3A_726, %arg8[%swap3A_728] : memref<1xi32, #tpu.memory_space<smem>>
        %dma_start3A_730 = arith.constant 2 : i32
        %dma_start3A_731 = arith.constant 2 : i32
        %dma_start3A_732 = arith.constant 2 : i32
        %dma_start3A_733 = arith.constant 0 : i32
        %dma_start3A_734 = arith.constant 0 : i32
        %dma_start3A_735 = tpu.memref_slice %arg6[%dma_start3A_730, %dma_start3A_733, %dma_start3A_734] : memref<4x128x128xf32, #tpu.memory_space<vmem>> -> memref<1x128x128xf32, #tpu.memory_space<vmem>>
        %dma_start3A_736 = tpu.memref_squeeze %dma_start3A_735 : memref<1x128x128xf32, #tpu.memory_space<vmem>> -> memref<128x128xf32, #tpu.memory_space<vmem>>
        %dma_start3A_737 = arith.constant 0 : i32
        %dma_start3A_738 = tpu.memref_slice %arg5[%dma_start3A_731, %dma_start3A_737] : memref<4x128xi32, #tpu.memory_space<vmem>> -> memref<1x128xi32, #tpu.memory_space<vmem>>
        %dma_start3A_739 = tpu.memref_squeeze %dma_start3A_738 : memref<1x128xi32, #tpu.memory_space<vmem>> -> memref<128xi32, #tpu.memory_space<vmem>>
        %dma_start3A_740 = arith.constant 0 : i32
        %dma_start3A_741 = arith.constant 0 : i32
        %dma_start3A_742 = tpu.memref_slice %arg4[%dma_start3A_740, %dma_start3A_741] : memref<800000x128xf32, #tpu.memory_space<hbm>> -> memref<800000x128xf32, #tpu.memory_space<hbm>>
        %dma_start3A_743 = tpu.memref_slice %arg10[%dma_start3A_732] : memref<4x!tpu.dma_semaphore, #tpu.memory_space<semaphore_mem>> -> memref<1x!tpu.dma_semaphore, #tpu.memory_space<semaphore_mem>>
        %dma_start3A_744 = tpu.memref_squeeze %dma_start3A_743 : memref<1x!tpu.dma_semaphore, #tpu.memory_space<semaphore_mem>> -> memref<!tpu.dma_semaphore, #tpu.memory_space<semaphore_mem>>
        tpu.enqueue_indirect_dma source(%dma_start3A_736 : memref<128x128xf32, #tpu.memory_space<vmem>>) target(%dma_start3A_742 : memref<800000x128xf32, #tpu.memory_space<hbm>>) offsets(%dma_start3A_739 : memref<128xi32, #tpu.memory_space<vmem>>) semaphore(%dma_start3A_744 : memref<!tpu.dma_semaphore, #tpu.memory_space<semaphore_mem>>)
      } else {
      }
      %ge3A_534 = arith.constant 2 : i32
      %ge3A_535 = arith.cmpi sge, %add3A_529, %ge3A_534 : i32
      %lt3A_536 = arith.cmpi slt, %add3A_529, %select_n3A : i32
      %and3A_537 = arith.andi %ge3A_535, %lt3A_536 : i1
      %convert_element_type3A_538 = arith.extui %and3A_537 : i1 to i32
      %cond3A_539 = arith.constant 0 : i32
      %cond3A_540 = arith.cmpi ne, %convert_element_type3A_538, %cond3A_539 : i32
      scf.if %cond3A_540 {
        %dma_wait3A = arith.constant 0 : i32
        %dma_wait3A_566 = arith.constant 0 : i32
        %dma_wait3A_567 = arith.constant 0 : i32
        %dma_wait3A_568 = arith.constant 0 : i32
        %dma_wait3A_569 = arith.constant 0 : i32
        %dma_wait3A_570 = tpu.memref_slice %arg6[%dma_wait3A, %dma_wait3A_568, %dma_wait3A_569] : memref<4x128x128xf32, #tpu.memory_space<vmem>> -> memref<1x128x128xf32, #tpu.memory_space<vmem>>
        %dma_wait3A_571 = tpu.memref_squeeze %dma_wait3A_570 : memref<1x128x128xf32, #tpu.memory_space<vmem>> -> memref<128x128xf32, #tpu.memory_space<vmem>>
        %dma_wait3A_572 = arith.constant 0 : i32
        %dma_wait3A_573 = tpu.memref_slice %arg5[%dma_wait3A_566, %dma_wait3A_572] : memref<4x128xi32, #tpu.memory_space<vmem>> -> memref<1x128xi32, #tpu.memory_space<vmem>>
        %dma_wait3A_574 = tpu.memref_squeeze %dma_wait3A_573 : memref<1x128xi32, #tpu.memory_space<vmem>> -> memref<128xi32, #tpu.memory_space<vmem>>
        %dma_wait3A_575 = arith.constant 0 : i32
        %dma_wait3A_576 = arith.constant 0 : i32
        %dma_wait3A_577 = tpu.memref_slice %arg4[%dma_wait3A_575, %dma_wait3A_576] : memref<800000x128xf32, #tpu.memory_space<hbm>> -> memref<800000x128xf32, #tpu.memory_space<hbm>>
        %dma_wait3A_578 = tpu.memref_slice %arg10[%dma_wait3A_567] : memref<4x!tpu.dma_semaphore, #tpu.memory_space<semaphore_mem>> -> memref<1x!tpu.dma_semaphore, #tpu.memory_space<semaphore_mem>>
        %dma_wait3A_579 = tpu.memref_squeeze %dma_wait3A_578 : memref<1x!tpu.dma_semaphore, #tpu.memory_space<semaphore_mem>> -> memref<!tpu.dma_semaphore, #tpu.memory_space<semaphore_mem>>
        tpu.wait_indirect_dma semaphore(%dma_wait3A_579 : memref<!tpu.dma_semaphore, #tpu.memory_space<semaphore_mem>>) src(%dma_wait3A_571 : memref<128x128xf32, #tpu.memory_space<vmem>>) dst(%dma_wait3A_577 : memref<800000x128xf32, #tpu.memory_space<hbm>>)
      } else {
      }
      %add3A_541 = arith.constant 2 : i32
      %add3A_542 = arith.addi %add3A_529, %add3A_541 : i32
      %lt3A_543 = arith.cmpi slt, %add3A_542, %select_n3A : i32
      %convert_element_type3A_544 = arith.extui %lt3A_543 : i1 to i32
      %cond3A_545 = arith.constant 0 : i32
      %cond3A_546 = arith.cmpi ne, %convert_element_type3A_544, %cond3A_545 : i32
      scf.if %cond3A_546 {
        %add3A_566 = arith.addi %mul3A_2, %add3A_529 : i32
        %add3A_567 = arith.constant 2 : i32
        %add3A_568 = arith.addi %add3A_566, %add3A_567 : i32
        %dma_start3A_569 = arith.constant 0 : i32
        %dma_start3A_570 = arith.constant 0 : i32
        %dma_start3A_571 = arith.constant 0 : i32
        %dma_start3A_572 = tpu.memref_slice %arg5[%dma_start3A_569, %dma_start3A_571] : memref<4x128xi32, #tpu.memory_space<vmem>> -> memref<1x128xi32, #tpu.memory_space<vmem>>
        %dma_start3A_573 = tpu.memref_squeeze %dma_start3A_572 : memref<1x128xi32, #tpu.memory_space<vmem>> -> memref<128xi32, #tpu.memory_space<vmem>>
        %dma_start3A_574 = arith.constant 0 : i32
        %dma_start3A_575 = tpu.memref_slice %arg3[%add3A_568, %dma_start3A_574] : memref<3125x128xi32, #tpu.memory_space<hbm>> -> memref<1x128xi32, #tpu.memory_space<hbm>>
        %dma_start3A_576 = tpu.memref_squeeze %dma_start3A_575 : memref<1x128xi32, #tpu.memory_space<hbm>> -> memref<128xi32, #tpu.memory_space<hbm>>
        %dma_start3A_577 = tpu.memref_slice %arg9[%dma_start3A_570] : memref<4x!tpu.dma_semaphore, #tpu.memory_space<semaphore_mem>> -> memref<1x!tpu.dma_semaphore, #tpu.memory_space<semaphore_mem>>
        %dma_start3A_578 = tpu.memref_squeeze %dma_start3A_577 : memref<1x!tpu.dma_semaphore, #tpu.memory_space<semaphore_mem>> -> memref<!tpu.dma_semaphore, #tpu.memory_space<semaphore_mem>>
        %dma_start3A_579 = arith.constant 0 : i32
        %dma_start3A_580 = tpu.memref_slice %arg5[%dma_start3A_569, %dma_start3A_579] : memref<4x128xi32, #tpu.memory_space<vmem>> -> memref<1x128xi32, #tpu.memory_space<vmem>>
        %dma_start3A_581 = tpu.memref_squeeze %dma_start3A_580 : memref<1x128xi32, #tpu.memory_space<vmem>> -> memref<128xi32, #tpu.memory_space<vmem>>
        %dma_start3A_582 = arith.constant 0 : i32
        %dma_start3A_583 = tpu.memref_slice %arg3[%add3A_568, %dma_start3A_582] : memref<3125x128xi32, #tpu.memory_space<hbm>> -> memref<1x128xi32, #tpu.memory_space<hbm>>
        %dma_start3A_584 = tpu.memref_squeeze %dma_start3A_583 : memref<1x128xi32, #tpu.memory_space<hbm>> -> memref<128xi32, #tpu.memory_space<hbm>>
        tpu.enqueue_dma source(%dma_start3A_584 : memref<128xi32, #tpu.memory_space<hbm>>) target(%dma_start3A_581 : memref<128xi32, #tpu.memory_space<vmem>>) target_semaphore(%dma_start3A_578 : memref<!tpu.dma_semaphore, #tpu.memory_space<semaphore_mem>>)
        %mul3A_585 = arith.constant 128 : i32
        %mul3A_586 = arith.muli %add3A_568, %mul3A_585 : i32
        %dma_start3A_587 = arith.constant 0 : i32
        %dma_start3A_588 = arith.constant 0 : i32
        %dma_start3A_589 = arith.constant 0 : i32
        %dma_start3A_590 = arith.constant 0 : i32
        %dma_start3A_591 = tpu.memref_slice %arg6[%dma_start3A_587, %dma_start3A_589, %dma_start3A_590] : memref<4x128x128xf32, #tpu.memory_space<vmem>> -> memref<1x128x128xf32, #tpu.memory_space<vmem>>
        %dma_start3A_592 = tpu.memref_squeeze %dma_start3A_591 : memref<1x128x128xf32, #tpu.memory_space<vmem>> -> memref<128x128xf32, #tpu.memory_space<vmem>>
        %dma_start3A_593 = arith.constant 0 : i32
        %dma_start3A_594 = tpu.memref_slice %arg2[%mul3A_586, %dma_start3A_593] : memref<400000x128xf32, #tpu.memory_space<hbm>> -> memref<128x128xf32, #tpu.memory_space<hbm>>
        %dma_start3A_595 = tpu.memref_slice %arg9[%dma_start3A_588] : memref<4x!tpu.dma_semaphore, #tpu.memory_space<semaphore_mem>> -> memref<1x!tpu.dma_semaphore, #tpu.memory_space<semaphore_mem>>
        %dma_start3A_596 = tpu.memref_squeeze %dma_start3A_595 : memref<1x!tpu.dma_semaphore, #tpu.memory_space<semaphore_mem>> -> memref<!tpu.dma_semaphore, #tpu.memory_space<semaphore_mem>>
        %dma_start3A_597 = arith.constant 0 : i32
        %dma_start3A_598 = arith.constant 0 : i32
        %dma_start3A_599 = tpu.memref_slice %arg6[%dma_start3A_587, %dma_start3A_597, %dma_start3A_598] : memref<4x128x128xf32, #tpu.memory_space<vmem>> -> memref<1x128x128xf32, #tpu.memory_space<vmem>>
        %dma_start3A_600 = tpu.memref_squeeze %dma_start3A_599 : memref<1x128x128xf32, #tpu.memory_space<vmem>> -> memref<128x128xf32, #tpu.memory_space<vmem>>
        %dma_start3A_601 = arith.constant 0 : i32
        %dma_start3A_602 = tpu.memref_slice %arg2[%mul3A_586, %dma_start3A_601] : memref<400000x128xf32, #tpu.memory_space<hbm>> -> memref<128x128xf32, #tpu.memory_space<hbm>>
        tpu.enqueue_dma source(%dma_start3A_602 : memref<128x128xf32, #tpu.memory_space<hbm>>) target(%dma_start3A_600 : memref<128x128xf32, #tpu.memory_space<vmem>>) target_semaphore(%dma_start3A_596 : memref<!tpu.dma_semaphore, #tpu.memory_space<semaphore_mem>>)
      } else {
      }
      %add3A_547 = arith.constant 3 : i32
      %add3A_548 = arith.addi %add3A_491, %add3A_547 : i32
      %lt3A_549 = arith.cmpi slt, %add3A_548, %select_n3A : i32
      %convert_element_type3A_550 = arith.extui %lt3A_549 : i1 to i32
      %cond3A_551 = arith.constant 0 : i32
      %cond3A_552 = arith.cmpi ne, %convert_element_type3A_550, %cond3A_551 : i32
      scf.if %cond3A_552 {
        %dma_wait3A = arith.constant 3 : i32
        %dma_wait3A_566 = arith.constant 3 : i32
        %dma_wait3A_567 = arith.constant 0 : i32
        %dma_wait3A_568 = tpu.memref_slice %arg5[%dma_wait3A, %dma_wait3A_567] : memref<4x128xi32, #tpu.memory_space<vmem>> -> memref<1x128xi32, #tpu.memory_space<vmem>>
        %dma_wait3A_569 = tpu.memref_squeeze %dma_wait3A_568 : memref<1x128xi32, #tpu.memory_space<vmem>> -> memref<128xi32, #tpu.memory_space<vmem>>
        %dma_wait3A_570 = arith.constant 0 : i32
        %dma_wait3A_571 = tpu.memref_slice %arg3[%mul3A_2, %dma_wait3A_570] : memref<3125x128xi32, #tpu.memory_space<hbm>> -> memref<1x128xi32, #tpu.memory_space<hbm>>
        %dma_wait3A_572 = tpu.memref_squeeze %dma_wait3A_571 : memref<1x128xi32, #tpu.memory_space<hbm>> -> memref<128xi32, #tpu.memory_space<hbm>>
        %dma_wait3A_573 = tpu.memref_slice %arg9[%dma_wait3A_566] : memref<4x!tpu.dma_semaphore, #tpu.memory_space<semaphore_mem>> -> memref<1x!tpu.dma_semaphore, #tpu.memory_space<semaphore_mem>>
        %dma_wait3A_574 = tpu.memref_squeeze %dma_wait3A_573 : memref<1x!tpu.dma_semaphore, #tpu.memory_space<semaphore_mem>> -> memref<!tpu.dma_semaphore, #tpu.memory_space<semaphore_mem>>
        %dma_wait3A_575 = arith.constant 0 : i32
        %dma_wait3A_576 = tpu.memref_slice %arg5[%dma_wait3A, %dma_wait3A_575] : memref<4x128xi32, #tpu.memory_space<vmem>> -> memref<1x128xi32, #tpu.memory_space<vmem>>
        %dma_wait3A_577 = tpu.memref_squeeze %dma_wait3A_576 : memref<1x128xi32, #tpu.memory_space<vmem>> -> memref<128xi32, #tpu.memory_space<vmem>>
        %dma_wait3A_578 = arith.constant 0 : i32
        %dma_wait3A_579 = tpu.memref_slice %arg3[%mul3A_2, %dma_wait3A_578] : memref<3125x128xi32, #tpu.memory_space<hbm>> -> memref<1x128xi32, #tpu.memory_space<hbm>>
        %dma_wait3A_580 = tpu.memref_squeeze %dma_wait3A_579 : memref<1x128xi32, #tpu.memory_space<hbm>> -> memref<128xi32, #tpu.memory_space<hbm>>
        tpu.wait_dma2 semaphore(%dma_wait3A_574 : memref<!tpu.dma_semaphore, #tpu.memory_space<semaphore_mem>>) src(%dma_wait3A_580 : memref<128xi32, #tpu.memory_space<hbm>>) dst(%dma_wait3A_577 : memref<128xi32, #tpu.memory_space<vmem>>)
        %dma_wait3A_581 = arith.constant 3 : i32
        %dma_wait3A_582 = arith.constant 3 : i32
        %dma_wait3A_583 = arith.constant 0 : i32
        %dma_wait3A_584 = arith.constant 0 : i32
        %dma_wait3A_585 = tpu.memref_slice %arg6[%dma_wait3A_581, %dma_wait3A_583, %dma_wait3A_584] : memref<4x128x128xf32, #tpu.memory_space<vmem>> -> memref<1x128x128xf32, #tpu.memory_space<vmem>>
        %dma_wait3A_586 = tpu.memref_squeeze %dma_wait3A_585 : memref<1x128x128xf32, #tpu.memory_space<vmem>> -> memref<128x128xf32, #tpu.memory_space<vmem>>
        %dma_wait3A_587 = arith.constant 0 : i32
        %dma_wait3A_588 = arith.constant 0 : i32
        %dma_wait3A_589 = tpu.memref_slice %arg2[%dma_wait3A_587, %dma_wait3A_588] : memref<400000x128xf32, #tpu.memory_space<hbm>> -> memref<128x128xf32, #tpu.memory_space<hbm>>
        %dma_wait3A_590 = tpu.memref_slice %arg9[%dma_wait3A_582] : memref<4x!tpu.dma_semaphore, #tpu.memory_space<semaphore_mem>> -> memref<1x!tpu.dma_semaphore, #tpu.memory_space<semaphore_mem>>
        %dma_wait3A_591 = tpu.memref_squeeze %dma_wait3A_590 : memref<1x!tpu.dma_semaphore, #tpu.memory_space<semaphore_mem>> -> memref<!tpu.dma_semaphore, #tpu.memory_space<semaphore_mem>>
        %dma_wait3A_592 = arith.constant 0 : i32
        %dma_wait3A_593 = arith.constant 0 : i32
        %dma_wait3A_594 = tpu.memref_slice %arg6[%dma_wait3A_581, %dma_wait3A_592, %dma_wait3A_593] : memref<4x128x128xf32, #tpu.memory_space<vmem>> -> memref<1x128x128xf32, #tpu.memory_space<vmem>>
        %dma_wait3A_595 = tpu.memref_squeeze %dma_wait3A_594 : memref<1x128x128xf32, #tpu.memory_space<vmem>> -> memref<128x128xf32, #tpu.memory_space<vmem>>
        %dma_wait3A_596 = arith.constant 0 : i32
        %dma_wait3A_597 = arith.constant 0 : i32
        %dma_wait3A_598 = tpu.memref_slice %arg2[%dma_wait3A_596, %dma_wait3A_597] : memref<400000x128xf32, #tpu.memory_space<hbm>> -> memref<128x128xf32, #tpu.memory_space<hbm>>
        tpu.wait_dma2 semaphore(%dma_wait3A_591 : memref<!tpu.dma_semaphore, #tpu.memory_space<semaphore_mem>>) src(%dma_wait3A_598 : memref<128x128xf32, #tpu.memory_space<hbm>>) dst(%dma_wait3A_595 : memref<128x128xf32, #tpu.memory_space<vmem>>)
        %get3A_599 = arith.constant 3 : i32
        %get3A_600 = arith.index_cast %get3A_599 : i32 to index
        %get3A_601 = arith.constant 112 : index
        %get3A_602 = tpu.vector_load %arg5[%get3A_600, %get3A_601] {strides = array<i32>} : memref<4x128xi32, #tpu.memory_space<vmem>>, vector<1x16xi32>,
        %get3A_603 = vector.shape_cast %get3A_602 : vector<1x16xi32> to vector<16xi32>
        %slice3A_604 = vector.extract_strided_slice %get3A_603 {offsets = [15], sizes = [1], strides = [1]} : vector<16xi32> to vector<1xi32>
        %squeeze3A_605 = vector.extract %slice3A_604[0] : i32 from vector<1xi32>
        %sub3A_606 = arith.subi %squeeze3A_605, %select_n3A_28 : i32
        %jit3A_607 = arith.constant 448 : i32
        %div3A_608 = arith.divsi %sub3A_606, %jit3A_607 : i32
        %sign3A_609 = arith.constant 0 : i32
        %sign3A_610 = arith.cmpi sgt, %sub3A_606, %sign3A_609 : i32
        %sign3A_611 = arith.extui %sign3A_610 : i1 to i32
        %sign3A_612 = arith.constant 0 : i32
        %sign3A_613 = arith.cmpi slt, %sub3A_606, %sign3A_612 : i32
        %sign3A_614 = arith.extui %sign3A_613 : i1 to i32
        %sign3A_615 = arith.subi %sign3A_611, %sign3A_614 : i32
        %sign3A_616 = arith.constant 0 : i32
        %sign3A_617 = arith.cmpi sgt, %jit3A_607, %sign3A_616 : i32
        %sign3A_618 = arith.extui %sign3A_617 : i1 to i32
        %sign3A_619 = arith.constant 0 : i32
        %sign3A_620 = arith.cmpi slt, %jit3A_607, %sign3A_619 : i32
        %sign3A_621 = arith.extui %sign3A_620 : i1 to i32
        %sign3A_622 = arith.subi %sign3A_618, %sign3A_621 : i32
        %ne3A_623 = arith.cmpi ne, %sign3A_615, %sign3A_622 : i32
        %rem3A_624 = arith.remsi %sub3A_606, %jit3A_607 : i32
        %ne3A_625 = arith.constant 0 : i32
        %ne3A_626 = arith.cmpi ne, %rem3A_624, %ne3A_625 : i32
        %and3A_627 = arith.andi %ne3A_623, %ne3A_626 : i1
        %sub3A_628 = arith.constant 1 : i32
        %sub3A_629 = arith.subi %div3A_608, %sub3A_628 : i32
        %select_n3A_630 = arith.select %and3A_627, %sub3A_629, %div3A_608 : i32
        %add3A_631 = arith.constant 1 : i32
        %add3A_632 = arith.addi %select_n3A_630, %add3A_631 : i32
        %min3A_633 = arith.minsi %add3A_632, %add3A_53 : i32
        %add3A_634 = arith.addi %min3A_633, %select_n3A_81 : i32
        %sub3A_635 = arith.constant 1 : i32
        %sub3A_636 = arith.subi %add3A_634, %sub3A_635 : i32
        %div3A_637 = arith.divsi %sub3A_636, %select_n3A_81 : i32
        %sign3A_638 = arith.constant 0 : i32
        %sign3A_639 = arith.cmpi sgt, %sub3A_636, %sign3A_638 : i32
        %sign3A_640 = arith.extui %sign3A_639 : i1 to i32
        %sign3A_641 = arith.constant 0 : i32
        %sign3A_642 = arith.cmpi slt, %sub3A_636, %sign3A_641 : i32
        %sign3A_643 = arith.extui %sign3A_642 : i1 to i32
        %sign3A_644 = arith.subi %sign3A_640, %sign3A_643 : i32
        %sign3A_645 = arith.constant 0 : i32
        %sign3A_646 = arith.cmpi sgt, %select_n3A_81, %sign3A_645 : i32
        %sign3A_647 = arith.extui %sign3A_646 : i1 to i32
        %sign3A_648 = arith.constant 0 : i32
        %sign3A_649 = arith.cmpi slt, %select_n3A_81, %sign3A_648 : i32
        %sign3A_650 = arith.extui %sign3A_649 : i1 to i32
        %sign3A_651 = arith.subi %sign3A_647, %sign3A_650 : i32
        %ne3A_652 = arith.cmpi ne, %sign3A_644, %sign3A_651 : i32
        %rem3A_653 = arith.remsi %sub3A_636, %select_n3A_81 : i32
        %ne3A_654 = arith.constant 0 : i32
        %ne3A_655 = arith.cmpi ne, %rem3A_653, %ne3A_654 : i32
        %and3A_656 = arith.andi %ne3A_652, %ne3A_655 : i1
        %sub3A_657 = arith.constant 1 : i32
        %sub3A_658 = arith.subi %div3A_637, %sub3A_657 : i32
        %select_n3A_659 = arith.select %and3A_656, %sub3A_658, %div3A_637 : i32
        %get3A_660 = arith.constant 0 : i32
        %get3A_661 = arith.index_cast %get3A_660 : i32 to index
        %get3A_662 = memref.load %arg8[%get3A_661] : memref<1xi32, #tpu.memory_space<smem>>
        %le3A_663 = arith.constant 0 : i32
        %le3A_664 = arith.cmpi sle, %get3A_662, %le3A_663 : i32
        %gt3A = arith.constant 0 : i32
        %gt3A_665 = arith.cmpi sgt, %select_n3A_659, %gt3A : i32
        %and3A_666 = arith.andi %le3A_664, %gt3A_665 : i1
        %convert_element_type3A_667 = arith.extui %and3A_666 : i1 to i32
        %cond3A_668 = arith.constant 0 : i32
        %cond3A_669 = arith.cmpi ne, %convert_element_type3A_667, %cond3A_668 : i32
        scf.if %cond3A_669 {
          %mul3A_745 = arith.constant 0 : i32
          %mul3A_746 = arith.muli %mul3A_745, %select_n3A_81 : i32
          %sub3A_747 = arith.subi %add3A_53, %mul3A_746 : i32
          %jit3A_748 = arith.constant 0 : i32
          %max3A_749 = arith.maxsi %jit3A_748, %sub3A_747 : i32
          %min3A_750 = arith.minsi %select_n3A_81, %max3A_749 : i32
          %sub3A_751 = arith.constant 0 : i32
          %sub3A_752 = arith.subi %min3A_750, %sub3A_751 : i32
          %sub3A_753 = arith.constant 1 : i32
          %sub3A_754 = arith.constant 1 : i32
          %sub3A_755 = arith.subi %sub3A_753, %sub3A_754 : i32
          %add3A_756 = arith.addi %sub3A_752, %sub3A_755 : i32
          %div3A_757 = arith.constant 1 : i32
          %div3A_758 = arith.divsi %add3A_756, %div3A_757 : i32
          %while3A_759 = arith.constant 1 : i32
          %while3A_760 = arith.constant 0 : i32
          %while3A_761 = arith.constant 0 : i32
          %while3A_762 = arith.subi %div3A_758, %while3A_761 : i32
          %while3A_763 = arith.addi %while3A_761, %while3A_762 : i32
          %while3A_764 = arith.constant 1 : i32
          %while3A_765 = arith.divsi %while3A_762, %while3A_764 : i32
          %while3A_766 = arith.muli %while3A_765, %while3A_764 : i32
          %while3A_767 = arith.addi %while3A_761, %while3A_766 : i32
          %while3A_768 = arith.constant 1 : i32
          scf.for %while3A_770 = %while3A_761 to %while3A_767 step %while3A_768  : i32 {
            %mul3A_771 = arith.muli %while3A_770, %while3A_759 : i32
            %add3A_772 = arith.addi %while3A_760, %mul3A_771 : i32
            %dma_wait3A_773 = arith.constant 0 : i32
            %dma_wait3A_774 = arith.constant 0 : i32
            %dma_wait3A_775 = tpu.memref_slice %arg4[%select_n3A_28, %dma_wait3A_774] : memref<800000x128xf32, #tpu.memory_space<hbm>> -> memref<448x128xf32, #tpu.memory_space<hbm>>
            %dma_wait3A_776 = tpu.memref_slice %arg11[%dma_wait3A_773] : memref<8x!tpu.dma_semaphore, #tpu.memory_space<semaphore_mem>> -> memref<1x!tpu.dma_semaphore, #tpu.memory_space<semaphore_mem>>
            %dma_wait3A_777 = tpu.memref_squeeze %dma_wait3A_776 : memref<1x!tpu.dma_semaphore, #tpu.memory_space<semaphore_mem>> -> memref<!tpu.dma_semaphore, #tpu.memory_space<semaphore_mem>>
            %dma_wait3A_778 = arith.constant 0 : i32
            %dma_wait3A_779 = tpu.memref_slice %arg4[%select_n3A_28, %dma_wait3A_778] : memref<800000x128xf32, #tpu.memory_space<hbm>> -> memref<448x128xf32, #tpu.memory_space<hbm>>
            tpu.wait_dma2 semaphore(%dma_wait3A_777 : memref<!tpu.dma_semaphore, #tpu.memory_space<semaphore_mem>>) src(%arg7 : memref<448x128xf32, #tpu.memory_space<vmem>>) dst(%dma_wait3A_779 : memref<448x128xf32, #tpu.memory_space<hbm>>)
          }
          %while3A_769 = arith.constant 1 : i32
          scf.for %while3A_770 = %while3A_767 to %while3A_763 step %while3A_769  : i32 {
            %mul3A_771 = arith.muli %while3A_770, %while3A_759 : i32
            %add3A_772 = arith.addi %while3A_760, %mul3A_771 : i32
            %dma_wait3A_773 = arith.constant 0 : i32
            %dma_wait3A_774 = arith.constant 0 : i32
            %dma_wait3A_775 = tpu.memref_slice %arg4[%select_n3A_28, %dma_wait3A_774] : memref<800000x128xf32, #tpu.memory_space<hbm>> -> memref<448x128xf32, #tpu.memory_space<hbm>>
            %dma_wait3A_776 = tpu.memref_slice %arg11[%dma_wait3A_773] : memref<8x!tpu.dma_semaphore, #tpu.memory_space<semaphore_mem>> -> memref<1x!tpu.dma_semaphore, #tpu.memory_space<semaphore_mem>>
            %dma_wait3A_777 = tpu.memref_squeeze %dma_wait3A_776 : memref<1x!tpu.dma_semaphore, #tpu.memory_space<semaphore_mem>> -> memref<!tpu.dma_semaphore, #tpu.memory_space<semaphore_mem>>
            %dma_wait3A_778 = arith.constant 0 : i32
            %dma_wait3A_779 = tpu.memref_slice %arg4[%select_n3A_28, %dma_wait3A_778] : memref<800000x128xf32, #tpu.memory_space<hbm>> -> memref<448x128xf32, #tpu.memory_space<hbm>>
            tpu.wait_dma2 semaphore(%dma_wait3A_777 : memref<!tpu.dma_semaphore, #tpu.memory_space<semaphore_mem>>) src(%arg7 : memref<448x128xf32, #tpu.memory_space<vmem>>) dst(%dma_wait3A_779 : memref<448x128xf32, #tpu.memory_space<hbm>>)
          }
        } else {
        }
        %le3A_670 = arith.constant 1 : i32
        %le3A_671 = arith.cmpi sle, %get3A_662, %le3A_670 : i32
        %gt3A_672 = arith.constant 1 : i32
        %gt3A_673 = arith.cmpi sgt, %select_n3A_659, %gt3A_672 : i32
        %and3A_674 = arith.andi %le3A_671, %gt3A_673 : i1
        %convert_element_type3A_675 = arith.extui %and3A_674 : i1 to i32
        %cond3A_676 = arith.constant 0 : i32
        %cond3A_677 = arith.cmpi ne, %convert_element_type3A_675, %cond3A_676 : i32
        scf.if %cond3A_677 {
          %mul3A_745 = arith.constant 1 : i32
          %mul3A_746 = arith.muli %mul3A_745, %select_n3A_81 : i32
          %sub3A_747 = arith.subi %add3A_53, %mul3A_746 : i32
          %jit3A_748 = arith.constant 0 : i32
          %max3A_749 = arith.maxsi %jit3A_748, %sub3A_747 : i32
          %min3A_750 = arith.minsi %select_n3A_81, %max3A_749 : i32
          %sub3A_751 = arith.constant 0 : i32
          %sub3A_752 = arith.subi %min3A_750, %sub3A_751 : i32
          %sub3A_753 = arith.constant 1 : i32
          %sub3A_754 = arith.constant 1 : i32
          %sub3A_755 = arith.subi %sub3A_753, %sub3A_754 : i32
          %add3A_756 = arith.addi %sub3A_752, %sub3A_755 : i32
          %div3A_757 = arith.constant 1 : i32
          %div3A_758 = arith.divsi %add3A_756, %div3A_757 : i32
          %while3A_759 = arith.constant 1 : i32
          %while3A_760 = arith.constant 0 : i32
          %while3A_761 = arith.constant 0 : i32
          %while3A_762 = arith.subi %div3A_758, %while3A_761 : i32
          %while3A_763 = arith.addi %while3A_761, %while3A_762 : i32
          %while3A_764 = arith.constant 1 : i32
          %while3A_765 = arith.divsi %while3A_762, %while3A_764 : i32
          %while3A_766 = arith.muli %while3A_765, %while3A_764 : i32
          %while3A_767 = arith.addi %while3A_761, %while3A_766 : i32
          %while3A_768 = arith.constant 1 : i32
          scf.for %while3A_770 = %while3A_761 to %while3A_767 step %while3A_768  : i32 {
            %mul3A_771 = arith.muli %while3A_770, %while3A_759 : i32
            %add3A_772 = arith.addi %while3A_760, %mul3A_771 : i32
            %dma_wait3A_773 = arith.constant 1 : i32
            %dma_wait3A_774 = arith.constant 0 : i32
            %dma_wait3A_775 = tpu.memref_slice %arg4[%select_n3A_28, %dma_wait3A_774] : memref<800000x128xf32, #tpu.memory_space<hbm>> -> memref<448x128xf32, #tpu.memory_space<hbm>>
            %dma_wait3A_776 = tpu.memref_slice %arg11[%dma_wait3A_773] : memref<8x!tpu.dma_semaphore, #tpu.memory_space<semaphore_mem>> -> memref<1x!tpu.dma_semaphore, #tpu.memory_space<semaphore_mem>>
            %dma_wait3A_777 = tpu.memref_squeeze %dma_wait3A_776 : memref<1x!tpu.dma_semaphore, #tpu.memory_space<semaphore_mem>> -> memref<!tpu.dma_semaphore, #tpu.memory_space<semaphore_mem>>
            %dma_wait3A_778 = arith.constant 0 : i32
            %dma_wait3A_779 = tpu.memref_slice %arg4[%select_n3A_28, %dma_wait3A_778] : memref<800000x128xf32, #tpu.memory_space<hbm>> -> memref<448x128xf32, #tpu.memory_space<hbm>>
            tpu.wait_dma2 semaphore(%dma_wait3A_777 : memref<!tpu.dma_semaphore, #tpu.memory_space<semaphore_mem>>) src(%arg7 : memref<448x128xf32, #tpu.memory_space<vmem>>) dst(%dma_wait3A_779 : memref<448x128xf32, #tpu.memory_space<hbm>>)
          }
          %while3A_769 = arith.constant 1 : i32
          scf.for %while3A_770 = %while3A_767 to %while3A_763 step %while3A_769  : i32 {
            %mul3A_771 = arith.muli %while3A_770, %while3A_759 : i32
            %add3A_772 = arith.addi %while3A_760, %mul3A_771 : i32
            %dma_wait3A_773 = arith.constant 1 : i32
            %dma_wait3A_774 = arith.constant 0 : i32
            %dma_wait3A_775 = tpu.memref_slice %arg4[%select_n3A_28, %dma_wait3A_774] : memref<800000x128xf32, #tpu.memory_space<hbm>> -> memref<448x128xf32, #tpu.memory_space<hbm>>
            %dma_wait3A_776 = tpu.memref_slice %arg11[%dma_wait3A_773] : memref<8x!tpu.dma_semaphore, #tpu.memory_space<semaphore_mem>> -> memref<1x!tpu.dma_semaphore, #tpu.memory_space<semaphore_mem>>
            %dma_wait3A_777 = tpu.memref_squeeze %dma_wait3A_776 : memref<1x!tpu.dma_semaphore, #tpu.memory_space<semaphore_mem>> -> memref<!tpu.dma_semaphore, #tpu.memory_space<semaphore_mem>>
            %dma_wait3A_778 = arith.constant 0 : i32
            %dma_wait3A_779 = tpu.memref_slice %arg4[%select_n3A_28, %dma_wait3A_778] : memref<800000x128xf32, #tpu.memory_space<hbm>> -> memref<448x128xf32, #tpu.memory_space<hbm>>
            tpu.wait_dma2 semaphore(%dma_wait3A_777 : memref<!tpu.dma_semaphore, #tpu.memory_space<semaphore_mem>>) src(%arg7 : memref<448x128xf32, #tpu.memory_space<vmem>>) dst(%dma_wait3A_779 : memref<448x128xf32, #tpu.memory_space<hbm>>)
          }
        } else {
        }
        %le3A_678 = arith.constant 2 : i32
        %le3A_679 = arith.cmpi sle, %get3A_662, %le3A_678 : i32
        %gt3A_680 = arith.constant 2 : i32
        %gt3A_681 = arith.cmpi sgt, %select_n3A_659, %gt3A_680 : i32
        %and3A_682 = arith.andi %le3A_679, %gt3A_681 : i1
        %convert_element_type3A_683 = arith.extui %and3A_682 : i1 to i32
        %cond3A_684 = arith.constant 0 : i32
        %cond3A_685 = arith.cmpi ne, %convert_element_type3A_683, %cond3A_684 : i32
        scf.if %cond3A_685 {
          %mul3A_745 = arith.constant 2 : i32
          %mul3A_746 = arith.muli %mul3A_745, %select_n3A_81 : i32
          %sub3A_747 = arith.subi %add3A_53, %mul3A_746 : i32
          %jit3A_748 = arith.constant 0 : i32
          %max3A_749 = arith.maxsi %jit3A_748, %sub3A_747 : i32
          %min3A_750 = arith.minsi %select_n3A_81, %max3A_749 : i32
          %sub3A_751 = arith.constant 0 : i32
          %sub3A_752 = arith.subi %min3A_750, %sub3A_751 : i32
          %sub3A_753 = arith.constant 1 : i32
          %sub3A_754 = arith.constant 1 : i32
          %sub3A_755 = arith.subi %sub3A_753, %sub3A_754 : i32
          %add3A_756 = arith.addi %sub3A_752, %sub3A_755 : i32
          %div3A_757 = arith.constant 1 : i32
          %div3A_758 = arith.divsi %add3A_756, %div3A_757 : i32
          %while3A_759 = arith.constant 1 : i32
          %while3A_760 = arith.constant 0 : i32
          %while3A_761 = arith.constant 0 : i32
          %while3A_762 = arith.subi %div3A_758, %while3A_761 : i32
          %while3A_763 = arith.addi %while3A_761, %while3A_762 : i32
          %while3A_764 = arith.constant 1 : i32
          %while3A_765 = arith.divsi %while3A_762, %while3A_764 : i32
          %while3A_766 = arith.muli %while3A_765, %while3A_764 : i32
          %while3A_767 = arith.addi %while3A_761, %while3A_766 : i32
          %while3A_768 = arith.constant 1 : i32
          scf.for %while3A_770 = %while3A_761 to %while3A_767 step %while3A_768  : i32 {
            %mul3A_771 = arith.muli %while3A_770, %while3A_759 : i32
            %add3A_772 = arith.addi %while3A_760, %mul3A_771 : i32
            %dma_wait3A_773 = arith.constant 2 : i32
            %dma_wait3A_774 = arith.constant 0 : i32
            %dma_wait3A_775 = tpu.memref_slice %arg4[%select_n3A_28, %dma_wait3A_774] : memref<800000x128xf32, #tpu.memory_space<hbm>> -> memref<448x128xf32, #tpu.memory_space<hbm>>
            %dma_wait3A_776 = tpu.memref_slice %arg11[%dma_wait3A_773] : memref<8x!tpu.dma_semaphore, #tpu.memory_space<semaphore_mem>> -> memref<1x!tpu.dma_semaphore, #tpu.memory_space<semaphore_mem>>
            %dma_wait3A_777 = tpu.memref_squeeze %dma_wait3A_776 : memref<1x!tpu.dma_semaphore, #tpu.memory_space<semaphore_mem>> -> memref<!tpu.dma_semaphore, #tpu.memory_space<semaphore_mem>>
            %dma_wait3A_778 = arith.constant 0 : i32
            %dma_wait3A_779 = tpu.memref_slice %arg4[%select_n3A_28, %dma_wait3A_778] : memref<800000x128xf32, #tpu.memory_space<hbm>> -> memref<448x128xf32, #tpu.memory_space<hbm>>
            tpu.wait_dma2 semaphore(%dma_wait3A_777 : memref<!tpu.dma_semaphore, #tpu.memory_space<semaphore_mem>>) src(%arg7 : memref<448x128xf32, #tpu.memory_space<vmem>>) dst(%dma_wait3A_779 : memref<448x128xf32, #tpu.memory_space<hbm>>)
          }
          %while3A_769 = arith.constant 1 : i32
          scf.for %while3A_770 = %while3A_767 to %while3A_763 step %while3A_769  : i32 {
            %mul3A_771 = arith.muli %while3A_770, %while3A_759 : i32
            %add3A_772 = arith.addi %while3A_760, %mul3A_771 : i32
            %dma_wait3A_773 = arith.constant 2 : i32
            %dma_wait3A_774 = arith.constant 0 : i32
            %dma_wait3A_775 = tpu.memref_slice %arg4[%select_n3A_28, %dma_wait3A_774] : memref<800000x128xf32, #tpu.memory_space<hbm>> -> memref<448x128xf32, #tpu.memory_space<hbm>>
            %dma_wait3A_776 = tpu.memref_slice %arg11[%dma_wait3A_773] : memref<8x!tpu.dma_semaphore, #tpu.memory_space<semaphore_mem>> -> memref<1x!tpu.dma_semaphore, #tpu.memory_space<semaphore_mem>>
            %dma_wait3A_777 = tpu.memref_squeeze %dma_wait3A_776 : memref<1x!tpu.dma_semaphore, #tpu.memory_space<semaphore_mem>> -> memref<!tpu.dma_semaphore, #tpu.memory_space<semaphore_mem>>
            %dma_wait3A_778 = arith.constant 0 : i32
            %dma_wait3A_779 = tpu.memref_slice %arg4[%select_n3A_28, %dma_wait3A_778] : memref<800000x128xf32, #tpu.memory_space<hbm>> -> memref<448x128xf32, #tpu.memory_space<hbm>>
            tpu.wait_dma2 semaphore(%dma_wait3A_777 : memref<!tpu.dma_semaphore, #tpu.memory_space<semaphore_mem>>) src(%arg7 : memref<448x128xf32, #tpu.memory_space<vmem>>) dst(%dma_wait3A_779 : memref<448x128xf32, #tpu.memory_space<hbm>>)
          }
        } else {
        }
        %le3A_686 = arith.constant 3 : i32
        %le3A_687 = arith.cmpi sle, %get3A_662, %le3A_686 : i32
        %gt3A_688 = arith.constant 3 : i32
        %gt3A_689 = arith.cmpi sgt, %select_n3A_659, %gt3A_688 : i32
        %and3A_690 = arith.andi %le3A_687, %gt3A_689 : i1
        %convert_element_type3A_691 = arith.extui %and3A_690 : i1 to i32
        %cond3A_692 = arith.constant 0 : i32
        %cond3A_693 = arith.cmpi ne, %convert_element_type3A_691, %cond3A_692 : i32
        scf.if %cond3A_693 {
          %mul3A_745 = arith.constant 3 : i32
          %mul3A_746 = arith.muli %mul3A_745, %select_n3A_81 : i32
          %sub3A_747 = arith.subi %add3A_53, %mul3A_746 : i32
          %jit3A_748 = arith.constant 0 : i32
          %max3A_749 = arith.maxsi %jit3A_748, %sub3A_747 : i32
          %min3A_750 = arith.minsi %select_n3A_81, %max3A_749 : i32
          %sub3A_751 = arith.constant 0 : i32
          %sub3A_752 = arith.subi %min3A_750, %sub3A_751 : i32
          %sub3A_753 = arith.constant 1 : i32
          %sub3A_754 = arith.constant 1 : i32
          %sub3A_755 = arith.subi %sub3A_753, %sub3A_754 : i32
          %add3A_756 = arith.addi %sub3A_752, %sub3A_755 : i32
          %div3A_757 = arith.constant 1 : i32
          %div3A_758 = arith.divsi %add3A_756, %div3A_757 : i32
          %while3A_759 = arith.constant 1 : i32
          %while3A_760 = arith.constant 0 : i32
          %while3A_761 = arith.constant 0 : i32
          %while3A_762 = arith.subi %div3A_758, %while3A_761 : i32
          %while3A_763 = arith.addi %while3A_761, %while3A_762 : i32
          %while3A_764 = arith.constant 1 : i32
          %while3A_765 = arith.divsi %while3A_762, %while3A_764 : i32
          %while3A_766 = arith.muli %while3A_765, %while3A_764 : i32
          %while3A_767 = arith.addi %while3A_761, %while3A_766 : i32
          %while3A_768 = arith.constant 1 : i32
          scf.for %while3A_770 = %while3A_761 to %while3A_767 step %while3A_768  : i32 {
            %mul3A_771 = arith.muli %while3A_770, %while3A_759 : i32
            %add3A_772 = arith.addi %while3A_760, %mul3A_771 : i32
            %dma_wait3A_773 = arith.constant 3 : i32
            %dma_wait3A_774 = arith.constant 0 : i32
            %dma_wait3A_775 = tpu.memref_slice %arg4[%select_n3A_28, %dma_wait3A_774] : memref<800000x128xf32, #tpu.memory_space<hbm>> -> memref<448x128xf32, #tpu.memory_space<hbm>>
            %dma_wait3A_776 = tpu.memref_slice %arg11[%dma_wait3A_773] : memref<8x!tpu.dma_semaphore, #tpu.memory_space<semaphore_mem>> -> memref<1x!tpu.dma_semaphore, #tpu.memory_space<semaphore_mem>>
            %dma_wait3A_777 = tpu.memref_squeeze %dma_wait3A_776 : memref<1x!tpu.dma_semaphore, #tpu.memory_space<semaphore_mem>> -> memref<!tpu.dma_semaphore, #tpu.memory_space<semaphore_mem>>
            %dma_wait3A_778 = arith.constant 0 : i32
            %dma_wait3A_779 = tpu.memref_slice %arg4[%select_n3A_28, %dma_wait3A_778] : memref<800000x128xf32, #tpu.memory_space<hbm>> -> memref<448x128xf32, #tpu.memory_space<hbm>>
            tpu.wait_dma2 semaphore(%dma_wait3A_777 : memref<!tpu.dma_semaphore, #tpu.memory_space<semaphore_mem>>) src(%arg7 : memref<448x128xf32, #tpu.memory_space<vmem>>) dst(%dma_wait3A_779 : memref<448x128xf32, #tpu.memory_space<hbm>>)
          }
          %while3A_769 = arith.constant 1 : i32
          scf.for %while3A_770 = %while3A_767 to %while3A_763 step %while3A_769  : i32 {
            %mul3A_771 = arith.muli %while3A_770, %while3A_759 : i32
            %add3A_772 = arith.addi %while3A_760, %mul3A_771 : i32
            %dma_wait3A_773 = arith.constant 3 : i32
            %dma_wait3A_774 = arith.constant 0 : i32
            %dma_wait3A_775 = tpu.memref_slice %arg4[%select_n3A_28, %dma_wait3A_774] : memref<800000x128xf32, #tpu.memory_space<hbm>> -> memref<448x128xf32, #tpu.memory_space<hbm>>
            %dma_wait3A_776 = tpu.memref_slice %arg11[%dma_wait3A_773] : memref<8x!tpu.dma_semaphore, #tpu.memory_space<semaphore_mem>> -> memref<1x!tpu.dma_semaphore, #tpu.memory_space<semaphore_mem>>
            %dma_wait3A_777 = tpu.memref_squeeze %dma_wait3A_776 : memref<1x!tpu.dma_semaphore, #tpu.memory_space<semaphore_mem>> -> memref<!tpu.dma_semaphore, #tpu.memory_space<semaphore_mem>>
            %dma_wait3A_778 = arith.constant 0 : i32
            %dma_wait3A_779 = tpu.memref_slice %arg4[%select_n3A_28, %dma_wait3A_778] : memref<800000x128xf32, #tpu.memory_space<hbm>> -> memref<448x128xf32, #tpu.memory_space<hbm>>
            tpu.wait_dma2 semaphore(%dma_wait3A_777 : memref<!tpu.dma_semaphore, #tpu.memory_space<semaphore_mem>>) src(%arg7 : memref<448x128xf32, #tpu.memory_space<vmem>>) dst(%dma_wait3A_779 : memref<448x128xf32, #tpu.memory_space<hbm>>)
          }
        } else {
        }
        %le3A_694 = arith.constant 4 : i32
        %le3A_695 = arith.cmpi sle, %get3A_662, %le3A_694 : i32
        %gt3A_696 = arith.constant 4 : i32
        %gt3A_697 = arith.cmpi sgt, %select_n3A_659, %gt3A_696 : i32
        %and3A_698 = arith.andi %le3A_695, %gt3A_697 : i1
        %convert_element_type3A_699 = arith.extui %and3A_698 : i1 to i32
        %cond3A_700 = arith.constant 0 : i32
        %cond3A_701 = arith.cmpi ne, %convert_element_type3A_699, %cond3A_700 : i32
        scf.if %cond3A_701 {
          %mul3A_745 = arith.constant 4 : i32
          %mul3A_746 = arith.muli %mul3A_745, %select_n3A_81 : i32
          %sub3A_747 = arith.subi %add3A_53, %mul3A_746 : i32
          %jit3A_748 = arith.constant 0 : i32
          %max3A_749 = arith.maxsi %jit3A_748, %sub3A_747 : i32
          %min3A_750 = arith.minsi %select_n3A_81, %max3A_749 : i32
          %sub3A_751 = arith.constant 0 : i32
          %sub3A_752 = arith.subi %min3A_750, %sub3A_751 : i32
          %sub3A_753 = arith.constant 1 : i32
          %sub3A_754 = arith.constant 1 : i32
          %sub3A_755 = arith.subi %sub3A_753, %sub3A_754 : i32
          %add3A_756 = arith.addi %sub3A_752, %sub3A_755 : i32
          %div3A_757 = arith.constant 1 : i32
          %div3A_758 = arith.divsi %add3A_756, %div3A_757 : i32
          %while3A_759 = arith.constant 1 : i32
          %while3A_760 = arith.constant 0 : i32
          %while3A_761 = arith.constant 0 : i32
          %while3A_762 = arith.subi %div3A_758, %while3A_761 : i32
          %while3A_763 = arith.addi %while3A_761, %while3A_762 : i32
          %while3A_764 = arith.constant 1 : i32
          %while3A_765 = arith.divsi %while3A_762, %while3A_764 : i32
          %while3A_766 = arith.muli %while3A_765, %while3A_764 : i32
          %while3A_767 = arith.addi %while3A_761, %while3A_766 : i32
          %while3A_768 = arith.constant 1 : i32
          scf.for %while3A_770 = %while3A_761 to %while3A_767 step %while3A_768  : i32 {
            %mul3A_771 = arith.muli %while3A_770, %while3A_759 : i32
            %add3A_772 = arith.addi %while3A_760, %mul3A_771 : i32
            %dma_wait3A_773 = arith.constant 4 : i32
            %dma_wait3A_774 = arith.constant 0 : i32
            %dma_wait3A_775 = tpu.memref_slice %arg4[%select_n3A_28, %dma_wait3A_774] : memref<800000x128xf32, #tpu.memory_space<hbm>> -> memref<448x128xf32, #tpu.memory_space<hbm>>
            %dma_wait3A_776 = tpu.memref_slice %arg11[%dma_wait3A_773] : memref<8x!tpu.dma_semaphore, #tpu.memory_space<semaphore_mem>> -> memref<1x!tpu.dma_semaphore, #tpu.memory_space<semaphore_mem>>
            %dma_wait3A_777 = tpu.memref_squeeze %dma_wait3A_776 : memref<1x!tpu.dma_semaphore, #tpu.memory_space<semaphore_mem>> -> memref<!tpu.dma_semaphore, #tpu.memory_space<semaphore_mem>>
            %dma_wait3A_778 = arith.constant 0 : i32
            %dma_wait3A_779 = tpu.memref_slice %arg4[%select_n3A_28, %dma_wait3A_778] : memref<800000x128xf32, #tpu.memory_space<hbm>> -> memref<448x128xf32, #tpu.memory_space<hbm>>
            tpu.wait_dma2 semaphore(%dma_wait3A_777 : memref<!tpu.dma_semaphore, #tpu.memory_space<semaphore_mem>>) src(%arg7 : memref<448x128xf32, #tpu.memory_space<vmem>>) dst(%dma_wait3A_779 : memref<448x128xf32, #tpu.memory_space<hbm>>)
          }
          %while3A_769 = arith.constant 1 : i32
          scf.for %while3A_770 = %while3A_767 to %while3A_763 step %while3A_769  : i32 {
            %mul3A_771 = arith.muli %while3A_770, %while3A_759 : i32
            %add3A_772 = arith.addi %while3A_760, %mul3A_771 : i32
            %dma_wait3A_773 = arith.constant 4 : i32
            %dma_wait3A_774 = arith.constant 0 : i32
            %dma_wait3A_775 = tpu.memref_slice %arg4[%select_n3A_28, %dma_wait3A_774] : memref<800000x128xf32, #tpu.memory_space<hbm>> -> memref<448x128xf32, #tpu.memory_space<hbm>>
            %dma_wait3A_776 = tpu.memref_slice %arg11[%dma_wait3A_773] : memref<8x!tpu.dma_semaphore, #tpu.memory_space<semaphore_mem>> -> memref<1x!tpu.dma_semaphore, #tpu.memory_space<semaphore_mem>>
            %dma_wait3A_777 = tpu.memref_squeeze %dma_wait3A_776 : memref<1x!tpu.dma_semaphore, #tpu.memory_space<semaphore_mem>> -> memref<!tpu.dma_semaphore, #tpu.memory_space<semaphore_mem>>
            %dma_wait3A_778 = arith.constant 0 : i32
            %dma_wait3A_779 = tpu.memref_slice %arg4[%select_n3A_28, %dma_wait3A_778] : memref<800000x128xf32, #tpu.memory_space<hbm>> -> memref<448x128xf32, #tpu.memory_space<hbm>>
            tpu.wait_dma2 semaphore(%dma_wait3A_777 : memref<!tpu.dma_semaphore, #tpu.memory_space<semaphore_mem>>) src(%arg7 : memref<448x128xf32, #tpu.memory_space<vmem>>) dst(%dma_wait3A_779 : memref<448x128xf32, #tpu.memory_space<hbm>>)
          }
        } else {
        }
        %le3A_702 = arith.constant 5 : i32
        %le3A_703 = arith.cmpi sle, %get3A_662, %le3A_702 : i32
        %gt3A_704 = arith.constant 5 : i32
        %gt3A_705 = arith.cmpi sgt, %select_n3A_659, %gt3A_704 : i32
        %and3A_706 = arith.andi %le3A_703, %gt3A_705 : i1
        %convert_element_type3A_707 = arith.extui %and3A_706 : i1 to i32
        %cond3A_708 = arith.constant 0 : i32
        %cond3A_709 = arith.cmpi ne, %convert_element_type3A_707, %cond3A_708 : i32
        scf.if %cond3A_709 {
          %mul3A_745 = arith.constant 5 : i32
          %mul3A_746 = arith.muli %mul3A_745, %select_n3A_81 : i32
          %sub3A_747 = arith.subi %add3A_53, %mul3A_746 : i32
          %jit3A_748 = arith.constant 0 : i32
          %max3A_749 = arith.maxsi %jit3A_748, %sub3A_747 : i32
          %min3A_750 = arith.minsi %select_n3A_81, %max3A_749 : i32
          %sub3A_751 = arith.constant 0 : i32
          %sub3A_752 = arith.subi %min3A_750, %sub3A_751 : i32
          %sub3A_753 = arith.constant 1 : i32
          %sub3A_754 = arith.constant 1 : i32
          %sub3A_755 = arith.subi %sub3A_753, %sub3A_754 : i32
          %add3A_756 = arith.addi %sub3A_752, %sub3A_755 : i32
          %div3A_757 = arith.constant 1 : i32
          %div3A_758 = arith.divsi %add3A_756, %div3A_757 : i32
          %while3A_759 = arith.constant 1 : i32
          %while3A_760 = arith.constant 0 : i32
          %while3A_761 = arith.constant 0 : i32
          %while3A_762 = arith.subi %div3A_758, %while3A_761 : i32
          %while3A_763 = arith.addi %while3A_761, %while3A_762 : i32
          %while3A_764 = arith.constant 1 : i32
          %while3A_765 = arith.divsi %while3A_762, %while3A_764 : i32
          %while3A_766 = arith.muli %while3A_765, %while3A_764 : i32
          %while3A_767 = arith.addi %while3A_761, %while3A_766 : i32
          %while3A_768 = arith.constant 1 : i32
          scf.for %while3A_770 = %while3A_761 to %while3A_767 step %while3A_768  : i32 {
            %mul3A_771 = arith.muli %while3A_770, %while3A_759 : i32
            %add3A_772 = arith.addi %while3A_760, %mul3A_771 : i32
            %dma_wait3A_773 = arith.constant 5 : i32
            %dma_wait3A_774 = arith.constant 0 : i32
            %dma_wait3A_775 = tpu.memref_slice %arg4[%select_n3A_28, %dma_wait3A_774] : memref<800000x128xf32, #tpu.memory_space<hbm>> -> memref<448x128xf32, #tpu.memory_space<hbm>>
            %dma_wait3A_776 = tpu.memref_slice %arg11[%dma_wait3A_773] : memref<8x!tpu.dma_semaphore, #tpu.memory_space<semaphore_mem>> -> memref<1x!tpu.dma_semaphore, #tpu.memory_space<semaphore_mem>>
            %dma_wait3A_777 = tpu.memref_squeeze %dma_wait3A_776 : memref<1x!tpu.dma_semaphore, #tpu.memory_space<semaphore_mem>> -> memref<!tpu.dma_semaphore, #tpu.memory_space<semaphore_mem>>
            %dma_wait3A_778 = arith.constant 0 : i32
            %dma_wait3A_779 = tpu.memref_slice %arg4[%select_n3A_28, %dma_wait3A_778] : memref<800000x128xf32, #tpu.memory_space<hbm>> -> memref<448x128xf32, #tpu.memory_space<hbm>>
            tpu.wait_dma2 semaphore(%dma_wait3A_777 : memref<!tpu.dma_semaphore, #tpu.memory_space<semaphore_mem>>) src(%arg7 : memref<448x128xf32, #tpu.memory_space<vmem>>) dst(%dma_wait3A_779 : memref<448x128xf32, #tpu.memory_space<hbm>>)
          }
          %while3A_769 = arith.constant 1 : i32
          scf.for %while3A_770 = %while3A_767 to %while3A_763 step %while3A_769  : i32 {
            %mul3A_771 = arith.muli %while3A_770, %while3A_759 : i32
            %add3A_772 = arith.addi %while3A_760, %mul3A_771 : i32
            %dma_wait3A_773 = arith.constant 5 : i32
            %dma_wait3A_774 = arith.constant 0 : i32
            %dma_wait3A_775 = tpu.memref_slice %arg4[%select_n3A_28, %dma_wait3A_774] : memref<800000x128xf32, #tpu.memory_space<hbm>> -> memref<448x128xf32, #tpu.memory_space<hbm>>
            %dma_wait3A_776 = tpu.memref_slice %arg11[%dma_wait3A_773] : memref<8x!tpu.dma_semaphore, #tpu.memory_space<semaphore_mem>> -> memref<1x!tpu.dma_semaphore, #tpu.memory_space<semaphore_mem>>
            %dma_wait3A_777 = tpu.memref_squeeze %dma_wait3A_776 : memref<1x!tpu.dma_semaphore, #tpu.memory_space<semaphore_mem>> -> memref<!tpu.dma_semaphore, #tpu.memory_space<semaphore_mem>>
            %dma_wait3A_778 = arith.constant 0 : i32
            %dma_wait3A_779 = tpu.memref_slice %arg4[%select_n3A_28, %dma_wait3A_778] : memref<800000x128xf32, #tpu.memory_space<hbm>> -> memref<448x128xf32, #tpu.memory_space<hbm>>
            tpu.wait_dma2 semaphore(%dma_wait3A_777 : memref<!tpu.dma_semaphore, #tpu.memory_space<semaphore_mem>>) src(%arg7 : memref<448x128xf32, #tpu.memory_space<vmem>>) dst(%dma_wait3A_779 : memref<448x128xf32, #tpu.memory_space<hbm>>)
          }
        } else {
        }
        %le3A_710 = arith.constant 6 : i32
        %le3A_711 = arith.cmpi sle, %get3A_662, %le3A_710 : i32
        %gt3A_712 = arith.constant 6 : i32
        %gt3A_713 = arith.cmpi sgt, %select_n3A_659, %gt3A_712 : i32
        %and3A_714 = arith.andi %le3A_711, %gt3A_713 : i1
        %convert_element_type3A_715 = arith.extui %and3A_714 : i1 to i32
        %cond3A_716 = arith.constant 0 : i32
        %cond3A_717 = arith.cmpi ne, %convert_element_type3A_715, %cond3A_716 : i32
        scf.if %cond3A_717 {
          %mul3A_745 = arith.constant 6 : i32
          %mul3A_746 = arith.muli %mul3A_745, %select_n3A_81 : i32
          %sub3A_747 = arith.subi %add3A_53, %mul3A_746 : i32
          %jit3A_748 = arith.constant 0 : i32
          %max3A_749 = arith.maxsi %jit3A_748, %sub3A_747 : i32
          %min3A_750 = arith.minsi %select_n3A_81, %max3A_749 : i32
          %sub3A_751 = arith.constant 0 : i32
          %sub3A_752 = arith.subi %min3A_750, %sub3A_751 : i32
          %sub3A_753 = arith.constant 1 : i32
          %sub3A_754 = arith.constant 1 : i32
          %sub3A_755 = arith.subi %sub3A_753, %sub3A_754 : i32
          %add3A_756 = arith.addi %sub3A_752, %sub3A_755 : i32
          %div3A_757 = arith.constant 1 : i32
          %div3A_758 = arith.divsi %add3A_756, %div3A_757 : i32
          %while3A_759 = arith.constant 1 : i32
          %while3A_760 = arith.constant 0 : i32
          %while3A_761 = arith.constant 0 : i32
          %while3A_762 = arith.subi %div3A_758, %while3A_761 : i32
          %while3A_763 = arith.addi %while3A_761, %while3A_762 : i32
          %while3A_764 = arith.constant 1 : i32
          %while3A_765 = arith.divsi %while3A_762, %while3A_764 : i32
          %while3A_766 = arith.muli %while3A_765, %while3A_764 : i32
          %while3A_767 = arith.addi %while3A_761, %while3A_766 : i32
          %while3A_768 = arith.constant 1 : i32
          scf.for %while3A_770 = %while3A_761 to %while3A_767 step %while3A_768  : i32 {
            %mul3A_771 = arith.muli %while3A_770, %while3A_759 : i32
            %add3A_772 = arith.addi %while3A_760, %mul3A_771 : i32
            %dma_wait3A_773 = arith.constant 6 : i32
            %dma_wait3A_774 = arith.constant 0 : i32
            %dma_wait3A_775 = tpu.memref_slice %arg4[%select_n3A_28, %dma_wait3A_774] : memref<800000x128xf32, #tpu.memory_space<hbm>> -> memref<448x128xf32, #tpu.memory_space<hbm>>
            %dma_wait3A_776 = tpu.memref_slice %arg11[%dma_wait3A_773] : memref<8x!tpu.dma_semaphore, #tpu.memory_space<semaphore_mem>> -> memref<1x!tpu.dma_semaphore, #tpu.memory_space<semaphore_mem>>
            %dma_wait3A_777 = tpu.memref_squeeze %dma_wait3A_776 : memref<1x!tpu.dma_semaphore, #tpu.memory_space<semaphore_mem>> -> memref<!tpu.dma_semaphore, #tpu.memory_space<semaphore_mem>>
            %dma_wait3A_778 = arith.constant 0 : i32
            %dma_wait3A_779 = tpu.memref_slice %arg4[%select_n3A_28, %dma_wait3A_778] : memref<800000x128xf32, #tpu.memory_space<hbm>> -> memref<448x128xf32, #tpu.memory_space<hbm>>
            tpu.wait_dma2 semaphore(%dma_wait3A_777 : memref<!tpu.dma_semaphore, #tpu.memory_space<semaphore_mem>>) src(%arg7 : memref<448x128xf32, #tpu.memory_space<vmem>>) dst(%dma_wait3A_779 : memref<448x128xf32, #tpu.memory_space<hbm>>)
          }
          %while3A_769 = arith.constant 1 : i32
          scf.for %while3A_770 = %while3A_767 to %while3A_763 step %while3A_769  : i32 {
            %mul3A_771 = arith.muli %while3A_770, %while3A_759 : i32
            %add3A_772 = arith.addi %while3A_760, %mul3A_771 : i32
            %dma_wait3A_773 = arith.constant 6 : i32
            %dma_wait3A_774 = arith.constant 0 : i32
            %dma_wait3A_775 = tpu.memref_slice %arg4[%select_n3A_28, %dma_wait3A_774] : memref<800000x128xf32, #tpu.memory_space<hbm>> -> memref<448x128xf32, #tpu.memory_space<hbm>>
            %dma_wait3A_776 = tpu.memref_slice %arg11[%dma_wait3A_773] : memref<8x!tpu.dma_semaphore, #tpu.memory_space<semaphore_mem>> -> memref<1x!tpu.dma_semaphore, #tpu.memory_space<semaphore_mem>>
            %dma_wait3A_777 = tpu.memref_squeeze %dma_wait3A_776 : memref<1x!tpu.dma_semaphore, #tpu.memory_space<semaphore_mem>> -> memref<!tpu.dma_semaphore, #tpu.memory_space<semaphore_mem>>
            %dma_wait3A_778 = arith.constant 0 : i32
            %dma_wait3A_779 = tpu.memref_slice %arg4[%select_n3A_28, %dma_wait3A_778] : memref<800000x128xf32, #tpu.memory_space<hbm>> -> memref<448x128xf32, #tpu.memory_space<hbm>>
            tpu.wait_dma2 semaphore(%dma_wait3A_777 : memref<!tpu.dma_semaphore, #tpu.memory_space<semaphore_mem>>) src(%arg7 : memref<448x128xf32, #tpu.memory_space<vmem>>) dst(%dma_wait3A_779 : memref<448x128xf32, #tpu.memory_space<hbm>>)
          }
        } else {
        }
        %le3A_718 = arith.constant 7 : i32
        %le3A_719 = arith.cmpi sle, %get3A_662, %le3A_718 : i32
        %gt3A_720 = arith.constant 7 : i32
        %gt3A_721 = arith.cmpi sgt, %select_n3A_659, %gt3A_720 : i32
        %and3A_722 = arith.andi %le3A_719, %gt3A_721 : i1
        %convert_element_type3A_723 = arith.extui %and3A_722 : i1 to i32
        %cond3A_724 = arith.constant 0 : i32
        %cond3A_725 = arith.cmpi ne, %convert_element_type3A_723, %cond3A_724 : i32
        scf.if %cond3A_725 {
          %mul3A_745 = arith.constant 7 : i32
          %mul3A_746 = arith.muli %mul3A_745, %select_n3A_81 : i32
          %sub3A_747 = arith.subi %add3A_53, %mul3A_746 : i32
          %jit3A_748 = arith.constant 0 : i32
          %max3A_749 = arith.maxsi %jit3A_748, %sub3A_747 : i32
          %min3A_750 = arith.minsi %select_n3A_81, %max3A_749 : i32
          %sub3A_751 = arith.constant 0 : i32
          %sub3A_752 = arith.subi %min3A_750, %sub3A_751 : i32
          %sub3A_753 = arith.constant 1 : i32
          %sub3A_754 = arith.constant 1 : i32
          %sub3A_755 = arith.subi %sub3A_753, %sub3A_754 : i32
          %add3A_756 = arith.addi %sub3A_752, %sub3A_755 : i32
          %div3A_757 = arith.constant 1 : i32
          %div3A_758 = arith.divsi %add3A_756, %div3A_757 : i32
          %while3A_759 = arith.constant 1 : i32
          %while3A_760 = arith.constant 0 : i32
          %while3A_761 = arith.constant 0 : i32
          %while3A_762 = arith.subi %div3A_758, %while3A_761 : i32
          %while3A_763 = arith.addi %while3A_761, %while3A_762 : i32
          %while3A_764 = arith.constant 1 : i32
          %while3A_765 = arith.divsi %while3A_762, %while3A_764 : i32
          %while3A_766 = arith.muli %while3A_765, %while3A_764 : i32
          %while3A_767 = arith.addi %while3A_761, %while3A_766 : i32
          %while3A_768 = arith.constant 1 : i32
          scf.for %while3A_770 = %while3A_761 to %while3A_767 step %while3A_768  : i32 {
            %mul3A_771 = arith.muli %while3A_770, %while3A_759 : i32
            %add3A_772 = arith.addi %while3A_760, %mul3A_771 : i32
            %dma_wait3A_773 = arith.constant 7 : i32
            %dma_wait3A_774 = arith.constant 0 : i32
            %dma_wait3A_775 = tpu.memref_slice %arg4[%select_n3A_28, %dma_wait3A_774] : memref<800000x128xf32, #tpu.memory_space<hbm>> -> memref<448x128xf32, #tpu.memory_space<hbm>>
            %dma_wait3A_776 = tpu.memref_slice %arg11[%dma_wait3A_773] : memref<8x!tpu.dma_semaphore, #tpu.memory_space<semaphore_mem>> -> memref<1x!tpu.dma_semaphore, #tpu.memory_space<semaphore_mem>>
            %dma_wait3A_777 = tpu.memref_squeeze %dma_wait3A_776 : memref<1x!tpu.dma_semaphore, #tpu.memory_space<semaphore_mem>> -> memref<!tpu.dma_semaphore, #tpu.memory_space<semaphore_mem>>
            %dma_wait3A_778 = arith.constant 0 : i32
            %dma_wait3A_779 = tpu.memref_slice %arg4[%select_n3A_28, %dma_wait3A_778] : memref<800000x128xf32, #tpu.memory_space<hbm>> -> memref<448x128xf32, #tpu.memory_space<hbm>>
            tpu.wait_dma2 semaphore(%dma_wait3A_777 : memref<!tpu.dma_semaphore, #tpu.memory_space<semaphore_mem>>) src(%arg7 : memref<448x128xf32, #tpu.memory_space<vmem>>) dst(%dma_wait3A_779 : memref<448x128xf32, #tpu.memory_space<hbm>>)
          }
          %while3A_769 = arith.constant 1 : i32
          scf.for %while3A_770 = %while3A_767 to %while3A_763 step %while3A_769  : i32 {
            %mul3A_771 = arith.muli %while3A_770, %while3A_759 : i32
            %add3A_772 = arith.addi %while3A_760, %mul3A_771 : i32
            %dma_wait3A_773 = arith.constant 7 : i32
            %dma_wait3A_774 = arith.constant 0 : i32
            %dma_wait3A_775 = tpu.memref_slice %arg4[%select_n3A_28, %dma_wait3A_774] : memref<800000x128xf32, #tpu.memory_space<hbm>> -> memref<448x128xf32, #tpu.memory_space<hbm>>
            %dma_wait3A_776 = tpu.memref_slice %arg11[%dma_wait3A_773] : memref<8x!tpu.dma_semaphore, #tpu.memory_space<semaphore_mem>> -> memref<1x!tpu.dma_semaphore, #tpu.memory_space<semaphore_mem>>
            %dma_wait3A_777 = tpu.memref_squeeze %dma_wait3A_776 : memref<1x!tpu.dma_semaphore, #tpu.memory_space<semaphore_mem>> -> memref<!tpu.dma_semaphore, #tpu.memory_space<semaphore_mem>>
            %dma_wait3A_778 = arith.constant 0 : i32
            %dma_wait3A_779 = tpu.memref_slice %arg4[%select_n3A_28, %dma_wait3A_778] : memref<800000x128xf32, #tpu.memory_space<hbm>> -> memref<448x128xf32, #tpu.memory_space<hbm>>
            tpu.wait_dma2 semaphore(%dma_wait3A_777 : memref<!tpu.dma_semaphore, #tpu.memory_space<semaphore_mem>>) src(%arg7 : memref<448x128xf32, #tpu.memory_space<vmem>>) dst(%dma_wait3A_779 : memref<448x128xf32, #tpu.memory_space<hbm>>)
          }
        } else {
        }
        %max3A_726 = arith.maxsi %get3A_662, %select_n3A_659 : i32
        %swap3A_727 = arith.constant 0 : i32
        %swap3A_728 = arith.index_cast %swap3A_727 : i32 to index
        %swap3A_729 = memref.load %arg8[%swap3A_728] : memref<1xi32, #tpu.memory_space<smem>>
        memref.store %max3A_726, %arg8[%swap3A_728] : memref<1xi32, #tpu.memory_space<smem>>
        %dma_start3A_730 = arith.constant 3 : i32
        %dma_start3A_731 = arith.constant 3 : i32
        %dma_start3A_732 = arith.constant 3 : i32
        %dma_start3A_733 = arith.constant 0 : i32
        %dma_start3A_734 = arith.constant 0 : i32
        %dma_start3A_735 = tpu.memref_slice %arg6[%dma_start3A_730, %dma_start3A_733, %dma_start3A_734] : memref<4x128x128xf32, #tpu.memory_space<vmem>> -> memref<1x128x128xf32, #tpu.memory_space<vmem>>
        %dma_start3A_736 = tpu.memref_squeeze %dma_start3A_735 : memref<1x128x128xf32, #tpu.memory_space<vmem>> -> memref<128x128xf32, #tpu.memory_space<vmem>>
        %dma_start3A_737 = arith.constant 0 : i32
        %dma_start3A_738 = tpu.memref_slice %arg5[%dma_start3A_731, %dma_start3A_737] : memref<4x128xi32, #tpu.memory_space<vmem>> -> memref<1x128xi32, #tpu.memory_space<vmem>>
        %dma_start3A_739 = tpu.memref_squeeze %dma_start3A_738 : memref<1x128xi32, #tpu.memory_space<vmem>> -> memref<128xi32, #tpu.memory_space<vmem>>
        %dma_start3A_740 = arith.constant 0 : i32
        %dma_start3A_741 = arith.constant 0 : i32
        %dma_start3A_742 = tpu.memref_slice %arg4[%dma_start3A_740, %dma_start3A_741] : memref<800000x128xf32, #tpu.memory_space<hbm>> -> memref<800000x128xf32, #tpu.memory_space<hbm>>
        %dma_start3A_743 = tpu.memref_slice %arg10[%dma_start3A_732] : memref<4x!tpu.dma_semaphore, #tpu.memory_space<semaphore_mem>> -> memref<1x!tpu.dma_semaphore, #tpu.memory_space<semaphore_mem>>
        %dma_start3A_744 = tpu.memref_squeeze %dma_start3A_743 : memref<1x!tpu.dma_semaphore, #tpu.memory_space<semaphore_mem>> -> memref<!tpu.dma_semaphore, #tpu.memory_space<semaphore_mem>>
        tpu.enqueue_indirect_dma source(%dma_start3A_736 : memref<128x128xf32, #tpu.memory_space<vmem>>) target(%dma_start3A_742 : memref<800000x128xf32, #tpu.memory_space<hbm>>) offsets(%dma_start3A_739 : memref<128xi32, #tpu.memory_space<vmem>>) semaphore(%dma_start3A_744 : memref<!tpu.dma_semaphore, #tpu.memory_space<semaphore_mem>>)
      } else {
      }
      %ge3A_553 = arith.constant 2 : i32
      %ge3A_554 = arith.cmpi sge, %add3A_548, %ge3A_553 : i32
      %lt3A_555 = arith.cmpi slt, %add3A_548, %select_n3A : i32
      %and3A_556 = arith.andi %ge3A_554, %lt3A_555 : i1
      %convert_element_type3A_557 = arith.extui %and3A_556 : i1 to i32
      %cond3A_558 = arith.constant 0 : i32
      %cond3A_559 = arith.cmpi ne, %convert_element_type3A_557, %cond3A_558 : i32
      scf.if %cond3A_559 {
        %dma_wait3A = arith.constant 1 : i32
        %dma_wait3A_566 = arith.constant 1 : i32
        %dma_wait3A_567 = arith.constant 1 : i32
        %dma_wait3A_568 = arith.constant 0 : i32
        %dma_wait3A_569 = arith.constant 0 : i32
        %dma_wait3A_570 = tpu.memref_slice %arg6[%dma_wait3A, %dma_wait3A_568, %dma_wait3A_569] : memref<4x128x128xf32, #tpu.memory_space<vmem>> -> memref<1x128x128xf32, #tpu.memory_space<vmem>>
        %dma_wait3A_571 = tpu.memref_squeeze %dma_wait3A_570 : memref<1x128x128xf32, #tpu.memory_space<vmem>> -> memref<128x128xf32, #tpu.memory_space<vmem>>
        %dma_wait3A_572 = arith.constant 0 : i32
        %dma_wait3A_573 = tpu.memref_slice %arg5[%dma_wait3A_566, %dma_wait3A_572] : memref<4x128xi32, #tpu.memory_space<vmem>> -> memref<1x128xi32, #tpu.memory_space<vmem>>
        %dma_wait3A_574 = tpu.memref_squeeze %dma_wait3A_573 : memref<1x128xi32, #tpu.memory_space<vmem>> -> memref<128xi32, #tpu.memory_space<vmem>>
        %dma_wait3A_575 = arith.constant 0 : i32
        %dma_wait3A_576 = arith.constant 0 : i32
        %dma_wait3A_577 = tpu.memref_slice %arg4[%dma_wait3A_575, %dma_wait3A_576] : memref<800000x128xf32, #tpu.memory_space<hbm>> -> memref<800000x128xf32, #tpu.memory_space<hbm>>
        %dma_wait3A_578 = tpu.memref_slice %arg10[%dma_wait3A_567] : memref<4x!tpu.dma_semaphore, #tpu.memory_space<semaphore_mem>> -> memref<1x!tpu.dma_semaphore, #tpu.memory_space<semaphore_mem>>
        %dma_wait3A_579 = tpu.memref_squeeze %dma_wait3A_578 : memref<1x!tpu.dma_semaphore, #tpu.memory_space<semaphore_mem>> -> memref<!tpu.dma_semaphore, #tpu.memory_space<semaphore_mem>>
        tpu.wait_indirect_dma semaphore(%dma_wait3A_579 : memref<!tpu.dma_semaphore, #tpu.memory_space<semaphore_mem>>) src(%dma_wait3A_571 : memref<128x128xf32, #tpu.memory_space<vmem>>) dst(%dma_wait3A_577 : memref<800000x128xf32, #tpu.memory_space<hbm>>)
      } else {
      }
      %add3A_560 = arith.constant 2 : i32
      %add3A_561 = arith.addi %add3A_548, %add3A_560 : i32
      %lt3A_562 = arith.cmpi slt, %add3A_561, %select_n3A : i32
      %convert_element_type3A_563 = arith.extui %lt3A_562 : i1 to i32
      %cond3A_564 = arith.constant 0 : i32
      %cond3A_565 = arith.cmpi ne, %convert_element_type3A_563, %cond3A_564 : i32
      scf.if %cond3A_565 {
        %add3A_566 = arith.addi %mul3A_2, %add3A_548 : i32
        %add3A_567 = arith.constant 2 : i32
        %add3A_568 = arith.addi %add3A_566, %add3A_567 : i32
        %dma_start3A_569 = arith.constant 1 : i32
        %dma_start3A_570 = arith.constant 1 : i32
        %dma_start3A_571 = arith.constant 0 : i32
        %dma_start3A_572 = tpu.memref_slice %arg5[%dma_start3A_569, %dma_start3A_571] : memref<4x128xi32, #tpu.memory_space<vmem>> -> memref<1x128xi32, #tpu.memory_space<vmem>>
        %dma_start3A_573 = tpu.memref_squeeze %dma_start3A_572 : memref<1x128xi32, #tpu.memory_space<vmem>> -> memref<128xi32, #tpu.memory_space<vmem>>
        %dma_start3A_574 = arith.constant 0 : i32
        %dma_start3A_575 = tpu.memref_slice %arg3[%add3A_568, %dma_start3A_574] : memref<3125x128xi32, #tpu.memory_space<hbm>> -> memref<1x128xi32, #tpu.memory_space<hbm>>
        %dma_start3A_576 = tpu.memref_squeeze %dma_start3A_575 : memref<1x128xi32, #tpu.memory_space<hbm>> -> memref<128xi32, #tpu.memory_space<hbm>>
        %dma_start3A_577 = tpu.memref_slice %arg9[%dma_start3A_570] : memref<4x!tpu.dma_semaphore, #tpu.memory_space<semaphore_mem>> -> memref<1x!tpu.dma_semaphore, #tpu.memory_space<semaphore_mem>>
        %dma_start3A_578 = tpu.memref_squeeze %dma_start3A_577 : memref<1x!tpu.dma_semaphore, #tpu.memory_space<semaphore_mem>> -> memref<!tpu.dma_semaphore, #tpu.memory_space<semaphore_mem>>
        %dma_start3A_579 = arith.constant 0 : i32
        %dma_start3A_580 = tpu.memref_slice %arg5[%dma_start3A_569, %dma_start3A_579] : memref<4x128xi32, #tpu.memory_space<vmem>> -> memref<1x128xi32, #tpu.memory_space<vmem>>
        %dma_start3A_581 = tpu.memref_squeeze %dma_start3A_580 : memref<1x128xi32, #tpu.memory_space<vmem>> -> memref<128xi32, #tpu.memory_space<vmem>>
        %dma_start3A_582 = arith.constant 0 : i32
        %dma_start3A_583 = tpu.memref_slice %arg3[%add3A_568, %dma_start3A_582] : memref<3125x128xi32, #tpu.memory_space<hbm>> -> memref<1x128xi32, #tpu.memory_space<hbm>>
        %dma_start3A_584 = tpu.memref_squeeze %dma_start3A_583 : memref<1x128xi32, #tpu.memory_space<hbm>> -> memref<128xi32, #tpu.memory_space<hbm>>
        tpu.enqueue_dma source(%dma_start3A_584 : memref<128xi32, #tpu.memory_space<hbm>>) target(%dma_start3A_581 : memref<128xi32, #tpu.memory_space<vmem>>) target_semaphore(%dma_start3A_578 : memref<!tpu.dma_semaphore, #tpu.memory_space<semaphore_mem>>)
        %mul3A_585 = arith.constant 128 : i32
        %mul3A_586 = arith.muli %add3A_568, %mul3A_585 : i32
        %dma_start3A_587 = arith.constant 1 : i32
        %dma_start3A_588 = arith.constant 1 : i32
        %dma_start3A_589 = arith.constant 0 : i32
        %dma_start3A_590 = arith.constant 0 : i32
        %dma_start3A_591 = tpu.memref_slice %arg6[%dma_start3A_587, %dma_start3A_589, %dma_start3A_590] : memref<4x128x128xf32, #tpu.memory_space<vmem>> -> memref<1x128x128xf32, #tpu.memory_space<vmem>>
        %dma_start3A_592 = tpu.memref_squeeze %dma_start3A_591 : memref<1x128x128xf32, #tpu.memory_space<vmem>> -> memref<128x128xf32, #tpu.memory_space<vmem>>
        %dma_start3A_593 = arith.constant 0 : i32
        %dma_start3A_594 = tpu.memref_slice %arg2[%mul3A_586, %dma_start3A_593] : memref<400000x128xf32, #tpu.memory_space<hbm>> -> memref<128x128xf32, #tpu.memory_space<hbm>>
        %dma_start3A_595 = tpu.memref_slice %arg9[%dma_start3A_588] : memref<4x!tpu.dma_semaphore, #tpu.memory_space<semaphore_mem>> -> memref<1x!tpu.dma_semaphore, #tpu.memory_space<semaphore_mem>>
        %dma_start3A_596 = tpu.memref_squeeze %dma_start3A_595 : memref<1x!tpu.dma_semaphore, #tpu.memory_space<semaphore_mem>> -> memref<!tpu.dma_semaphore, #tpu.memory_space<semaphore_mem>>
        %dma_start3A_597 = arith.constant 0 : i32
        %dma_start3A_598 = arith.constant 0 : i32
        %dma_start3A_599 = tpu.memref_slice %arg6[%dma_start3A_587, %dma_start3A_597, %dma_start3A_598] : memref<4x128x128xf32, #tpu.memory_space<vmem>> -> memref<1x128x128xf32, #tpu.memory_space<vmem>>
        %dma_start3A_600 = tpu.memref_squeeze %dma_start3A_599 : memref<1x128x128xf32, #tpu.memory_space<vmem>> -> memref<128x128xf32, #tpu.memory_space<vmem>>
        %dma_start3A_601 = arith.constant 0 : i32
        %dma_start3A_602 = tpu.memref_slice %arg2[%mul3A_586, %dma_start3A_601] : memref<400000x128xf32, #tpu.memory_space<hbm>> -> memref<128x128xf32, #tpu.memory_space<hbm>>
        tpu.enqueue_dma source(%dma_start3A_602 : memref<128x128xf32, #tpu.memory_space<hbm>>) target(%dma_start3A_600 : memref<128x128xf32, #tpu.memory_space<vmem>>) target_semaphore(%dma_start3A_596 : memref<!tpu.dma_semaphore, #tpu.memory_space<semaphore_mem>>)
      } else {
      }
    }
    %scan3A_362 = arith.constant 25 : i32
    %get3A_363 = arith.constant 0 : i32
    %get3A_364 = arith.index_cast %get3A_363 : i32 to index
    %get3A_365 = memref.load %arg8[%get3A_364] : memref<1xi32, #tpu.memory_space<smem>>
    %le3A = arith.constant 0 : i32
    %le3A_366 = arith.cmpi sle, %get3A_365, %le3A : i32
    %and3A_367 = arith.constant true
    %and3A_368 = arith.andi %le3A_366, %and3A_367 : i1
    %convert_element_type3A = arith.extui %and3A_368 : i1 to i32
    %cond3A = arith.constant 0 : i32
    %cond3A_369 = arith.cmpi ne, %convert_element_type3A, %cond3A : i32
    scf.if %cond3A_369 {
      %mul3A_487 = arith.constant 0 : i32
      %mul3A_488 = arith.muli %mul3A_487, %select_n3A_81 : i32
      %sub3A_489 = arith.subi %add3A_53, %mul3A_488 : i32
      %jit3A_490 = arith.constant 0 : i32
      %max3A_491 = arith.maxsi %jit3A_490, %sub3A_489 : i32
      %min3A_492 = arith.minsi %select_n3A_81, %max3A_491 : i32
      %sub3A_493 = arith.constant 0 : i32
      %sub3A_494 = arith.subi %min3A_492, %sub3A_493 : i32
      %sub3A_495 = arith.constant 1 : i32
      %sub3A_496 = arith.constant 1 : i32
      %sub3A_497 = arith.subi %sub3A_495, %sub3A_496 : i32
      %add3A_498 = arith.addi %sub3A_494, %sub3A_497 : i32
      %div3A_499 = arith.constant 1 : i32
      %div3A_500 = arith.divsi %add3A_498, %div3A_499 : i32
      %while3A_501 = arith.constant 1 : i32
      %while3A_502 = arith.constant 0 : i32
      %while3A_503 = arith.constant 0 : i32
      %while3A_504 = arith.subi %div3A_500, %while3A_503 : i32
      %while3A_505 = arith.addi %while3A_503, %while3A_504 : i32
      %while3A_506 = arith.constant 1 : i32
      %while3A_507 = arith.divsi %while3A_504, %while3A_506 : i32
      %while3A_508 = arith.muli %while3A_507, %while3A_506 : i32
      %while3A_509 = arith.addi %while3A_503, %while3A_508 : i32
      %while3A_510 = arith.constant 1 : i32
      scf.for %while3A_512 = %while3A_503 to %while3A_509 step %while3A_510  : i32 {
        %mul3A_513 = arith.muli %while3A_512, %while3A_501 : i32
        %add3A_514 = arith.addi %while3A_502, %mul3A_513 : i32
        %dma_wait3A = arith.constant 0 : i32
        %dma_wait3A_515 = arith.constant 0 : i32
        %dma_wait3A_516 = tpu.memref_slice %arg4[%select_n3A_28, %dma_wait3A_515] : memref<800000x128xf32, #tpu.memory_space<hbm>> -> memref<448x128xf32, #tpu.memory_space<hbm>>
        %dma_wait3A_517 = tpu.memref_slice %arg11[%dma_wait3A] : memref<8x!tpu.dma_semaphore, #tpu.memory_space<semaphore_mem>> -> memref<1x!tpu.dma_semaphore, #tpu.memory_space<semaphore_mem>>
        %dma_wait3A_518 = tpu.memref_squeeze %dma_wait3A_517 : memref<1x!tpu.dma_semaphore, #tpu.memory_space<semaphore_mem>> -> memref<!tpu.dma_semaphore, #tpu.memory_space<semaphore_mem>>
        %dma_wait3A_519 = arith.constant 0 : i32
        %dma_wait3A_520 = tpu.memref_slice %arg4[%select_n3A_28, %dma_wait3A_519] : memref<800000x128xf32, #tpu.memory_space<hbm>> -> memref<448x128xf32, #tpu.memory_space<hbm>>
        tpu.wait_dma2 semaphore(%dma_wait3A_518 : memref<!tpu.dma_semaphore, #tpu.memory_space<semaphore_mem>>) src(%arg7 : memref<448x128xf32, #tpu.memory_space<vmem>>) dst(%dma_wait3A_520 : memref<448x128xf32, #tpu.memory_space<hbm>>)
      }
      %while3A_511 = arith.constant 1 : i32
      scf.for %while3A_512 = %while3A_509 to %while3A_505 step %while3A_511  : i32 {
        %mul3A_513 = arith.muli %while3A_512, %while3A_501 : i32
        %add3A_514 = arith.addi %while3A_502, %mul3A_513 : i32
        %dma_wait3A = arith.constant 0 : i32
        %dma_wait3A_515 = arith.constant 0 : i32
        %dma_wait3A_516 = tpu.memref_slice %arg4[%select_n3A_28, %dma_wait3A_515] : memref<800000x128xf32, #tpu.memory_space<hbm>> -> memref<448x128xf32, #tpu.memory_space<hbm>>
        %dma_wait3A_517 = tpu.memref_slice %arg11[%dma_wait3A] : memref<8x!tpu.dma_semaphore, #tpu.memory_space<semaphore_mem>> -> memref<1x!tpu.dma_semaphore, #tpu.memory_space<semaphore_mem>>
        %dma_wait3A_518 = tpu.memref_squeeze %dma_wait3A_517 : memref<1x!tpu.dma_semaphore, #tpu.memory_space<semaphore_mem>> -> memref<!tpu.dma_semaphore, #tpu.memory_space<semaphore_mem>>
        %dma_wait3A_519 = arith.constant 0 : i32
        %dma_wait3A_520 = tpu.memref_slice %arg4[%select_n3A_28, %dma_wait3A_519] : memref<800000x128xf32, #tpu.memory_space<hbm>> -> memref<448x128xf32, #tpu.memory_space<hbm>>
        tpu.wait_dma2 semaphore(%dma_wait3A_518 : memref<!tpu.dma_semaphore, #tpu.memory_space<semaphore_mem>>) src(%arg7 : memref<448x128xf32, #tpu.memory_space<vmem>>) dst(%dma_wait3A_520 : memref<448x128xf32, #tpu.memory_space<hbm>>)
      }
    } else {
    }
    %le3A_370 = arith.constant 1 : i32
    %le3A_371 = arith.cmpi sle, %get3A_365, %le3A_370 : i32
    %and3A_372 = arith.constant true
    %and3A_373 = arith.andi %le3A_371, %and3A_372 : i1
    %convert_element_type3A_374 = arith.extui %and3A_373 : i1 to i32
    %cond3A_375 = arith.constant 0 : i32
    %cond3A_376 = arith.cmpi ne, %convert_element_type3A_374, %cond3A_375 : i32
    scf.if %cond3A_376 {
      %mul3A_487 = arith.constant 1 : i32
      %mul3A_488 = arith.muli %mul3A_487, %select_n3A_81 : i32
      %sub3A_489 = arith.subi %add3A_53, %mul3A_488 : i32
      %jit3A_490 = arith.constant 0 : i32
      %max3A_491 = arith.maxsi %jit3A_490, %sub3A_489 : i32
      %min3A_492 = arith.minsi %select_n3A_81, %max3A_491 : i32
      %sub3A_493 = arith.constant 0 : i32
      %sub3A_494 = arith.subi %min3A_492, %sub3A_493 : i32
      %sub3A_495 = arith.constant 1 : i32
      %sub3A_496 = arith.constant 1 : i32
      %sub3A_497 = arith.subi %sub3A_495, %sub3A_496 : i32
      %add3A_498 = arith.addi %sub3A_494, %sub3A_497 : i32
      %div3A_499 = arith.constant 1 : i32
      %div3A_500 = arith.divsi %add3A_498, %div3A_499 : i32
      %while3A_501 = arith.constant 1 : i32
      %while3A_502 = arith.constant 0 : i32
      %while3A_503 = arith.constant 0 : i32
      %while3A_504 = arith.subi %div3A_500, %while3A_503 : i32
      %while3A_505 = arith.addi %while3A_503, %while3A_504 : i32
      %while3A_506 = arith.constant 1 : i32
      %while3A_507 = arith.divsi %while3A_504, %while3A_506 : i32
      %while3A_508 = arith.muli %while3A_507, %while3A_506 : i32
      %while3A_509 = arith.addi %while3A_503, %while3A_508 : i32
      %while3A_510 = arith.constant 1 : i32
      scf.for %while3A_512 = %while3A_503 to %while3A_509 step %while3A_510  : i32 {
        %mul3A_513 = arith.muli %while3A_512, %while3A_501 : i32
        %add3A_514 = arith.addi %while3A_502, %mul3A_513 : i32
        %dma_wait3A = arith.constant 1 : i32
        %dma_wait3A_515 = arith.constant 0 : i32
        %dma_wait3A_516 = tpu.memref_slice %arg4[%select_n3A_28, %dma_wait3A_515] : memref<800000x128xf32, #tpu.memory_space<hbm>> -> memref<448x128xf32, #tpu.memory_space<hbm>>
        %dma_wait3A_517 = tpu.memref_slice %arg11[%dma_wait3A] : memref<8x!tpu.dma_semaphore, #tpu.memory_space<semaphore_mem>> -> memref<1x!tpu.dma_semaphore, #tpu.memory_space<semaphore_mem>>
        %dma_wait3A_518 = tpu.memref_squeeze %dma_wait3A_517 : memref<1x!tpu.dma_semaphore, #tpu.memory_space<semaphore_mem>> -> memref<!tpu.dma_semaphore, #tpu.memory_space<semaphore_mem>>
        %dma_wait3A_519 = arith.constant 0 : i32
        %dma_wait3A_520 = tpu.memref_slice %arg4[%select_n3A_28, %dma_wait3A_519] : memref<800000x128xf32, #tpu.memory_space<hbm>> -> memref<448x128xf32, #tpu.memory_space<hbm>>
        tpu.wait_dma2 semaphore(%dma_wait3A_518 : memref<!tpu.dma_semaphore, #tpu.memory_space<semaphore_mem>>) src(%arg7 : memref<448x128xf32, #tpu.memory_space<vmem>>) dst(%dma_wait3A_520 : memref<448x128xf32, #tpu.memory_space<hbm>>)
      }
      %while3A_511 = arith.constant 1 : i32
      scf.for %while3A_512 = %while3A_509 to %while3A_505 step %while3A_511  : i32 {
        %mul3A_513 = arith.muli %while3A_512, %while3A_501 : i32
        %add3A_514 = arith.addi %while3A_502, %mul3A_513 : i32
        %dma_wait3A = arith.constant 1 : i32
        %dma_wait3A_515 = arith.constant 0 : i32
        %dma_wait3A_516 = tpu.memref_slice %arg4[%select_n3A_28, %dma_wait3A_515] : memref<800000x128xf32, #tpu.memory_space<hbm>> -> memref<448x128xf32, #tpu.memory_space<hbm>>
        %dma_wait3A_517 = tpu.memref_slice %arg11[%dma_wait3A] : memref<8x!tpu.dma_semaphore, #tpu.memory_space<semaphore_mem>> -> memref<1x!tpu.dma_semaphore, #tpu.memory_space<semaphore_mem>>
        %dma_wait3A_518 = tpu.memref_squeeze %dma_wait3A_517 : memref<1x!tpu.dma_semaphore, #tpu.memory_space<semaphore_mem>> -> memref<!tpu.dma_semaphore, #tpu.memory_space<semaphore_mem>>
        %dma_wait3A_519 = arith.constant 0 : i32
        %dma_wait3A_520 = tpu.memref_slice %arg4[%select_n3A_28, %dma_wait3A_519] : memref<800000x128xf32, #tpu.memory_space<hbm>> -> memref<448x128xf32, #tpu.memory_space<hbm>>
        tpu.wait_dma2 semaphore(%dma_wait3A_518 : memref<!tpu.dma_semaphore, #tpu.memory_space<semaphore_mem>>) src(%arg7 : memref<448x128xf32, #tpu.memory_space<vmem>>) dst(%dma_wait3A_520 : memref<448x128xf32, #tpu.memory_space<hbm>>)
      }
    } else {
    }
    %le3A_377 = arith.constant 2 : i32
    %le3A_378 = arith.cmpi sle, %get3A_365, %le3A_377 : i32
    %and3A_379 = arith.constant true
    %and3A_380 = arith.andi %le3A_378, %and3A_379 : i1
    %convert_element_type3A_381 = arith.extui %and3A_380 : i1 to i32
    %cond3A_382 = arith.constant 0 : i32
    %cond3A_383 = arith.cmpi ne, %convert_element_type3A_381, %cond3A_382 : i32
    scf.if %cond3A_383 {
      %mul3A_487 = arith.constant 2 : i32
      %mul3A_488 = arith.muli %mul3A_487, %select_n3A_81 : i32
      %sub3A_489 = arith.subi %add3A_53, %mul3A_488 : i32
      %jit3A_490 = arith.constant 0 : i32
      %max3A_491 = arith.maxsi %jit3A_490, %sub3A_489 : i32
      %min3A_492 = arith.minsi %select_n3A_81, %max3A_491 : i32
      %sub3A_493 = arith.constant 0 : i32
      %sub3A_494 = arith.subi %min3A_492, %sub3A_493 : i32
      %sub3A_495 = arith.constant 1 : i32
      %sub3A_496 = arith.constant 1 : i32
      %sub3A_497 = arith.subi %sub3A_495, %sub3A_496 : i32
      %add3A_498 = arith.addi %sub3A_494, %sub3A_497 : i32
      %div3A_499 = arith.constant 1 : i32
      %div3A_500 = arith.divsi %add3A_498, %div3A_499 : i32
      %while3A_501 = arith.constant 1 : i32
      %while3A_502 = arith.constant 0 : i32
      %while3A_503 = arith.constant 0 : i32
      %while3A_504 = arith.subi %div3A_500, %while3A_503 : i32
      %while3A_505 = arith.addi %while3A_503, %while3A_504 : i32
      %while3A_506 = arith.constant 1 : i32
      %while3A_507 = arith.divsi %while3A_504, %while3A_506 : i32
      %while3A_508 = arith.muli %while3A_507, %while3A_506 : i32
      %while3A_509 = arith.addi %while3A_503, %while3A_508 : i32
      %while3A_510 = arith.constant 1 : i32
      scf.for %while3A_512 = %while3A_503 to %while3A_509 step %while3A_510  : i32 {
        %mul3A_513 = arith.muli %while3A_512, %while3A_501 : i32
        %add3A_514 = arith.addi %while3A_502, %mul3A_513 : i32
        %dma_wait3A = arith.constant 2 : i32
        %dma_wait3A_515 = arith.constant 0 : i32
        %dma_wait3A_516 = tpu.memref_slice %arg4[%select_n3A_28, %dma_wait3A_515] : memref<800000x128xf32, #tpu.memory_space<hbm>> -> memref<448x128xf32, #tpu.memory_space<hbm>>
        %dma_wait3A_517 = tpu.memref_slice %arg11[%dma_wait3A] : memref<8x!tpu.dma_semaphore, #tpu.memory_space<semaphore_mem>> -> memref<1x!tpu.dma_semaphore, #tpu.memory_space<semaphore_mem>>
        %dma_wait3A_518 = tpu.memref_squeeze %dma_wait3A_517 : memref<1x!tpu.dma_semaphore, #tpu.memory_space<semaphore_mem>> -> memref<!tpu.dma_semaphore, #tpu.memory_space<semaphore_mem>>
        %dma_wait3A_519 = arith.constant 0 : i32
        %dma_wait3A_520 = tpu.memref_slice %arg4[%select_n3A_28, %dma_wait3A_519] : memref<800000x128xf32, #tpu.memory_space<hbm>> -> memref<448x128xf32, #tpu.memory_space<hbm>>
        tpu.wait_dma2 semaphore(%dma_wait3A_518 : memref<!tpu.dma_semaphore, #tpu.memory_space<semaphore_mem>>) src(%arg7 : memref<448x128xf32, #tpu.memory_space<vmem>>) dst(%dma_wait3A_520 : memref<448x128xf32, #tpu.memory_space<hbm>>)
      }
      %while3A_511 = arith.constant 1 : i32
      scf.for %while3A_512 = %while3A_509 to %while3A_505 step %while3A_511  : i32 {
        %mul3A_513 = arith.muli %while3A_512, %while3A_501 : i32
        %add3A_514 = arith.addi %while3A_502, %mul3A_513 : i32
        %dma_wait3A = arith.constant 2 : i32
        %dma_wait3A_515 = arith.constant 0 : i32
        %dma_wait3A_516 = tpu.memref_slice %arg4[%select_n3A_28, %dma_wait3A_515] : memref<800000x128xf32, #tpu.memory_space<hbm>> -> memref<448x128xf32, #tpu.memory_space<hbm>>
        %dma_wait3A_517 = tpu.memref_slice %arg11[%dma_wait3A] : memref<8x!tpu.dma_semaphore, #tpu.memory_space<semaphore_mem>> -> memref<1x!tpu.dma_semaphore, #tpu.memory_space<semaphore_mem>>
        %dma_wait3A_518 = tpu.memref_squeeze %dma_wait3A_517 : memref<1x!tpu.dma_semaphore, #tpu.memory_space<semaphore_mem>> -> memref<!tpu.dma_semaphore, #tpu.memory_space<semaphore_mem>>
        %dma_wait3A_519 = arith.constant 0 : i32
        %dma_wait3A_520 = tpu.memref_slice %arg4[%select_n3A_28, %dma_wait3A_519] : memref<800000x128xf32, #tpu.memory_space<hbm>> -> memref<448x128xf32, #tpu.memory_space<hbm>>
        tpu.wait_dma2 semaphore(%dma_wait3A_518 : memref<!tpu.dma_semaphore, #tpu.memory_space<semaphore_mem>>) src(%arg7 : memref<448x128xf32, #tpu.memory_space<vmem>>) dst(%dma_wait3A_520 : memref<448x128xf32, #tpu.memory_space<hbm>>)
      }
    } else {
    }
    %le3A_384 = arith.constant 3 : i32
    %le3A_385 = arith.cmpi sle, %get3A_365, %le3A_384 : i32
    %and3A_386 = arith.constant true
    %and3A_387 = arith.andi %le3A_385, %and3A_386 : i1
    %convert_element_type3A_388 = arith.extui %and3A_387 : i1 to i32
    %cond3A_389 = arith.constant 0 : i32
    %cond3A_390 = arith.cmpi ne, %convert_element_type3A_388, %cond3A_389 : i32
    scf.if %cond3A_390 {
      %mul3A_487 = arith.constant 3 : i32
      %mul3A_488 = arith.muli %mul3A_487, %select_n3A_81 : i32
      %sub3A_489 = arith.subi %add3A_53, %mul3A_488 : i32
      %jit3A_490 = arith.constant 0 : i32
      %max3A_491 = arith.maxsi %jit3A_490, %sub3A_489 : i32
      %min3A_492 = arith.minsi %select_n3A_81, %max3A_491 : i32
      %sub3A_493 = arith.constant 0 : i32
      %sub3A_494 = arith.subi %min3A_492, %sub3A_493 : i32
      %sub3A_495 = arith.constant 1 : i32
      %sub3A_496 = arith.constant 1 : i32
      %sub3A_497 = arith.subi %sub3A_495, %sub3A_496 : i32
      %add3A_498 = arith.addi %sub3A_494, %sub3A_497 : i32
      %div3A_499 = arith.constant 1 : i32
      %div3A_500 = arith.divsi %add3A_498, %div3A_499 : i32
      %while3A_501 = arith.constant 1 : i32
      %while3A_502 = arith.constant 0 : i32
      %while3A_503 = arith.constant 0 : i32
      %while3A_504 = arith.subi %div3A_500, %while3A_503 : i32
      %while3A_505 = arith.addi %while3A_503, %while3A_504 : i32
      %while3A_506 = arith.constant 1 : i32
      %while3A_507 = arith.divsi %while3A_504, %while3A_506 : i32
      %while3A_508 = arith.muli %while3A_507, %while3A_506 : i32
      %while3A_509 = arith.addi %while3A_503, %while3A_508 : i32
      %while3A_510 = arith.constant 1 : i32
      scf.for %while3A_512 = %while3A_503 to %while3A_509 step %while3A_510  : i32 {
        %mul3A_513 = arith.muli %while3A_512, %while3A_501 : i32
        %add3A_514 = arith.addi %while3A_502, %mul3A_513 : i32
        %dma_wait3A = arith.constant 3 : i32
        %dma_wait3A_515 = arith.constant 0 : i32
        %dma_wait3A_516 = tpu.memref_slice %arg4[%select_n3A_28, %dma_wait3A_515] : memref<800000x128xf32, #tpu.memory_space<hbm>> -> memref<448x128xf32, #tpu.memory_space<hbm>>
        %dma_wait3A_517 = tpu.memref_slice %arg11[%dma_wait3A] : memref<8x!tpu.dma_semaphore, #tpu.memory_space<semaphore_mem>> -> memref<1x!tpu.dma_semaphore, #tpu.memory_space<semaphore_mem>>
        %dma_wait3A_518 = tpu.memref_squeeze %dma_wait3A_517 : memref<1x!tpu.dma_semaphore, #tpu.memory_space<semaphore_mem>> -> memref<!tpu.dma_semaphore, #tpu.memory_space<semaphore_mem>>
        %dma_wait3A_519 = arith.constant 0 : i32
        %dma_wait3A_520 = tpu.memref_slice %arg4[%select_n3A_28, %dma_wait3A_519] : memref<800000x128xf32, #tpu.memory_space<hbm>> -> memref<448x128xf32, #tpu.memory_space<hbm>>
        tpu.wait_dma2 semaphore(%dma_wait3A_518 : memref<!tpu.dma_semaphore, #tpu.memory_space<semaphore_mem>>) src(%arg7 : memref<448x128xf32, #tpu.memory_space<vmem>>) dst(%dma_wait3A_520 : memref<448x128xf32, #tpu.memory_space<hbm>>)
      }
      %while3A_511 = arith.constant 1 : i32
      scf.for %while3A_512 = %while3A_509 to %while3A_505 step %while3A_511  : i32 {
        %mul3A_513 = arith.muli %while3A_512, %while3A_501 : i32
        %add3A_514 = arith.addi %while3A_502, %mul3A_513 : i32
        %dma_wait3A = arith.constant 3 : i32
        %dma_wait3A_515 = arith.constant 0 : i32
        %dma_wait3A_516 = tpu.memref_slice %arg4[%select_n3A_28, %dma_wait3A_515] : memref<800000x128xf32, #tpu.memory_space<hbm>> -> memref<448x128xf32, #tpu.memory_space<hbm>>
        %dma_wait3A_517 = tpu.memref_slice %arg11[%dma_wait3A] : memref<8x!tpu.dma_semaphore, #tpu.memory_space<semaphore_mem>> -> memref<1x!tpu.dma_semaphore, #tpu.memory_space<semaphore_mem>>
        %dma_wait3A_518 = tpu.memref_squeeze %dma_wait3A_517 : memref<1x!tpu.dma_semaphore, #tpu.memory_space<semaphore_mem>> -> memref<!tpu.dma_semaphore, #tpu.memory_space<semaphore_mem>>
        %dma_wait3A_519 = arith.constant 0 : i32
        %dma_wait3A_520 = tpu.memref_slice %arg4[%select_n3A_28, %dma_wait3A_519] : memref<800000x128xf32, #tpu.memory_space<hbm>> -> memref<448x128xf32, #tpu.memory_space<hbm>>
        tpu.wait_dma2 semaphore(%dma_wait3A_518 : memref<!tpu.dma_semaphore, #tpu.memory_space<semaphore_mem>>) src(%arg7 : memref<448x128xf32, #tpu.memory_space<vmem>>) dst(%dma_wait3A_520 : memref<448x128xf32, #tpu.memory_space<hbm>>)
      }
    } else {
    }
    %le3A_391 = arith.constant 4 : i32
    %le3A_392 = arith.cmpi sle, %get3A_365, %le3A_391 : i32
    %and3A_393 = arith.constant true
    %and3A_394 = arith.andi %le3A_392, %and3A_393 : i1
    %convert_element_type3A_395 = arith.extui %and3A_394 : i1 to i32
    %cond3A_396 = arith.constant 0 : i32
    %cond3A_397 = arith.cmpi ne, %convert_element_type3A_395, %cond3A_396 : i32
    scf.if %cond3A_397 {
      %mul3A_487 = arith.constant 4 : i32
      %mul3A_488 = arith.muli %mul3A_487, %select_n3A_81 : i32
      %sub3A_489 = arith.subi %add3A_53, %mul3A_488 : i32
      %jit3A_490 = arith.constant 0 : i32
      %max3A_491 = arith.maxsi %jit3A_490, %sub3A_489 : i32
      %min3A_492 = arith.minsi %select_n3A_81, %max3A_491 : i32
      %sub3A_493 = arith.constant 0 : i32
      %sub3A_494 = arith.subi %min3A_492, %sub3A_493 : i32
      %sub3A_495 = arith.constant 1 : i32
      %sub3A_496 = arith.constant 1 : i32
      %sub3A_497 = arith.subi %sub3A_495, %sub3A_496 : i32
      %add3A_498 = arith.addi %sub3A_494, %sub3A_497 : i32
      %div3A_499 = arith.constant 1 : i32
      %div3A_500 = arith.divsi %add3A_498, %div3A_499 : i32
      %while3A_501 = arith.constant 1 : i32
      %while3A_502 = arith.constant 0 : i32
      %while3A_503 = arith.constant 0 : i32
      %while3A_504 = arith.subi %div3A_500, %while3A_503 : i32
      %while3A_505 = arith.addi %while3A_503, %while3A_504 : i32
      %while3A_506 = arith.constant 1 : i32
      %while3A_507 = arith.divsi %while3A_504, %while3A_506 : i32
      %while3A_508 = arith.muli %while3A_507, %while3A_506 : i32
      %while3A_509 = arith.addi %while3A_503, %while3A_508 : i32
      %while3A_510 = arith.constant 1 : i32
      scf.for %while3A_512 = %while3A_503 to %while3A_509 step %while3A_510  : i32 {
        %mul3A_513 = arith.muli %while3A_512, %while3A_501 : i32
        %add3A_514 = arith.addi %while3A_502, %mul3A_513 : i32
        %dma_wait3A = arith.constant 4 : i32
        %dma_wait3A_515 = arith.constant 0 : i32
        %dma_wait3A_516 = tpu.memref_slice %arg4[%select_n3A_28, %dma_wait3A_515] : memref<800000x128xf32, #tpu.memory_space<hbm>> -> memref<448x128xf32, #tpu.memory_space<hbm>>
        %dma_wait3A_517 = tpu.memref_slice %arg11[%dma_wait3A] : memref<8x!tpu.dma_semaphore, #tpu.memory_space<semaphore_mem>> -> memref<1x!tpu.dma_semaphore, #tpu.memory_space<semaphore_mem>>
        %dma_wait3A_518 = tpu.memref_squeeze %dma_wait3A_517 : memref<1x!tpu.dma_semaphore, #tpu.memory_space<semaphore_mem>> -> memref<!tpu.dma_semaphore, #tpu.memory_space<semaphore_mem>>
        %dma_wait3A_519 = arith.constant 0 : i32
        %dma_wait3A_520 = tpu.memref_slice %arg4[%select_n3A_28, %dma_wait3A_519] : memref<800000x128xf32, #tpu.memory_space<hbm>> -> memref<448x128xf32, #tpu.memory_space<hbm>>
        tpu.wait_dma2 semaphore(%dma_wait3A_518 : memref<!tpu.dma_semaphore, #tpu.memory_space<semaphore_mem>>) src(%arg7 : memref<448x128xf32, #tpu.memory_space<vmem>>) dst(%dma_wait3A_520 : memref<448x128xf32, #tpu.memory_space<hbm>>)
      }
      %while3A_511 = arith.constant 1 : i32
      scf.for %while3A_512 = %while3A_509 to %while3A_505 step %while3A_511  : i32 {
        %mul3A_513 = arith.muli %while3A_512, %while3A_501 : i32
        %add3A_514 = arith.addi %while3A_502, %mul3A_513 : i32
        %dma_wait3A = arith.constant 4 : i32
        %dma_wait3A_515 = arith.constant 0 : i32
        %dma_wait3A_516 = tpu.memref_slice %arg4[%select_n3A_28, %dma_wait3A_515] : memref<800000x128xf32, #tpu.memory_space<hbm>> -> memref<448x128xf32, #tpu.memory_space<hbm>>
        %dma_wait3A_517 = tpu.memref_slice %arg11[%dma_wait3A] : memref<8x!tpu.dma_semaphore, #tpu.memory_space<semaphore_mem>> -> memref<1x!tpu.dma_semaphore, #tpu.memory_space<semaphore_mem>>
        %dma_wait3A_518 = tpu.memref_squeeze %dma_wait3A_517 : memref<1x!tpu.dma_semaphore, #tpu.memory_space<semaphore_mem>> -> memref<!tpu.dma_semaphore, #tpu.memory_space<semaphore_mem>>
        %dma_wait3A_519 = arith.constant 0 : i32
        %dma_wait3A_520 = tpu.memref_slice %arg4[%select_n3A_28, %dma_wait3A_519] : memref<800000x128xf32, #tpu.memory_space<hbm>> -> memref<448x128xf32, #tpu.memory_space<hbm>>
        tpu.wait_dma2 semaphore(%dma_wait3A_518 : memref<!tpu.dma_semaphore, #tpu.memory_space<semaphore_mem>>) src(%arg7 : memref<448x128xf32, #tpu.memory_space<vmem>>) dst(%dma_wait3A_520 : memref<448x128xf32, #tpu.memory_space<hbm>>)
      }
    } else {
    }
    %le3A_398 = arith.constant 5 : i32
    %le3A_399 = arith.cmpi sle, %get3A_365, %le3A_398 : i32
    %and3A_400 = arith.constant true
    %and3A_401 = arith.andi %le3A_399, %and3A_400 : i1
    %convert_element_type3A_402 = arith.extui %and3A_401 : i1 to i32
    %cond3A_403 = arith.constant 0 : i32
    %cond3A_404 = arith.cmpi ne, %convert_element_type3A_402, %cond3A_403 : i32
    scf.if %cond3A_404 {
      %mul3A_487 = arith.constant 5 : i32
      %mul3A_488 = arith.muli %mul3A_487, %select_n3A_81 : i32
      %sub3A_489 = arith.subi %add3A_53, %mul3A_488 : i32
      %jit3A_490 = arith.constant 0 : i32
      %max3A_491 = arith.maxsi %jit3A_490, %sub3A_489 : i32
      %min3A_492 = arith.minsi %select_n3A_81, %max3A_491 : i32
      %sub3A_493 = arith.constant 0 : i32
      %sub3A_494 = arith.subi %min3A_492, %sub3A_493 : i32
      %sub3A_495 = arith.constant 1 : i32
      %sub3A_496 = arith.constant 1 : i32
      %sub3A_497 = arith.subi %sub3A_495, %sub3A_496 : i32
      %add3A_498 = arith.addi %sub3A_494, %sub3A_497 : i32
      %div3A_499 = arith.constant 1 : i32
      %div3A_500 = arith.divsi %add3A_498, %div3A_499 : i32
      %while3A_501 = arith.constant 1 : i32
      %while3A_502 = arith.constant 0 : i32
      %while3A_503 = arith.constant 0 : i32
      %while3A_504 = arith.subi %div3A_500, %while3A_503 : i32
      %while3A_505 = arith.addi %while3A_503, %while3A_504 : i32
      %while3A_506 = arith.constant 1 : i32
      %while3A_507 = arith.divsi %while3A_504, %while3A_506 : i32
      %while3A_508 = arith.muli %while3A_507, %while3A_506 : i32
      %while3A_509 = arith.addi %while3A_503, %while3A_508 : i32
      %while3A_510 = arith.constant 1 : i32
      scf.for %while3A_512 = %while3A_503 to %while3A_509 step %while3A_510  : i32 {
        %mul3A_513 = arith.muli %while3A_512, %while3A_501 : i32
        %add3A_514 = arith.addi %while3A_502, %mul3A_513 : i32
        %dma_wait3A = arith.constant 5 : i32
        %dma_wait3A_515 = arith.constant 0 : i32
        %dma_wait3A_516 = tpu.memref_slice %arg4[%select_n3A_28, %dma_wait3A_515] : memref<800000x128xf32, #tpu.memory_space<hbm>> -> memref<448x128xf32, #tpu.memory_space<hbm>>
        %dma_wait3A_517 = tpu.memref_slice %arg11[%dma_wait3A] : memref<8x!tpu.dma_semaphore, #tpu.memory_space<semaphore_mem>> -> memref<1x!tpu.dma_semaphore, #tpu.memory_space<semaphore_mem>>
        %dma_wait3A_518 = tpu.memref_squeeze %dma_wait3A_517 : memref<1x!tpu.dma_semaphore, #tpu.memory_space<semaphore_mem>> -> memref<!tpu.dma_semaphore, #tpu.memory_space<semaphore_mem>>
        %dma_wait3A_519 = arith.constant 0 : i32
        %dma_wait3A_520 = tpu.memref_slice %arg4[%select_n3A_28, %dma_wait3A_519] : memref<800000x128xf32, #tpu.memory_space<hbm>> -> memref<448x128xf32, #tpu.memory_space<hbm>>
        tpu.wait_dma2 semaphore(%dma_wait3A_518 : memref<!tpu.dma_semaphore, #tpu.memory_space<semaphore_mem>>) src(%arg7 : memref<448x128xf32, #tpu.memory_space<vmem>>) dst(%dma_wait3A_520 : memref<448x128xf32, #tpu.memory_space<hbm>>)
      }
      %while3A_511 = arith.constant 1 : i32
      scf.for %while3A_512 = %while3A_509 to %while3A_505 step %while3A_511  : i32 {
        %mul3A_513 = arith.muli %while3A_512, %while3A_501 : i32
        %add3A_514 = arith.addi %while3A_502, %mul3A_513 : i32
        %dma_wait3A = arith.constant 5 : i32
        %dma_wait3A_515 = arith.constant 0 : i32
        %dma_wait3A_516 = tpu.memref_slice %arg4[%select_n3A_28, %dma_wait3A_515] : memref<800000x128xf32, #tpu.memory_space<hbm>> -> memref<448x128xf32, #tpu.memory_space<hbm>>
        %dma_wait3A_517 = tpu.memref_slice %arg11[%dma_wait3A] : memref<8x!tpu.dma_semaphore, #tpu.memory_space<semaphore_mem>> -> memref<1x!tpu.dma_semaphore, #tpu.memory_space<semaphore_mem>>
        %dma_wait3A_518 = tpu.memref_squeeze %dma_wait3A_517 : memref<1x!tpu.dma_semaphore, #tpu.memory_space<semaphore_mem>> -> memref<!tpu.dma_semaphore, #tpu.memory_space<semaphore_mem>>
        %dma_wait3A_519 = arith.constant 0 : i32
        %dma_wait3A_520 = tpu.memref_slice %arg4[%select_n3A_28, %dma_wait3A_519] : memref<800000x128xf32, #tpu.memory_space<hbm>> -> memref<448x128xf32, #tpu.memory_space<hbm>>
        tpu.wait_dma2 semaphore(%dma_wait3A_518 : memref<!tpu.dma_semaphore, #tpu.memory_space<semaphore_mem>>) src(%arg7 : memref<448x128xf32, #tpu.memory_space<vmem>>) dst(%dma_wait3A_520 : memref<448x128xf32, #tpu.memory_space<hbm>>)
      }
    } else {
    }
    %le3A_405 = arith.constant 6 : i32
    %le3A_406 = arith.cmpi sle, %get3A_365, %le3A_405 : i32
    %and3A_407 = arith.constant true
    %and3A_408 = arith.andi %le3A_406, %and3A_407 : i1
    %convert_element_type3A_409 = arith.extui %and3A_408 : i1 to i32
    %cond3A_410 = arith.constant 0 : i32
    %cond3A_411 = arith.cmpi ne, %convert_element_type3A_409, %cond3A_410 : i32
    scf.if %cond3A_411 {
      %mul3A_487 = arith.constant 6 : i32
      %mul3A_488 = arith.muli %mul3A_487, %select_n3A_81 : i32
      %sub3A_489 = arith.subi %add3A_53, %mul3A_488 : i32
      %jit3A_490 = arith.constant 0 : i32
      %max3A_491 = arith.maxsi %jit3A_490, %sub3A_489 : i32
      %min3A_492 = arith.minsi %select_n3A_81, %max3A_491 : i32
      %sub3A_493 = arith.constant 0 : i32
      %sub3A_494 = arith.subi %min3A_492, %sub3A_493 : i32
      %sub3A_495 = arith.constant 1 : i32
      %sub3A_496 = arith.constant 1 : i32
      %sub3A_497 = arith.subi %sub3A_495, %sub3A_496 : i32
      %add3A_498 = arith.addi %sub3A_494, %sub3A_497 : i32
      %div3A_499 = arith.constant 1 : i32
      %div3A_500 = arith.divsi %add3A_498, %div3A_499 : i32
      %while3A_501 = arith.constant 1 : i32
      %while3A_502 = arith.constant 0 : i32
      %while3A_503 = arith.constant 0 : i32
      %while3A_504 = arith.subi %div3A_500, %while3A_503 : i32
      %while3A_505 = arith.addi %while3A_503, %while3A_504 : i32
      %while3A_506 = arith.constant 1 : i32
      %while3A_507 = arith.divsi %while3A_504, %while3A_506 : i32
      %while3A_508 = arith.muli %while3A_507, %while3A_506 : i32
      %while3A_509 = arith.addi %while3A_503, %while3A_508 : i32
      %while3A_510 = arith.constant 1 : i32
      scf.for %while3A_512 = %while3A_503 to %while3A_509 step %while3A_510  : i32 {
        %mul3A_513 = arith.muli %while3A_512, %while3A_501 : i32
        %add3A_514 = arith.addi %while3A_502, %mul3A_513 : i32
        %dma_wait3A = arith.constant 6 : i32
        %dma_wait3A_515 = arith.constant 0 : i32
        %dma_wait3A_516 = tpu.memref_slice %arg4[%select_n3A_28, %dma_wait3A_515] : memref<800000x128xf32, #tpu.memory_space<hbm>> -> memref<448x128xf32, #tpu.memory_space<hbm>>
        %dma_wait3A_517 = tpu.memref_slice %arg11[%dma_wait3A] : memref<8x!tpu.dma_semaphore, #tpu.memory_space<semaphore_mem>> -> memref<1x!tpu.dma_semaphore, #tpu.memory_space<semaphore_mem>>
        %dma_wait3A_518 = tpu.memref_squeeze %dma_wait3A_517 : memref<1x!tpu.dma_semaphore, #tpu.memory_space<semaphore_mem>> -> memref<!tpu.dma_semaphore, #tpu.memory_space<semaphore_mem>>
        %dma_wait3A_519 = arith.constant 0 : i32
        %dma_wait3A_520 = tpu.memref_slice %arg4[%select_n3A_28, %dma_wait3A_519] : memref<800000x128xf32, #tpu.memory_space<hbm>> -> memref<448x128xf32, #tpu.memory_space<hbm>>
        tpu.wait_dma2 semaphore(%dma_wait3A_518 : memref<!tpu.dma_semaphore, #tpu.memory_space<semaphore_mem>>) src(%arg7 : memref<448x128xf32, #tpu.memory_space<vmem>>) dst(%dma_wait3A_520 : memref<448x128xf32, #tpu.memory_space<hbm>>)
      }
      %while3A_511 = arith.constant 1 : i32
      scf.for %while3A_512 = %while3A_509 to %while3A_505 step %while3A_511  : i32 {
        %mul3A_513 = arith.muli %while3A_512, %while3A_501 : i32
        %add3A_514 = arith.addi %while3A_502, %mul3A_513 : i32
        %dma_wait3A = arith.constant 6 : i32
        %dma_wait3A_515 = arith.constant 0 : i32
        %dma_wait3A_516 = tpu.memref_slice %arg4[%select_n3A_28, %dma_wait3A_515] : memref<800000x128xf32, #tpu.memory_space<hbm>> -> memref<448x128xf32, #tpu.memory_space<hbm>>
        %dma_wait3A_517 = tpu.memref_slice %arg11[%dma_wait3A] : memref<8x!tpu.dma_semaphore, #tpu.memory_space<semaphore_mem>> -> memref<1x!tpu.dma_semaphore, #tpu.memory_space<semaphore_mem>>
        %dma_wait3A_518 = tpu.memref_squeeze %dma_wait3A_517 : memref<1x!tpu.dma_semaphore, #tpu.memory_space<semaphore_mem>> -> memref<!tpu.dma_semaphore, #tpu.memory_space<semaphore_mem>>
        %dma_wait3A_519 = arith.constant 0 : i32
        %dma_wait3A_520 = tpu.memref_slice %arg4[%select_n3A_28, %dma_wait3A_519] : memref<800000x128xf32, #tpu.memory_space<hbm>> -> memref<448x128xf32, #tpu.memory_space<hbm>>
        tpu.wait_dma2 semaphore(%dma_wait3A_518 : memref<!tpu.dma_semaphore, #tpu.memory_space<semaphore_mem>>) src(%arg7 : memref<448x128xf32, #tpu.memory_space<vmem>>) dst(%dma_wait3A_520 : memref<448x128xf32, #tpu.memory_space<hbm>>)
      }
    } else {
    }
    %le3A_412 = arith.constant 7 : i32
    %le3A_413 = arith.cmpi sle, %get3A_365, %le3A_412 : i32
    %and3A_414 = arith.constant true
    %and3A_415 = arith.andi %le3A_413, %and3A_414 : i1
    %convert_element_type3A_416 = arith.extui %and3A_415 : i1 to i32
    %cond3A_417 = arith.constant 0 : i32
    %cond3A_418 = arith.cmpi ne, %convert_element_type3A_416, %cond3A_417 : i32
    scf.if %cond3A_418 {
      %mul3A_487 = arith.constant 7 : i32
      %mul3A_488 = arith.muli %mul3A_487, %select_n3A_81 : i32
      %sub3A_489 = arith.subi %add3A_53, %mul3A_488 : i32
      %jit3A_490 = arith.constant 0 : i32
      %max3A_491 = arith.maxsi %jit3A_490, %sub3A_489 : i32
      %min3A_492 = arith.minsi %select_n3A_81, %max3A_491 : i32
      %sub3A_493 = arith.constant 0 : i32
      %sub3A_494 = arith.subi %min3A_492, %sub3A_493 : i32
      %sub3A_495 = arith.constant 1 : i32
      %sub3A_496 = arith.constant 1 : i32
      %sub3A_497 = arith.subi %sub3A_495, %sub3A_496 : i32
      %add3A_498 = arith.addi %sub3A_494, %sub3A_497 : i32
      %div3A_499 = arith.constant 1 : i32
      %div3A_500 = arith.divsi %add3A_498, %div3A_499 : i32
      %while3A_501 = arith.constant 1 : i32
      %while3A_502 = arith.constant 0 : i32
      %while3A_503 = arith.constant 0 : i32
      %while3A_504 = arith.subi %div3A_500, %while3A_503 : i32
      %while3A_505 = arith.addi %while3A_503, %while3A_504 : i32
      %while3A_506 = arith.constant 1 : i32
      %while3A_507 = arith.divsi %while3A_504, %while3A_506 : i32
      %while3A_508 = arith.muli %while3A_507, %while3A_506 : i32
      %while3A_509 = arith.addi %while3A_503, %while3A_508 : i32
      %while3A_510 = arith.constant 1 : i32
      scf.for %while3A_512 = %while3A_503 to %while3A_509 step %while3A_510  : i32 {
        %mul3A_513 = arith.muli %while3A_512, %while3A_501 : i32
        %add3A_514 = arith.addi %while3A_502, %mul3A_513 : i32
        %dma_wait3A = arith.constant 7 : i32
        %dma_wait3A_515 = arith.constant 0 : i32
        %dma_wait3A_516 = tpu.memref_slice %arg4[%select_n3A_28, %dma_wait3A_515] : memref<800000x128xf32, #tpu.memory_space<hbm>> -> memref<448x128xf32, #tpu.memory_space<hbm>>
        %dma_wait3A_517 = tpu.memref_slice %arg11[%dma_wait3A] : memref<8x!tpu.dma_semaphore, #tpu.memory_space<semaphore_mem>> -> memref<1x!tpu.dma_semaphore, #tpu.memory_space<semaphore_mem>>
        %dma_wait3A_518 = tpu.memref_squeeze %dma_wait3A_517 : memref<1x!tpu.dma_semaphore, #tpu.memory_space<semaphore_mem>> -> memref<!tpu.dma_semaphore, #tpu.memory_space<semaphore_mem>>
        %dma_wait3A_519 = arith.constant 0 : i32
        %dma_wait3A_520 = tpu.memref_slice %arg4[%select_n3A_28, %dma_wait3A_519] : memref<800000x128xf32, #tpu.memory_space<hbm>> -> memref<448x128xf32, #tpu.memory_space<hbm>>
        tpu.wait_dma2 semaphore(%dma_wait3A_518 : memref<!tpu.dma_semaphore, #tpu.memory_space<semaphore_mem>>) src(%arg7 : memref<448x128xf32, #tpu.memory_space<vmem>>) dst(%dma_wait3A_520 : memref<448x128xf32, #tpu.memory_space<hbm>>)
      }
      %while3A_511 = arith.constant 1 : i32
      scf.for %while3A_512 = %while3A_509 to %while3A_505 step %while3A_511  : i32 {
        %mul3A_513 = arith.muli %while3A_512, %while3A_501 : i32
        %add3A_514 = arith.addi %while3A_502, %mul3A_513 : i32
        %dma_wait3A = arith.constant 7 : i32
        %dma_wait3A_515 = arith.constant 0 : i32
        %dma_wait3A_516 = tpu.memref_slice %arg4[%select_n3A_28, %dma_wait3A_515] : memref<800000x128xf32, #tpu.memory_space<hbm>> -> memref<448x128xf32, #tpu.memory_space<hbm>>
        %dma_wait3A_517 = tpu.memref_slice %arg11[%dma_wait3A] : memref<8x!tpu.dma_semaphore, #tpu.memory_space<semaphore_mem>> -> memref<1x!tpu.dma_semaphore, #tpu.memory_space<semaphore_mem>>
        %dma_wait3A_518 = tpu.memref_squeeze %dma_wait3A_517 : memref<1x!tpu.dma_semaphore, #tpu.memory_space<semaphore_mem>> -> memref<!tpu.dma_semaphore, #tpu.memory_space<semaphore_mem>>
        %dma_wait3A_519 = arith.constant 0 : i32
        %dma_wait3A_520 = tpu.memref_slice %arg4[%select_n3A_28, %dma_wait3A_519] : memref<800000x128xf32, #tpu.memory_space<hbm>> -> memref<448x128xf32, #tpu.memory_space<hbm>>
        tpu.wait_dma2 semaphore(%dma_wait3A_518 : memref<!tpu.dma_semaphore, #tpu.memory_space<semaphore_mem>>) src(%arg7 : memref<448x128xf32, #tpu.memory_space<vmem>>) dst(%dma_wait3A_520 : memref<448x128xf32, #tpu.memory_space<hbm>>)
      }
    } else {
    }
    %max3A_419 = arith.constant 8 : i32
    %max3A_420 = arith.maxsi %get3A_365, %max3A_419 : i32
    %swap3A_421 = arith.constant 0 : i32
    %swap3A_422 = arith.index_cast %swap3A_421 : i32 to index
    %swap3A_423 = memref.load %arg8[%swap3A_422] : memref<1xi32, #tpu.memory_space<smem>>
    memref.store %max3A_420, %arg8[%swap3A_422] : memref<1xi32, #tpu.memory_space<smem>>
    %sub3A_424 = arith.constant 2 : i32
    %sub3A_425 = arith.subi %select_n3A, %sub3A_424 : i32
    %rem3A_426 = arith.constant 4 : i32
    %rem3A_427 = arith.remsi %sub3A_425, %rem3A_426 : i32
    %eq3A_428 = arith.constant 0 : i32
    %eq3A_429 = arith.cmpi eq, %rem3A_427, %eq3A_428 : i32
    %sub3A_430 = arith.constant 1 : i32
    %sub3A_431 = arith.subi %select_n3A, %sub3A_430 : i32
    %rem3A_432 = arith.constant 4 : i32
    %rem3A_433 = arith.remsi %sub3A_431, %rem3A_432 : i32
    %eq3A_434 = arith.constant 0 : i32
    %eq3A_435 = arith.cmpi eq, %rem3A_433, %eq3A_434 : i32
    %or3A = arith.ori %eq3A_429, %eq3A_435 : i1
    %convert_element_type3A_436 = arith.extui %or3A : i1 to i32
    %cond3A_437 = arith.constant 0 : i32
    %cond3A_438 = arith.cmpi ne, %convert_element_type3A_436, %cond3A_437 : i32
    scf.if %cond3A_438 {
      %dma_wait3A = arith.constant 0 : i32
      %dma_wait3A_487 = arith.constant 0 : i32
      %dma_wait3A_488 = arith.constant 0 : i32
      %dma_wait3A_489 = arith.constant 0 : i32
      %dma_wait3A_490 = arith.constant 0 : i32
      %dma_wait3A_491 = tpu.memref_slice %arg6[%dma_wait3A, %dma_wait3A_489, %dma_wait3A_490] : memref<4x128x128xf32, #tpu.memory_space<vmem>> -> memref<1x128x128xf32, #tpu.memory_space<vmem>>
      %dma_wait3A_492 = tpu.memref_squeeze %dma_wait3A_491 : memref<1x128x128xf32, #tpu.memory_space<vmem>> -> memref<128x128xf32, #tpu.memory_space<vmem>>
      %dma_wait3A_493 = arith.constant 0 : i32
      %dma_wait3A_494 = tpu.memref_slice %arg5[%dma_wait3A_487, %dma_wait3A_493] : memref<4x128xi32, #tpu.memory_space<vmem>> -> memref<1x128xi32, #tpu.memory_space<vmem>>
      %dma_wait3A_495 = tpu.memref_squeeze %dma_wait3A_494 : memref<1x128xi32, #tpu.memory_space<vmem>> -> memref<128xi32, #tpu.memory_space<vmem>>
      %dma_wait3A_496 = arith.constant 0 : i32
      %dma_wait3A_497 = arith.constant 0 : i32
      %dma_wait3A_498 = tpu.memref_slice %arg4[%dma_wait3A_496, %dma_wait3A_497] : memref<800000x128xf32, #tpu.memory_space<hbm>> -> memref<800000x128xf32, #tpu.memory_space<hbm>>
      %dma_wait3A_499 = tpu.memref_slice %arg10[%dma_wait3A_488] : memref<4x!tpu.dma_semaphore, #tpu.memory_space<semaphore_mem>> -> memref<1x!tpu.dma_semaphore, #tpu.memory_space<semaphore_mem>>
      %dma_wait3A_500 = tpu.memref_squeeze %dma_wait3A_499 : memref<1x!tpu.dma_semaphore, #tpu.memory_space<semaphore_mem>> -> memref<!tpu.dma_semaphore, #tpu.memory_space<semaphore_mem>>
      tpu.wait_indirect_dma semaphore(%dma_wait3A_500 : memref<!tpu.dma_semaphore, #tpu.memory_space<semaphore_mem>>) src(%dma_wait3A_492 : memref<128x128xf32, #tpu.memory_space<vmem>>) dst(%dma_wait3A_498 : memref<800000x128xf32, #tpu.memory_space<hbm>>)
    } else {
    }
    %sub3A_439 = arith.constant 2 : i32
    %sub3A_440 = arith.subi %select_n3A, %sub3A_439 : i32
    %rem3A_441 = arith.constant 4 : i32
    %rem3A_442 = arith.remsi %sub3A_440, %rem3A_441 : i32
    %eq3A_443 = arith.constant 1 : i32
    %eq3A_444 = arith.cmpi eq, %rem3A_442, %eq3A_443 : i32
    %sub3A_445 = arith.constant 1 : i32
    %sub3A_446 = arith.subi %select_n3A, %sub3A_445 : i32
    %rem3A_447 = arith.constant 4 : i32
    %rem3A_448 = arith.remsi %sub3A_446, %rem3A_447 : i32
    %eq3A_449 = arith.constant 1 : i32
    %eq3A_450 = arith.cmpi eq, %rem3A_448, %eq3A_449 : i32
    %or3A_451 = arith.ori %eq3A_444, %eq3A_450 : i1
    %convert_element_type3A_452 = arith.extui %or3A_451 : i1 to i32
    %cond3A_453 = arith.constant 0 : i32
    %cond3A_454 = arith.cmpi ne, %convert_element_type3A_452, %cond3A_453 : i32
    scf.if %cond3A_454 {
      %dma_wait3A = arith.constant 1 : i32
      %dma_wait3A_487 = arith.constant 1 : i32
      %dma_wait3A_488 = arith.constant 1 : i32
      %dma_wait3A_489 = arith.constant 0 : i32
      %dma_wait3A_490 = arith.constant 0 : i32
      %dma_wait3A_491 = tpu.memref_slice %arg6[%dma_wait3A, %dma_wait3A_489, %dma_wait3A_490] : memref<4x128x128xf32, #tpu.memory_space<vmem>> -> memref<1x128x128xf32, #tpu.memory_space<vmem>>
      %dma_wait3A_492 = tpu.memref_squeeze %dma_wait3A_491 : memref<1x128x128xf32, #tpu.memory_space<vmem>> -> memref<128x128xf32, #tpu.memory_space<vmem>>
      %dma_wait3A_493 = arith.constant 0 : i32
      %dma_wait3A_494 = tpu.memref_slice %arg5[%dma_wait3A_487, %dma_wait3A_493] : memref<4x128xi32, #tpu.memory_space<vmem>> -> memref<1x128xi32, #tpu.memory_space<vmem>>
      %dma_wait3A_495 = tpu.memref_squeeze %dma_wait3A_494 : memref<1x128xi32, #tpu.memory_space<vmem>> -> memref<128xi32, #tpu.memory_space<vmem>>
      %dma_wait3A_496 = arith.constant 0 : i32
      %dma_wait3A_497 = arith.constant 0 : i32
      %dma_wait3A_498 = tpu.memref_slice %arg4[%dma_wait3A_496, %dma_wait3A_497] : memref<800000x128xf32, #tpu.memory_space<hbm>> -> memref<800000x128xf32, #tpu.memory_space<hbm>>
      %dma_wait3A_499 = tpu.memref_slice %arg10[%dma_wait3A_488] : memref<4x!tpu.dma_semaphore, #tpu.memory_space<semaphore_mem>> -> memref<1x!tpu.dma_semaphore, #tpu.memory_space<semaphore_mem>>
      %dma_wait3A_500 = tpu.memref_squeeze %dma_wait3A_499 : memref<1x!tpu.dma_semaphore, #tpu.memory_space<semaphore_mem>> -> memref<!tpu.dma_semaphore, #tpu.memory_space<semaphore_mem>>
      tpu.wait_indirect_dma semaphore(%dma_wait3A_500 : memref<!tpu.dma_semaphore, #tpu.memory_space<semaphore_mem>>) src(%dma_wait3A_492 : memref<128x128xf32, #tpu.memory_space<vmem>>) dst(%dma_wait3A_498 : memref<800000x128xf32, #tpu.memory_space<hbm>>)
    } else {
    }
    %sub3A_455 = arith.constant 2 : i32
    %sub3A_456 = arith.subi %select_n3A, %sub3A_455 : i32
    %rem3A_457 = arith.constant 4 : i32
    %rem3A_458 = arith.remsi %sub3A_456, %rem3A_457 : i32
    %eq3A_459 = arith.constant 2 : i32
    %eq3A_460 = arith.cmpi eq, %rem3A_458, %eq3A_459 : i32
    %sub3A_461 = arith.constant 1 : i32
    %sub3A_462 = arith.subi %select_n3A, %sub3A_461 : i32
    %rem3A_463 = arith.constant 4 : i32
    %rem3A_464 = arith.remsi %sub3A_462, %rem3A_463 : i32
    %eq3A_465 = arith.constant 2 : i32
    %eq3A_466 = arith.cmpi eq, %rem3A_464, %eq3A_465 : i32
    %or3A_467 = arith.ori %eq3A_460, %eq3A_466 : i1
    %convert_element_type3A_468 = arith.extui %or3A_467 : i1 to i32
    %cond3A_469 = arith.constant 0 : i32
    %cond3A_470 = arith.cmpi ne, %convert_element_type3A_468, %cond3A_469 : i32
    scf.if %cond3A_470 {
      %dma_wait3A = arith.constant 2 : i32
      %dma_wait3A_487 = arith.constant 2 : i32
      %dma_wait3A_488 = arith.constant 2 : i32
      %dma_wait3A_489 = arith.constant 0 : i32
      %dma_wait3A_490 = arith.constant 0 : i32
      %dma_wait3A_491 = tpu.memref_slice %arg6[%dma_wait3A, %dma_wait3A_489, %dma_wait3A_490] : memref<4x128x128xf32, #tpu.memory_space<vmem>> -> memref<1x128x128xf32, #tpu.memory_space<vmem>>
      %dma_wait3A_492 = tpu.memref_squeeze %dma_wait3A_491 : memref<1x128x128xf32, #tpu.memory_space<vmem>> -> memref<128x128xf32, #tpu.memory_space<vmem>>
      %dma_wait3A_493 = arith.constant 0 : i32
      %dma_wait3A_494 = tpu.memref_slice %arg5[%dma_wait3A_487, %dma_wait3A_493] : memref<4x128xi32, #tpu.memory_space<vmem>> -> memref<1x128xi32, #tpu.memory_space<vmem>>
      %dma_wait3A_495 = tpu.memref_squeeze %dma_wait3A_494 : memref<1x128xi32, #tpu.memory_space<vmem>> -> memref<128xi32, #tpu.memory_space<vmem>>
      %dma_wait3A_496 = arith.constant 0 : i32
      %dma_wait3A_497 = arith.constant 0 : i32
      %dma_wait3A_498 = tpu.memref_slice %arg4[%dma_wait3A_496, %dma_wait3A_497] : memref<800000x128xf32, #tpu.memory_space<hbm>> -> memref<800000x128xf32, #tpu.memory_space<hbm>>
      %dma_wait3A_499 = tpu.memref_slice %arg10[%dma_wait3A_488] : memref<4x!tpu.dma_semaphore, #tpu.memory_space<semaphore_mem>> -> memref<1x!tpu.dma_semaphore, #tpu.memory_space<semaphore_mem>>
      %dma_wait3A_500 = tpu.memref_squeeze %dma_wait3A_499 : memref<1x!tpu.dma_semaphore, #tpu.memory_space<semaphore_mem>> -> memref<!tpu.dma_semaphore, #tpu.memory_space<semaphore_mem>>
      tpu.wait_indirect_dma semaphore(%dma_wait3A_500 : memref<!tpu.dma_semaphore, #tpu.memory_space<semaphore_mem>>) src(%dma_wait3A_492 : memref<128x128xf32, #tpu.memory_space<vmem>>) dst(%dma_wait3A_498 : memref<800000x128xf32, #tpu.memory_space<hbm>>)
    } else {
    }
    %sub3A_471 = arith.constant 2 : i32
    %sub3A_472 = arith.subi %select_n3A, %sub3A_471 : i32
    %rem3A_473 = arith.constant 4 : i32
    %rem3A_474 = arith.remsi %sub3A_472, %rem3A_473 : i32
    %eq3A_475 = arith.constant 3 : i32
    %eq3A_476 = arith.cmpi eq, %rem3A_474, %eq3A_475 : i32
    %sub3A_477 = arith.constant 1 : i32
    %sub3A_478 = arith.subi %select_n3A, %sub3A_477 : i32
    %rem3A_479 = arith.constant 4 : i32
    %rem3A_480 = arith.remsi %sub3A_478, %rem3A_479 : i32
    %eq3A_481 = arith.constant 3 : i32
    %eq3A_482 = arith.cmpi eq, %rem3A_480, %eq3A_481 : i32
    %or3A_483 = arith.ori %eq3A_476, %eq3A_482 : i1
    %convert_element_type3A_484 = arith.extui %or3A_483 : i1 to i32
    %cond3A_485 = arith.constant 0 : i32
    %cond3A_486 = arith.cmpi ne, %convert_element_type3A_484, %cond3A_485 : i32
    scf.if %cond3A_486 {
      %dma_wait3A = arith.constant 3 : i32
      %dma_wait3A_487 = arith.constant 3 : i32
      %dma_wait3A_488 = arith.constant 3 : i32
      %dma_wait3A_489 = arith.constant 0 : i32
      %dma_wait3A_490 = arith.constant 0 : i32
      %dma_wait3A_491 = tpu.memref_slice %arg6[%dma_wait3A, %dma_wait3A_489, %dma_wait3A_490] : memref<4x128x128xf32, #tpu.memory_space<vmem>> -> memref<1x128x128xf32, #tpu.memory_space<vmem>>
      %dma_wait3A_492 = tpu.memref_squeeze %dma_wait3A_491 : memref<1x128x128xf32, #tpu.memory_space<vmem>> -> memref<128x128xf32, #tpu.memory_space<vmem>>
      %dma_wait3A_493 = arith.constant 0 : i32
      %dma_wait3A_494 = tpu.memref_slice %arg5[%dma_wait3A_487, %dma_wait3A_493] : memref<4x128xi32, #tpu.memory_space<vmem>> -> memref<1x128xi32, #tpu.memory_space<vmem>>
      %dma_wait3A_495 = tpu.memref_squeeze %dma_wait3A_494 : memref<1x128xi32, #tpu.memory_space<vmem>> -> memref<128xi32, #tpu.memory_space<vmem>>
      %dma_wait3A_496 = arith.constant 0 : i32
      %dma_wait3A_497 = arith.constant 0 : i32
      %dma_wait3A_498 = tpu.memref_slice %arg4[%dma_wait3A_496, %dma_wait3A_497] : memref<800000x128xf32, #tpu.memory_space<hbm>> -> memref<800000x128xf32, #tpu.memory_space<hbm>>
      %dma_wait3A_499 = tpu.memref_slice %arg10[%dma_wait3A_488] : memref<4x!tpu.dma_semaphore, #tpu.memory_space<semaphore_mem>> -> memref<1x!tpu.dma_semaphore, #tpu.memory_space<semaphore_mem>>
      %dma_wait3A_500 = tpu.memref_squeeze %dma_wait3A_499 : memref<1x!tpu.dma_semaphore, #tpu.memory_space<semaphore_mem>> -> memref<!tpu.dma_semaphore, #tpu.memory_space<semaphore_mem>>
      tpu.wait_indirect_dma semaphore(%dma_wait3A_500 : memref<!tpu.dma_semaphore, #tpu.memory_space<semaphore_mem>>) src(%dma_wait3A_492 : memref<128x128xf32, #tpu.memory_space<vmem>>) dst(%dma_wait3A_498 : memref<800000x128xf32, #tpu.memory_space<hbm>>)
    } else {
    }
    return
  }
}

</mosaic_0001>

<sc_bundles>
// kernel: _octree_pad.3.cloned.1.call-start
scs
__scs_entry_jumppad:
0x0: {  	(pc) =	sbr.rel $0x88, $3  }
0x1: {  	(tag) =	ssettag $0x0;
	lr =	simm.s32 $0x1  }
0x2: {  	[smem:$0x3F9F] =	sst lr;
	_ =	strace $0xD0000000  }
0x3: {  	_ = 	snop  }
0x4: {  	_ = 	snop  }
0x5: {  	_ = 	snop  }
0x6: {  	_ = 	snop  }
0x7: {  	_ = 	snop  }
__scs_overlays_trampoline_lowered:
0x8: {  	[smem:$0x3FAE] =	sst s0  }
0x9: {  	[smem:$0x3FAF] =	sst s1  }
0xa: {  	[smem:$0x3FB0] =	sst s2  }
0xb: {  	[smem:$0x3FB1] =	sst s3  }
0xc: {  	[smem:$0x3FB2] =	sst s4  }
0xd: {  	[smem:$0x3FB3] =	sst s5  }
0xe: {  	[smem:$0x3FB4] =	sst s6  }
0xf: {  	[smem:$0x3FB5] =	sst s7  }
0x10: {  	[smem:$0x3FB6] =	sst s8  }
0x11: {  	[smem:$0x3FB7] =	sst s9;
	s0 =	simm.s32 @!p0 $0x0  }
0x12: {  	s1 =	sld [smem:$0x3F9D];
	s0 =	simm.s32 @p0 $0x1  }
0x13: {  	[smem:$0x3FB8] =	sst s0;
	s0 =	simm.s32 @!p1 $0x0  }
0x14: {  	s2 =	sld [smem:$0x3F9C];
	s0 =	simm.s32 @p1 $0x1  }
0x15: {  	[smem:$0x3FB9] =	sst s0;
	s0 =	simm.s32 @!p2 $0x0  }
0x16: {  	s3 =	sld [smem:$0x3FDB];
	s0 =	simm.s32 @p2 $0x1  }
0x17: {  	s4 =	simm.s32 $0x1BF5;
	[smem:$0x3FBB] =	sst s0  }
0x18: {  	s0 =	sld [smem:$0x3F9E];
	_ =	swait.ge [sflag:s4], $0x0  }
0x19: {  	s7 =	sld [smem:$0x3F9F]  }
0x1a: {  	s8 =	sadd.s32 $0xFFFFE003, lr  }
0x1b: {  	s9 =	sadd.s32 $0xFFFFFEF7, lr;
	s5 =	simm.s32 $0xFFFFFFFF;
	p2 =	slt.u32 s8, $0xFFFFF086  }
0x1c: {  	p1 =	slt.u32 s9, $0xF7A;
	s5 =	simm.s32 @!p2 $0x0  }
0x1d: {  	s5 =	simm.s32 @p1 $0x1;
	p0 =	seq.s32 s7, s2  }
0x1e: {  	s7 =	smul.u32 @!p0 $0xF7A, s2;
	p2 =	seq.s32 @!p0 s5, $0x0  }
0x1f: {  	s9 =	smul.u32 $0xF7A, s1;
	s8 =	simm.s32 @!p0 $0x1BF5;
	p2 =	por !p2, p0  }
0x20: {  	[sflag:s8] =	ssyncset.s32 @!p0 $0xFFFFF086;
	s6 =	sadd.s32 @!p0 s3, s7;
	s7 =	simm.s32 @!p0 $0x108  }
0x21: {  	s3 =	sadd.s32 s3, s9;
	s6 =	sadd.s32 @!p0 $0x88, s6;
	s7 =	simm.s32 @p2 $0x1082  }
0x22: {  	[simem:s7], [sflag:s8] =	dma.local @!p0 [hbm:s6], $0xF7A  }
0x23: {  	s9 =	sor.u32 $0xD0000000, s2;
	s6 =	simm.s32 $0x108;
	_ =	swait.ge @!p0 [sflag:s8], $0x0  }
0x24: {  	s3 =	sadd.s32 $0x88, s3;
	s6 =	simm.s32 @!p1 $0x1082;
	[sflag:s4] =	ssyncset.s32 $0xFFFFF086  }
0x25: {  	[simem:s6], [sflag:s4] =	dma.local [hbm:s3], $0xF7A  }
0x26: {  	[smem:$0x3F9F] =	sst s1;
	(tag) =	ssettag s2;
	_ =	strace s9  }
0x27: {  	s1 =	sld [smem:$0x3FAF]  }
0x28: {  	s2 =	sld [smem:$0x3FB0]  }
0x29: {  	s4 =	sld [smem:$0x3FB2]  }
0x2a: {  	p0 =	seq.s32 s5, $0x0;
	s5 =	sld [smem:$0x3FB3]  }
0x2b: {  	s6 =	sld [smem:$0x3FB4]  }
0x2c: {  	s7 =	sld [smem:$0x3FB5]  }
0x2d: {  	s3 =	simm.s32 $0x108;
	s8 =	sld [smem:$0x3FB6]  }
0x2e: {  	s3 =	simm.s32 @!p0 $0x1082;
	s9 =	sld [smem:$0x3FB7]  }
0x2f: {  	lr =	sadd.s32 s0, s3;
	s0 =	sld [smem:$0x3FAE]  }
0x30: {  	s3 =	sld [smem:$0x3FB1]  }
0x31: {  	[smem:$0x3FBA] =	sst s10  }
0x32: {  	s10 =	sld [smem:$0x3FB8];
	_ =	sdelay $0x3  }
0x33: {  	p0 =	seq.s32 s10, $0x1;
	s10 =	sld [smem:$0x3FBA];
	_ =	sdelay $0x3  }
0x34: {  	[smem:$0x3FBA] =	sst s10  }
0x35: {  	s10 =	sld [smem:$0x3FB9];
	_ =	sdelay $0x3  }
0x36: {  	p1 =	seq.s32 s10, $0x1;
	s10 =	sld [smem:$0x3FBA];
	_ =	sdelay $0x3  }
0x37: {  	[smem:$0x3FBA] =	sst s10  }
0x38: {  	s10 =	sld [smem:$0x3FBB]  }
0x39: {  	_ = 	snop;
	(pc) =	sbr.ind lr, $3  }
0x3a: {  	_ = 	snop  }
0x3b: {  	_ = 	snop  }
0x3c: {  	p2 =	seq.s32 s10, $0x1;
	s10 =	sld [smem:$0x3FBA]  }
0x3d: {  	_ =	shalt  }
0x3e: {  	_ =	shalt  }
0x3f: {  	_ =	shalt  }
0x40: {  	_ =	shalt  }
0x41: {  	_ =	shalt  }
0x42: {  	_ =	shalt  }
0x43: {  	_ =	shalt  }
0x44: {  	_ =	shalt  }
0x45: {  	_ =	shalt  }
0x46: {  	_ =	shalt  }
0x47: {  	_ =	shalt  }
0x48: {  	_ =	shalt  }
0x49: {  	_ =	shalt  }
0x4a: {  	_ =	shalt  }
0x4b: {  	_ =	shalt  }
0x4c: {  	_ =	shalt  }
0x4d: {  	_ =	shalt  }
0x4e: {  	_ =	shalt  }
0x4f: {  	_ =	shalt  }
0x50: {  	_ =	shalt  }
0x51: {  	_ =	shalt  }
0x52: {  	_ =	shalt  }
0x53: {  	_ =	shalt  }
0x54: {  	_ =	shalt  }
0x55: {  	_ =	shalt  }
0x56: {  	_ =	shalt  }
0x57: {  	_ =	shalt  }
0x58: {  	_ =	shalt  }
0x59: {  	_ =	shalt  }
0x5a: {  	_ =	shalt  }
0x5b: {  	_ =	shalt  }
0x5c: {  	_ =	shalt  }
0x5d: {  	_ =	shalt  }
0x5e: {  	_ =	shalt  }
0x5f: {  	_ =	shalt  }
0x60: {  	_ =	shalt  }
0x61: {  	_ =	shalt  }
0x62: {  	_ =	shalt  }
0x63: {  	_ =	shalt  }
0x64: {  	_ =	shalt  }
0x65: {  	_ =	shalt  }
0x66: {  	_ =	shalt  }
0x67: {  	_ =	shalt  }
0x68: {  	_ =	shalt  }
0x69: {  	_ =	shalt  }
0x6a: {  	_ =	shalt  }
0x6b: {  	_ =	shalt  }
0x6c: {  	_ =	shalt  }
0x6d: {  	_ =	shalt  }
0x6e: {  	_ =	shalt  }
0x6f: {  	_ =	shalt  }
0x70: {  	_ =	shalt  }
0x71: {  	_ =	shalt  }
0x72: {  	_ =	shalt  }
0x73: {  	_ =	shalt  }
0x74: {  	_ =	shalt  }
0x75: {  	_ =	shalt  }
0x76: {  	_ =	shalt  }
0x77: {  	_ =	shalt  }
0x78: {  	_ =	shalt  }
0x79: {  	_ =	shalt  }
0x7a: {  	_ =	shalt  }
0x7b: {  	_ =	shalt  }
0x7c: {  	_ =	shalt  }
0x7d: {  	_ =	shalt  }
0x7e: {  	_ =	shalt  }
0x7f: {  	_ =	shalt  }
0x80: {  	_ =	shalt  }
0x81: {  	_ =	shalt  }
0x82: {  	_ =	shalt  }
0x83: {  	_ =	shalt  }
0x84: {  	_ =	shalt  }
0x85: {  	_ =	shalt  }
0x86: {  	_ =	shalt  }
0x87: {  	_ =	shalt  }
.Lfunc_end0:
.L_simem_size_0:
called_computation_lowered:
.L_overlay_start_0:
0x88: {  	s2 =	sld [smem:$0x3FD9]  }
0x89: {  	s3 =	sld [smem:$0x3FFE];
	_ =	sdelay $0x1  }
0x8a: {  	s1 =	srdreg.scid  }
0x8b: {  	s0 =	sand.u32 $0x1, s1  }
0x8c: {  	s18 =	sshll.u32 s0, $0xA;
	s2 =	sadd.s32 s3, s2  }
0x8d: {  	s2 =	sadd.s32 s2, s18  }
0x8e: {  	[smem:$0x3FC6] =	sst s2  }
0x8f: {  	_ = 	snop  }
0x90: {  	s2 =	sld [smem:$0x3FC9]  }
0x91: {  	s19 =	sld [smem:$0x3FC8]  }
0x92: {  	s4 =	sld [smem:$0x3FD0];
	(tm) =	ssettm $0x1  }
0x93: {  	s5 =	sld [smem:$0x3FFB];
	_ =	sdelay $0x3  }
0x94: {  	_ =	strace s5  }
0x95: {  	s5 =	sld [smem:$0x3FFC];
	_ =	sdelay $0x3  }
0x96: {  	_ =	strace s5  }
0x97: {  	s5 =	sld [smem:$0x3FFD];
	_ =	sdelay $0x3  }
0x98: {  	_ =	strace s5  }
0x99: {  	_ =	strace $0x8FFFFFFF  }
0x9a: {  	s20 =	sld [smem:$0x3FDB];
	_ =	sdelay $0x1  }
0x9b: {  	s6 =	simm.s32 $_scs_section_size  }
0x9c: {  	s7 =	simm.s32 $_size__tile_overlayer_lowered;
	s8 =	simm.s32 $_tile_overlayer_lowered  }
0x9d: {  	s23 =	simm.s32 $0x1BFF;
	s22 =	sshll.u32 s8, $0x1;
	s5 =	sadd.s32 s6, s20  }
0x9e: {  	s9 =	simm.s32 $0x0;
	s21 =	sshll.u32 s7, $0x1;
	s7 =	sadd.s32 s22, s5  }
0x9f: {  	[timem:s9], [sflag:s23] =	dma.local [hbm:s7], s21  }
0xa0: {  	_ =	swait.ge [sflag:s23], s21  }
0xa1: {  	s6 =	ssub.s32 $0x0, s21;
	[sflag:s23] =	ssyncset.done $0x0  }
0xa2: {  	[sflag:s23] =	ssyncadd.s32 s6;
	_ =	sdelay $0x1  }
0xa3: {  	s24 =	simm.s32 $0x1B8B  }
0xa4: {  	_ =	swait.ge [sflag:s24], $0x1  }
0xa5: {  	[sflag:s24] =	ssyncset.done $0x0  }
0xa6: {  	s25 =	simm.s32 $0x1B8E;
	[sflag:s24] =	ssyncadd.s32 $0xFFFFFFFF  }
0xa7: {  	s26 =	simm.s32 $execute0_lowered;
	[smem:$0x3FD2] =	sst s25  }
0xa8: {  	s6 =	sshll.u32 s26, $0x1;
	_ =	strace $0x80000046;
	[dreg:$0x1] =	wrdreg $0xFFFFFFFF  }
0xa9: {  	s28 =	simm.s32 $_size_execute0_lowered;
	s5 =	sadd.s32 s5, s6;
	[dreg:$0x0] =	wrdreg $0x0  }
0xaa: {  	s6 =	sshll.u32 s28, $0x1;
	[dreg:$0x2] =	wrdreg s5  }
0xab: {  	[dreg:$0x3] =	wrdreg s6  }
0xac: {  	[dreg:$0x4] =	wrdreg $0xC0  }
0xad: {  	_ =	task [dreg:s9], $0x5FFFF  }
0xae: {  	[dreg:$0x1] =	wrdreg $0xFFFFFFFF  }
0xaf: {  	[dreg:$0x0] =	wrdreg $0x60  }
0xb0: {  	[dreg:$0x2] =	wrdreg s2  }
0xb1: {  	[dreg:$0x3] =	wrdreg s19  }
0xb2: {  	[dreg:$0x4] =	wrdreg s4  }
0xb3: {  	[dreg:$0x5] =	wrdreg $0x9  }
0xb4: {  	_ =	task.clear_ibuf [dreg:s9], $0x6FFFF;
	_ =	strace $0x90000046  }
0xb5: {  	s29 =	simm.s32 $0x9;
	_ =	strace $0x80000048  }
0xb6: {  	_ =	swait.ge [sflag:s29], $0x1  }
0xb7: {  	[sflag:s29] =	ssyncadd.s32 $0xFFFFFFFF  }
0xb8: {  	_ =	strace $0x90000048  }
0xb9: {  	_ =	sfence  }
0xba: {  	s30 =	sld [smem:$0x0];
	_ =	sdelay $0x2  }
0xbb: {  	s31 =	sshll.u32 s1, $0xD;
	s1 =	sshrl.u32 s1, $0x2  }
0xbc: {  	s3 =	sand.u32 $0x4000, s31;
	s1 =	sadd.s32 s1, s30  }
0xbd: {  	s0 =	sor.u32 s3, s0;
	s1 =	sshll.u32 s1, $0x11  }
0xbe: {  	s0 =	sor.u32 s1, s0  }
0xbf: {  	s0 =	sadd.s32 $0x8F2B, s0  }
0xc0: {  	[sflag:s0] =	ssyncadd.remote.s32 $0x1  }
0xc1: {  	_ =	sfence.sel $0xFFFF  }
0xc2: {  	[dreg:$0x0] =	wrdreg $0xFFFFFFFF;
	(pc) =	sbr.abs _section_cstart, $3  }
0xc3: {  	[dreg:$0x1] =	wrdreg $0xFFFFFFFF  }
0xc4: {  	_ =	task.clear_ibuf [dreg:s9], $0x2FFFF;
	_ =	strace $0x9FFFFFFF  }
0xc5: {  	(tm) =	ssettm $0x7FFFFFFF  }
tec
execute0_lowered:
.L_overlay_start_1:
0x0: {  	(tag) =	ssettag $0x1  }
0x1: {  	s17 =	rddreg [dreg:$0x0]  }
0x2: {  	s10 =	rddreg [dreg:$0x1]  }
0x3: {  	s3 =	rddreg [dreg:$0x2];
	s0 =	srdreg.scid;
	s5 =	simm.s32 $0x0  }
0x4: {  	s4 =	stileid.u32;
	s7 =	simm.s32 $0x19;
	s0 =	sand.u32 $0x1, s0  }
0x5: {  	s23 =	simm.s32 $0x10;
	s1 =	ssub.s32 $0x2, s0;
	s0 =	sshll.u32 s0, $0x4  }
0x6: {  	s24 =	simm.s32 $0xF;
	s28 =	simm.s32 $0xC;
	s0 =	sor.u32 s4, s0  }
0x7: {  	s29 =	simm.s32 $0xB;
	s30 =	simm.s32 $0xA;
	s18 =	smul.u32 $0x64, s0  }
0x8: {  	s31 =	simm.s32 $0x9;
	[smem:$0x7FF] =	sst s5;
	s13 =	smul.u32 $0x3200, s0  }
0x9: {  	_ =	strace $0x80000047;
	s2 =	sshrl.u32 s1, $0x1;
	s4 =	smul.u32 $0x640, s0  }
0xa: {  	s1 =	ssub.s32 s1, s2;
	p0 =	seq.s32 s0, $0x1F;
	s8 =	smul.u32 $0x32000, s0  }
0xb: {  	s7 =	simm.s32 @!p0 $0x64;
	s1 =	smax.u32 s1, $0x1;
	s6 =	smin.u32 s18, $0xBD0  }
0xc: {  	s2 =	sor.u32 $0x80, s13;
	s4 =	sadd.s32 s10, s4;
	[dreg:$0x5] =	wrdreg s7  }
0xd: {  	s16 =	sadd.s32 s17, s8;
	s20 =	sadd.s32 $0xFFFFFFFF, s7;
	[dreg:$0xe] =	wrdreg s1  }
0xe: {  	s21 =	sand.u32 $0x1, s7;
	s25 =	sadd.s32 $0xFFFFFFFC, s7;
	[dreg:$0x4] =	wrdreg s18  }
0xf: {  	s26 =	sadd.s32 $0xFFFFFFFB, s7;
	s6 =	sshll.u32 s6, $0x4;
	[dreg:$0x6] =	wrdreg s4  }
0x10: {  	s15 =	sshrl.u32 s2, $0x3;
	[dreg:$0x8] =	wrdreg s16;
	s2 =	sshll.u32 s2, $0x4  }
0x11: {  	s22 =	sand.u32 $0x3, s20;
	p2 =	seq.s32 s21, $0x1;
	[dreg:$0xc] =	wrdreg s25  }
0x12: {  	[dreg:$0xd] =	wrdreg s26;
	s16 =	simm.s32 $0x80;
	s25 =	simm.s32 $0xE  }
0x13: {  	s26 =	simm.s32 $0xD;
	s14 =	sadd.s32 s6, s10;
	s19 =	sadd.s32 s10, s15  }
0x14: {  	s2 =	sadd.s32 s17, s2;
	p1 =	por !p2, !p2;
	p3 =	seq.s32 s22, $0x2  }
.Ltmp0:
0x15: {  	p6 =	seq.s32 s22, $0x3;
	[dreg:$0xb] =	wrdreg s22;
	(pc) =	sbr.rel .LBB2_1-.Ltmp0, $4  }
0x16: {  	[dreg:$0x9] =	wrdreg s19;
	p1 =	por p1, p3;
	p3 =	seq.s32 s0, $0x0  }
0x17: {  	s4 =	sadd.s32 $0x640, s14;
	[dreg:$0xa] =	wrdreg s2;
	s0 =	simm.s32 @!p3 $0x0  }
0x18: {  	p2 =	por p6, p2;
	[dreg:$0x7] =	wrdreg s4;
	s0 =	simm.s32 @p3 $0x1  }
0x19: {  	v0 =	vimm.f32 $0.0e+00;
	s19 =	simm.s32 $0x10200;
	s4 =	simm.s32 $0x0;
	[smem:$0x7FD] =	sst s0  }
.LBB2_209:
0x1a: {  	s0 =	simm.s32 $0x5  }
.LBB2_212:
0x1b: {  	_ =	swait.ge [sflag:s0], $0x4000  }
0x1c: {  	[sflag:s0] =	ssyncset.done $0x0  }
0x1d: {  	[sflag:s0] =	ssyncadd.s32 $0xFFFFC000  }
.LBB2_213:
0x1e: {  	s0 =	simm.s32 @p1 $0x7  }
0x1f: {  	_ =	swait.ge @p1 [sflag:s0], $0x4000  }
0x20: {  	[sflag:s0] =	ssyncset.done @p1 $0x0  }
0x21: {  	[sflag:s0] =	ssyncadd.s32 @p1 $0xFFFFC000;
	s0 =	simm.s32 @p2 $0x8  }
0x22: {  	_ =	swait.ge @p2 [sflag:s0], $0x4000  }
0x23: {  	s4 =	sadd.s32 $0x1, s4;
	s1 =	rddreg [dreg:$0xe]  }
0x24: {  	p3 =	sne.s32 s4, s1  }
.Ltmp1:
0x25: {  	_ = 	snop;
	(pc) =	sbr.rel @!p3 .LBB2_214-.Ltmp1, $3  }
0x26: {  	_ =	sdelay $0x1  }
0x27: {  	[sflag:s0] =	ssyncset.done @p2 $0x0  }
0x28: {  	[sflag:s0] =	ssyncadd.s32 @p2 $0xFFFFC000  }
.LBB2_1:
0x29: {  	[dreg:$0xf] =	wrdreg s4;
	s0 =	simm.s32 $0x0;
	s1 =	simm.s32 $0x200  }
.LBB2_2:
0x2a: {  	p4 =	sne.s32 s1, $0x37E00;
	[tilespmem:s0+$0x10270] =	vst v0  }
0x2b: {  	[tilespmem:s0+$0x10200] =	vst v0  }
0x2c: {  	[tilespmem:s0+$0x10210] =	vst v0  }
.Ltmp2:
0x2d: {  	[tilespmem:s0+$0x10220] =	vst v0;
	(pc) =	sbr.rel @p4 .LBB2_2-.Ltmp2, $4  }
0x2e: {  	[tilespmem:s0+$0x10230] =	vst v0  }
0x2f: {  	[tilespmem:s0+$0x10240] =	vst v0  }
0x30: {  	[tilespmem:s0+$0x10250] =	vst v0  }
0x31: {  	[tilespmem:s0+$0x10260] =	vst v0;
	s0 =	sshra.s32 s1, $0x2;
	s1 =	sadd.s32 $0x200, s1  }
0x32: {  	[tilespmem:s0+$0x10270] =	vst v0  }
0x33: {  	[tilespmem:s0+$0x10200] =	vst v0  }
0x34: {  	[tilespmem:s0+$0x10210] =	vst v0  }
0x35: {  	[tilespmem:s0+$0x10220] =	vst v0  }
0x36: {  	[tilespmem:s0+$0x10230] =	vst v0  }
0x37: {  	[tilespmem:s0+$0x10240] =	vst v0  }
0x38: {  	[tilespmem:s0+$0x10250] =	vst v0  }
0x39: {  	[tilespmem:s0+$0x10260] =	vst v0;
	s11 =	rddreg [dreg:$0x6];
	s1 =	simm.s32 $0x11  }
0x3a: {  	[tilespmem:s5], [sflag:$0x11] =	stream.linear.gather [hbm4b:s11+s5], $0x80, $0x38;
	[tilespmem:$0x1E200] =	vst v63  }
0x3b: {  	_ =	swait.ge [sflag:s1], $0x80  }
0x3c: {  	[sflag:s1] =	ssyncset.done $0x0  }
0x3d: {  	[sflag:s1] =	ssyncadd.s32 $0xFFFFFF80  }
0x3e: {  	v1 =	vld [tilespmem:$0x0];
	_ =	sdelay $0x4  }
0x3f: {  	(v2sf) =	vpush v1, $0x0;
	_ =	sdelay $0xc  }
0x40: {  	s12 =	rddreg [dreg:$0x7]  }
0x41: {  	[tilespmem:s5], [sflag:$0x11] =	stream.linear.gather [hbm4b:s12+s5], $0x80, $0x38;
	[tilespmem:$0x1E200] =	vst v63  }
0x42: {  	s7 =	spop (v2sf)  }
0x43: {  	_ =	swait.ge [sflag:s1], $0x80  }
0x44: {  	[sflag:s1] =	ssyncset.done $0x0  }
0x45: {  	[sflag:s1] =	ssyncadd.s32 $0xFFFFFF80  }
0x46: {  	v1 =	vld [tilespmem:$0x0];
	_ =	sdelay $0x4  }
0x47: {  	(v2sf) =	vpush v1, $0x0;
	_ =	sdelay $0xb  }
0x48: {  	s13 =	sld [smem:$0x7FD];
	_ =	sdelay $0x2  }
0x49: {  	p3 =	seq.s32 s13, $0x1;
	s0 =	spop (v2sf)  }
0x4a: {  	s7 =	simm.s32 @p3 $0x0;
	s0 =	simm.s32 @p0 $0xC3500  }
0x4b: {  	s2 =	ssub.s32 s0, s7  }
0x4c: {  	s14 =	smulhi.u32 $0x92492493, s2;
	s4 =	sshra.s32 s2, $0x1F  }
0x4d: {  	s6 =	smul.u32 $0x92492493, s4  }
0x4e: {  	s1 =	ssub.s32 s14, s2  }
0x4f: {  	s1 =	sadd.s32 s6, s1  }
0x50: {  	s1 =	sadd.s32 s2, s1  }
0x51: {  	s15 =	sshrl.u32 s1, $0x1F;
	s1 =	sshra.s32 s1, $0x8  }
0x52: {  	p4 =	sne.s32 s0, s7;
	s6 =	simm.s32 $0x1;
	s1 =	sadd.s32 s15, s1  }
0x53: {  	s6 =	simm.s32 @!p4 $0x0;
	s8 =	smul.u32 $0xFFFFFE40, s1  }
0x54: {  	s2 =	ssub.s32 $0x0, s2;
	s4 =	sor.u32 s6, s4  }
0x55: {  	p6 =	sne.s32 s4, $0x1;
	p5 =	sne.s32 s8, s2  }
0x56: {  	p4 =	por !p5, !p6  }
0x57: {  	s2 =	simm.s32 $0x1;
	p4 =	por !p4, !p4  }
0x58: {  	s2 =	simm.s32 @!p4 $0x0  }
0x59: {  	s2 =	ssub.s32 s1, s2  }
0x5a: {  	[dreg:$0x10] =	wrdreg s7;
	s20 =	sand.u32 $0x7, s2  }
0x5b: {  	s21 =	sadd.s32 $0x8, s2;
	p3 =	slt.s32 s2, $0xFFFFFFF9;
	p6 =	sne.s32 s20, $0x0  }
0x5c: {  	s6 =	simm.s32 $0x1;
	s22 =	sshrl.u32 s21, $0x1D;
	p5 =	por !p3, !p6  }
0x5d: {  	s7 =	sadd.s32 $0x1, s2;
	s4 =	sadd.s32 s22, s21;
	p5 =	por !p5, !p5  }
0x5e: {  	s4 =	sshra.s32 s4, $0x3;
	s6 =	simm.s32 @!p5 $0x0;
	p5 =	sgt.s32 s7, $0x0  }
0x5f: {  	[dreg:$0x12] =	wrdreg s7;
	s9 =	ssub.s32 s4, s6;
	s7 =	simm.s32 @!p5 $0x0  }
0x60: {  	p5 =	slt.s32 s9, s7  }
0x61: {  	s7 =	smov.u32 @p5 s9  }
0x62: {  	p5 =	slt.s32 s7, $0x1  }
.Ltmp3:
0x63: {  	_ = 	snop;
	(pc) =	sbr.rel @p5 .LBB2_7-.Ltmp3, $2  }
0x64: {  	_ =	sdelay $0x2  }
0x65: {  	s0 =	sadd.s32 $0x1FFFE40, s0;
	[dreg:$0x11] =	wrdreg s7  }
0x66: {  	s7 =	rddreg [dreg:$0x10]  }
0x67: {  	p5 =	seq.s32 s2, $0x0;
	s22 =	rddreg [dreg:$0x11];
	s4 =	smov.u32 s7  }
0x68: {  	s4 =	smov.u32 @p5 s0;
	p5 =	sne.s32 s22, $0x1  }
.Ltmp4:
0x69: {  	_ = 	snop;
	(pc) =	sbr.rel @!p5 .LBB2_6-.Ltmp4, $4  }
0x6a: {  	_ = 	snop  }
0x6b: {  	s6 =	sshll.u32 s4, $0x4  }
0x6c: {  	s2 =	sadd.s32 $0xFFFFFFFF, s2;
	s6 =	sand.u32 $0x1FFFFFF0, s6  }
0x6d: {  	s8 =	sadd.s32 $0x1C0, s7;
	s4 =	sadd.s32 $0xFFFFFFFF, s22;
	s6 =	sadd.s32 s3, s6  }
.LBB2_5:
0x6e: {  	[hbm4b:s6+s5] =	stream.linear.scatter [tilespmem:s19], [sflag:$0x9], $0xE000, $0x38;
	[tilespmem:$0x1E200] =	vst v63  }
0x6f: {  	p6 =	sne.s32 s4, $0x1  }
.Ltmp5:
0x70: {  	p5 =	seq.s32 s2, $0x0;
	s6 =	smov.u32 s8;
	(pc) =	sbr.rel @p6 .LBB2_5-.Ltmp5, $4  }
0x71: {  	s4 =	sadd.s32 $0xFFFFFFFF, s4;
	s6 =	smov.u32 @p5 s0  }
0x72: {  	s6 =	sshll.u32 s6, $0x4  }
0x73: {  	s6 =	sand.u32 $0x1FFFFFF0, s6  }
0x74: {  	s8 =	sadd.s32 $0x1C0, s8;
	s2 =	sadd.s32 $0xFFFFFFFF, s2;
	s6 =	sadd.s32 s3, s6  }
.LBB2_6:
0x75: {  	[hbm4b:s6+s5] =	stream.linear.scatter [tilespmem:s19], [sflag:$0x9], $0xE000, $0x38;
	[tilespmem:$0x1E200] =	vst v63  }
.LBB2_7:
0x76: {  	s2 =	rddreg [dreg:$0x12]  }
0x77: {  	s13 =	ssub.s32 s2, s9  }
0x78: {  	p5 =	sgt.s32 s13, $0x0  }
0x79: {  	s13 =	simm.s32 @!p5 $0x0  }
0x7a: {  	p5 =	slt.s32 s9, s13  }
0x7b: {  	s2 =	simm.s32 $0xFFFFFFFF;
	s13 =	smov.u32 @p5 s9  }
0x7c: {  	s2 =	simm.s32 @!p4 $0x0;
	p4 =	slt.s32 s13, $0x1  }
.Ltmp6:
0x7d: {  	_ = 	snop;
	(pc) =	sbr.rel @p4 .LBB2_11-.Ltmp6, $2  }
0x7e: {  	_ =	sdelay $0x2  }
0x7f: {  	s1 =	sadd.s32 s2, s1  }
0x80: {  	s2 =	smul.u32 $0x1C0, s9  }
0x81: {  	s4 =	rddreg [dreg:$0x10];
	s8 =	ssub.s32 s1, s9  }
0x82: {  	p4 =	seq.s32 s8, $0x0;
	s4 =	sadd.s32 s2, s4  }
0x83: {  	s2 =	sadd.s32 $0x1C0, s4;
	s4 =	smov.u32 @p4 s0;
	p4 =	sne.s32 s13, $0x1  }
.Ltmp7:
0x84: {  	_ = 	snop;
	(pc) =	sbr.rel @!p4 .LBB2_10-.Ltmp7, $4  }
0x85: {  	_ = 	snop  }
0x86: {  	s4 =	sshll.u32 s4, $0x4  }
0x87: {  	s6 =	sand.u32 $0x1FFFFFF0, s4  }
0x88: {  	s8 =	sadd.s32 $0xFFFFFFFF, s8;
	s4 =	sadd.s32 $0xFFFFFFFF, s13;
	s6 =	sadd.s32 s3, s6  }
.LBB2_9:
0x89: {  	[hbm4b:s6+s5] =	stream.linear.scatter [tilespmem:s19], [sflag:$0xA], $0xE000, $0x38;
	[tilespmem:$0x1E200] =	vst v63  }
0x8a: {  	p5 =	sne.s32 s4, $0x1  }
.Ltmp8:
0x8b: {  	p4 =	seq.s32 s8, $0x0;
	s6 =	smov.u32 s2;
	(pc) =	sbr.rel @p5 .LBB2_9-.Ltmp8, $4  }
0x8c: {  	s4 =	sadd.s32 $0xFFFFFFFF, s4;
	s6 =	smov.u32 @p4 s0  }
0x8d: {  	s6 =	sshll.u32 s6, $0x4  }
0x8e: {  	s6 =	sand.u32 $0x1FFFFFF0, s6  }
0x8f: {  	s2 =	sadd.s32 $0x1C0, s2;
	s8 =	sadd.s32 $0xFFFFFFFF, s8;
	s6 =	sadd.s32 s3, s6  }
.LBB2_10:
0x90: {  	[hbm4b:s6+s5] =	stream.linear.scatter [tilespmem:s19], [sflag:$0xA], $0xE000, $0x38;
	[tilespmem:$0x1E200] =	vst v63  }
.LBB2_11:
0x91: {  	s2 =	sshll.u32 s9, $0x1;
	s4 =	rddreg [dreg:$0x12]  }
0x92: {  	s20 =	ssub.s32 s4, s2  }
0x93: {  	p4 =	sgt.s32 s20, $0x0  }
0x94: {  	s20 =	simm.s32 @!p4 $0x0  }
0x95: {  	p4 =	slt.s32 s9, s20  }
0x96: {  	s20 =	smov.u32 @p4 s9  }
0x97: {  	p4 =	slt.s32 s20, $0x1  }
.Ltmp9:
0x98: {  	_ = 	snop;
	(pc) =	sbr.rel @p4 .LBB2_15-.Ltmp9, $1  }
0x99: {  	_ =	sdelay $0x3  }
0x9a: {  	s4 =	smul.u32 $0x380, s9  }
0x9b: {  	s6 =	rddreg [dreg:$0x10];
	s8 =	ssub.s32 s1, s2  }
0x9c: {  	p4 =	seq.s32 s8, $0x0;
	s4 =	sadd.s32 s4, s6  }
0x9d: {  	s2 =	sadd.s32 $0x1C0, s4;
	s4 =	smov.u32 @p4 s0;
	p4 =	sne.s32 s20, $0x1  }
.Ltmp10:
0x9e: {  	_ = 	snop;
	(pc) =	sbr.rel @!p4 .LBB2_14-.Ltmp10, $4  }
0x9f: {  	_ = 	snop  }
0xa0: {  	s4 =	sshll.u32 s4, $0x4  }
0xa1: {  	s22 =	sand.u32 $0x1FFFFFF0, s4  }
0xa2: {  	s8 =	sadd.s32 $0xFFFFFFFF, s8;
	s4 =	sadd.s32 $0xFFFFFFFF, s20;
	s6 =	sadd.s32 s3, s22  }
.LBB2_13:
0xa3: {  	[hbm4b:s6+s5] =	stream.linear.scatter [tilespmem:s19], [sflag:$0xB], $0xE000, $0x38;
	[tilespmem:$0x1E200] =	vst v63  }
0xa4: {  	p5 =	sne.s32 s4, $0x1  }
.Ltmp11:
0xa5: {  	p4 =	seq.s32 s8, $0x0;
	s6 =	smov.u32 s2;
	(pc) =	sbr.rel @p5 .LBB2_13-.Ltmp11, $4  }
0xa6: {  	s4 =	sadd.s32 $0xFFFFFFFF, s4;
	s6 =	smov.u32 @p4 s0  }
0xa7: {  	s6 =	sshll.u32 s6, $0x4  }
0xa8: {  	s6 =	sand.u32 $0x1FFFFFF0, s6  }
0xa9: {  	s2 =	sadd.s32 $0x1C0, s2;
	s8 =	sadd.s32 $0xFFFFFFFF, s8;
	s6 =	sadd.s32 s3, s6  }
.LBB2_14:
0xaa: {  	[hbm4b:s6+s5] =	stream.linear.scatter [tilespmem:s19], [sflag:$0xB], $0xE000, $0x38;
	[tilespmem:$0x1E200] =	vst v63  }
.LBB2_15:
0xab: {  	s2 =	smul.u32 $0x3, s9  }
0xac: {  	s4 =	rddreg [dreg:$0x12]  }
0xad: {  	s22 =	ssub.s32 s4, s2  }
0xae: {  	p4 =	sgt.s32 s22, $0x0  }
0xaf: {  	s22 =	simm.s32 @!p4 $0x0  }
0xb0: {  	p4 =	slt.s32 s9, s22  }
0xb1: {  	s22 =	smov.u32 @p4 s9  }
0xb2: {  	p4 =	slt.s32 s22, $0x1  }
.Ltmp12:
0xb3: {  	_ = 	snop;
	(pc) =	sbr.rel @p4 .LBB2_19-.Ltmp12, $1  }
0xb4: {  	_ =	sdelay $0x3  }
0xb5: {  	s4 =	smul.u32 $0x540, s9  }
0xb6: {  	s6 =	rddreg [dreg:$0x10];
	s8 =	ssub.s32 s1, s2  }
0xb7: {  	p4 =	seq.s32 s8, $0x0;
	s4 =	sadd.s32 s4, s6  }
0xb8: {  	s2 =	sadd.s32 $0x1C0, s4;
	s4 =	smov.u32 @p4 s0;
	p4 =	sne.s32 s22, $0x1  }
.Ltmp13:
0xb9: {  	_ = 	snop;
	(pc) =	sbr.rel @!p4 .LBB2_18-.Ltmp13, $4  }
0xba: {  	_ = 	snop  }
0xbb: {  	s4 =	sshll.u32 s4, $0x4  }
0xbc: {  	s21 =	sand.u32 $0x1FFFFFF0, s4  }
0xbd: {  	s8 =	sadd.s32 $0xFFFFFFFF, s8;
	s4 =	sadd.s32 $0xFFFFFFFF, s22;
	s6 =	sadd.s32 s3, s21  }
.LBB2_17:
0xbe: {  	[hbm4b:s6+s5] =	stream.linear.scatter [tilespmem:s19], [sflag:$0xC], $0xE000, $0x38;
	[tilespmem:$0x1E200] =	vst v63  }
0xbf: {  	p5 =	sne.s32 s4, $0x1  }
.Ltmp14:
0xc0: {  	p4 =	seq.s32 s8, $0x0;
	s6 =	smov.u32 s2;
	(pc) =	sbr.rel @p5 .LBB2_17-.Ltmp14, $4  }
0xc1: {  	s4 =	sadd.s32 $0xFFFFFFFF, s4;
	s6 =	smov.u32 @p4 s0  }
0xc2: {  	s6 =	sshll.u32 s6, $0x4  }
0xc3: {  	s6 =	sand.u32 $0x1FFFFFF0, s6  }
0xc4: {  	s2 =	sadd.s32 $0x1C0, s2;
	s8 =	sadd.s32 $0xFFFFFFFF, s8;
	s6 =	sadd.s32 s3, s6  }
.LBB2_18:
0xc5: {  	[hbm4b:s6+s5] =	stream.linear.scatter [tilespmem:s19], [sflag:$0xC], $0xE000, $0x38;
	[tilespmem:$0x1E200] =	vst v63  }
.LBB2_19:
0xc6: {  	s2 =	sshll.u32 s9, $0x2;
	s4 =	rddreg [dreg:$0x12]  }
0xc7: {  	s11 =	ssub.s32 s4, s2  }
0xc8: {  	p4 =	sgt.s32 s11, $0x0  }
0xc9: {  	s11 =	simm.s32 @!p4 $0x0  }
0xca: {  	p4 =	slt.s32 s9, s11  }
0xcb: {  	s11 =	smov.u32 @p4 s9  }
0xcc: {  	p4 =	slt.s32 s11, $0x1  }
.Ltmp15:
0xcd: {  	_ = 	snop;
	(pc) =	sbr.rel @p4 .LBB2_23-.Ltmp15, $1  }
0xce: {  	_ =	sdelay $0x3  }
0xcf: {  	s4 =	smul.u32 $0x700, s9  }
0xd0: {  	s6 =	rddreg [dreg:$0x10];
	s8 =	ssub.s32 s1, s2  }
0xd1: {  	p4 =	seq.s32 s8, $0x0;
	s4 =	sadd.s32 s4, s6  }
0xd2: {  	s2 =	sadd.s32 $0x1C0, s4;
	s4 =	smov.u32 @p4 s0;
	p4 =	sne.s32 s11, $0x1  }
.Ltmp16:
0xd3: {  	_ = 	snop;
	(pc) =	sbr.rel @!p4 .LBB2_22-.Ltmp16, $4  }
0xd4: {  	_ = 	snop  }
0xd5: {  	s4 =	sshll.u32 s4, $0x4  }
0xd6: {  	s21 =	sand.u32 $0x1FFFFFF0, s4  }
0xd7: {  	s8 =	sadd.s32 $0xFFFFFFFF, s8;
	s4 =	sadd.s32 $0xFFFFFFFF, s11;
	s6 =	sadd.s32 s3, s21  }
.LBB2_21:
0xd8: {  	[hbm4b:s6+s5] =	stream.linear.scatter [tilespmem:s19], [sflag:$0xD], $0xE000, $0x38;
	[tilespmem:$0x1E200] =	vst v63  }
0xd9: {  	p5 =	sne.s32 s4, $0x1  }
.Ltmp17:
0xda: {  	p4 =	seq.s32 s8, $0x0;
	s6 =	smov.u32 s2;
	(pc) =	sbr.rel @p5 .LBB2_21-.Ltmp17, $4  }
0xdb: {  	s4 =	sadd.s32 $0xFFFFFFFF, s4;
	s6 =	smov.u32 @p4 s0  }
0xdc: {  	s6 =	sshll.u32 s6, $0x4  }
0xdd: {  	s6 =	sand.u32 $0x1FFFFFF0, s6  }
0xde: {  	s2 =	sadd.s32 $0x1C0, s2;
	s8 =	sadd.s32 $0xFFFFFFFF, s8;
	s6 =	sadd.s32 s3, s6  }
.LBB2_22:
0xdf: {  	[hbm4b:s6+s5] =	stream.linear.scatter [tilespmem:s19], [sflag:$0xD], $0xE000, $0x38;
	[tilespmem:$0x1E200] =	vst v63  }
.LBB2_23:
0xe0: {  	s2 =	smul.u32 $0x5, s9  }
0xe1: {  	s4 =	rddreg [dreg:$0x12]  }
0xe2: {  	s8 =	ssub.s32 s4, s2  }
0xe3: {  	p4 =	sgt.s32 s8, $0x0  }
0xe4: {  	s8 =	simm.s32 @!p4 $0x0  }
0xe5: {  	p4 =	slt.s32 s9, s8  }
0xe6: {  	s8 =	smov.u32 @p4 s9  }
0xe7: {  	p4 =	slt.s32 s8, $0x1  }
.Ltmp18:
0xe8: {  	_ = 	snop;
	(pc) =	sbr.rel @p4 .LBB2_27-.Ltmp18, $1  }
0xe9: {  	_ =	sdelay $0x3  }
0xea: {  	s4 =	smul.u32 $0x8C0, s9  }
0xeb: {  	s6 =	rddreg [dreg:$0x10];
	s12 =	ssub.s32 s1, s2  }
0xec: {  	p4 =	seq.s32 s12, $0x0;
	s4 =	sadd.s32 s4, s6  }
0xed: {  	s2 =	sadd.s32 $0x1C0, s4;
	s4 =	smov.u32 @p4 s0;
	p4 =	sne.s32 s8, $0x1  }
.Ltmp19:
0xee: {  	_ = 	snop;
	(pc) =	sbr.rel @!p4 .LBB2_26-.Ltmp19, $4  }
0xef: {  	_ = 	snop  }
0xf0: {  	s4 =	sshll.u32 s4, $0x4  }
0xf1: {  	s21 =	sand.u32 $0x1FFFFFF0, s4  }
0xf2: {  	s12 =	sadd.s32 $0xFFFFFFFF, s12;
	s4 =	sadd.s32 $0xFFFFFFFF, s8;
	s6 =	sadd.s32 s3, s21  }
.LBB2_25:
0xf3: {  	[hbm4b:s6+s5] =	stream.linear.scatter [tilespmem:s19], [sflag:$0xE], $0xE000, $0x38;
	[tilespmem:$0x1E200] =	vst v63  }
0xf4: {  	p5 =	sne.s32 s4, $0x1  }
.Ltmp20:
0xf5: {  	p4 =	seq.s32 s12, $0x0;
	s6 =	smov.u32 s2;
	(pc) =	sbr.rel @p5 .LBB2_25-.Ltmp20, $4  }
0xf6: {  	s4 =	sadd.s32 $0xFFFFFFFF, s4;
	s6 =	smov.u32 @p4 s0  }
0xf7: {  	s6 =	sshll.u32 s6, $0x4  }
0xf8: {  	s6 =	sand.u32 $0x1FFFFFF0, s6  }
0xf9: {  	s2 =	sadd.s32 $0x1C0, s2;
	s12 =	sadd.s32 $0xFFFFFFFF, s12;
	s6 =	sadd.s32 s3, s6  }
.LBB2_26:
0xfa: {  	[hbm4b:s6+s5] =	stream.linear.scatter [tilespmem:s19], [sflag:$0xE], $0xE000, $0x38;
	[tilespmem:$0x1E200] =	vst v63  }
.LBB2_27:
0xfb: {  	s2 =	smul.u32 $0x6, s9  }
0xfc: {  	s4 =	rddreg [dreg:$0x12]  }
0xfd: {  	s14 =	ssub.s32 s4, s2  }
0xfe: {  	p4 =	sgt.s32 s14, $0x0  }
0xff: {  	s14 =	simm.s32 @!p4 $0x0  }
0x100: {  	p4 =	slt.s32 s9, s14  }
0x101: {  	s14 =	smov.u32 @p4 s9  }
0x102: {  	p4 =	slt.s32 s14, $0x1  }
.Ltmp21:
0x103: {  	_ = 	snop;
	(pc) =	sbr.rel @p4 .LBB2_31-.Ltmp21, $1  }
0x104: {  	_ =	sdelay $0x3  }
0x105: {  	s4 =	smul.u32 $0xA80, s9  }
0x106: {  	s6 =	rddreg [dreg:$0x10];
	s12 =	ssub.s32 s1, s2  }
0x107: {  	p4 =	seq.s32 s12, $0x0;
	s4 =	sadd.s32 s4, s6  }
0x108: {  	s2 =	sadd.s32 $0x1C0, s4;
	s4 =	smov.u32 @p4 s0;
	p4 =	sne.s32 s14, $0x1  }
.Ltmp22:
0x109: {  	_ = 	snop;
	(pc) =	sbr.rel @!p4 .LBB2_30-.Ltmp22, $4  }
0x10a: {  	_ = 	snop  }
0x10b: {  	s4 =	sshll.u32 s4, $0x4  }
0x10c: {  	s21 =	sand.u32 $0x1FFFFFF0, s4  }
0x10d: {  	s12 =	sadd.s32 $0xFFFFFFFF, s12;
	s4 =	sadd.s32 $0xFFFFFFFF, s14;
	s6 =	sadd.s32 s3, s21  }
.LBB2_29:
0x10e: {  	[hbm4b:s6+s5] =	stream.linear.scatter [tilespmem:s19], [sflag:$0xF], $0xE000, $0x38;
	[tilespmem:$0x1E200] =	vst v63  }
0x10f: {  	p5 =	sne.s32 s4, $0x1  }
.Ltmp23:
0x110: {  	p4 =	seq.s32 s12, $0x0;
	s6 =	smov.u32 s2;
	(pc) =	sbr.rel @p5 .LBB2_29-.Ltmp23, $4  }
0x111: {  	s4 =	sadd.s32 $0xFFFFFFFF, s4;
	s6 =	smov.u32 @p4 s0  }
0x112: {  	s6 =	sshll.u32 s6, $0x4  }
0x113: {  	s6 =	sand.u32 $0x1FFFFFF0, s6  }
0x114: {  	s2 =	sadd.s32 $0x1C0, s2;
	s12 =	sadd.s32 $0xFFFFFFFF, s12;
	s6 =	sadd.s32 s3, s6  }
.LBB2_30:
0x115: {  	[hbm4b:s6+s5] =	stream.linear.scatter [tilespmem:s19], [sflag:$0xF], $0xE000, $0x38;
	[tilespmem:$0x1E200] =	vst v63  }
.LBB2_31:
0x116: {  	s2 =	smul.u32 $0x7, s9  }
0x117: {  	s4 =	rddreg [dreg:$0x12]  }
0x118: {  	s15 =	ssub.s32 s4, s2  }
0x119: {  	p4 =	sgt.s32 s15, $0x0  }
0x11a: {  	s15 =	simm.s32 @!p4 $0x0  }
0x11b: {  	p4 =	slt.s32 s9, s15  }
0x11c: {  	s15 =	smov.u32 @p4 s9  }
0x11d: {  	p4 =	slt.s32 s15, $0x1  }
.Ltmp24:
0x11e: {  	_ = 	snop;
	(pc) =	sbr.rel @p4 .LBB2_35-.Ltmp24, $1  }
0x11f: {  	_ =	sdelay $0x3  }
0x120: {  	s4 =	smul.u32 $0xC40, s9  }
0x121: {  	s6 =	rddreg [dreg:$0x10];
	s12 =	ssub.s32 s1, s2  }
0x122: {  	p4 =	seq.s32 s12, $0x0;
	s4 =	sadd.s32 s4, s6  }
0x123: {  	s1 =	sadd.s32 $0x1C0, s4;
	s4 =	smov.u32 @p4 s0;
	p4 =	sne.s32 s15, $0x1  }
.Ltmp25:
0x124: {  	_ = 	snop;
	(pc) =	sbr.rel @!p4 .LBB2_34-.Ltmp25, $4  }
0x125: {  	_ = 	snop  }
0x126: {  	s21 =	sshll.u32 s4, $0x4  }
0x127: {  	s4 =	sand.u32 $0x1FFFFFF0, s21  }
0x128: {  	s2 =	sadd.s32 $0xFFFFFFFF, s15;
	s6 =	sadd.s32 s3, s4;
	s4 =	sadd.s32 $0xFFFFFFFF, s12  }
.LBB2_33:
0x129: {  	[hbm4b:s6+s5] =	stream.linear.scatter [tilespmem:s19], [sflag:$0x10], $0xE000, $0x38;
	[tilespmem:$0x1E200] =	vst v63  }
0x12a: {  	p5 =	sne.s32 s2, $0x1  }
.Ltmp26:
0x12b: {  	p4 =	seq.s32 s4, $0x0;
	s6 =	smov.u32 s1;
	(pc) =	sbr.rel @p5 .LBB2_33-.Ltmp26, $4  }
0x12c: {  	s2 =	sadd.s32 $0xFFFFFFFF, s2;
	s6 =	smov.u32 @p4 s0  }
0x12d: {  	s6 =	sshll.u32 s6, $0x4  }
0x12e: {  	s6 =	sand.u32 $0x1FFFFFF0, s6  }
0x12f: {  	s1 =	sadd.s32 $0x1C0, s1;
	s4 =	sadd.s32 $0xFFFFFFFF, s4;
	s6 =	sadd.s32 s3, s6  }
.LBB2_34:
0x130: {  	[hbm4b:s6+s5] =	stream.linear.scatter [tilespmem:s19], [sflag:$0x10], $0xE000, $0x38;
	[tilespmem:$0x1E200] =	vst v63  }
.LBB2_35:
0x131: {  	s0 =	rddreg [dreg:$0x6]  }
0x132: {  	s12 =	rddreg [dreg:$0x8]  }
0x133: {  	s2 =	rddreg [dreg:$0x9]  }
0x134: {  	s21 =	simm.s32 $0x0;
	s1 =	simm.s32 $0x200;
	s4 =	rddreg [dreg:$0xa]  }
0x135: {  	[tilespmem:s21], [sflag:$0x1] =	stream.linear.gather [hbm4b:s0+s21], $0x80, $0x38;
	[tilespmem:$0x1E200] =	vst v63  }
0x136: {  	s6 =	simm.s32 $0x4200;
	s7 =	sadd.s32 $0xFFFFFFFF, s9;
	[dreg:$0x13] =	wrdreg s9  }
0x137: {  	[tilespmem:s1], [sflag:$0x1] =	stream.linear.gather [hbm4b:s12+s21], $0x4000, $0x38;
	[tilespmem:$0x1E200] =	vst v63  }
0x138: {  	p4 =	sgt.s32 s9, $0x0;
	[smem:$0x0] =	sst s21;
	s0 =	simm.s32 $0x1  }
0x139: {  	[tilespmem:s16], [sflag:$0x2] =	stream.linear.gather [hbm4b:s2+s21], $0x80, $0x38;
	[tilespmem:$0x1E200] =	vst v63  }
.Ltmp27:
0x13a: {  	s0 =	simm.s32 @!p4 $0x0;
	p4 =	slt.s32 s9, $0x0;
	(pc) =	sbr.rel .LBB2_36-.Ltmp27, $4  }
0x13b: {  	[tilespmem:s6], [sflag:$0x2] =	stream.linear.gather [hbm4b:s4+s21], $0x4000, $0x38;
	[tilespmem:$0x1E200] =	vst v63  }
0x13c: {  	[dreg:$0x14] =	wrdreg s7;
	s0 =	simm.s32 @p4 $0xFFFFFFFF;
	s4 =	sshra.s32 s9, $0x1F  }
0x13d: {  	[dreg:$0x15] =	wrdreg s0;
	s12 =	sor.u32 $0x1, s4  }
0x13e: {  	[dreg:$0x16] =	wrdreg s12;
	s12 =	simm.s32 $0x0  }
.LBB2_173:
0x13f: {  	[sflag:s23] =	ssyncadd.s32 $0xFFFF2000  }
.LBB2_174:
0x140: {  	p3 =	sgt.s32 s21, s2  }
0x141: {  	s6 =	simm.s32 $0x180;
	s7 =	simm.s32 $0xC200;
	s2 =	smov.u32 @p3 s21  }
0x142: {  	[hbm4b:s3+s16] =	stream.indirect.scatter [tilespmem:s7], [sflag:$0x8], $0x80, s6, s16, $0xb8;
	[tilespmem:$0x1E200] =	vst v63  }
0x143: {  	s21 =	simm.s32 $0x6;
	[smem:$0x0] =	sst s2  }
0x144: {  	_ =	swait.ge [sflag:s21], $0x4000  }
0x145: {  	[sflag:s21] =	ssyncset.done $0x0  }
0x146: {  	[sflag:s21] =	ssyncadd.s32 $0xFFFFC000;
	s21 =	smov.u32 s2  }
.LBB2_175:
0x147: {  	s2 =	rddreg [dreg:$0xd]  }
0x148: {  	p3 =	sge.u32 s1, s2  }
0x149: {  	s0 =	sadd.s32 @!p3 s18, s0  }
0x14a: {  	s0 =	sshll.u32 @!p3 s0, $0x7  }
0x14b: {  	s0 =	sadd.s32 @!p3 $0x100, s0  }
0x14c: {  	s2 =	simm.s32 @!p3 $0x0;
	s1 =	sshrl.u32 @!p3 s0, $0x3;
	s0 =	sshll.u32 @!p3 s0, $0x4  }
0x14d: {  	s6 =	simm.s32 @!p3 $0x80;
	s1 =	sadd.s32 @!p3 s10, s1;
	s0 =	sand.u32 @!p3 $0x1FFFE800, s0  }
0x14e: {  	[tilespmem:s6], [sflag:$0x2] =	stream.linear.gather @!p3 [hbm4b:s1+s2], $0x80, $0x38;
	[tilespmem:$0x1E200] =	vst v63  }
0x14f: {  	s12 =	sadd.s32 $0x1, s12;
	s0 =	sadd.s32 @!p3 s17, s0;
	s1 =	simm.s32 @!p3 $0x4200  }
0x150: {  	[tilespmem:s1], [sflag:$0x2] =	stream.linear.gather @!p3 [hbm4b:s0+s2], $0x4000, $0x38;
	[tilespmem:$0x1E200] =	vst v63  }
0x151: {  	p3 =	sne.s32 s12, $0x19  }
.Ltmp28:
0x152: {  	_ = 	snop;
	(pc) =	sbr.rel @!p3 .LBB2_176-.Ltmp28, $1  }
0x153: {  	_ =	sdelay $0x3  }
.LBB2_36:
0x154: {  	s1 =	sshll.u32 s12, $0x2;
	s0 =	rddreg [dreg:$0x5]  }
0x155: {  	p4 =	slt.u32 s1, s0  }
.Ltmp29:
0x156: {  	_ = 	snop;
	(pc) =	sbr.rel @!p4 .LBB2_37-.Ltmp29, $1  }
0x157: {  	_ =	sdelay $0x3  }
0x158: {  	s0 =	simm.s32 $0x1  }
0x159: {  	_ =	swait.ge [sflag:s0], $0x80  }
0x15a: {  	[sflag:s0] =	ssyncset.done $0x0  }
0x15b: {  	[sflag:s0] =	ssyncadd.s32 $0xFFFFFF80  }
0x15c: {  	_ =	swait.ge [sflag:s0], $0x4000  }
0x15d: {  	[sflag:s0] =	ssyncset.done $0x0  }
0x15e: {  	[sflag:s0] =	ssyncadd.s32 $0xFFFFC000  }
0x15f: {  	v1 =	vld [tilespmem:$0x70];
	_ =	sdelay $0x4  }
0x160: {  	(v2sf) =	vpush v1, $0xF;
	_ =	sdelay $0xe  }
0x161: {  	s9 =	rddreg [dreg:$0x10];
	s0 =	spop (v2sf)  }
0x162: {  	s2 =	ssub.s32 s0, s9  }
0x163: {  	s6 =	smulhi.u32 $0x92492493, s2;
	s18 =	sshra.s32 s2, $0x1F  }
0x164: {  	s7 =	smul.u32 $0x92492493, s18  }
0x165: {  	s6 =	ssub.s32 s6, s2  }
0x166: {  	s6 =	sadd.s32 s7, s6  }
0x167: {  	s6 =	sadd.s32 s2, s6  }
0x168: {  	s7 =	sshrl.u32 s6, $0x1F;
	s6 =	sshra.s32 s6, $0x8  }
0x169: {  	p4 =	sne.s32 s0, s9;
	s0 =	simm.s32 $0x1;
	s6 =	sadd.s32 s7, s6  }
0x16a: {  	s0 =	simm.s32 @!p4 $0x0;
	s7 =	smul.u32 $0xFFFFFE40, s6  }
0x16b: {  	s0 =	sor.u32 s0, s18;
	s2 =	ssub.s32 $0x0, s2  }
0x16c: {  	p3 =	sne.s32 s0, $0x1;
	p5 =	sne.s32 s7, s2  }
0x16d: {  	p4 =	por !p5, !p3  }
0x16e: {  	s0 =	simm.s32 $0x1;
	p4 =	por !p4, !p4  }
0x16f: {  	s0 =	simm.s32 @!p4 $0x0  }
0x170: {  	s0 =	ssub.s32 s6, s0  }
0x171: {  	s2 =	rddreg [dreg:$0x12];
	s0 =	sadd.s32 $0x1, s0  }
0x172: {  	p4 =	slt.s32 s0, s2  }
0x173: {  	s6 =	rddreg [dreg:$0x14];
	s2 =	smov.u32 @p4 s0  }
0x174: {  	s0 =	sadd.s32 s2, s6  }
0x175: {  	s9 =	rddreg [dreg:$0x13];
	s2 =	sshra.s32 s0, $0x1F  }
0x176: {  	s18 =	sxor.u32 s4, s9;
	s7 =	sxor.u32 s2, s0  }
0x177: {  	s6 =	ssub.s32 s7, s2;
	s7 =	ssub.s32 s18, s4  }
0x178: {  	(drf) =	sdiv.u32 s6, s7;
	_ =	sdelay $0x8  }
0x179: {  	s2 =	sxor.u32 s4, s2;
	s6 =	spop (drf)  }
0x17a: {  	s6 =	sxor.u32 s2, s6  }
0x17b: {  	p4 =	sgt.s32 s0, $0x0;
	s2 =	ssub.s32 s6, s2;
	s6 =	simm.s32 $0x1  }
0x17c: {  	s6 =	simm.s32 @!p4 $0x0;
	p4 =	slt.s32 s0, $0x0;
	s7 =	smul.u32 s9, s2  }
0x17d: {  	s18 =	rddreg [dreg:$0x16];
	s6 =	simm.s32 @p4 $0xFFFFFFFF  }
0x17e: {  	p4 =	sne.s32 s6, s18;
	p6 =	sne.s32 s0, s7  }
0x17f: {  	p4 =	por !p6, !p4  }
0x180: {  	s0 =	simm.s32 $0x1;
	p4 =	por !p4, !p4  }
0x181: {  	s0 =	simm.s32 @!p4 $0x0  }
0x182: {  	p4 =	sgt.s32 s21, $0x0;
	s0 =	ssub.s32 s2, s0  }
0x183: {  	p5 =	slt.s32 @!p4 s0, $0x1  }
0x184: {  	s2 =	rddreg [dreg:$0x11];
	p4 =	por p4, p5  }
0x185: {  	p5 =	slt.s32 @!p4 s2, $0x1  }
0x186: {  	p4 =	por p4, p5  }
.Ltmp30:
0x187: {  	_ = 	snop;
	(pc) =	sbr.rel @p4 .LBB2_42-.Ltmp30, $1  }
0x188: {  	_ =	sdelay $0x3  }
0x189: {  	s2 =	rddreg [dreg:$0x11]  }
0x18a: {  	p4 =	sne.s32 s2, $0x1  }
.Ltmp31:
0x18b: {  	_ = 	snop;
	(pc) =	sbr.rel @!p4 .LBB2_41-.Ltmp31, $3  }
0x18c: {  	_ =	sdelay $0x1  }
0x18d: {  	_ =	swait.ge [sflag:s31], $0xE000  }
0x18e: {  	s2 =	sadd.s32 $0xFFFFFFFF, s2;
	[sflag:s31] =	ssyncset.done $0x0  }
.LBB2_40:
0x18f: {  	p4 =	sne.s32 s2, $0x1;
	s2 =	sadd.s32 $0xFFFFFFFF, s2;
	[sflag:s31] =	ssyncadd.s32 $0xFFFF2000  }
.Ltmp32:
0x190: {  	(pc) =	sbr.rel @p4 .LBB2_40-.Ltmp32, $3  }
0x191: {  	_ =	sdelay $0x1  }
0x192: {  	_ =	swait.ge [sflag:s31], $0xE000  }
0x193: {  	[sflag:s31] =	ssyncset.done $0x0  }
.LBB2_41:
0x194: {  	[sflag:s31] =	ssyncadd.s32 $0xFFFF2000  }
.LBB2_42:
0x195: {  	p4 =	sgt.s32 s21, $0x1  }
0x196: {  	p5 =	slt.s32 @!p4 s0, $0x2  }
0x197: {  	p4 =	por p4, p5  }
0x198: {  	p5 =	slt.s32 @!p4 s13, $0x1  }
0x199: {  	p4 =	por p4, p5  }
.Ltmp33:
0x19a: {  	_ = 	snop;
	(pc) =	sbr.rel @p4 .LBB2_46-.Ltmp33, $2  }
0x19b: {  	_ =	sdelay $0x2  }
0x19c: {  	s18 =	rddreg [dreg:$0x4]  }
0x19d: {  	p4 =	sne.s32 s13, $0x1  }
.Ltmp34:
0x19e: {  	_ = 	snop;
	(pc) =	sbr.rel @!p4 .LBB2_45-.Ltmp34, $3  }
0x19f: {  	_ =	sdelay $0x1  }
0x1a0: {  	_ =	swait.ge [sflag:s30], $0xE000  }
0x1a1: {  	s2 =	sadd.s32 $0xFFFFFFFF, s13;
	[sflag:s30] =	ssyncset.done $0x0  }
.LBB2_44:
0x1a2: {  	p4 =	sne.s32 s2, $0x1;
	s2 =	sadd.s32 $0xFFFFFFFF, s2;
	[sflag:s30] =	ssyncadd.s32 $0xFFFF2000  }
.Ltmp35:
0x1a3: {  	(pc) =	sbr.rel @p4 .LBB2_44-.Ltmp35, $3  }
0x1a4: {  	_ =	sdelay $0x1  }
0x1a5: {  	_ =	swait.ge [sflag:s30], $0xE000  }
0x1a6: {  	[sflag:s30] =	ssyncset.done $0x0  }
.LBB2_45:
0x1a7: {  	[sflag:s30] =	ssyncadd.s32 $0xFFFF2000  }
.LBB2_46:
0x1a8: {  	p4 =	sgt.s32 s21, $0x2  }
0x1a9: {  	p5 =	slt.s32 @!p4 s0, $0x3  }
0x1aa: {  	p4 =	por p4, p5  }
0x1ab: {  	p5 =	slt.s32 @!p4 s20, $0x1  }
0x1ac: {  	p4 =	por p4, p5  }
.Ltmp36:
0x1ad: {  	_ = 	snop;
	(pc) =	sbr.rel @p4 .LBB2_50-.Ltmp36, $1  }
0x1ae: {  	_ =	sdelay $0x3  }
0x1af: {  	p4 =	sne.s32 s20, $0x1  }
.Ltmp37:
0x1b0: {  	_ = 	snop;
	(pc) =	sbr.rel @!p4 .LBB2_49-.Ltmp37, $3  }
0x1b1: {  	_ =	sdelay $0x1  }
0x1b2: {  	_ =	swait.ge [sflag:s29], $0xE000  }
0x1b3: {  	s2 =	sadd.s32 $0xFFFFFFFF, s20;
	[sflag:s29] =	ssyncset.done $0x0  }
.LBB2_48:
0x1b4: {  	p4 =	sne.s32 s2, $0x1;
	s2 =	sadd.s32 $0xFFFFFFFF, s2;
	[sflag:s29] =	ssyncadd.s32 $0xFFFF2000  }
.Ltmp38:
0x1b5: {  	(pc) =	sbr.rel @p4 .LBB2_48-.Ltmp38, $3  }
0x1b6: {  	_ =	sdelay $0x1  }
0x1b7: {  	_ =	swait.ge [sflag:s29], $0xE000  }
0x1b8: {  	[sflag:s29] =	ssyncset.done $0x0  }
.LBB2_49:
0x1b9: {  	[sflag:s29] =	ssyncadd.s32 $0xFFFF2000  }
.LBB2_50:
0x1ba: {  	p4 =	sgt.s32 s21, $0x3  }
0x1bb: {  	p5 =	slt.s32 @!p4 s0, $0x4  }
0x1bc: {  	p4 =	por p4, p5  }
0x1bd: {  	p5 =	slt.s32 @!p4 s22, $0x1  }
0x1be: {  	p4 =	por p4, p5  }
.Ltmp39:
0x1bf: {  	_ = 	snop;
	(pc) =	sbr.rel @p4 .LBB2_54-.Ltmp39, $1  }
0x1c0: {  	_ =	sdelay $0x3  }
0x1c1: {  	p4 =	sne.s32 s22, $0x1  }
.Ltmp40:
0x1c2: {  	_ = 	snop;
	(pc) =	sbr.rel @!p4 .LBB2_53-.Ltmp40, $3  }
0x1c3: {  	_ =	sdelay $0x1  }
0x1c4: {  	_ =	swait.ge [sflag:s28], $0xE000  }
0x1c5: {  	s2 =	sadd.s32 $0xFFFFFFFF, s22;
	[sflag:s28] =	ssyncset.done $0x0  }
.LBB2_52:
0x1c6: {  	p4 =	sne.s32 s2, $0x1;
	s2 =	sadd.s32 $0xFFFFFFFF, s2;
	[sflag:s28] =	ssyncadd.s32 $0xFFFF2000  }
.Ltmp41:
0x1c7: {  	(pc) =	sbr.rel @p4 .LBB2_52-.Ltmp41, $3  }
0x1c8: {  	_ =	sdelay $0x1  }
0x1c9: {  	_ =	swait.ge [sflag:s28], $0xE000  }
0x1ca: {  	[sflag:s28] =	ssyncset.done $0x0  }
.LBB2_53:
0x1cb: {  	[sflag:s28] =	ssyncadd.s32 $0xFFFF2000  }
.LBB2_54:
0x1cc: {  	p4 =	sgt.s32 s21, $0x4  }
0x1cd: {  	p5 =	slt.s32 @!p4 s0, $0x5  }
0x1ce: {  	p4 =	por p4, p5  }
0x1cf: {  	p5 =	slt.s32 @!p4 s11, $0x1  }
0x1d0: {  	p4 =	por p4, p5  }
.Ltmp42:
0x1d1: {  	_ = 	snop;
	(pc) =	sbr.rel @p4 .LBB2_58-.Ltmp42, $1  }
0x1d2: {  	_ =	sdelay $0x3  }
0x1d3: {  	p4 =	sne.s32 s11, $0x1  }
.Ltmp43:
0x1d4: {  	_ = 	snop;
	(pc) =	sbr.rel @!p4 .LBB2_57-.Ltmp43, $3  }
0x1d5: {  	_ =	sdelay $0x1  }
0x1d6: {  	_ =	swait.ge [sflag:s26], $0xE000  }
0x1d7: {  	s2 =	sadd.s32 $0xFFFFFFFF, s11;
	[sflag:s26] =	ssyncset.done $0x0  }
.LBB2_56:
0x1d8: {  	p4 =	sne.s32 s2, $0x1;
	s2 =	sadd.s32 $0xFFFFFFFF, s2;
	[sflag:s26] =	ssyncadd.s32 $0xFFFF2000  }
.Ltmp44:
0x1d9: {  	(pc) =	sbr.rel @p4 .LBB2_56-.Ltmp44, $3  }
0x1da: {  	_ =	sdelay $0x1  }
0x1db: {  	_ =	swait.ge [sflag:s26], $0xE000  }
0x1dc: {  	[sflag:s26] =	ssyncset.done $0x0  }
.LBB2_57:
0x1dd: {  	[sflag:s26] =	ssyncadd.s32 $0xFFFF2000  }
.LBB2_58:
0x1de: {  	p4 =	sgt.s32 s21, $0x5  }
0x1df: {  	p5 =	slt.s32 @!p4 s0, $0x6  }
0x1e0: {  	p4 =	por p4, p5  }
0x1e1: {  	p5 =	slt.s32 @!p4 s8, $0x1  }
0x1e2: {  	p4 =	por p4, p5  }
.Ltmp45:
0x1e3: {  	_ = 	snop;
	(pc) =	sbr.rel @p4 .LBB2_62-.Ltmp45, $1  }
0x1e4: {  	_ =	sdelay $0x3  }
0x1e5: {  	p4 =	sne.s32 s8, $0x1  }
.Ltmp46:
0x1e6: {  	_ = 	snop;
	(pc) =	sbr.rel @!p4 .LBB2_61-.Ltmp46, $3  }
0x1e7: {  	_ =	sdelay $0x1  }
0x1e8: {  	_ =	swait.ge [sflag:s25], $0xE000  }
0x1e9: {  	s2 =	sadd.s32 $0xFFFFFFFF, s8;
	[sflag:s25] =	ssyncset.done $0x0  }
.LBB2_60:
0x1ea: {  	p4 =	sne.s32 s2, $0x1;
	s2 =	sadd.s32 $0xFFFFFFFF, s2;
	[sflag:s25] =	ssyncadd.s32 $0xFFFF2000  }
.Ltmp47:
0x1eb: {  	(pc) =	sbr.rel @p4 .LBB2_60-.Ltmp47, $3  }
0x1ec: {  	_ =	sdelay $0x1  }
0x1ed: {  	_ =	swait.ge [sflag:s25], $0xE000  }
0x1ee: {  	[sflag:s25] =	ssyncset.done $0x0  }
.LBB2_61:
0x1ef: {  	[sflag:s25] =	ssyncadd.s32 $0xFFFF2000  }
.LBB2_62:
0x1f0: {  	p4 =	sgt.s32 s21, $0x6  }
0x1f1: {  	p5 =	slt.s32 @!p4 s0, $0x7  }
0x1f2: {  	p4 =	por p4, p5  }
0x1f3: {  	p5 =	slt.s32 @!p4 s14, $0x1  }
0x1f4: {  	p4 =	por p4, p5  }
.Ltmp48:
0x1f5: {  	_ = 	snop;
	(pc) =	sbr.rel @p4 .LBB2_66-.Ltmp48, $1  }
0x1f6: {  	_ =	sdelay $0x3  }
0x1f7: {  	p4 =	sne.s32 s14, $0x1  }
.Ltmp49:
0x1f8: {  	_ = 	snop;
	(pc) =	sbr.rel @!p4 .LBB2_65-.Ltmp49, $3  }
0x1f9: {  	_ =	sdelay $0x1  }
0x1fa: {  	_ =	swait.ge [sflag:s24], $0xE000  }
0x1fb: {  	s2 =	sadd.s32 $0xFFFFFFFF, s14;
	[sflag:s24] =	ssyncset.done $0x0  }
.LBB2_64:
0x1fc: {  	p4 =	sne.s32 s2, $0x1;
	s2 =	sadd.s32 $0xFFFFFFFF, s2;
	[sflag:s24] =	ssyncadd.s32 $0xFFFF2000  }
.Ltmp50:
0x1fd: {  	(pc) =	sbr.rel @p4 .LBB2_64-.Ltmp50, $3  }
0x1fe: {  	_ =	sdelay $0x1  }
0x1ff: {  	_ =	swait.ge [sflag:s24], $0xE000  }
0x200: {  	[sflag:s24] =	ssyncset.done $0x0  }
.LBB2_65:
0x201: {  	[sflag:s24] =	ssyncadd.s32 $0xFFFF2000  }
.LBB2_66:
0x202: {  	p4 =	sgt.s32 s21, $0x7  }
0x203: {  	p5 =	slt.s32 @!p4 s0, $0x8  }
0x204: {  	p4 =	por p4, p5  }
0x205: {  	p5 =	slt.s32 @!p4 s15, $0x1  }
0x206: {  	p4 =	por p4, p5  }
.Ltmp51:
0x207: {  	_ = 	snop;
	(pc) =	sbr.rel @p4 .LBB2_70-.Ltmp51, $1  }
0x208: {  	_ =	sdelay $0x3  }
0x209: {  	p4 =	sne.s32 s15, $0x1  }
.Ltmp52:
0x20a: {  	_ = 	snop;
	(pc) =	sbr.rel @!p4 .LBB2_69-.Ltmp52, $3  }
0x20b: {  	_ =	sdelay $0x1  }
0x20c: {  	_ =	swait.ge [sflag:s23], $0xE000  }
0x20d: {  	s2 =	sadd.s32 $0xFFFFFFFF, s15;
	[sflag:s23] =	ssyncset.done $0x0  }
.LBB2_68:
0x20e: {  	p4 =	sne.s32 s2, $0x1;
	s2 =	sadd.s32 $0xFFFFFFFF, s2;
	[sflag:s23] =	ssyncadd.s32 $0xFFFF2000  }
.Ltmp53:
0x20f: {  	(pc) =	sbr.rel @p4 .LBB2_68-.Ltmp53, $3  }
0x210: {  	_ =	sdelay $0x1  }
0x211: {  	_ =	swait.ge [sflag:s23], $0xE000  }
0x212: {  	[sflag:s23] =	ssyncset.done $0x0  }
.LBB2_69:
0x213: {  	[sflag:s23] =	ssyncadd.s32 $0xFFFF2000  }
.LBB2_70:
0x214: {  	p4 =	sgt.s32 s21, s0;
	s2 =	simm.s32 $0x200  }
0x215: {  	[hbm4b:s3+s16] =	stream.indirect.scatter [tilespmem:s2], [sflag:$0x5], $0x80, s5, s16, $0xb8;
	[tilespmem:$0x1E200] =	vst v63  }
.Ltmp54:
0x216: {  	s0 =	smov.u32 @p4 s21;
	p4 =	seq.s32 s12, $0x0;
	(pc) =	sbr.rel .LBB2_71-.Ltmp54, $4  }
0x217: {  	[smem:$0x0] =	sst s0;
	s2 =	simm.s32 @!p4 $0x7  }
0x218: {  	_ =	swait.ge @!p4 [sflag:s2], $0x4000  }
0x219: {  	p5 =	por $0x0, $0x0;
	p6 =	por @!p4 $0x1, $0x1;
	[sflag:s2] =	ssyncset.done @!p4 $0x0  }
0x21a: {  	s21 =	smov.u32 s0;
	p5 =	por @!p4 p6, p6;
	[sflag:s2] =	ssyncadd.s32 @!p4 $0xFFFFC000  }
.LBB2_37:
0x21b: {  	p5 =	sne.s32 s12, $0x0  }
.LBB2_71:
0x21c: {  	s2 =	sor.u32 $0x2, s1;
	s16 =	rddreg [dreg:$0x5]  }
0x21d: {  	p4 =	sge.u32 s2, s16  }
0x21e: {  	s0 =	sadd.s32 @!p4 s18, s1  }
0x21f: {  	s0 =	sshll.u32 @!p4 s0, $0x7  }
0x220: {  	s0 =	sor.u32 @!p4 $0x100, s0  }
0x221: {  	s6 =	sshrl.u32 @!p4 s0, $0x3  }
0x222: {  	s7 =	simm.s32 @!p4 $0x0;
	s18 =	simm.s32 @!p4 $0x100;
	s6 =	sadd.s32 @!p4 s10, s6  }
0x223: {  	[tilespmem:s18], [sflag:$0x3] =	stream.linear.gather @!p4 [hbm4b:s6+s7], $0x80, $0x38;
	[tilespmem:$0x1E200] =	vst v63  }
0x224: {  	s18 =	sor.u32 $0x1, s1  }
0x225: {  	p6 =	sge.u32 s18, s16  }
.Ltmp55:
0x226: {  	_ = 	snop;
	(pc) =	sbr.rel @p6 .LBB2_72-.Ltmp55, $4  }
0x227: {  	s0 =	sshll.u32 @!p4 s0, $0x4  }
0x228: {  	s0 =	sand.u32 @!p4 $0x1FFFF000, s0  }
0x229: {  	s9 =	smov.u32 s17;
	s0 =	sadd.s32 @!p4 s17, s0;
	s6 =	simm.s32 @!p4 $0x8200  }
0x22a: {  	[tilespmem:s6], [sflag:$0x3] =	stream.linear.gather @!p4 [hbm4b:s0+s7], $0x4000, $0x38;
	[tilespmem:$0x1E200] =	vst v63  }
0x22b: {  	s0 =	simm.s32 $0x2  }
0x22c: {  	_ =	swait.ge [sflag:s0], $0x80  }
0x22d: {  	[sflag:s0] =	ssyncset.done $0x0  }
0x22e: {  	[sflag:s0] =	ssyncadd.s32 $0xFFFFFF80  }
0x22f: {  	_ =	swait.ge [sflag:s0], $0x4000  }
0x230: {  	[sflag:s0] =	ssyncset.done $0x0  }
0x231: {  	[sflag:s0] =	ssyncadd.s32 $0xFFFFC000  }
0x232: {  	v1 =	vld [tilespmem:$0xF0];
	_ =	sdelay $0x4  }
0x233: {  	(v2sf) =	vpush v1, $0xF;
	_ =	sdelay $0xe  }
0x234: {  	s16 =	rddreg [dreg:$0x10];
	s0 =	spop (v2sf)  }
0x235: {  	s6 =	ssub.s32 s0, s16  }
0x236: {  	s7 =	smulhi.u32 $0x92492493, s6;
	s17 =	sshra.s32 s6, $0x1F  }
0x237: {  	s10 =	smul.u32 $0x92492493, s17  }
0x238: {  	s7 =	ssub.s32 s7, s6  }
0x239: {  	s7 =	sadd.s32 s10, s7  }
0x23a: {  	s7 =	sadd.s32 s6, s7  }
0x23b: {  	s10 =	sshrl.u32 s7, $0x1F;
	s7 =	sshra.s32 s7, $0x8  }
0x23c: {  	p6 =	sne.s32 s0, s16;
	s0 =	simm.s32 $0x1;
	s7 =	sadd.s32 s10, s7  }
0x23d: {  	s0 =	simm.s32 @!p6 $0x0;
	s10 =	smul.u32 $0xFFFFFE40, s7  }
0x23e: {  	s0 =	sor.u32 s0, s17;
	s6 =	ssub.s32 $0x0, s6  }
0x23f: {  	p6 =	sne.s32 s0, $0x1;
	p3 =	sne.s32 s10, s6  }
0x240: {  	p3 =	por !p3, !p6  }
0x241: {  	s0 =	simm.s32 $0x1;
	p3 =	por !p3, !p3  }
0x242: {  	s0 =	simm.s32 @!p3 $0x0  }
0x243: {  	s0 =	ssub.s32 s7, s0  }
0x244: {  	s6 =	rddreg [dreg:$0x12];
	s0 =	sadd.s32 $0x1, s0  }
0x245: {  	p3 =	slt.s32 s0, s6  }
0x246: {  	s7 =	rddreg [dreg:$0x14];
	s6 =	smov.u32 @p3 s0  }
0x247: {  	s0 =	sadd.s32 s6, s7  }
0x248: {  	s16 =	rddreg [dreg:$0x13];
	s6 =	sshra.s32 s0, $0x1F  }
0x249: {  	s17 =	sxor.u32 s4, s16;
	s10 =	sxor.u32 s6, s0  }
0x24a: {  	s7 =	ssub.s32 s10, s6;
	s10 =	ssub.s32 s17, s4  }
0x24b: {  	(drf) =	sdiv.u32 s7, s10;
	_ =	sdelay $0x8  }
0x24c: {  	s6 =	sxor.u32 s4, s6;
	s7 =	spop (drf)  }
0x24d: {  	s7 =	sxor.u32 s6, s7  }
0x24e: {  	p3 =	sgt.s32 s0, $0x0;
	s6 =	ssub.s32 s7, s6;
	s7 =	simm.s32 $0x1  }
0x24f: {  	s7 =	simm.s32 @!p3 $0x0;
	p3 =	slt.s32 s0, $0x0;
	s10 =	smul.u32 s16, s6  }
0x250: {  	s17 =	rddreg [dreg:$0x15];
	s7 =	simm.s32 @p3 $0xFFFFFFFF  }
0x251: {  	p3 =	sne.s32 s7, s17;
	p6 =	sne.s32 s0, s10  }
0x252: {  	p3 =	por !p6, !p3  }
0x253: {  	s0 =	simm.s32 $0x1;
	p3 =	por !p3, !p3  }
0x254: {  	s0 =	simm.s32 @!p3 $0x0  }
0x255: {  	p3 =	sgt.s32 s21, $0x0;
	s0 =	ssub.s32 s6, s0  }
0x256: {  	p6 =	slt.s32 @!p3 s0, $0x1  }
0x257: {  	s6 =	rddreg [dreg:$0x11];
	p3 =	por p3, p6  }
0x258: {  	p6 =	slt.s32 @!p3 s6, $0x1  }
0x259: {  	p3 =	por p3, p6  }
.Ltmp56:
0x25a: {  	_ = 	snop;
	(pc) =	sbr.rel @p3 .LBB2_77-.Ltmp56, $2  }
0x25b: {  	_ =	sdelay $0x2  }
0x25c: {  	s16 =	simm.s32 $0x80  }
0x25d: {  	p3 =	sne.s32 s6, $0x1  }
.Ltmp57:
0x25e: {  	_ = 	snop;
	(pc) =	sbr.rel @!p3 .LBB2_76-.Ltmp57, $3  }
0x25f: {  	_ =	sdelay $0x1  }
0x260: {  	_ =	swait.ge [sflag:s31], $0xE000  }
0x261: {  	s6 =	sadd.s32 $0xFFFFFFFF, s6;
	[sflag:s31] =	ssyncset.done $0x0  }
.LBB2_75:
0x262: {  	p3 =	sne.s32 s6, $0x1;
	s6 =	sadd.s32 $0xFFFFFFFF, s6;
	[sflag:s31] =	ssyncadd.s32 $0xFFFF2000  }
.Ltmp58:
0x263: {  	(pc) =	sbr.rel @p3 .LBB2_75-.Ltmp58, $3  }
0x264: {  	_ =	sdelay $0x1  }
0x265: {  	_ =	swait.ge [sflag:s31], $0xE000  }
0x266: {  	[sflag:s31] =	ssyncset.done $0x0  }
.LBB2_76:
0x267: {  	[sflag:s31] =	ssyncadd.s32 $0xFFFF2000  }
.LBB2_77:
0x268: {  	p3 =	sgt.s32 s21, $0x1  }
0x269: {  	p6 =	slt.s32 @!p3 s0, $0x2  }
0x26a: {  	p3 =	por p3, p6  }
0x26b: {  	p6 =	slt.s32 @!p3 s13, $0x1  }
0x26c: {  	p3 =	por p3, p6  }
.Ltmp59:
0x26d: {  	_ = 	snop;
	(pc) =	sbr.rel @p3 .LBB2_81-.Ltmp59, $2  }
0x26e: {  	_ =	sdelay $0x2  }
0x26f: {  	s10 =	rddreg [dreg:$0x1]  }
0x270: {  	p3 =	sne.s32 s13, $0x1  }
.Ltmp60:
0x271: {  	_ = 	snop;
	(pc) =	sbr.rel @!p3 .LBB2_80-.Ltmp60, $3  }
0x272: {  	_ =	sdelay $0x1  }
0x273: {  	_ =	swait.ge [sflag:s30], $0xE000  }
0x274: {  	s6 =	sadd.s32 $0xFFFFFFFF, s13;
	[sflag:s30] =	ssyncset.done $0x0  }
.LBB2_79:
0x275: {  	p3 =	sne.s32 s6, $0x1;
	s6 =	sadd.s32 $0xFFFFFFFF, s6;
	[sflag:s30] =	ssyncadd.s32 $0xFFFF2000  }
.Ltmp61:
0x276: {  	(pc) =	sbr.rel @p3 .LBB2_79-.Ltmp61, $3  }
0x277: {  	_ =	sdelay $0x1  }
0x278: {  	_ =	swait.ge [sflag:s30], $0xE000  }
0x279: {  	[sflag:s30] =	ssyncset.done $0x0  }
.LBB2_80:
0x27a: {  	[sflag:s30] =	ssyncadd.s32 $0xFFFF2000  }
.LBB2_81:
0x27b: {  	p3 =	sgt.s32 s21, $0x2  }
0x27c: {  	p6 =	slt.s32 @!p3 s0, $0x3  }
0x27d: {  	p3 =	por p3, p6  }
0x27e: {  	p6 =	slt.s32 @!p3 s20, $0x1  }
0x27f: {  	p3 =	por p3, p6  }
.Ltmp62:
0x280: {  	_ = 	snop;
	(pc) =	sbr.rel @p3 .LBB2_85-.Ltmp62, $1  }
0x281: {  	_ =	sdelay $0x3  }
0x282: {  	p3 =	sne.s32 s20, $0x1  }
.Ltmp63:
0x283: {  	_ = 	snop;
	(pc) =	sbr.rel @!p3 .LBB2_84-.Ltmp63, $3  }
0x284: {  	_ =	sdelay $0x1  }
0x285: {  	_ =	swait.ge [sflag:s29], $0xE000  }
0x286: {  	s6 =	sadd.s32 $0xFFFFFFFF, s20;
	[sflag:s29] =	ssyncset.done $0x0  }
.LBB2_83:
0x287: {  	p3 =	sne.s32 s6, $0x1;
	s6 =	sadd.s32 $0xFFFFFFFF, s6;
	[sflag:s29] =	ssyncadd.s32 $0xFFFF2000  }
.Ltmp64:
0x288: {  	(pc) =	sbr.rel @p3 .LBB2_83-.Ltmp64, $3  }
0x289: {  	_ =	sdelay $0x1  }
0x28a: {  	_ =	swait.ge [sflag:s29], $0xE000  }
0x28b: {  	[sflag:s29] =	ssyncset.done $0x0  }
.LBB2_84:
0x28c: {  	[sflag:s29] =	ssyncadd.s32 $0xFFFF2000  }
.LBB2_85:
0x28d: {  	p3 =	sgt.s32 s21, $0x3  }
0x28e: {  	p6 =	slt.s32 @!p3 s0, $0x4  }
0x28f: {  	p3 =	por p3, p6  }
0x290: {  	p6 =	slt.s32 @!p3 s22, $0x1  }
0x291: {  	p3 =	por p3, p6  }
.Ltmp65:
0x292: {  	_ = 	snop;
	(pc) =	sbr.rel @p3 .LBB2_89-.Ltmp65, $1  }
0x293: {  	_ =	sdelay $0x3  }
0x294: {  	p3 =	sne.s32 s22, $0x1  }
.Ltmp66:
0x295: {  	_ = 	snop;
	(pc) =	sbr.rel @!p3 .LBB2_88-.Ltmp66, $3  }
0x296: {  	_ =	sdelay $0x1  }
0x297: {  	_ =	swait.ge [sflag:s28], $0xE000  }
0x298: {  	s6 =	sadd.s32 $0xFFFFFFFF, s22;
	[sflag:s28] =	ssyncset.done $0x0  }
.LBB2_87:
0x299: {  	p3 =	sne.s32 s6, $0x1;
	s6 =	sadd.s32 $0xFFFFFFFF, s6;
	[sflag:s28] =	ssyncadd.s32 $0xFFFF2000  }
.Ltmp67:
0x29a: {  	(pc) =	sbr.rel @p3 .LBB2_87-.Ltmp67, $3  }
0x29b: {  	_ =	sdelay $0x1  }
0x29c: {  	_ =	swait.ge [sflag:s28], $0xE000  }
0x29d: {  	[sflag:s28] =	ssyncset.done $0x0  }
.LBB2_88:
0x29e: {  	[sflag:s28] =	ssyncadd.s32 $0xFFFF2000  }
.LBB2_89:
0x29f: {  	p3 =	sgt.s32 s21, $0x4  }
0x2a0: {  	p6 =	slt.s32 @!p3 s0, $0x5  }
0x2a1: {  	p3 =	por p3, p6  }
0x2a2: {  	p6 =	slt.s32 @!p3 s11, $0x1  }
0x2a3: {  	p3 =	por p3, p6  }
.Ltmp68:
0x2a4: {  	_ = 	snop;
	(pc) =	sbr.rel @p3 .LBB2_93-.Ltmp68, $1  }
0x2a5: {  	_ =	sdelay $0x3  }
0x2a6: {  	p3 =	sne.s32 s11, $0x1  }
.Ltmp69:
0x2a7: {  	_ = 	snop;
	(pc) =	sbr.rel @!p3 .LBB2_92-.Ltmp69, $3  }
0x2a8: {  	_ =	sdelay $0x1  }
0x2a9: {  	_ =	swait.ge [sflag:s26], $0xE000  }
0x2aa: {  	s6 =	sadd.s32 $0xFFFFFFFF, s11;
	[sflag:s26] =	ssyncset.done $0x0  }
.LBB2_91:
0x2ab: {  	p3 =	sne.s32 s6, $0x1;
	s6 =	sadd.s32 $0xFFFFFFFF, s6;
	[sflag:s26] =	ssyncadd.s32 $0xFFFF2000  }
.Ltmp70:
0x2ac: {  	(pc) =	sbr.rel @p3 .LBB2_91-.Ltmp70, $3  }
0x2ad: {  	_ =	sdelay $0x1  }
0x2ae: {  	_ =	swait.ge [sflag:s26], $0xE000  }
0x2af: {  	[sflag:s26] =	ssyncset.done $0x0  }
.LBB2_92:
0x2b0: {  	[sflag:s26] =	ssyncadd.s32 $0xFFFF2000  }
.LBB2_93:
0x2b1: {  	p3 =	sgt.s32 s21, $0x5  }
0x2b2: {  	p6 =	slt.s32 @!p3 s0, $0x6  }
0x2b3: {  	p3 =	por p3, p6  }
0x2b4: {  	p6 =	slt.s32 @!p3 s8, $0x1  }
0x2b5: {  	p3 =	por p3, p6  }
.Ltmp71:
0x2b6: {  	_ = 	snop;
	(pc) =	sbr.rel @p3 .LBB2_97-.Ltmp71, $1  }
0x2b7: {  	_ =	sdelay $0x3  }
0x2b8: {  	p3 =	sne.s32 s8, $0x1  }
.Ltmp72:
0x2b9: {  	_ = 	snop;
	(pc) =	sbr.rel @!p3 .LBB2_96-.Ltmp72, $3  }
0x2ba: {  	_ =	sdelay $0x1  }
0x2bb: {  	_ =	swait.ge [sflag:s25], $0xE000  }
0x2bc: {  	s6 =	sadd.s32 $0xFFFFFFFF, s8;
	[sflag:s25] =	ssyncset.done $0x0  }
.LBB2_95:
0x2bd: {  	p3 =	sne.s32 s6, $0x1;
	s6 =	sadd.s32 $0xFFFFFFFF, s6;
	[sflag:s25] =	ssyncadd.s32 $0xFFFF2000  }
.Ltmp73:
0x2be: {  	(pc) =	sbr.rel @p3 .LBB2_95-.Ltmp73, $3  }
0x2bf: {  	_ =	sdelay $0x1  }
0x2c0: {  	_ =	swait.ge [sflag:s25], $0xE000  }
0x2c1: {  	[sflag:s25] =	ssyncset.done $0x0  }
.LBB2_96:
0x2c2: {  	[sflag:s25] =	ssyncadd.s32 $0xFFFF2000  }
.LBB2_97:
0x2c3: {  	p3 =	sgt.s32 s21, $0x6  }
0x2c4: {  	p6 =	slt.s32 @!p3 s0, $0x7  }
0x2c5: {  	p3 =	por p3, p6  }
0x2c6: {  	p6 =	slt.s32 @!p3 s14, $0x1  }
0x2c7: {  	p3 =	por p3, p6  }
.Ltmp74:
0x2c8: {  	_ = 	snop;
	(pc) =	sbr.rel @p3 .LBB2_101-.Ltmp74, $1  }
0x2c9: {  	_ =	sdelay $0x3  }
0x2ca: {  	p3 =	sne.s32 s14, $0x1  }
.Ltmp75:
0x2cb: {  	_ = 	snop;
	(pc) =	sbr.rel @!p3 .LBB2_100-.Ltmp75, $3  }
0x2cc: {  	_ =	sdelay $0x1  }
0x2cd: {  	_ =	swait.ge [sflag:s24], $0xE000  }
0x2ce: {  	s6 =	sadd.s32 $0xFFFFFFFF, s14;
	[sflag:s24] =	ssyncset.done $0x0  }
.LBB2_99:
0x2cf: {  	p3 =	sne.s32 s6, $0x1;
	s6 =	sadd.s32 $0xFFFFFFFF, s6;
	[sflag:s24] =	ssyncadd.s32 $0xFFFF2000  }
.Ltmp76:
0x2d0: {  	(pc) =	sbr.rel @p3 .LBB2_99-.Ltmp76, $3  }
0x2d1: {  	_ =	sdelay $0x1  }
0x2d2: {  	_ =	swait.ge [sflag:s24], $0xE000  }
0x2d3: {  	[sflag:s24] =	ssyncset.done $0x0  }
.LBB2_100:
0x2d4: {  	[sflag:s24] =	ssyncadd.s32 $0xFFFF2000  }
.LBB2_101:
0x2d5: {  	p3 =	sgt.s32 s21, $0x7  }
0x2d6: {  	p6 =	slt.s32 @!p3 s0, $0x8  }
0x2d7: {  	p3 =	por p3, p6  }
0x2d8: {  	p6 =	slt.s32 @!p3 s15, $0x1  }
0x2d9: {  	p3 =	por p3, p6  }
.Ltmp77:
0x2da: {  	_ = 	snop;
	(pc) =	sbr.rel @p3 .LBB2_105-.Ltmp77, $1  }
0x2db: {  	_ =	sdelay $0x3  }
0x2dc: {  	p3 =	sne.s32 s15, $0x1  }
.Ltmp78:
0x2dd: {  	_ = 	snop;
	(pc) =	sbr.rel @!p3 .LBB2_104-.Ltmp78, $3  }
0x2de: {  	_ =	sdelay $0x1  }
0x2df: {  	_ =	swait.ge [sflag:s23], $0xE000  }
0x2e0: {  	s6 =	sadd.s32 $0xFFFFFFFF, s15;
	[sflag:s23] =	ssyncset.done $0x0  }
.LBB2_103:
0x2e1: {  	p3 =	sne.s32 s6, $0x1;
	s6 =	sadd.s32 $0xFFFFFFFF, s6;
	[sflag:s23] =	ssyncadd.s32 $0xFFFF2000  }
.Ltmp79:
0x2e2: {  	(pc) =	sbr.rel @p3 .LBB2_103-.Ltmp79, $3  }
0x2e3: {  	_ =	sdelay $0x1  }
0x2e4: {  	_ =	swait.ge [sflag:s23], $0xE000  }
0x2e5: {  	[sflag:s23] =	ssyncset.done $0x0  }
.LBB2_104:
0x2e6: {  	[sflag:s23] =	ssyncadd.s32 $0xFFFF2000  }
.LBB2_105:
0x2e7: {  	p3 =	sgt.s32 s21, s0;
	s6 =	simm.s32 $0x4200  }
0x2e8: {  	[hbm4b:s3+s16] =	stream.indirect.scatter [tilespmem:s6], [sflag:$0x6], $0x80, s16, s16, $0xb8;
	[tilespmem:$0x1E200] =	vst v63  }
.Ltmp80:
0x2e9: {  	s0 =	smov.u32 @p3 s21;
	(pc) =	sbr.rel .LBB2_106-.Ltmp80, $4  }
0x2ea: {  	s6 =	simm.s32 @p5 $0x8;
	[smem:$0x0] =	sst s0  }
0x2eb: {  	_ =	swait.ge @p5 [sflag:s6], $0x4000  }
0x2ec: {  	[sflag:s6] =	ssyncset.done @p5 $0x0  }
0x2ed: {  	s21 =	smov.u32 s0;
	[sflag:s6] =	ssyncadd.s32 @p5 $0xFFFFC000  }
.LBB2_72:
0x2ee: {  	s16 =	simm.s32 $0x80  }
.LBB2_106:
0x2ef: {  	s0 =	sor.u32 $0x3, s1;
	s6 =	rddreg [dreg:$0x5]  }
0x2f0: {  	s7 =	rddreg [dreg:$0x4];
	p5 =	sge.u32 s0, s6  }
0x2f1: {  	s6 =	sadd.s32 @!p5 s7, s18  }
0x2f2: {  	s6 =	sshll.u32 @!p5 s6, $0x7  }
0x2f3: {  	s18 =	smov.u32 s7;
	s17 =	simm.s32 @!p5 $0x180;
	s6 =	sor.u32 @!p5 $0x100, s6  }
.Ltmp81:
0x2f4: {  	s7 =	sshrl.u32 @!p5 s6, $0x3;
	s6 =	sshll.u32 @!p5 s6, $0x4;
	(pc) =	sbr.rel @p4 .LBB2_107-.Ltmp81, $4  }
0x2f5: {  	s7 =	sadd.s32 @!p5 s10, s7;
	s10 =	simm.s32 @!p5 $0x0;
	s6 =	sand.u32 @!p5 $0x1FFFF800, s6  }
0x2f6: {  	[tilespmem:s17], [sflag:$0x4] =	stream.linear.gather @!p5 [hbm4b:s7+s10], $0x80, $0x38;
	[tilespmem:$0x1E200] =	vst v63  }
0x2f7: {  	s6 =	sadd.s32 @!p5 s9, s6;
	s7 =	simm.s32 @!p5 $0xC200  }
0x2f8: {  	[tilespmem:s7], [sflag:$0x4] =	stream.linear.gather @!p5 [hbm4b:s6+s10], $0x4000, $0x38;
	[tilespmem:$0x1E200] =	vst v63  }
0x2f9: {  	s6 =	simm.s32 $0x3  }
0x2fa: {  	_ =	swait.ge [sflag:s6], $0x80  }
0x2fb: {  	[sflag:s6] =	ssyncset.done $0x0  }
0x2fc: {  	[sflag:s6] =	ssyncadd.s32 $0xFFFFFF80  }
0x2fd: {  	_ =	swait.ge [sflag:s6], $0x4000  }
0x2fe: {  	[sflag:s6] =	ssyncset.done $0x0  }
0x2ff: {  	[sflag:s6] =	ssyncadd.s32 $0xFFFFC000  }
0x300: {  	v1 =	vld [tilespmem:$0x170];
	_ =	sdelay $0x4  }
0x301: {  	(v2sf) =	vpush v1, $0xF;
	_ =	sdelay $0xe  }
0x302: {  	s16 =	rddreg [dreg:$0x10];
	s6 =	spop (v2sf)  }
0x303: {  	s7 =	ssub.s32 s6, s16  }
0x304: {  	s10 =	smulhi.u32 $0x92492493, s7;
	s17 =	sshra.s32 s7, $0x1F  }
0x305: {  	s18 =	smul.u32 $0x92492493, s17  }
0x306: {  	s10 =	ssub.s32 s10, s7  }
0x307: {  	s10 =	sadd.s32 s18, s10  }
0x308: {  	s10 =	sadd.s32 s7, s10  }
0x309: {  	s18 =	sshrl.u32 s10, $0x1F;
	s10 =	sshra.s32 s10, $0x8  }
0x30a: {  	p3 =	sne.s32 s6, s16;
	s6 =	simm.s32 $0x1;
	s10 =	sadd.s32 s18, s10  }
0x30b: {  	s6 =	simm.s32 @!p3 $0x0;
	s18 =	smul.u32 $0xFFFFFE40, s10  }
0x30c: {  	s6 =	sor.u32 s6, s17;
	s7 =	ssub.s32 $0x0, s7  }
0x30d: {  	p6 =	sne.s32 s6, $0x1;
	p4 =	sne.s32 s18, s7  }
0x30e: {  	p3 =	por !p4, !p6  }
0x30f: {  	s6 =	simm.s32 $0x1;
	p3 =	por !p3, !p3  }
0x310: {  	s6 =	simm.s32 @!p3 $0x0  }
0x311: {  	s6 =	ssub.s32 s10, s6  }
0x312: {  	s7 =	rddreg [dreg:$0x12];
	s6 =	sadd.s32 $0x1, s6  }
0x313: {  	p3 =	slt.s32 s6, s7  }
0x314: {  	s16 =	rddreg [dreg:$0x14];
	s7 =	smov.u32 @p3 s6  }
0x315: {  	s6 =	sadd.s32 s7, s16  }
0x316: {  	s16 =	rddreg [dreg:$0x13];
	s7 =	sshra.s32 s6, $0x1F  }
0x317: {  	s18 =	sxor.u32 s4, s16;
	s17 =	sxor.u32 s7, s6  }
0x318: {  	s10 =	ssub.s32 s17, s7;
	s17 =	ssub.s32 s18, s4  }
0x319: {  	(drf) =	sdiv.u32 s10, s17;
	_ =	sdelay $0x8  }
0x31a: {  	s7 =	sxor.u32 s4, s7;
	s10 =	spop (drf)  }
0x31b: {  	s10 =	sxor.u32 s7, s10  }
0x31c: {  	p3 =	sgt.s32 s6, $0x0;
	s7 =	ssub.s32 s10, s7;
	s10 =	simm.s32 $0x1  }
0x31d: {  	s10 =	simm.s32 @!p3 $0x0;
	p3 =	slt.s32 s6, $0x0;
	s17 =	smul.u32 s16, s7  }
0x31e: {  	s18 =	rddreg [dreg:$0x15];
	s10 =	simm.s32 @p3 $0xFFFFFFFF  }
0x31f: {  	p3 =	sne.s32 s10, s18;
	p6 =	sne.s32 s6, s17  }
0x320: {  	p3 =	por !p6, !p3  }
0x321: {  	s6 =	simm.s32 $0x1;
	p3 =	por !p3, !p3  }
0x322: {  	s6 =	simm.s32 @!p3 $0x0  }
0x323: {  	p3 =	sgt.s32 s21, $0x0;
	s18 =	ssub.s32 s7, s6  }
0x324: {  	p4 =	slt.s32 @!p3 s18, $0x1  }
0x325: {  	s6 =	rddreg [dreg:$0x11];
	p3 =	por p3, p4  }
0x326: {  	p4 =	slt.s32 @!p3 s6, $0x1  }
0x327: {  	p3 =	por p3, p4  }
.Ltmp82:
0x328: {  	_ = 	snop;
	(pc) =	sbr.rel @p3 .LBB2_112-.Ltmp82, $2  }
0x329: {  	_ =	sdelay $0x2  }
0x32a: {  	s10 =	rddreg [dreg:$0x1]  }
0x32b: {  	p3 =	sne.s32 s6, $0x1  }
.Ltmp83:
0x32c: {  	_ = 	snop;
	(pc) =	sbr.rel @!p3 .LBB2_111-.Ltmp83, $3  }
0x32d: {  	_ =	sdelay $0x1  }
0x32e: {  	_ =	swait.ge [sflag:s31], $0xE000  }
0x32f: {  	s6 =	sadd.s32 $0xFFFFFFFF, s6;
	[sflag:s31] =	ssyncset.done $0x0  }
.LBB2_110:
0x330: {  	p3 =	sne.s32 s6, $0x1;
	s6 =	sadd.s32 $0xFFFFFFFF, s6;
	[sflag:s31] =	ssyncadd.s32 $0xFFFF2000  }
.Ltmp84:
0x331: {  	(pc) =	sbr.rel @p3 .LBB2_110-.Ltmp84, $3  }
0x332: {  	_ =	sdelay $0x1  }
0x333: {  	_ =	swait.ge [sflag:s31], $0xE000  }
0x334: {  	[sflag:s31] =	ssyncset.done $0x0  }
.LBB2_111:
0x335: {  	[sflag:s31] =	ssyncadd.s32 $0xFFFF2000  }
.LBB2_112:
0x336: {  	p3 =	sgt.s32 s21, $0x1  }
0x337: {  	p4 =	slt.s32 @!p3 s18, $0x2  }
0x338: {  	p3 =	por p3, p4  }
0x339: {  	p4 =	slt.s32 @!p3 s13, $0x1  }
0x33a: {  	p3 =	por p3, p4  }
.Ltmp85:
0x33b: {  	_ = 	snop;
	(pc) =	sbr.rel @p3 .LBB2_116-.Ltmp85, $2  }
0x33c: {  	_ =	sdelay $0x2  }
0x33d: {  	s17 =	smov.u32 s9;
	s16 =	simm.s32 $0x80  }
0x33e: {  	p3 =	sne.s32 s13, $0x1  }
.Ltmp86:
0x33f: {  	_ = 	snop;
	(pc) =	sbr.rel @!p3 .LBB2_115-.Ltmp86, $3  }
0x340: {  	_ =	sdelay $0x1  }
0x341: {  	_ =	swait.ge [sflag:s30], $0xE000  }
0x342: {  	s6 =	sadd.s32 $0xFFFFFFFF, s13;
	[sflag:s30] =	ssyncset.done $0x0  }
.LBB2_114:
0x343: {  	p3 =	sne.s32 s6, $0x1;
	s6 =	sadd.s32 $0xFFFFFFFF, s6;
	[sflag:s30] =	ssyncadd.s32 $0xFFFF2000  }
.Ltmp87:
0x344: {  	(pc) =	sbr.rel @p3 .LBB2_114-.Ltmp87, $3  }
0x345: {  	_ =	sdelay $0x1  }
0x346: {  	_ =	swait.ge [sflag:s30], $0xE000  }
0x347: {  	[sflag:s30] =	ssyncset.done $0x0  }
.LBB2_115:
0x348: {  	[sflag:s30] =	ssyncadd.s32 $0xFFFF2000  }
.LBB2_116:
0x349: {  	p3 =	sgt.s32 s21, $0x2  }
0x34a: {  	p4 =	slt.s32 @!p3 s18, $0x3  }
0x34b: {  	p3 =	por p3, p4  }
0x34c: {  	p4 =	slt.s32 @!p3 s20, $0x1  }
0x34d: {  	p3 =	por p3, p4  }
.Ltmp88:
0x34e: {  	_ = 	snop;
	(pc) =	sbr.rel @p3 .LBB2_120-.Ltmp88, $1  }
0x34f: {  	_ =	sdelay $0x3  }
0x350: {  	p3 =	sne.s32 s20, $0x1  }
.Ltmp89:
0x351: {  	_ = 	snop;
	(pc) =	sbr.rel @!p3 .LBB2_119-.Ltmp89, $3  }
0x352: {  	_ =	sdelay $0x1  }
0x353: {  	_ =	swait.ge [sflag:s29], $0xE000  }
0x354: {  	s6 =	sadd.s32 $0xFFFFFFFF, s20;
	[sflag:s29] =	ssyncset.done $0x0  }
.LBB2_118:
0x355: {  	p3 =	sne.s32 s6, $0x1;
	s6 =	sadd.s32 $0xFFFFFFFF, s6;
	[sflag:s29] =	ssyncadd.s32 $0xFFFF2000  }
.Ltmp90:
0x356: {  	(pc) =	sbr.rel @p3 .LBB2_118-.Ltmp90, $3  }
0x357: {  	_ =	sdelay $0x1  }
0x358: {  	_ =	swait.ge [sflag:s29], $0xE000  }
0x359: {  	[sflag:s29] =	ssyncset.done $0x0  }
.LBB2_119:
0x35a: {  	[sflag:s29] =	ssyncadd.s32 $0xFFFF2000  }
.LBB2_120:
0x35b: {  	p3 =	sgt.s32 s21, $0x3  }
0x35c: {  	p4 =	slt.s32 @!p3 s18, $0x4  }
0x35d: {  	p3 =	por p3, p4  }
0x35e: {  	p4 =	slt.s32 @!p3 s22, $0x1  }
0x35f: {  	p3 =	por p3, p4  }
.Ltmp91:
0x360: {  	_ = 	snop;
	(pc) =	sbr.rel @p3 .LBB2_124-.Ltmp91, $1  }
0x361: {  	_ =	sdelay $0x3  }
0x362: {  	p3 =	sne.s32 s22, $0x1  }
.Ltmp92:
0x363: {  	_ = 	snop;
	(pc) =	sbr.rel @!p3 .LBB2_123-.Ltmp92, $3  }
0x364: {  	_ =	sdelay $0x1  }
0x365: {  	_ =	swait.ge [sflag:s28], $0xE000  }
0x366: {  	s6 =	sadd.s32 $0xFFFFFFFF, s22;
	[sflag:s28] =	ssyncset.done $0x0  }
.LBB2_122:
0x367: {  	p3 =	sne.s32 s6, $0x1;
	s6 =	sadd.s32 $0xFFFFFFFF, s6;
	[sflag:s28] =	ssyncadd.s32 $0xFFFF2000  }
.Ltmp93:
0x368: {  	(pc) =	sbr.rel @p3 .LBB2_122-.Ltmp93, $3  }
0x369: {  	_ =	sdelay $0x1  }
0x36a: {  	_ =	swait.ge [sflag:s28], $0xE000  }
0x36b: {  	[sflag:s28] =	ssyncset.done $0x0  }
.LBB2_123:
0x36c: {  	[sflag:s28] =	ssyncadd.s32 $0xFFFF2000  }
.LBB2_124:
0x36d: {  	p3 =	sgt.s32 s21, $0x4  }
0x36e: {  	p4 =	slt.s32 @!p3 s18, $0x5  }
0x36f: {  	p3 =	por p3, p4  }
0x370: {  	p4 =	slt.s32 @!p3 s11, $0x1  }
0x371: {  	p3 =	por p3, p4  }
.Ltmp94:
0x372: {  	_ = 	snop;
	(pc) =	sbr.rel @p3 .LBB2_128-.Ltmp94, $1  }
0x373: {  	_ =	sdelay $0x3  }
0x374: {  	p3 =	sne.s32 s11, $0x1  }
.Ltmp95:
0x375: {  	_ = 	snop;
	(pc) =	sbr.rel @!p3 .LBB2_127-.Ltmp95, $3  }
0x376: {  	_ =	sdelay $0x1  }
0x377: {  	_ =	swait.ge [sflag:s26], $0xE000  }
0x378: {  	s6 =	sadd.s32 $0xFFFFFFFF, s11;
	[sflag:s26] =	ssyncset.done $0x0  }
.LBB2_126:
0x379: {  	p3 =	sne.s32 s6, $0x1;
	s6 =	sadd.s32 $0xFFFFFFFF, s6;
	[sflag:s26] =	ssyncadd.s32 $0xFFFF2000  }
.Ltmp96:
0x37a: {  	(pc) =	sbr.rel @p3 .LBB2_126-.Ltmp96, $3  }
0x37b: {  	_ =	sdelay $0x1  }
0x37c: {  	_ =	swait.ge [sflag:s26], $0xE000  }
0x37d: {  	[sflag:s26] =	ssyncset.done $0x0  }
.LBB2_127:
0x37e: {  	[sflag:s26] =	ssyncadd.s32 $0xFFFF2000  }
.LBB2_128:
0x37f: {  	p3 =	sgt.s32 s21, $0x5  }
0x380: {  	p4 =	slt.s32 @!p3 s18, $0x6  }
0x381: {  	p3 =	por p3, p4  }
0x382: {  	p4 =	slt.s32 @!p3 s8, $0x1  }
0x383: {  	p3 =	por p3, p4  }
.Ltmp97:
0x384: {  	_ = 	snop;
	(pc) =	sbr.rel @p3 .LBB2_132-.Ltmp97, $1  }
0x385: {  	_ =	sdelay $0x3  }
0x386: {  	p3 =	sne.s32 s8, $0x1  }
.Ltmp98:
0x387: {  	_ = 	snop;
	(pc) =	sbr.rel @!p3 .LBB2_131-.Ltmp98, $3  }
0x388: {  	_ =	sdelay $0x1  }
0x389: {  	_ =	swait.ge [sflag:s25], $0xE000  }
0x38a: {  	s6 =	sadd.s32 $0xFFFFFFFF, s8;
	[sflag:s25] =	ssyncset.done $0x0  }
.LBB2_130:
0x38b: {  	p3 =	sne.s32 s6, $0x1;
	s6 =	sadd.s32 $0xFFFFFFFF, s6;
	[sflag:s25] =	ssyncadd.s32 $0xFFFF2000  }
.Ltmp99:
0x38c: {  	(pc) =	sbr.rel @p3 .LBB2_130-.Ltmp99, $3  }
0x38d: {  	_ =	sdelay $0x1  }
0x38e: {  	_ =	swait.ge [sflag:s25], $0xE000  }
0x38f: {  	[sflag:s25] =	ssyncset.done $0x0  }
.LBB2_131:
0x390: {  	[sflag:s25] =	ssyncadd.s32 $0xFFFF2000  }
.LBB2_132:
0x391: {  	p3 =	sgt.s32 s21, $0x6  }
0x392: {  	p4 =	slt.s32 @!p3 s18, $0x7  }
0x393: {  	p3 =	por p3, p4  }
0x394: {  	p4 =	slt.s32 @!p3 s14, $0x1  }
0x395: {  	p3 =	por p3, p4  }
.Ltmp100:
0x396: {  	_ = 	snop;
	(pc) =	sbr.rel @p3 .LBB2_136-.Ltmp100, $1  }
0x397: {  	_ =	sdelay $0x3  }
0x398: {  	p3 =	sne.s32 s14, $0x1  }
.Ltmp101:
0x399: {  	_ = 	snop;
	(pc) =	sbr.rel @!p3 .LBB2_135-.Ltmp101, $3  }
0x39a: {  	_ =	sdelay $0x1  }
0x39b: {  	_ =	swait.ge [sflag:s24], $0xE000  }
0x39c: {  	s6 =	sadd.s32 $0xFFFFFFFF, s14;
	[sflag:s24] =	ssyncset.done $0x0  }
.LBB2_134:
0x39d: {  	p3 =	sne.s32 s6, $0x1;
	s6 =	sadd.s32 $0xFFFFFFFF, s6;
	[sflag:s24] =	ssyncadd.s32 $0xFFFF2000  }
.Ltmp102:
0x39e: {  	(pc) =	sbr.rel @p3 .LBB2_134-.Ltmp102, $3  }
0x39f: {  	_ =	sdelay $0x1  }
0x3a0: {  	_ =	swait.ge [sflag:s24], $0xE000  }
0x3a1: {  	[sflag:s24] =	ssyncset.done $0x0  }
.LBB2_135:
0x3a2: {  	[sflag:s24] =	ssyncadd.s32 $0xFFFF2000  }
.LBB2_136:
0x3a3: {  	p3 =	sgt.s32 s21, $0x7  }
0x3a4: {  	p4 =	slt.s32 @!p3 s18, $0x8  }
0x3a5: {  	p3 =	por p3, p4  }
0x3a6: {  	p4 =	slt.s32 @!p3 s15, $0x1  }
0x3a7: {  	p3 =	por p3, p4  }
.Ltmp103:
0x3a8: {  	_ = 	snop;
	(pc) =	sbr.rel @p3 .LBB2_140-.Ltmp103, $1  }
0x3a9: {  	_ =	sdelay $0x3  }
0x3aa: {  	p3 =	sne.s32 s15, $0x1  }
.Ltmp104:
0x3ab: {  	_ = 	snop;
	(pc) =	sbr.rel @!p3 .LBB2_139-.Ltmp104, $3  }
0x3ac: {  	_ =	sdelay $0x1  }
0x3ad: {  	_ =	swait.ge [sflag:s23], $0xE000  }
0x3ae: {  	s6 =	sadd.s32 $0xFFFFFFFF, s15;
	[sflag:s23] =	ssyncset.done $0x0  }
.LBB2_138:
0x3af: {  	p3 =	sne.s32 s6, $0x1;
	s6 =	sadd.s32 $0xFFFFFFFF, s6;
	[sflag:s23] =	ssyncadd.s32 $0xFFFF2000  }
.Ltmp105:
0x3b0: {  	(pc) =	sbr.rel @p3 .LBB2_138-.Ltmp105, $3  }
0x3b1: {  	_ =	sdelay $0x1  }
0x3b2: {  	_ =	swait.ge [sflag:s23], $0xE000  }
0x3b3: {  	[sflag:s23] =	ssyncset.done $0x0  }
.LBB2_139:
0x3b4: {  	[sflag:s23] =	ssyncadd.s32 $0xFFFF2000  }
.LBB2_140:
0x3b5: {  	p3 =	sgt.s32 s21, s18;
	s6 =	simm.s32 $0x100;
	s7 =	simm.s32 $0x8200  }
0x3b6: {  	[hbm4b:s3+s16] =	stream.indirect.scatter [tilespmem:s7], [sflag:$0x7], $0x80, s6, s16, $0xb8;
	[tilespmem:$0x1E200] =	vst v63  }
.Ltmp106:
0x3b7: {  	s18 =	smov.u32 @p3 s21;
	(pc) =	sbr.rel .LBB2_141-.Ltmp106, $4  }
0x3b8: {  	s21 =	simm.s32 $0x5;
	[smem:$0x0] =	sst s18  }
0x3b9: {  	_ =	swait.ge [sflag:s21], $0x4000  }
0x3ba: {  	[sflag:s21] =	ssyncset.done $0x0  }
0x3bb: {  	[sflag:s21] =	ssyncadd.s32 $0xFFFFC000;
	s21 =	smov.u32 s18;
	s18 =	rddreg [dreg:$0x4]  }
.LBB2_107:
0x3bc: {  	s17 =	smov.u32 s9;
	s10 =	rddreg [dreg:$0x1]  }
.LBB2_141:
0x3bd: {  	s6 =	rddreg [dreg:$0xc]  }
0x3be: {  	p3 =	sge.u32 s1, s6  }
0x3bf: {  	s2 =	sadd.s32 @!p3 s18, s2  }
0x3c0: {  	s2 =	sshll.u32 @!p3 s2, $0x7  }
0x3c1: {  	s2 =	sadd.s32 @!p3 $0x100, s2  }
.Ltmp107:
0x3c2: {  	s6 =	sshrl.u32 @!p3 s2, $0x3;
	s2 =	sshll.u32 @!p3 s2, $0x4;
	(pc) =	sbr.rel @p5 .LBB2_175-.Ltmp107, $4  }
0x3c3: {  	s7 =	simm.s32 @!p3 $0x0;
	s6 =	sadd.s32 @!p3 s10, s6;
	s2 =	sand.u32 @!p3 $0x1FFFE800, s2  }
0x3c4: {  	[tilespmem:s7], [sflag:$0x1] =	stream.linear.gather @!p3 [hbm4b:s6+s7], $0x80, $0x38;
	[tilespmem:$0x1E200] =	vst v63  }
0x3c5: {  	s2 =	sadd.s32 @!p3 s17, s2;
	s6 =	simm.s32 @!p3 $0x200  }
0x3c6: {  	[tilespmem:s6], [sflag:$0x1] =	stream.linear.gather @!p3 [hbm4b:s2+s7], $0x4000, $0x38;
	[tilespmem:$0x1E200] =	vst v63  }
0x3c7: {  	s2 =	simm.s32 $0x4  }
0x3c8: {  	_ =	swait.ge [sflag:s2], $0x80  }
0x3c9: {  	[sflag:s2] =	ssyncset.done $0x0  }
0x3ca: {  	[sflag:s2] =	ssyncadd.s32 $0xFFFFFF80  }
0x3cb: {  	_ =	swait.ge [sflag:s2], $0x4000  }
0x3cc: {  	[sflag:s2] =	ssyncset.done $0x0  }
0x3cd: {  	[sflag:s2] =	ssyncadd.s32 $0xFFFFC000  }
0x3ce: {  	v1 =	vld [tilespmem:$0x1F0];
	_ =	sdelay $0x4  }
0x3cf: {  	(v2sf) =	vpush v1, $0xF;
	_ =	sdelay $0xe  }
0x3d0: {  	s16 =	rddreg [dreg:$0x10];
	s2 =	spop (v2sf)  }
0x3d1: {  	s6 =	ssub.s32 s2, s16  }
0x3d2: {  	s7 =	smulhi.u32 $0x92492493, s6;
	s10 =	sshra.s32 s6, $0x1F  }
0x3d3: {  	s17 =	smul.u32 $0x92492493, s10  }
0x3d4: {  	s7 =	ssub.s32 s7, s6  }
0x3d5: {  	s7 =	sadd.s32 s17, s7  }
0x3d6: {  	s7 =	sadd.s32 s6, s7  }
0x3d7: {  	s17 =	sshrl.u32 s7, $0x1F;
	s7 =	sshra.s32 s7, $0x8  }
0x3d8: {  	p3 =	sne.s32 s2, s16;
	s2 =	simm.s32 $0x1;
	s7 =	sadd.s32 s17, s7  }
0x3d9: {  	s2 =	simm.s32 @!p3 $0x0;
	s17 =	smul.u32 $0xFFFFFE40, s7  }
0x3da: {  	s2 =	sor.u32 s2, s10;
	s6 =	ssub.s32 $0x0, s6  }
0x3db: {  	p5 =	sne.s32 s2, $0x1;
	p4 =	sne.s32 s17, s6  }
0x3dc: {  	p3 =	por !p4, !p5  }
0x3dd: {  	s2 =	simm.s32 $0x1;
	p3 =	por !p3, !p3  }
0x3de: {  	s2 =	simm.s32 @!p3 $0x0  }
0x3df: {  	s2 =	ssub.s32 s7, s2  }
0x3e0: {  	s6 =	rddreg [dreg:$0x12];
	s2 =	sadd.s32 $0x1, s2  }
0x3e1: {  	p3 =	slt.s32 s2, s6  }
0x3e2: {  	s7 =	rddreg [dreg:$0x14];
	s6 =	smov.u32 @p3 s2  }
0x3e3: {  	s2 =	sadd.s32 s6, s7  }
0x3e4: {  	s16 =	rddreg [dreg:$0x13];
	s6 =	sshra.s32 s2, $0x1F  }
0x3e5: {  	s17 =	sxor.u32 s4, s16;
	s10 =	sxor.u32 s6, s2  }
0x3e6: {  	s7 =	ssub.s32 s10, s6;
	s10 =	ssub.s32 s17, s4  }
0x3e7: {  	(drf) =	sdiv.u32 s7, s10;
	_ =	sdelay $0x8  }
0x3e8: {  	s6 =	sxor.u32 s4, s6;
	s7 =	spop (drf)  }
0x3e9: {  	s7 =	sxor.u32 s6, s7  }
0x3ea: {  	p3 =	sgt.s32 s2, $0x0;
	s6 =	ssub.s32 s7, s6;
	s7 =	simm.s32 $0x1  }
0x3eb: {  	s7 =	simm.s32 @!p3 $0x0;
	p3 =	slt.s32 s2, $0x0;
	s10 =	smul.u32 s16, s6  }
0x3ec: {  	s17 =	rddreg [dreg:$0x15];
	s7 =	simm.s32 @p3 $0xFFFFFFFF  }
0x3ed: {  	p3 =	sne.s32 s7, s17;
	p6 =	sne.s32 s2, s10  }
0x3ee: {  	p3 =	por !p6, !p3  }
0x3ef: {  	s2 =	simm.s32 $0x1;
	p3 =	por !p3, !p3  }
0x3f0: {  	s2 =	simm.s32 @!p3 $0x0  }
0x3f1: {  	p3 =	sgt.s32 s21, $0x0;
	s2 =	ssub.s32 s6, s2  }
0x3f2: {  	p4 =	slt.s32 @!p3 s2, $0x1  }
0x3f3: {  	s6 =	rddreg [dreg:$0x11];
	p3 =	por p3, p4  }
0x3f4: {  	p4 =	slt.s32 @!p3 s6, $0x1  }
0x3f5: {  	p3 =	por p3, p4  }
.Ltmp108:
0x3f6: {  	_ = 	snop;
	(pc) =	sbr.rel @p3 .LBB2_146-.Ltmp108, $1  }
0x3f7: {  	_ =	sdelay $0x3  }
0x3f8: {  	p3 =	sne.s32 s6, $0x1  }
.Ltmp109:
0x3f9: {  	_ = 	snop;
	(pc) =	sbr.rel @!p3 .LBB2_145-.Ltmp109, $3  }
0x3fa: {  	_ =	sdelay $0x1  }
0x3fb: {  	_ =	swait.ge [sflag:s31], $0xE000  }
0x3fc: {  	s6 =	sadd.s32 $0xFFFFFFFF, s6;
	[sflag:s31] =	ssyncset.done $0x0  }
.LBB2_144:
0x3fd: {  	p3 =	sne.s32 s6, $0x1;
	s6 =	sadd.s32 $0xFFFFFFFF, s6;
	[sflag:s31] =	ssyncadd.s32 $0xFFFF2000  }
.Ltmp110:
0x3fe: {  	(pc) =	sbr.rel @p3 .LBB2_144-.Ltmp110, $3  }
0x3ff: {  	_ =	sdelay $0x1  }
0x400: {  	_ =	swait.ge [sflag:s31], $0xE000  }
0x401: {  	[sflag:s31] =	ssyncset.done $0x0  }
.LBB2_145:
0x402: {  	[sflag:s31] =	ssyncadd.s32 $0xFFFF2000  }
.LBB2_146:
0x403: {  	p3 =	sgt.s32 s21, $0x1  }
0x404: {  	p4 =	slt.s32 @!p3 s2, $0x2  }
0x405: {  	p3 =	por p3, p4  }
0x406: {  	p4 =	slt.s32 @!p3 s13, $0x1  }
0x407: {  	p3 =	por p3, p4  }
.Ltmp111:
0x408: {  	_ = 	snop;
	(pc) =	sbr.rel @p3 .LBB2_150-.Ltmp111, $2  }
0x409: {  	_ =	sdelay $0x2  }
0x40a: {  	s17 =	smov.u32 s9;
	s10 =	rddreg [dreg:$0x1];
	s16 =	simm.s32 $0x80  }
0x40b: {  	p3 =	sne.s32 s13, $0x1  }
.Ltmp112:
0x40c: {  	_ = 	snop;
	(pc) =	sbr.rel @!p3 .LBB2_149-.Ltmp112, $3  }
0x40d: {  	_ =	sdelay $0x1  }
0x40e: {  	_ =	swait.ge [sflag:s30], $0xE000  }
0x40f: {  	s6 =	sadd.s32 $0xFFFFFFFF, s13;
	[sflag:s30] =	ssyncset.done $0x0  }
.LBB2_148:
0x410: {  	p3 =	sne.s32 s6, $0x1;
	s6 =	sadd.s32 $0xFFFFFFFF, s6;
	[sflag:s30] =	ssyncadd.s32 $0xFFFF2000  }
.Ltmp113:
0x411: {  	(pc) =	sbr.rel @p3 .LBB2_148-.Ltmp113, $3  }
0x412: {  	_ =	sdelay $0x1  }
0x413: {  	_ =	swait.ge [sflag:s30], $0xE000  }
0x414: {  	[sflag:s30] =	ssyncset.done $0x0  }
.LBB2_149:
0x415: {  	[sflag:s30] =	ssyncadd.s32 $0xFFFF2000  }
.LBB2_150:
0x416: {  	p3 =	sgt.s32 s21, $0x2  }
0x417: {  	p4 =	slt.s32 @!p3 s2, $0x3  }
0x418: {  	p3 =	por p3, p4  }
0x419: {  	p4 =	slt.s32 @!p3 s20, $0x1  }
0x41a: {  	p3 =	por p3, p4  }
.Ltmp114:
0x41b: {  	_ = 	snop;
	(pc) =	sbr.rel @p3 .LBB2_154-.Ltmp114, $1  }
0x41c: {  	_ =	sdelay $0x3  }
0x41d: {  	p3 =	sne.s32 s20, $0x1  }
.Ltmp115:
0x41e: {  	_ = 	snop;
	(pc) =	sbr.rel @!p3 .LBB2_153-.Ltmp115, $3  }
0x41f: {  	_ =	sdelay $0x1  }
0x420: {  	_ =	swait.ge [sflag:s29], $0xE000  }
0x421: {  	s6 =	sadd.s32 $0xFFFFFFFF, s20;
	[sflag:s29] =	ssyncset.done $0x0  }
.LBB2_152:
0x422: {  	p3 =	sne.s32 s6, $0x1;
	s6 =	sadd.s32 $0xFFFFFFFF, s6;
	[sflag:s29] =	ssyncadd.s32 $0xFFFF2000  }
.Ltmp116:
0x423: {  	(pc) =	sbr.rel @p3 .LBB2_152-.Ltmp116, $3  }
0x424: {  	_ =	sdelay $0x1  }
0x425: {  	_ =	swait.ge [sflag:s29], $0xE000  }
0x426: {  	[sflag:s29] =	ssyncset.done $0x0  }
.LBB2_153:
0x427: {  	[sflag:s29] =	ssyncadd.s32 $0xFFFF2000  }
.LBB2_154:
0x428: {  	p3 =	sgt.s32 s21, $0x3  }
0x429: {  	p4 =	slt.s32 @!p3 s2, $0x4  }
0x42a: {  	p3 =	por p3, p4  }
0x42b: {  	p4 =	slt.s32 @!p3 s22, $0x1  }
0x42c: {  	p3 =	por p3, p4  }
.Ltmp117:
0x42d: {  	_ = 	snop;
	(pc) =	sbr.rel @p3 .LBB2_158-.Ltmp117, $1  }
0x42e: {  	_ =	sdelay $0x3  }
0x42f: {  	p3 =	sne.s32 s22, $0x1  }
.Ltmp118:
0x430: {  	_ = 	snop;
	(pc) =	sbr.rel @!p3 .LBB2_157-.Ltmp118, $3  }
0x431: {  	_ =	sdelay $0x1  }
0x432: {  	_ =	swait.ge [sflag:s28], $0xE000  }
0x433: {  	s6 =	sadd.s32 $0xFFFFFFFF, s22;
	[sflag:s28] =	ssyncset.done $0x0  }
.LBB2_156:
0x434: {  	p3 =	sne.s32 s6, $0x1;
	s6 =	sadd.s32 $0xFFFFFFFF, s6;
	[sflag:s28] =	ssyncadd.s32 $0xFFFF2000  }
.Ltmp119:
0x435: {  	(pc) =	sbr.rel @p3 .LBB2_156-.Ltmp119, $3  }
0x436: {  	_ =	sdelay $0x1  }
0x437: {  	_ =	swait.ge [sflag:s28], $0xE000  }
0x438: {  	[sflag:s28] =	ssyncset.done $0x0  }
.LBB2_157:
0x439: {  	[sflag:s28] =	ssyncadd.s32 $0xFFFF2000  }
.LBB2_158:
0x43a: {  	p3 =	sgt.s32 s21, $0x4  }
0x43b: {  	p4 =	slt.s32 @!p3 s2, $0x5  }
0x43c: {  	p3 =	por p3, p4  }
0x43d: {  	p4 =	slt.s32 @!p3 s11, $0x1  }
0x43e: {  	p3 =	por p3, p4  }
.Ltmp120:
0x43f: {  	_ = 	snop;
	(pc) =	sbr.rel @p3 .LBB2_162-.Ltmp120, $1  }
0x440: {  	_ =	sdelay $0x3  }
0x441: {  	p3 =	sne.s32 s11, $0x1  }
.Ltmp121:
0x442: {  	_ = 	snop;
	(pc) =	sbr.rel @!p3 .LBB2_161-.Ltmp121, $3  }
0x443: {  	_ =	sdelay $0x1  }
0x444: {  	_ =	swait.ge [sflag:s26], $0xE000  }
0x445: {  	s6 =	sadd.s32 $0xFFFFFFFF, s11;
	[sflag:s26] =	ssyncset.done $0x0  }
.LBB2_160:
0x446: {  	p3 =	sne.s32 s6, $0x1;
	s6 =	sadd.s32 $0xFFFFFFFF, s6;
	[sflag:s26] =	ssyncadd.s32 $0xFFFF2000  }
.Ltmp122:
0x447: {  	(pc) =	sbr.rel @p3 .LBB2_160-.Ltmp122, $3  }
0x448: {  	_ =	sdelay $0x1  }
0x449: {  	_ =	swait.ge [sflag:s26], $0xE000  }
0x44a: {  	[sflag:s26] =	ssyncset.done $0x0  }
.LBB2_161:
0x44b: {  	[sflag:s26] =	ssyncadd.s32 $0xFFFF2000  }
.LBB2_162:
0x44c: {  	p3 =	sgt.s32 s21, $0x5  }
0x44d: {  	p4 =	slt.s32 @!p3 s2, $0x6  }
0x44e: {  	p3 =	por p3, p4  }
0x44f: {  	p4 =	slt.s32 @!p3 s8, $0x1  }
0x450: {  	p3 =	por p3, p4  }
.Ltmp123:
0x451: {  	_ = 	snop;
	(pc) =	sbr.rel @p3 .LBB2_166-.Ltmp123, $1  }
0x452: {  	_ =	sdelay $0x3  }
0x453: {  	p3 =	sne.s32 s8, $0x1  }
.Ltmp124:
0x454: {  	_ = 	snop;
	(pc) =	sbr.rel @!p3 .LBB2_165-.Ltmp124, $3  }
0x455: {  	_ =	sdelay $0x1  }
0x456: {  	_ =	swait.ge [sflag:s25], $0xE000  }
0x457: {  	s6 =	sadd.s32 $0xFFFFFFFF, s8;
	[sflag:s25] =	ssyncset.done $0x0  }
.LBB2_164:
0x458: {  	p3 =	sne.s32 s6, $0x1;
	s6 =	sadd.s32 $0xFFFFFFFF, s6;
	[sflag:s25] =	ssyncadd.s32 $0xFFFF2000  }
.Ltmp125:
0x459: {  	(pc) =	sbr.rel @p3 .LBB2_164-.Ltmp125, $3  }
0x45a: {  	_ =	sdelay $0x1  }
0x45b: {  	_ =	swait.ge [sflag:s25], $0xE000  }
0x45c: {  	[sflag:s25] =	ssyncset.done $0x0  }
.LBB2_165:
0x45d: {  	[sflag:s25] =	ssyncadd.s32 $0xFFFF2000  }
.LBB2_166:
0x45e: {  	p3 =	sgt.s32 s21, $0x6  }
0x45f: {  	p4 =	slt.s32 @!p3 s2, $0x7  }
0x460: {  	p3 =	por p3, p4  }
0x461: {  	p4 =	slt.s32 @!p3 s14, $0x1  }
0x462: {  	p3 =	por p3, p4  }
.Ltmp126:
0x463: {  	_ = 	snop;
	(pc) =	sbr.rel @p3 .LBB2_170-.Ltmp126, $1  }
0x464: {  	_ =	sdelay $0x3  }
0x465: {  	p3 =	sne.s32 s14, $0x1  }
.Ltmp127:
0x466: {  	_ = 	snop;
	(pc) =	sbr.rel @!p3 .LBB2_169-.Ltmp127, $3  }
0x467: {  	_ =	sdelay $0x1  }
0x468: {  	_ =	swait.ge [sflag:s24], $0xE000  }
0x469: {  	s6 =	sadd.s32 $0xFFFFFFFF, s14;
	[sflag:s24] =	ssyncset.done $0x0  }
.LBB2_168:
0x46a: {  	p3 =	sne.s32 s6, $0x1;
	s6 =	sadd.s32 $0xFFFFFFFF, s6;
	[sflag:s24] =	ssyncadd.s32 $0xFFFF2000  }
.Ltmp128:
0x46b: {  	(pc) =	sbr.rel @p3 .LBB2_168-.Ltmp128, $3  }
0x46c: {  	_ =	sdelay $0x1  }
0x46d: {  	_ =	swait.ge [sflag:s24], $0xE000  }
0x46e: {  	[sflag:s24] =	ssyncset.done $0x0  }
.LBB2_169:
0x46f: {  	[sflag:s24] =	ssyncadd.s32 $0xFFFF2000  }
.LBB2_170:
0x470: {  	p3 =	sgt.s32 s21, $0x7  }
0x471: {  	p4 =	slt.s32 @!p3 s2, $0x8  }
0x472: {  	p3 =	por p3, p4  }
0x473: {  	p4 =	slt.s32 @!p3 s15, $0x1  }
0x474: {  	p3 =	por p3, p4  }
.Ltmp129:
0x475: {  	_ = 	snop;
	(pc) =	sbr.rel @p3 .LBB2_174-.Ltmp129, $1  }
0x476: {  	_ =	sdelay $0x3  }
0x477: {  	p3 =	sne.s32 s15, $0x1  }
.Ltmp130:
0x478: {  	_ = 	snop;
	(pc) =	sbr.rel @!p3 .LBB2_173-.Ltmp130, $3  }
0x479: {  	_ =	sdelay $0x1  }
0x47a: {  	_ =	swait.ge [sflag:s23], $0xE000  }
0x47b: {  	s6 =	sadd.s32 $0xFFFFFFFF, s15;
	[sflag:s23] =	ssyncset.done $0x0  }
.LBB2_172:
0x47c: {  	p3 =	sne.s32 s6, $0x1;
	s6 =	sadd.s32 $0xFFFFFFFF, s6;
	[sflag:s23] =	ssyncadd.s32 $0xFFFF2000  }
.Ltmp131:
0x47d: {  	(pc) =	sbr.rel @p3 .LBB2_172-.Ltmp131, $3  }
0x47e: {  	_ =	sdelay $0x1  }
0x47f: {  	_ =	swait.ge [sflag:s23], $0xE000  }
0x480: {  	[sflag:s23] =	ssyncset.done $0x0  }
.Ltmp132:
0x481: {  	_ = 	snop;
	(pc) =	sbr.rel .LBB2_173-.Ltmp132, $1  }
0x482: {  	_ =	sdelay $0x3  }
.LBB2_176:
0x483: {  	p3 =	sgt.s32 s21, $0x0;
	s0 =	rddreg [dreg:$0x11]  }
0x484: {  	p4 =	slt.s32 @!p3 s0, $0x1  }
0x485: {  	p3 =	por p3, p4  }
.Ltmp133:
0x486: {  	_ = 	snop;
	(pc) =	sbr.rel @p3 .LBB2_180-.Ltmp133, $3  }
0x487: {  	_ =	sdelay $0x1  }
0x488: {  	s2 =	rddreg [dreg:$0xb]  }
0x489: {  	s4 =	rddreg [dreg:$0xf]  }
0x48a: {  	p3 =	sne.s32 s0, $0x1  }
.Ltmp134:
0x48b: {  	_ = 	snop;
	(pc) =	sbr.rel @!p3 .LBB2_179-.Ltmp134, $3  }
0x48c: {  	_ =	sdelay $0x1  }
0x48d: {  	_ =	swait.ge [sflag:s31], $0xE000  }
0x48e: {  	s0 =	sadd.s32 $0xFFFFFFFF, s0;
	[sflag:s31] =	ssyncset.done $0x0  }
.LBB2_178:
0x48f: {  	p3 =	sne.s32 s0, $0x1;
	s0 =	sadd.s32 $0xFFFFFFFF, s0;
	[sflag:s31] =	ssyncadd.s32 $0xFFFF2000  }
.Ltmp135:
0x490: {  	(pc) =	sbr.rel @p3 .LBB2_178-.Ltmp135, $3  }
0x491: {  	_ =	sdelay $0x1  }
0x492: {  	_ =	swait.ge [sflag:s31], $0xE000  }
0x493: {  	[sflag:s31] =	ssyncset.done $0x0  }
.LBB2_179:
0x494: {  	[sflag:s31] =	ssyncadd.s32 $0xFFFF2000  }
.LBB2_180:
0x495: {  	p3 =	sgt.s32 s21, $0x1  }
0x496: {  	p4 =	slt.s32 @!p3 s13, $0x1  }
0x497: {  	p3 =	por p3, p4  }
.Ltmp136:
0x498: {  	_ = 	snop;
	(pc) =	sbr.rel @p3 .LBB2_184-.Ltmp136, $1  }
0x499: {  	_ =	sdelay $0x3  }
0x49a: {  	p3 =	sne.s32 s13, $0x1  }
.Ltmp137:
0x49b: {  	_ = 	snop;
	(pc) =	sbr.rel @!p3 .LBB2_183-.Ltmp137, $3  }
0x49c: {  	_ =	sdelay $0x1  }
0x49d: {  	_ =	swait.ge [sflag:s30], $0xE000  }
0x49e: {  	s0 =	sadd.s32 $0xFFFFFFFF, s13;
	[sflag:s30] =	ssyncset.done $0x0  }
.LBB2_182:
0x49f: {  	p3 =	sne.s32 s0, $0x1;
	s0 =	sadd.s32 $0xFFFFFFFF, s0;
	[sflag:s30] =	ssyncadd.s32 $0xFFFF2000  }
.Ltmp138:
0x4a0: {  	(pc) =	sbr.rel @p3 .LBB2_182-.Ltmp138, $3  }
0x4a1: {  	_ =	sdelay $0x1  }
0x4a2: {  	_ =	swait.ge [sflag:s30], $0xE000  }
0x4a3: {  	[sflag:s30] =	ssyncset.done $0x0  }
.LBB2_183:
0x4a4: {  	[sflag:s30] =	ssyncadd.s32 $0xFFFF2000  }
.LBB2_184:
0x4a5: {  	p3 =	sgt.s32 s21, $0x2  }
0x4a6: {  	p4 =	slt.s32 @!p3 s20, $0x1  }
0x4a7: {  	p3 =	por p3, p4  }
.Ltmp139:
0x4a8: {  	_ = 	snop;
	(pc) =	sbr.rel @p3 .LBB2_188-.Ltmp139, $1  }
0x4a9: {  	_ =	sdelay $0x3  }
0x4aa: {  	p3 =	sne.s32 s20, $0x1  }
.Ltmp140:
0x4ab: {  	_ = 	snop;
	(pc) =	sbr.rel @!p3 .LBB2_187-.Ltmp140, $3  }
0x4ac: {  	_ =	sdelay $0x1  }
0x4ad: {  	_ =	swait.ge [sflag:s29], $0xE000  }
0x4ae: {  	s0 =	sadd.s32 $0xFFFFFFFF, s20;
	[sflag:s29] =	ssyncset.done $0x0  }
.LBB2_186:
0x4af: {  	p3 =	sne.s32 s0, $0x1;
	s0 =	sadd.s32 $0xFFFFFFFF, s0;
	[sflag:s29] =	ssyncadd.s32 $0xFFFF2000  }
.Ltmp141:
0x4b0: {  	(pc) =	sbr.rel @p3 .LBB2_186-.Ltmp141, $3  }
0x4b1: {  	_ =	sdelay $0x1  }
0x4b2: {  	_ =	swait.ge [sflag:s29], $0xE000  }
0x4b3: {  	[sflag:s29] =	ssyncset.done $0x0  }
.LBB2_187:
0x4b4: {  	[sflag:s29] =	ssyncadd.s32 $0xFFFF2000  }
.LBB2_188:
0x4b5: {  	p3 =	sgt.s32 s21, $0x3  }
0x4b6: {  	p4 =	slt.s32 @!p3 s22, $0x1  }
0x4b7: {  	p3 =	por p3, p4  }
.Ltmp142:
0x4b8: {  	_ = 	snop;
	(pc) =	sbr.rel @p3 .LBB2_192-.Ltmp142, $1  }
0x4b9: {  	_ =	sdelay $0x3  }
0x4ba: {  	p3 =	sne.s32 s22, $0x1  }
.Ltmp143:
0x4bb: {  	_ = 	snop;
	(pc) =	sbr.rel @!p3 .LBB2_191-.Ltmp143, $3  }
0x4bc: {  	_ =	sdelay $0x1  }
0x4bd: {  	_ =	swait.ge [sflag:s28], $0xE000  }
0x4be: {  	s0 =	sadd.s32 $0xFFFFFFFF, s22;
	[sflag:s28] =	ssyncset.done $0x0  }
.LBB2_190:
0x4bf: {  	p3 =	sne.s32 s0, $0x1;
	s0 =	sadd.s32 $0xFFFFFFFF, s0;
	[sflag:s28] =	ssyncadd.s32 $0xFFFF2000  }
.Ltmp144:
0x4c0: {  	(pc) =	sbr.rel @p3 .LBB2_190-.Ltmp144, $3  }
0x4c1: {  	_ =	sdelay $0x1  }
0x4c2: {  	_ =	swait.ge [sflag:s28], $0xE000  }
0x4c3: {  	[sflag:s28] =	ssyncset.done $0x0  }
.LBB2_191:
0x4c4: {  	[sflag:s28] =	ssyncadd.s32 $0xFFFF2000  }
.LBB2_192:
0x4c5: {  	p3 =	sgt.s32 s21, $0x4  }
0x4c6: {  	p4 =	slt.s32 @!p3 s11, $0x1  }
0x4c7: {  	p3 =	por p3, p4  }
.Ltmp145:
0x4c8: {  	_ = 	snop;
	(pc) =	sbr.rel @p3 .LBB2_196-.Ltmp145, $1  }
0x4c9: {  	_ =	sdelay $0x3  }
0x4ca: {  	p3 =	sne.s32 s11, $0x1  }
.Ltmp146:
0x4cb: {  	_ = 	snop;
	(pc) =	sbr.rel @!p3 .LBB2_195-.Ltmp146, $3  }
0x4cc: {  	_ =	sdelay $0x1  }
0x4cd: {  	_ =	swait.ge [sflag:s26], $0xE000  }
0x4ce: {  	s0 =	sadd.s32 $0xFFFFFFFF, s11;
	[sflag:s26] =	ssyncset.done $0x0  }
.LBB2_194:
0x4cf: {  	p3 =	sne.s32 s0, $0x1;
	s0 =	sadd.s32 $0xFFFFFFFF, s0;
	[sflag:s26] =	ssyncadd.s32 $0xFFFF2000  }
.Ltmp147:
0x4d0: {  	(pc) =	sbr.rel @p3 .LBB2_194-.Ltmp147, $3  }
0x4d1: {  	_ =	sdelay $0x1  }
0x4d2: {  	_ =	swait.ge [sflag:s26], $0xE000  }
0x4d3: {  	[sflag:s26] =	ssyncset.done $0x0  }
.LBB2_195:
0x4d4: {  	[sflag:s26] =	ssyncadd.s32 $0xFFFF2000  }
.LBB2_196:
0x4d5: {  	p3 =	sgt.s32 s21, $0x5  }
0x4d6: {  	p4 =	slt.s32 @!p3 s8, $0x1  }
0x4d7: {  	p3 =	por p3, p4  }
.Ltmp148:
0x4d8: {  	_ = 	snop;
	(pc) =	sbr.rel @p3 .LBB2_200-.Ltmp148, $1  }
0x4d9: {  	_ =	sdelay $0x3  }
0x4da: {  	p3 =	sne.s32 s8, $0x1  }
.Ltmp149:
0x4db: {  	_ = 	snop;
	(pc) =	sbr.rel @!p3 .LBB2_199-.Ltmp149, $3  }
0x4dc: {  	_ =	sdelay $0x1  }
0x4dd: {  	_ =	swait.ge [sflag:s25], $0xE000  }
0x4de: {  	s0 =	sadd.s32 $0xFFFFFFFF, s8;
	[sflag:s25] =	ssyncset.done $0x0  }
.LBB2_198:
0x4df: {  	p3 =	sne.s32 s0, $0x1;
	s0 =	sadd.s32 $0xFFFFFFFF, s0;
	[sflag:s25] =	ssyncadd.s32 $0xFFFF2000  }
.Ltmp150:
0x4e0: {  	(pc) =	sbr.rel @p3 .LBB2_198-.Ltmp150, $3  }
0x4e1: {  	_ =	sdelay $0x1  }
0x4e2: {  	_ =	swait.ge [sflag:s25], $0xE000  }
0x4e3: {  	[sflag:s25] =	ssyncset.done $0x0  }
.LBB2_199:
0x4e4: {  	[sflag:s25] =	ssyncadd.s32 $0xFFFF2000  }
.LBB2_200:
0x4e5: {  	p3 =	sgt.s32 s21, $0x6  }
0x4e6: {  	p4 =	slt.s32 @!p3 s14, $0x1  }
0x4e7: {  	p3 =	por p3, p4  }
.Ltmp151:
0x4e8: {  	_ = 	snop;
	(pc) =	sbr.rel @p3 .LBB2_204-.Ltmp151, $1  }
0x4e9: {  	_ =	sdelay $0x3  }
0x4ea: {  	p3 =	sne.s32 s14, $0x1  }
.Ltmp152:
0x4eb: {  	_ = 	snop;
	(pc) =	sbr.rel @!p3 .LBB2_203-.Ltmp152, $3  }
0x4ec: {  	_ =	sdelay $0x1  }
0x4ed: {  	_ =	swait.ge [sflag:s24], $0xE000  }
0x4ee: {  	s0 =	sadd.s32 $0xFFFFFFFF, s14;
	[sflag:s24] =	ssyncset.done $0x0  }
.LBB2_202:
0x4ef: {  	p3 =	sne.s32 s0, $0x1;
	s0 =	sadd.s32 $0xFFFFFFFF, s0;
	[sflag:s24] =	ssyncadd.s32 $0xFFFF2000  }
.Ltmp153:
0x4f0: {  	(pc) =	sbr.rel @p3 .LBB2_202-.Ltmp153, $3  }
0x4f1: {  	_ =	sdelay $0x1  }
0x4f2: {  	_ =	swait.ge [sflag:s24], $0xE000  }
0x4f3: {  	[sflag:s24] =	ssyncset.done $0x0  }
.LBB2_203:
0x4f4: {  	[sflag:s24] =	ssyncadd.s32 $0xFFFF2000  }
.LBB2_204:
0x4f5: {  	p3 =	sgt.s32 s21, $0x7  }
0x4f6: {  	p4 =	slt.s32 @!p3 s15, $0x1  }
0x4f7: {  	p3 =	por p3, p4  }
.Ltmp154:
0x4f8: {  	_ = 	snop;
	(pc) =	sbr.rel @p3 .LBB2_208-.Ltmp154, $1  }
0x4f9: {  	_ =	sdelay $0x3  }
0x4fa: {  	p3 =	sne.s32 s15, $0x1  }
.Ltmp155:
0x4fb: {  	_ = 	snop;
	(pc) =	sbr.rel @!p3 .LBB2_207-.Ltmp155, $3  }
0x4fc: {  	_ =	sdelay $0x1  }
0x4fd: {  	_ =	swait.ge [sflag:s23], $0xE000  }
0x4fe: {  	s0 =	sadd.s32 $0xFFFFFFFF, s15;
	[sflag:s23] =	ssyncset.done $0x0  }
.LBB2_206:
0x4ff: {  	p3 =	sne.s32 s0, $0x1;
	s0 =	sadd.s32 $0xFFFFFFFF, s0;
	[sflag:s23] =	ssyncadd.s32 $0xFFFF2000  }
.Ltmp156:
0x500: {  	(pc) =	sbr.rel @p3 .LBB2_206-.Ltmp156, $3  }
0x501: {  	_ =	sdelay $0x1  }
0x502: {  	_ =	swait.ge [sflag:s23], $0xE000  }
0x503: {  	[sflag:s23] =	ssyncset.done $0x0  }
.LBB2_207:
0x504: {  	[sflag:s23] =	ssyncadd.s32 $0xFFFF2000  }
.LBB2_208:
0x505: {  	p3 =	sgt.s32 s21, $0x8  }
0x506: {  	s21 =	simm.s32 @!p3 $0x8;
	p3 =	seq.s32 s2, $0x0  }
.Ltmp157:
0x507: {  	_ = 	snop;
	(pc) =	sbr.rel @p3 .LBB2_209-.Ltmp157, $2  }
0x508: {  	_ =	sdelay $0x2  }
0x509: {  	[smem:$0x0] =	sst s21  }
0x50a: {  	p3 =	sne.s32 s2, $0x1  }
.Ltmp158:
0x50b: {  	_ = 	snop;
	(pc) =	sbr.rel @p3 .LBB2_213-.Ltmp158, $1  }
0x50c: {  	_ =	sdelay $0x3  }
.Ltmp159:
0x50d: {  	(pc) =	sbr.rel .LBB2_212-.Ltmp159, $2  }
0x50e: {  	_ =	sdelay $0x2  }
0x50f: {  	s0 =	simm.s32 $0x6  }
.LBB2_214:
0x510: {  	_ =	sfence.sel $0x180000  }
0x511: {  	[bflag:$0x0] =	sbarrier.arrive $0xFFFF  }
0x512: {  	_ =	strace $0x90000047  }
0x513: {  	s0 =	stileid.u32;
	[bflag:$0x2] =	sbarrier.arrive $0xFFFF  }
0x514: {  	p0 =	sne.s32 s0, $0x0;
	s0 =	rddreg [dreg:$0x3]  }
0x515: {  	s0 =	sadd.s32 @!p0 $0x100000, s0  }
0x516: {  	[sflag:s0] =	ssyncadd.tile.s32 @!p0 $0x1;
	_ =	shalt  }
.Lfunc_end2:
_tile_overlayer_lowered:
.L_overlay_start_2:
0x517: {  	(tag) =	ssettag $0x2  }
0x518: {  	s0 =	rddreg [dreg:$0x0];
	s2 =	stileid.u32  }
0x519: {  	s1 =	rddreg [dreg:$0x1];
	p0 =	sne.s32 s2, $0x0  }
0x51a: {  	s3 =	rddreg [dreg:$0x2];
	[bflag:$0x3] =	sbarrier.arrive $0xFFFF;
	s2 =	simm.s32 @!p0 $0x1C11  }
0x51b: {  	[timem:s3], [sflag:s2] =	dma.local @!p0 [hbm:s0], s1  }
0x51c: {  	s0 =	simm.s32 @!p0 $0x11  }
0x51d: {  	_ =	swait.ge @!p0 [sflag:s0], s1  }
0x51e: {  	s1 =	ssub.s32 @!p0 $0x0, s1;
	[sflag:s0] =	ssyncset.done @!p0 $0x0  }
0x51f: {  	[sflag:s0] =	ssyncadd.s32 @!p0 s1  }
0x520: {  	[bflag:$0x3] =	sbarrier.arrive $0xFFFF  }
0x521: {  	_ =	shalt  }

</sc_bundles>
